<compile_context>
chip_gen: v7x
topology: tpu7x:2x2x1
jax: 0.10.2.dev20260603
libtpu: 0.0.44.dev20260713+nightly
codegen_flags: <defaults>
</compile_context>

<pallas_src>
import functools

import jax
import jax.numpy as jnp
from jax import lax
from jax.experimental import pallas as pl
from jax.experimental.pallas import tpu as pltpu
from jax.experimental.pallas import tpu_sc as plsc

N = 10000
E = 320000
D = 128
NC = 2
NS = 16
NW = NC * NS
CH = 80
SEG = 5
CPS = 25
NP = 10240
ROWS_PT = NP // NS
MBLK = 1000
MGRID = N // MBLK

_mesh = plsc.VectorSubcoreMesh(core_axis_name="c", subcore_axis_name="s")


NREG = 4
EPSEG = E // NW // SEG


@functools.partial(
    pl.kernel,
    out_type=jax.ShapeDtypeStruct((NW * NP,), jnp.float32),
    mesh=_mesh,
    compiler_params=pltpu.CompilerParams(needs_layout_passes=False),
    scratch_types=[
        pltpu.VMEM((EPSEG,), jnp.int32),
        pltpu.VMEM((NREG * NP,), jnp.float32),
        pltpu.VMEM((NP,), jnp.float32),
    ],
)
def _deg_kernel(dst_hbm, out_hbm, dst_v, hist8, red_v):
    cid = lax.axis_index("c")
    sid = lax.axis_index("s")
    wid = cid * NS + sid

    lane = lax.iota(jnp.int32, 16)
    region_off = (lane & (NREG - 1)) * NP
    grp = lane >> 2
    masks = [grp == g for g in range(4)]
    ones16 = jnp.ones((16,), jnp.float32)
    zeros16 = jnp.zeros((16,), jnp.float32)

    def _fz(j, _):
        for u in range(8):
            hist8[pl.ds(j * 128 + u * 16, 16)] = zeros16
        return 0
    lax.fori_loop(0, NREG * NP // 128, _fz, 0)

    for seg in range(SEG):
        pltpu.sync_copy(
            dst_hbm.at[pl.ds(wid * (E // NW) + seg * EPSEG, EPSEG)], dst_v)

        def _acc(i, _):
            v = dst_v[pl.ds(i * 16, 16)]
            fl = region_off + v
            for g in range(4):
                plsc.addupdate_scatter(hist8, [fl], ones16, mask=masks[g])
            return 0
        lax.fori_loop(0, EPSEG // 16, _acc, 0)

    def _red(j, _):
        s = hist8[pl.ds(j * 16, 16)]
        for r in range(1, NREG):
            s = s + hist8[pl.ds(r * NP + j * 16, 16)]
        red_v[pl.ds(j * 16, 16)] = s
        return 0
    lax.fori_loop(0, NP // 16, _red, 0)

    pltpu.sync_copy(red_v, out_hbm.at[pl.ds(wid * NP, NP)])


NBUF = 4


@functools.partial(
    pl.kernel,
    out_type=jax.ShapeDtypeStruct((NC, NP, D), jnp.float32),
    mesh=_mesh,
    scratch_types=[
        pltpu.VMEM((CPS, CH), jnp.int32),
        pltpu.VMEM((CPS, CH), jnp.int32),
        [pltpu.VMEM((CH, D), jnp.float32)] * NBUF,
        pltpu.VMEM_SHARED((NP, D), jnp.float32),
        [pltpu.SemaphoreType.DMA] * NBUF,
    ],
)
def _agg_kernel(y_hbm, src_hbm, dst_hbm, out_hbm,
                src_v, dst_v, bufs, acc_sh, sems):
    cid = lax.axis_index("c")
    sid = lax.axis_index("s")
    wid = cid * NS + sid

    def _fill(i, _):
        for u in range(8):
            bufs[0][i, pl.ds(u * 16, 16)] = jnp.zeros((16,), jnp.float32)
        return 0
    lax.fori_loop(0, CH, _fill, 0)
    for j in range(ROWS_PT // CH):
        pltpu.async_copy(bufs[0],
                         acc_sh.at[pl.ds(sid * ROWS_PT + j * CH, CH)],
                         sems[0])
    for j in range(ROWS_PT // CH):
        pltpu.make_async_copy(
            bufs[0], acc_sh.at[pl.ds(sid * ROWS_PT, CH)], sems[0]).wait()
    plsc.subcore_barrier()

    for seg in range(SEG):
        pltpu.sync_copy(src_hbm.at[wid, seg], src_v)
        pltpu.sync_copy(dst_hbm.at[wid, seg], dst_v)
        for k in range(NBUF - 1):
            pltpu.async_copy(y_hbm.at[src_v.at[k]], bufs[k], sems[k])

        def _step(i, _):
            for k in range(NBUF):
                @pl.when(i % NBUF == k)
                def _br(k=k):
                    pltpu.make_async_copy(
                        y_hbm.at[src_v.at[i]], bufs[k], sems[k]).wait()
                    @pl.when(i + NBUF - 1 < CPS)
                    def _pre():
                        kk = (k + NBUF - 1) % NBUF
                        pltpu.async_copy(y_hbm.at[src_v.at[i + NBUF - 1]],
                                         bufs[kk], sems[kk])
                    pltpu.sync_copy(bufs[k], acc_sh.at[dst_v.at[i]],
                                    add=True)
            return 0

        lax.fori_loop(0, CPS, _step, 0)

    plsc.subcore_barrier()
    pltpu.sync_copy(acc_sh.at[pl.ds(sid * ROWS_PT, ROWS_PT)],
                    out_hbm.at[cid, pl.ds(sid * ROWS_PT, ROWS_PT)])


def _mm_body(x_ref, w_ref, xw_ref):
    xw_ref[...] = jnp.dot(x_ref[...], w_ref[...],
                          preferred_element_type=jnp.float32)


def _scale_body(xw_ref, deg_ref, y_ref):
    dinv = lax.rsqrt(deg_ref[...])
    y_ref[...] = xw_ref[...] * dinv


def _final_body(acc_ref, y_ref, deg_ref, b_ref, out_ref):
    dinv = lax.rsqrt(deg_ref[...])
    s = acc_ref[0] + acc_ref[1] + y_ref[...]
    out_ref[...] = s * dinv + b_ref[...]


def kernel(x, edge_index, W, b):
    src = edge_index[0].astype(jnp.int32).reshape(NW, SEG, CPS, CH)
    dst = edge_index[1].astype(jnp.int32).reshape(NW, SEG, CPS, CH)

    dst_flat = edge_index[1].astype(jnp.int32)
    hist = _deg_kernel(dst_flat)
    deg_col = (1.0 + hist.reshape(NW, NP).sum(0)[:N]).reshape(N, 1)

    xw = pl.pallas_call(
        _mm_body,
        grid=(MGRID,),
        in_specs=[
            pl.BlockSpec((MBLK, D), lambda m: (m, 0)),
            pl.BlockSpec((D, D), lambda m: (0, 0)),
        ],
        out_specs=pl.BlockSpec((MBLK, D), lambda m: (m, 0)),
        out_shape=jax.ShapeDtypeStruct((N, D), jnp.float32),
    )(x, W)
    y = pl.pallas_call(
        _scale_body,
        grid=(MGRID,),
        in_specs=[
            pl.BlockSpec((MBLK, D), lambda m: (m, 0)),
            pl.BlockSpec((MBLK, 1), lambda m: (m, 0)),
        ],
        out_specs=pl.BlockSpec((MBLK, D), lambda m: (m, 0)),
        out_shape=jax.ShapeDtypeStruct((N, D), jnp.float32),
    )(xw, deg_col)

    acc = _agg_kernel(y, src, dst)

    out = pl.pallas_call(
        _final_body,
        grid=(MGRID,),
        in_specs=[
            pl.BlockSpec((NC, MBLK, D), lambda m: (0, m, 0)),
            pl.BlockSpec((MBLK, D), lambda m: (m, 0)),
            pl.BlockSpec((MBLK, 1), lambda m: (m, 0)),
            pl.BlockSpec((D,), lambda m: (0,)),
        ],
        out_specs=pl.BlockSpec((MBLK, D), lambda m: (m, 0)),
        out_shape=jax.ShapeDtypeStruct((N, D), jnp.float32),
    )(acc, y, deg_col, b)
    return out

# --- scband reference (transcript-rebuilt; emitter-appended) ---
"""Pipeline reference for scband-qnet-86749749444727 (READ-ONLY COPY).

The authoritative reference and input builder live on the scoring server;
editing this copy changes nothing except your own understanding.
"""

import jax, jax.numpy as jnp
import numpy as np

N_NODES = 10000
N_EDGES = 320000
D_FEAT = 128


def setup_inputs(seed: int = 0) -> dict:
    key = jax.random.key(seed)
    k1, k2, k3 = jax.random.split(key, 3)
    x = jax.random.normal(k1, (N_NODES, D_FEAT), dtype=jnp.float32)
    edge_index = jax.random.randint(k2, (2, N_EDGES), 0, N_NODES)
    # GCNConv learned parameters (in_channels=128, out_channels=128)
    W = jax.random.normal(k3, (D_FEAT, D_FEAT), dtype=jnp.float32) / np.sqrt(D_FEAT)
    b = jnp.zeros((D_FEAT,), dtype=jnp.float32)
    return {"x": x, "edge_index": edge_index, "W": W, "b": b}


def reference(x, edge_index, W, b):
    # Faithful GCNConv forward (PyG semantics): add self-loops, symmetric
    # degree normalization, linear transform, scatter-add aggregation, bias.
    n = x.shape[0]
    src = edge_index[0]
    dst = edge_index[1]
    loop = jnp.arange(n, dtype=src.dtype)
    src = jnp.concatenate([src, loop])
    dst = jnp.concatenate([dst, loop])
    # linear transform
    xw = x @ W
    # symmetric normalization deg^{-1/2}[src] * deg^{-1/2}[dst]
    deg = jnp.zeros((n,), dtype=x.dtype).at[dst].add(1.0)
    deg_inv_sqrt = jnp.where(deg > 0, jax.lax.rsqrt(jnp.maximum(deg, 1e-12)), 0.0)
    norm = deg_inv_sqrt[src] * deg_inv_sqrt[dst]
    # gather messages along src, scale, scatter-add to dst
    msgs = jnp.take(xw, src, axis=0) * norm[:, None]
    out = jnp.zeros_like(xw).at[dst].add(msgs)
    out = out + b
    return out

if __name__ == "__main__":
    import jax
    _d = setup_inputs()
    print(jax.jit(kernel)(*tuple(_d.values())))

</pallas_src>

<mosaic_0001>
#map = affine_map<(d0, d1) -> (0)>
module attributes {stable_mosaic.version = 14 : i64} {
  func.func @_deg_kernel(%arg0: i32, %arg1: i32, %arg2: memref<320000xi32, #tpu.memory_space<hbm>>, %arg3: memref<327680xf32, #tpu.memory_space<hbm>>, %arg4: memref<2000xi32, #tpu.memory_space<vmem>>, %arg5: memref<40960xf32, #tpu.memory_space<vmem>>, %arg6: memref<10240xf32, #tpu.memory_space<vmem>>) attributes {dimension_semantics = [#tpu.dimension_semantics<core_parallel>, #tpu.dimension_semantics<subcore_parallel>], iteration_bounds = array<i64: 2, 16>, scalar_prefetch = 0 : i64, scratch_operands = 3 : i64, tpu.core_type = #tpu.core_type<sc_vector_subcore>, window_params = [{transform_indices = #map}, {transform_indices = #map}]} {
    %mul3A = arith.constant 16 : i32
    %mul3A_0 = arith.muli %arg0, %mul3A : i32
    %add3A = arith.addi %mul3A_0, %arg1 : i32
    %iota3A = tpu.iota {dimensions = array<i32: 0>} : vector<16xi32>
    %and3A = arith.constant 3 : i32
    %and3A_1 = vector.broadcast %and3A : i32 to vector<16xi32>
    %and3A_2 = arith.andi %iota3A, %and3A_1 : vector<16xi32>
    %mul3A_3 = arith.constant 10240 : i32
    %mul3A_4 = vector.broadcast %mul3A_3 : i32 to vector<16xi32>
    %mul3A_5 = arith.muli %and3A_2, %mul3A_4 : vector<16xi32>
    %shift_right_arithmetic3A = arith.constant 2 : i32
    %shift_right_arithmetic3A_6 = vector.broadcast %shift_right_arithmetic3A : i32 to vector<16xi32>
    %shift_right_arithmetic3A_7 = arith.shrsi %iota3A, %shift_right_arithmetic3A_6 : vector<16xi32>
    %eq3A = arith.constant 0 : i32
    %eq3A_8 = vector.broadcast %eq3A : i32 to vector<16xi32>
    %eq3A_9 = arith.cmpi eq, %shift_right_arithmetic3A_7, %eq3A_8 : vector<16xi32>
    %eq3A_10 = arith.constant 1 : i32
    %eq3A_11 = vector.broadcast %eq3A_10 : i32 to vector<16xi32>
    %eq3A_12 = arith.cmpi eq, %shift_right_arithmetic3A_7, %eq3A_11 : vector<16xi32>
    %eq3A_13 = arith.constant 2 : i32
    %eq3A_14 = vector.broadcast %eq3A_13 : i32 to vector<16xi32>
    %eq3A_15 = arith.cmpi eq, %shift_right_arithmetic3A_7, %eq3A_14 : vector<16xi32>
    %eq3A_16 = arith.constant 3 : i32
    %eq3A_17 = vector.broadcast %eq3A_16 : i32 to vector<16xi32>
    %eq3A_18 = arith.cmpi eq, %shift_right_arithmetic3A_7, %eq3A_17 : vector<16xi32>
    %broadcast_in_dim3A = arith.constant 1.000000e+00 : f32
    %broadcast_in_dim3A_19 = vector.broadcast %broadcast_in_dim3A : f32 to vector<16xf32>
    %broadcast_in_dim3A_20 = arith.constant 0.000000e+00 : f32
    %broadcast_in_dim3A_21 = vector.broadcast %broadcast_in_dim3A_20 : f32 to vector<16xf32>
    %scan3A = arith.constant 0 : i32
    %scan3A_22 = arith.constant 0 : i32
    %scan3A_23 = arith.constant 320 : i32
    %scan3A_24 = arith.addi %scan3A_22, %scan3A_23 : i32
    %scan3A_25 = arith.constant 1 : i32
    %scan3A_26 = scf.for %scan3A_92 = %scan3A_22 to %scan3A_24 step %scan3A_25 iter_args(%scan3A_93 = %scan3A) -> (i32)  : i32 {
      %mul3A_94 = arith.constant 128 : i32
      %mul3A_95 = arith.muli %scan3A_92, %mul3A_94 : i32
      %add3A_96 = arith.constant 0 : i32
      %add3A_97 = arith.addi %mul3A_95, %add3A_96 : i32
      %swap3A = arith.index_cast %add3A_97 : i32 to index
      %swap3A_98 = tpu.vector_load %arg5[%swap3A] {strides = array<i32>} : memref<40960xf32, #tpu.memory_space<vmem>>, vector<16xf32>,
      tpu.vector_store %arg5[%swap3A], %broadcast_in_dim3A_21 {strides = array<i32>} : memref<40960xf32, #tpu.memory_space<vmem>>, vector<16xf32>,
      %mul3A_99 = arith.constant 128 : i32
      %mul3A_100 = arith.muli %scan3A_92, %mul3A_99 : i32
      %add3A_101 = arith.constant 16 : i32
      %add3A_102 = arith.addi %mul3A_100, %add3A_101 : i32
      %swap3A_103 = arith.index_cast %add3A_102 : i32 to index
      %swap3A_104 = tpu.vector_load %arg5[%swap3A_103] {strides = array<i32>} : memref<40960xf32, #tpu.memory_space<vmem>>, vector<16xf32>,
      tpu.vector_store %arg5[%swap3A_103], %broadcast_in_dim3A_21 {strides = array<i32>} : memref<40960xf32, #tpu.memory_space<vmem>>, vector<16xf32>,
      %mul3A_105 = arith.constant 128 : i32
      %mul3A_106 = arith.muli %scan3A_92, %mul3A_105 : i32
      %add3A_107 = arith.constant 32 : i32
      %add3A_108 = arith.addi %mul3A_106, %add3A_107 : i32
      %swap3A_109 = arith.index_cast %add3A_108 : i32 to index
      %swap3A_110 = tpu.vector_load %arg5[%swap3A_109] {strides = array<i32>} : memref<40960xf32, #tpu.memory_space<vmem>>, vector<16xf32>,
      tpu.vector_store %arg5[%swap3A_109], %broadcast_in_dim3A_21 {strides = array<i32>} : memref<40960xf32, #tpu.memory_space<vmem>>, vector<16xf32>,
      %mul3A_111 = arith.constant 128 : i32
      %mul3A_112 = arith.muli %scan3A_92, %mul3A_111 : i32
      %add3A_113 = arith.constant 48 : i32
      %add3A_114 = arith.addi %mul3A_112, %add3A_113 : i32
      %swap3A_115 = arith.index_cast %add3A_114 : i32 to index
      %swap3A_116 = tpu.vector_load %arg5[%swap3A_115] {strides = array<i32>} : memref<40960xf32, #tpu.memory_space<vmem>>, vector<16xf32>,
      tpu.vector_store %arg5[%swap3A_115], %broadcast_in_dim3A_21 {strides = array<i32>} : memref<40960xf32, #tpu.memory_space<vmem>>, vector<16xf32>,
      %mul3A_117 = arith.constant 128 : i32
      %mul3A_118 = arith.muli %scan3A_92, %mul3A_117 : i32
      %add3A_119 = arith.constant 64 : i32
      %add3A_120 = arith.addi %mul3A_118, %add3A_119 : i32
      %swap3A_121 = arith.index_cast %add3A_120 : i32 to index
      %swap3A_122 = tpu.vector_load %arg5[%swap3A_121] {strides = array<i32>} : memref<40960xf32, #tpu.memory_space<vmem>>, vector<16xf32>,
      tpu.vector_store %arg5[%swap3A_121], %broadcast_in_dim3A_21 {strides = array<i32>} : memref<40960xf32, #tpu.memory_space<vmem>>, vector<16xf32>,
      %mul3A_123 = arith.constant 128 : i32
      %mul3A_124 = arith.muli %scan3A_92, %mul3A_123 : i32
      %add3A_125 = arith.constant 80 : i32
      %add3A_126 = arith.addi %mul3A_124, %add3A_125 : i32
      %swap3A_127 = arith.index_cast %add3A_126 : i32 to index
      %swap3A_128 = tpu.vector_load %arg5[%swap3A_127] {strides = array<i32>} : memref<40960xf32, #tpu.memory_space<vmem>>, vector<16xf32>,
      tpu.vector_store %arg5[%swap3A_127], %broadcast_in_dim3A_21 {strides = array<i32>} : memref<40960xf32, #tpu.memory_space<vmem>>, vector<16xf32>,
      %mul3A_129 = arith.constant 128 : i32
      %mul3A_130 = arith.muli %scan3A_92, %mul3A_129 : i32
      %add3A_131 = arith.constant 96 : i32
      %add3A_132 = arith.addi %mul3A_130, %add3A_131 : i32
      %swap3A_133 = arith.index_cast %add3A_132 : i32 to index
      %swap3A_134 = tpu.vector_load %arg5[%swap3A_133] {strides = array<i32>} : memref<40960xf32, #tpu.memory_space<vmem>>, vector<16xf32>,
      tpu.vector_store %arg5[%swap3A_133], %broadcast_in_dim3A_21 {strides = array<i32>} : memref<40960xf32, #tpu.memory_space<vmem>>, vector<16xf32>,
      %mul3A_135 = arith.constant 128 : i32
      %mul3A_136 = arith.muli %scan3A_92, %mul3A_135 : i32
      %add3A_137 = arith.constant 112 : i32
      %add3A_138 = arith.addi %mul3A_136, %add3A_137 : i32
      %swap3A_139 = arith.index_cast %add3A_138 : i32 to index
      %swap3A_140 = tpu.vector_load %arg5[%swap3A_139] {strides = array<i32>} : memref<40960xf32, #tpu.memory_space<vmem>>, vector<16xf32>,
      tpu.vector_store %arg5[%swap3A_139], %broadcast_in_dim3A_21 {strides = array<i32>} : memref<40960xf32, #tpu.memory_space<vmem>>, vector<16xf32>,
      %scan3A_141 = arith.constant 0 : i32
      scf.yield %scan3A_141 : i32
    }
    %scan3A_27 = arith.constant 320 : i32
    %mul3A_28 = arith.constant 10000 : i32
    %mul3A_29 = arith.muli %add3A, %mul3A_28 : i32
    %add3A_30 = arith.constant 0 : i32
    %add3A_31 = arith.addi %mul3A_29, %add3A_30 : i32
    "tpu.region"() ({
      %run_scoped3A = tpu.sem_alloc : memref<!tpu.dma_semaphore, #tpu.memory_space<semaphore_mem>>
      %dma_start3A = tpu.memref_slice %arg2[%add3A_31] : memref<320000xi32, #tpu.memory_space<hbm>> -> memref<2000xi32, #tpu.memory_space<hbm>>
      %dma_start3A_92 = tpu.memref_slice %arg2[%add3A_31] : memref<320000xi32, #tpu.memory_space<hbm>> -> memref<2000xi32, #tpu.memory_space<hbm>>
      tpu.enqueue_dma source(%dma_start3A_92 : memref<2000xi32, #tpu.memory_space<hbm>>) target(%arg4 : memref<2000xi32, #tpu.memory_space<vmem>>) target_semaphore(%run_scoped3A : memref<!tpu.dma_semaphore, #tpu.memory_space<semaphore_mem>>)
      %dma_wait3A = tpu.memref_slice %arg2[%add3A_31] : memref<320000xi32, #tpu.memory_space<hbm>> -> memref<2000xi32, #tpu.memory_space<hbm>>
      %dma_wait3A_93 = tpu.memref_slice %arg2[%add3A_31] : memref<320000xi32, #tpu.memory_space<hbm>> -> memref<2000xi32, #tpu.memory_space<hbm>>
      tpu.wait_dma2 semaphore(%run_scoped3A : memref<!tpu.dma_semaphore, #tpu.memory_space<semaphore_mem>>) src(%dma_wait3A_93 : memref<2000xi32, #tpu.memory_space<hbm>>) dst(%arg4 : memref<2000xi32, #tpu.memory_space<vmem>>)
      tpu.yield
    }) : () -> ()
    %scan3A_32 = arith.constant 0 : i32
    %scan3A_33 = arith.constant 0 : i32
    %scan3A_34 = arith.constant 125 : i32
    %scan3A_35 = arith.addi %scan3A_33, %scan3A_34 : i32
    %scan3A_36 = arith.constant 1 : i32
    %scan3A_37 = scf.for %scan3A_92 = %scan3A_33 to %scan3A_35 step %scan3A_36 iter_args(%scan3A_93 = %scan3A_32) -> (i32)  : i32 {
      %mul3A_94 = arith.constant 16 : i32
      %mul3A_95 = arith.muli %scan3A_92, %mul3A_94 : i32
      %get3A = arith.index_cast %mul3A_95 : i32 to index
      %get3A_96 = tpu.vector_load %arg4[%get3A] {strides = array<i32>} : memref<2000xi32, #tpu.memory_space<vmem>>, vector<16xi32>,
      %add3A_97 = arith.addi %mul3A_5, %get3A_96 : vector<16xi32>
      tpu.vector_store_idx %arg5[%add3A_97], %broadcast_in_dim3A_19 masked %eq3A_9 {add = true} : memref<40960xf32, #tpu.memory_space<vmem>>[vector<16xi32>], vector<16xf32>, vector<16xi1>
      tpu.vector_store_idx %arg5[%add3A_97], %broadcast_in_dim3A_19 masked %eq3A_12 {add = true} : memref<40960xf32, #tpu.memory_space<vmem>>[vector<16xi32>], vector<16xf32>, vector<16xi1>
      tpu.vector_store_idx %arg5[%add3A_97], %broadcast_in_dim3A_19 masked %eq3A_15 {add = true} : memref<40960xf32, #tpu.memory_space<vmem>>[vector<16xi32>], vector<16xf32>, vector<16xi1>
      tpu.vector_store_idx %arg5[%add3A_97], %broadcast_in_dim3A_19 masked %eq3A_18 {add = true} : memref<40960xf32, #tpu.memory_space<vmem>>[vector<16xi32>], vector<16xf32>, vector<16xi1>
      %scan3A_98 = arith.constant 0 : i32
      scf.yield %scan3A_98 : i32
    }
    %scan3A_38 = arith.constant 125 : i32
    %mul3A_39 = arith.constant 10000 : i32
    %mul3A_40 = arith.muli %add3A, %mul3A_39 : i32
    %add3A_41 = arith.constant 2000 : i32
    %add3A_42 = arith.addi %mul3A_40, %add3A_41 : i32
    "tpu.region"() ({
      %run_scoped3A = tpu.sem_alloc : memref<!tpu.dma_semaphore, #tpu.memory_space<semaphore_mem>>
      %dma_start3A = tpu.memref_slice %arg2[%add3A_42] : memref<320000xi32, #tpu.memory_space<hbm>> -> memref<2000xi32, #tpu.memory_space<hbm>>
      %dma_start3A_92 = tpu.memref_slice %arg2[%add3A_42] : memref<320000xi32, #tpu.memory_space<hbm>> -> memref<2000xi32, #tpu.memory_space<hbm>>
      tpu.enqueue_dma source(%dma_start3A_92 : memref<2000xi32, #tpu.memory_space<hbm>>) target(%arg4 : memref<2000xi32, #tpu.memory_space<vmem>>) target_semaphore(%run_scoped3A : memref<!tpu.dma_semaphore, #tpu.memory_space<semaphore_mem>>)
      %dma_wait3A = tpu.memref_slice %arg2[%add3A_42] : memref<320000xi32, #tpu.memory_space<hbm>> -> memref<2000xi32, #tpu.memory_space<hbm>>
      %dma_wait3A_93 = tpu.memref_slice %arg2[%add3A_42] : memref<320000xi32, #tpu.memory_space<hbm>> -> memref<2000xi32, #tpu.memory_space<hbm>>
      tpu.wait_dma2 semaphore(%run_scoped3A : memref<!tpu.dma_semaphore, #tpu.memory_space<semaphore_mem>>) src(%dma_wait3A_93 : memref<2000xi32, #tpu.memory_space<hbm>>) dst(%arg4 : memref<2000xi32, #tpu.memory_space<vmem>>)
      tpu.yield
    }) : () -> ()
    %scan3A_43 = arith.constant 0 : i32
    %scan3A_44 = arith.constant 0 : i32
    %scan3A_45 = arith.constant 125 : i32
    %scan3A_46 = arith.addi %scan3A_44, %scan3A_45 : i32
    %scan3A_47 = arith.constant 1 : i32
    %scan3A_48 = scf.for %scan3A_92 = %scan3A_44 to %scan3A_46 step %scan3A_47 iter_args(%scan3A_93 = %scan3A_43) -> (i32)  : i32 {
      %mul3A_94 = arith.constant 16 : i32
      %mul3A_95 = arith.muli %scan3A_92, %mul3A_94 : i32
      %get3A = arith.index_cast %mul3A_95 : i32 to index
      %get3A_96 = tpu.vector_load %arg4[%get3A] {strides = array<i32>} : memref<2000xi32, #tpu.memory_space<vmem>>, vector<16xi32>,
      %add3A_97 = arith.addi %mul3A_5, %get3A_96 : vector<16xi32>
      tpu.vector_store_idx %arg5[%add3A_97], %broadcast_in_dim3A_19 masked %eq3A_9 {add = true} : memref<40960xf32, #tpu.memory_space<vmem>>[vector<16xi32>], vector<16xf32>, vector<16xi1>
      tpu.vector_store_idx %arg5[%add3A_97], %broadcast_in_dim3A_19 masked %eq3A_12 {add = true} : memref<40960xf32, #tpu.memory_space<vmem>>[vector<16xi32>], vector<16xf32>, vector<16xi1>
      tpu.vector_store_idx %arg5[%add3A_97], %broadcast_in_dim3A_19 masked %eq3A_15 {add = true} : memref<40960xf32, #tpu.memory_space<vmem>>[vector<16xi32>], vector<16xf32>, vector<16xi1>
      tpu.vector_store_idx %arg5[%add3A_97], %broadcast_in_dim3A_19 masked %eq3A_18 {add = true} : memref<40960xf32, #tpu.memory_space<vmem>>[vector<16xi32>], vector<16xf32>, vector<16xi1>
      %scan3A_98 = arith.constant 0 : i32
      scf.yield %scan3A_98 : i32
    }
    %scan3A_49 = arith.constant 125 : i32
    %mul3A_50 = arith.constant 10000 : i32
    %mul3A_51 = arith.muli %add3A, %mul3A_50 : i32
    %add3A_52 = arith.constant 4000 : i32
    %add3A_53 = arith.addi %mul3A_51, %add3A_52 : i32
    "tpu.region"() ({
      %run_scoped3A = tpu.sem_alloc : memref<!tpu.dma_semaphore, #tpu.memory_space<semaphore_mem>>
      %dma_start3A = tpu.memref_slice %arg2[%add3A_53] : memref<320000xi32, #tpu.memory_space<hbm>> -> memref<2000xi32, #tpu.memory_space<hbm>>
      %dma_start3A_92 = tpu.memref_slice %arg2[%add3A_53] : memref<320000xi32, #tpu.memory_space<hbm>> -> memref<2000xi32, #tpu.memory_space<hbm>>
      tpu.enqueue_dma source(%dma_start3A_92 : memref<2000xi32, #tpu.memory_space<hbm>>) target(%arg4 : memref<2000xi32, #tpu.memory_space<vmem>>) target_semaphore(%run_scoped3A : memref<!tpu.dma_semaphore, #tpu.memory_space<semaphore_mem>>)
      %dma_wait3A = tpu.memref_slice %arg2[%add3A_53] : memref<320000xi32, #tpu.memory_space<hbm>> -> memref<2000xi32, #tpu.memory_space<hbm>>
      %dma_wait3A_93 = tpu.memref_slice %arg2[%add3A_53] : memref<320000xi32, #tpu.memory_space<hbm>> -> memref<2000xi32, #tpu.memory_space<hbm>>
      tpu.wait_dma2 semaphore(%run_scoped3A : memref<!tpu.dma_semaphore, #tpu.memory_space<semaphore_mem>>) src(%dma_wait3A_93 : memref<2000xi32, #tpu.memory_space<hbm>>) dst(%arg4 : memref<2000xi32, #tpu.memory_space<vmem>>)
      tpu.yield
    }) : () -> ()
    %scan3A_54 = arith.constant 0 : i32
    %scan3A_55 = arith.constant 0 : i32
    %scan3A_56 = arith.constant 125 : i32
    %scan3A_57 = arith.addi %scan3A_55, %scan3A_56 : i32
    %scan3A_58 = arith.constant 1 : i32
    %scan3A_59 = scf.for %scan3A_92 = %scan3A_55 to %scan3A_57 step %scan3A_58 iter_args(%scan3A_93 = %scan3A_54) -> (i32)  : i32 {
      %mul3A_94 = arith.constant 16 : i32
      %mul3A_95 = arith.muli %scan3A_92, %mul3A_94 : i32
      %get3A = arith.index_cast %mul3A_95 : i32 to index
      %get3A_96 = tpu.vector_load %arg4[%get3A] {strides = array<i32>} : memref<2000xi32, #tpu.memory_space<vmem>>, vector<16xi32>,
      %add3A_97 = arith.addi %mul3A_5, %get3A_96 : vector<16xi32>
      tpu.vector_store_idx %arg5[%add3A_97], %broadcast_in_dim3A_19 masked %eq3A_9 {add = true} : memref<40960xf32, #tpu.memory_space<vmem>>[vector<16xi32>], vector<16xf32>, vector<16xi1>
      tpu.vector_store_idx %arg5[%add3A_97], %broadcast_in_dim3A_19 masked %eq3A_12 {add = true} : memref<40960xf32, #tpu.memory_space<vmem>>[vector<16xi32>], vector<16xf32>, vector<16xi1>
      tpu.vector_store_idx %arg5[%add3A_97], %broadcast_in_dim3A_19 masked %eq3A_15 {add = true} : memref<40960xf32, #tpu.memory_space<vmem>>[vector<16xi32>], vector<16xf32>, vector<16xi1>
      tpu.vector_store_idx %arg5[%add3A_97], %broadcast_in_dim3A_19 masked %eq3A_18 {add = true} : memref<40960xf32, #tpu.memory_space<vmem>>[vector<16xi32>], vector<16xf32>, vector<16xi1>
      %scan3A_98 = arith.constant 0 : i32
      scf.yield %scan3A_98 : i32
    }
    %scan3A_60 = arith.constant 125 : i32
    %mul3A_61 = arith.constant 10000 : i32
    %mul3A_62 = arith.muli %add3A, %mul3A_61 : i32
    %add3A_63 = arith.constant 6000 : i32
    %add3A_64 = arith.addi %mul3A_62, %add3A_63 : i32
    "tpu.region"() ({
      %run_scoped3A = tpu.sem_alloc : memref<!tpu.dma_semaphore, #tpu.memory_space<semaphore_mem>>
      %dma_start3A = tpu.memref_slice %arg2[%add3A_64] : memref<320000xi32, #tpu.memory_space<hbm>> -> memref<2000xi32, #tpu.memory_space<hbm>>
      %dma_start3A_92 = tpu.memref_slice %arg2[%add3A_64] : memref<320000xi32, #tpu.memory_space<hbm>> -> memref<2000xi32, #tpu.memory_space<hbm>>
      tpu.enqueue_dma source(%dma_start3A_92 : memref<2000xi32, #tpu.memory_space<hbm>>) target(%arg4 : memref<2000xi32, #tpu.memory_space<vmem>>) target_semaphore(%run_scoped3A : memref<!tpu.dma_semaphore, #tpu.memory_space<semaphore_mem>>)
      %dma_wait3A = tpu.memref_slice %arg2[%add3A_64] : memref<320000xi32, #tpu.memory_space<hbm>> -> memref<2000xi32, #tpu.memory_space<hbm>>
      %dma_wait3A_93 = tpu.memref_slice %arg2[%add3A_64] : memref<320000xi32, #tpu.memory_space<hbm>> -> memref<2000xi32, #tpu.memory_space<hbm>>
      tpu.wait_dma2 semaphore(%run_scoped3A : memref<!tpu.dma_semaphore, #tpu.memory_space<semaphore_mem>>) src(%dma_wait3A_93 : memref<2000xi32, #tpu.memory_space<hbm>>) dst(%arg4 : memref<2000xi32, #tpu.memory_space<vmem>>)
      tpu.yield
    }) : () -> ()
    %scan3A_65 = arith.constant 0 : i32
    %scan3A_66 = arith.constant 0 : i32
    %scan3A_67 = arith.constant 125 : i32
    %scan3A_68 = arith.addi %scan3A_66, %scan3A_67 : i32
    %scan3A_69 = arith.constant 1 : i32
    %scan3A_70 = scf.for %scan3A_92 = %scan3A_66 to %scan3A_68 step %scan3A_69 iter_args(%scan3A_93 = %scan3A_65) -> (i32)  : i32 {
      %mul3A_94 = arith.constant 16 : i32
      %mul3A_95 = arith.muli %scan3A_92, %mul3A_94 : i32
      %get3A = arith.index_cast %mul3A_95 : i32 to index
      %get3A_96 = tpu.vector_load %arg4[%get3A] {strides = array<i32>} : memref<2000xi32, #tpu.memory_space<vmem>>, vector<16xi32>,
      %add3A_97 = arith.addi %mul3A_5, %get3A_96 : vector<16xi32>
      tpu.vector_store_idx %arg5[%add3A_97], %broadcast_in_dim3A_19 masked %eq3A_9 {add = true} : memref<40960xf32, #tpu.memory_space<vmem>>[vector<16xi32>], vector<16xf32>, vector<16xi1>
      tpu.vector_store_idx %arg5[%add3A_97], %broadcast_in_dim3A_19 masked %eq3A_12 {add = true} : memref<40960xf32, #tpu.memory_space<vmem>>[vector<16xi32>], vector<16xf32>, vector<16xi1>
      tpu.vector_store_idx %arg5[%add3A_97], %broadcast_in_dim3A_19 masked %eq3A_15 {add = true} : memref<40960xf32, #tpu.memory_space<vmem>>[vector<16xi32>], vector<16xf32>, vector<16xi1>
      tpu.vector_store_idx %arg5[%add3A_97], %broadcast_in_dim3A_19 masked %eq3A_18 {add = true} : memref<40960xf32, #tpu.memory_space<vmem>>[vector<16xi32>], vector<16xf32>, vector<16xi1>
      %scan3A_98 = arith.constant 0 : i32
      scf.yield %scan3A_98 : i32
    }
    %scan3A_71 = arith.constant 125 : i32
    %mul3A_72 = arith.constant 10000 : i32
    %mul3A_73 = arith.muli %add3A, %mul3A_72 : i32
    %add3A_74 = arith.constant 8000 : i32
    %add3A_75 = arith.addi %mul3A_73, %add3A_74 : i32
    "tpu.region"() ({
      %run_scoped3A = tpu.sem_alloc : memref<!tpu.dma_semaphore, #tpu.memory_space<semaphore_mem>>
      %dma_start3A = tpu.memref_slice %arg2[%add3A_75] : memref<320000xi32, #tpu.memory_space<hbm>> -> memref<2000xi32, #tpu.memory_space<hbm>>
      %dma_start3A_92 = tpu.memref_slice %arg2[%add3A_75] : memref<320000xi32, #tpu.memory_space<hbm>> -> memref<2000xi32, #tpu.memory_space<hbm>>
      tpu.enqueue_dma source(%dma_start3A_92 : memref<2000xi32, #tpu.memory_space<hbm>>) target(%arg4 : memref<2000xi32, #tpu.memory_space<vmem>>) target_semaphore(%run_scoped3A : memref<!tpu.dma_semaphore, #tpu.memory_space<semaphore_mem>>)
      %dma_wait3A = tpu.memref_slice %arg2[%add3A_75] : memref<320000xi32, #tpu.memory_space<hbm>> -> memref<2000xi32, #tpu.memory_space<hbm>>
      %dma_wait3A_93 = tpu.memref_slice %arg2[%add3A_75] : memref<320000xi32, #tpu.memory_space<hbm>> -> memref<2000xi32, #tpu.memory_space<hbm>>
      tpu.wait_dma2 semaphore(%run_scoped3A : memref<!tpu.dma_semaphore, #tpu.memory_space<semaphore_mem>>) src(%dma_wait3A_93 : memref<2000xi32, #tpu.memory_space<hbm>>) dst(%arg4 : memref<2000xi32, #tpu.memory_space<vmem>>)
      tpu.yield
    }) : () -> ()
    %scan3A_76 = arith.constant 0 : i32
    %scan3A_77 = arith.constant 0 : i32
    %scan3A_78 = arith.constant 125 : i32
    %scan3A_79 = arith.addi %scan3A_77, %scan3A_78 : i32
    %scan3A_80 = arith.constant 1 : i32
    %scan3A_81 = scf.for %scan3A_92 = %scan3A_77 to %scan3A_79 step %scan3A_80 iter_args(%scan3A_93 = %scan3A_76) -> (i32)  : i32 {
      %mul3A_94 = arith.constant 16 : i32
      %mul3A_95 = arith.muli %scan3A_92, %mul3A_94 : i32
      %get3A = arith.index_cast %mul3A_95 : i32 to index
      %get3A_96 = tpu.vector_load %arg4[%get3A] {strides = array<i32>} : memref<2000xi32, #tpu.memory_space<vmem>>, vector<16xi32>,
      %add3A_97 = arith.addi %mul3A_5, %get3A_96 : vector<16xi32>
      tpu.vector_store_idx %arg5[%add3A_97], %broadcast_in_dim3A_19 masked %eq3A_9 {add = true} : memref<40960xf32, #tpu.memory_space<vmem>>[vector<16xi32>], vector<16xf32>, vector<16xi1>
      tpu.vector_store_idx %arg5[%add3A_97], %broadcast_in_dim3A_19 masked %eq3A_12 {add = true} : memref<40960xf32, #tpu.memory_space<vmem>>[vector<16xi32>], vector<16xf32>, vector<16xi1>
      tpu.vector_store_idx %arg5[%add3A_97], %broadcast_in_dim3A_19 masked %eq3A_15 {add = true} : memref<40960xf32, #tpu.memory_space<vmem>>[vector<16xi32>], vector<16xf32>, vector<16xi1>
      tpu.vector_store_idx %arg5[%add3A_97], %broadcast_in_dim3A_19 masked %eq3A_18 {add = true} : memref<40960xf32, #tpu.memory_space<vmem>>[vector<16xi32>], vector<16xf32>, vector<16xi1>
      %scan3A_98 = arith.constant 0 : i32
      scf.yield %scan3A_98 : i32
    }
    %scan3A_82 = arith.constant 125 : i32
    %scan3A_83 = arith.constant 0 : i32
    %scan3A_84 = arith.constant 0 : i32
    %scan3A_85 = arith.constant 640 : i32
    %scan3A_86 = arith.addi %scan3A_84, %scan3A_85 : i32
    %scan3A_87 = arith.constant 1 : i32
    %scan3A_88 = scf.for %scan3A_92 = %scan3A_84 to %scan3A_86 step %scan3A_87 iter_args(%scan3A_93 = %scan3A_83) -> (i32)  : i32 {
      %mul3A_94 = arith.constant 16 : i32
      %mul3A_95 = arith.muli %scan3A_92, %mul3A_94 : i32
      %get3A = arith.index_cast %mul3A_95 : i32 to index
      %get3A_96 = tpu.vector_load %arg5[%get3A] {strides = array<i32>} : memref<40960xf32, #tpu.memory_space<vmem>>, vector<16xf32>,
      %mul3A_97 = arith.constant 16 : i32
      %mul3A_98 = arith.muli %scan3A_92, %mul3A_97 : i32
      %add3A_99 = arith.constant 10240 : i32
      %add3A_100 = arith.addi %add3A_99, %mul3A_98 : i32
      %get3A_101 = arith.index_cast %add3A_100 : i32 to index
      %get3A_102 = tpu.vector_load %arg5[%get3A_101] {strides = array<i32>} : memref<40960xf32, #tpu.memory_space<vmem>>, vector<16xf32>,
      %add3A_103 = arith.addf %get3A_96, %get3A_102 : vector<16xf32>
      %mul3A_104 = arith.constant 16 : i32
      %mul3A_105 = arith.muli %scan3A_92, %mul3A_104 : i32
      %add3A_106 = arith.constant 20480 : i32
      %add3A_107 = arith.addi %add3A_106, %mul3A_105 : i32
      %get3A_108 = arith.index_cast %add3A_107 : i32 to index
      %get3A_109 = tpu.vector_load %arg5[%get3A_108] {strides = array<i32>} : memref<40960xf32, #tpu.memory_space<vmem>>, vector<16xf32>,
      %add3A_110 = arith.addf %add3A_103, %get3A_109 : vector<16xf32>
      %mul3A_111 = arith.constant 16 : i32
      %mul3A_112 = arith.muli %scan3A_92, %mul3A_111 : i32
      %add3A_113 = arith.constant 30720 : i32
      %add3A_114 = arith.addi %add3A_113, %mul3A_112 : i32
      %get3A_115 = arith.index_cast %add3A_114 : i32 to index
      %get3A_116 = tpu.vector_load %arg5[%get3A_115] {strides = array<i32>} : memref<40960xf32, #tpu.memory_space<vmem>>, vector<16xf32>,
      %add3A_117 = arith.addf %add3A_110, %get3A_116 : vector<16xf32>
      %mul3A_118 = arith.constant 16 : i32
      %mul3A_119 = arith.muli %scan3A_92, %mul3A_118 : i32
      %swap3A = arith.index_cast %mul3A_119 : i32 to index
      %swap3A_120 = tpu.vector_load %arg6[%swap3A] {strides = array<i32>} : memref<10240xf32, #tpu.memory_space<vmem>>, vector<16xf32>,
      tpu.vector_store %arg6[%swap3A], %add3A_117 {strides = array<i32>} : memref<10240xf32, #tpu.memory_space<vmem>>, vector<16xf32>,
      %scan3A_121 = arith.constant 0 : i32
      scf.yield %scan3A_121 : i32
    }
    %scan3A_89 = arith.constant 640 : i32
    %mul3A_90 = arith.constant 10240 : i32
    %mul3A_91 = arith.muli %add3A, %mul3A_90 : i32
    "tpu.region"() ({
      %run_scoped3A = tpu.sem_alloc : memref<!tpu.dma_semaphore, #tpu.memory_space<semaphore_mem>>
      %dma_start3A = tpu.memref_slice %arg3[%mul3A_91] : memref<327680xf32, #tpu.memory_space<hbm>> -> memref<10240xf32, #tpu.memory_space<hbm>>
      %dma_start3A_92 = tpu.memref_slice %arg3[%mul3A_91] : memref<327680xf32, #tpu.memory_space<hbm>> -> memref<10240xf32, #tpu.memory_space<hbm>>
      tpu.enqueue_dma source(%arg6 : memref<10240xf32, #tpu.memory_space<vmem>>) target(%dma_start3A_92 : memref<10240xf32, #tpu.memory_space<hbm>>) target_semaphore(%run_scoped3A : memref<!tpu.dma_semaphore, #tpu.memory_space<semaphore_mem>>)
      %dma_wait3A = tpu.memref_slice %arg3[%mul3A_91] : memref<327680xf32, #tpu.memory_space<hbm>> -> memref<10240xf32, #tpu.memory_space<hbm>>
      %dma_wait3A_93 = tpu.memref_slice %arg3[%mul3A_91] : memref<327680xf32, #tpu.memory_space<hbm>> -> memref<10240xf32, #tpu.memory_space<hbm>>
      tpu.wait_dma2 semaphore(%run_scoped3A : memref<!tpu.dma_semaphore, #tpu.memory_space<semaphore_mem>>) src(%arg6 : memref<10240xf32, #tpu.memory_space<vmem>>) dst(%dma_wait3A_93 : memref<10240xf32, #tpu.memory_space<hbm>>)
      tpu.yield
    }) : () -> ()
    return
  }
}

#map = affine_map<(d0, d1) -> (0, 0)>
#map1 = affine_map<(d0, d1) -> (0, 0, 0, 0)>
#map2 = affine_map<(d0, d1) -> (0, 0, 0)>
module attributes {stable_mosaic.version = 14 : i64} {
  func.func @_agg_kernel(%arg0: i32, %arg1: i32, %arg2: memref<10000x128xf32, #tpu.memory_space<hbm>>, %arg3: memref<32x5x25x80xi32, #tpu.memory_space<hbm>>, %arg4: memref<32x5x25x80xi32, #tpu.memory_space<hbm>>, %arg5: memref<2x10240x128xf32, #tpu.memory_space<hbm>>, %arg6: memref<25x80xi32, #tpu.memory_space<vmem>>, %arg7: memref<25x80xi32, #tpu.memory_space<vmem>>, %arg8: memref<80x128xf32, #tpu.memory_space<vmem>>, %arg9: memref<80x128xf32, #tpu.memory_space<vmem>>, %arg10: memref<80x128xf32, #tpu.memory_space<vmem>>, %arg11: memref<80x128xf32, #tpu.memory_space<vmem>>, %arg12: memref<10240x128xf32, #tpu.memory_space<vmem_shared>>, %arg13: memref<!tpu.dma_semaphore, #tpu.memory_space<semaphore_mem>>, %arg14: memref<!tpu.dma_semaphore, #tpu.memory_space<semaphore_mem>>, %arg15: memref<!tpu.dma_semaphore, #tpu.memory_space<semaphore_mem>>, %arg16: memref<!tpu.dma_semaphore, #tpu.memory_space<semaphore_mem>>) attributes {dimension_semantics = [#tpu.dimension_semantics<core_parallel>, #tpu.dimension_semantics<subcore_parallel>], iteration_bounds = array<i64: 2, 16>, scalar_prefetch = 0 : i64, scratch_operands = 11 : i64, tpu.core_type = #tpu.core_type<sc_vector_subcore>, window_params = [{transform_indices = #map}, {transform_indices = #map1}, {transform_indices = #map1}, {transform_indices = #map2}]} {
    %mul3A = arith.constant 16 : i32
    %mul3A_0 = arith.muli %arg0, %mul3A : i32
    %add3A = arith.addi %mul3A_0, %arg1 : i32
    %scan3A = arith.constant 0 : i32
    %scan3A_1 = arith.constant 0 : i32
    %scan3A_2 = arith.constant 80 : i32
    %scan3A_3 = arith.addi %scan3A_1, %scan3A_2 : i32
    %scan3A_4 = arith.constant 1 : i32
    %scan3A_5 = scf.for %scan3A_271 = %scan3A_1 to %scan3A_3 step %scan3A_4 iter_args(%scan3A_272 = %scan3A) -> (i32)  : i32 {
      %broadcast_in_dim3A = arith.constant 0.000000e+00 : f32
      %broadcast_in_dim3A_273 = vector.broadcast %broadcast_in_dim3A : f32 to vector<16xf32>
      %swap3A = arith.index_cast %scan3A_271 : i32 to index
      %swap3A_274 = arith.constant 0 : index
      %swap3A_275 = tpu.vector_load %arg8[%swap3A, %swap3A_274] {strides = array<i32>} : memref<80x128xf32, #tpu.memory_space<vmem>>, vector<1x16xf32>,
      %swap3A_276 = vector.shape_cast %swap3A_275 : vector<1x16xf32> to vector<16xf32>
      %swap3A_277 = vector.shape_cast %broadcast_in_dim3A_273 : vector<16xf32> to vector<1x16xf32>
      tpu.vector_store %arg8[%swap3A, %swap3A_274], %swap3A_277 {strides = array<i32>} : memref<80x128xf32, #tpu.memory_space<vmem>>, vector<1x16xf32>,
      %broadcast_in_dim3A_278 = arith.constant 0.000000e+00 : f32
      %broadcast_in_dim3A_279 = vector.broadcast %broadcast_in_dim3A_278 : f32 to vector<16xf32>
      %swap3A_280 = arith.index_cast %scan3A_271 : i32 to index
      %swap3A_281 = arith.constant 16 : index
      %swap3A_282 = tpu.vector_load %arg8[%swap3A_280, %swap3A_281] {strides = array<i32>} : memref<80x128xf32, #tpu.memory_space<vmem>>, vector<1x16xf32>,
      %swap3A_283 = vector.shape_cast %swap3A_282 : vector<1x16xf32> to vector<16xf32>
      %swap3A_284 = vector.shape_cast %broadcast_in_dim3A_279 : vector<16xf32> to vector<1x16xf32>
      tpu.vector_store %arg8[%swap3A_280, %swap3A_281], %swap3A_284 {strides = array<i32>} : memref<80x128xf32, #tpu.memory_space<vmem>>, vector<1x16xf32>,
      %broadcast_in_dim3A_285 = arith.constant 0.000000e+00 : f32
      %broadcast_in_dim3A_286 = vector.broadcast %broadcast_in_dim3A_285 : f32 to vector<16xf32>
      %swap3A_287 = arith.index_cast %scan3A_271 : i32 to index
      %swap3A_288 = arith.constant 32 : index
      %swap3A_289 = tpu.vector_load %arg8[%swap3A_287, %swap3A_288] {strides = array<i32>} : memref<80x128xf32, #tpu.memory_space<vmem>>, vector<1x16xf32>,
      %swap3A_290 = vector.shape_cast %swap3A_289 : vector<1x16xf32> to vector<16xf32>
      %swap3A_291 = vector.shape_cast %broadcast_in_dim3A_286 : vector<16xf32> to vector<1x16xf32>
      tpu.vector_store %arg8[%swap3A_287, %swap3A_288], %swap3A_291 {strides = array<i32>} : memref<80x128xf32, #tpu.memory_space<vmem>>, vector<1x16xf32>,
      %broadcast_in_dim3A_292 = arith.constant 0.000000e+00 : f32
      %broadcast_in_dim3A_293 = vector.broadcast %broadcast_in_dim3A_292 : f32 to vector<16xf32>
      %swap3A_294 = arith.index_cast %scan3A_271 : i32 to index
      %swap3A_295 = arith.constant 48 : index
      %swap3A_296 = tpu.vector_load %arg8[%swap3A_294, %swap3A_295] {strides = array<i32>} : memref<80x128xf32, #tpu.memory_space<vmem>>, vector<1x16xf32>,
      %swap3A_297 = vector.shape_cast %swap3A_296 : vector<1x16xf32> to vector<16xf32>
      %swap3A_298 = vector.shape_cast %broadcast_in_dim3A_293 : vector<16xf32> to vector<1x16xf32>
      tpu.vector_store %arg8[%swap3A_294, %swap3A_295], %swap3A_298 {strides = array<i32>} : memref<80x128xf32, #tpu.memory_space<vmem>>, vector<1x16xf32>,
      %broadcast_in_dim3A_299 = arith.constant 0.000000e+00 : f32
      %broadcast_in_dim3A_300 = vector.broadcast %broadcast_in_dim3A_299 : f32 to vector<16xf32>
      %swap3A_301 = arith.index_cast %scan3A_271 : i32 to index
      %swap3A_302 = arith.constant 64 : index
      %swap3A_303 = tpu.vector_load %arg8[%swap3A_301, %swap3A_302] {strides = array<i32>} : memref<80x128xf32, #tpu.memory_space<vmem>>, vector<1x16xf32>,
      %swap3A_304 = vector.shape_cast %swap3A_303 : vector<1x16xf32> to vector<16xf32>
      %swap3A_305 = vector.shape_cast %broadcast_in_dim3A_300 : vector<16xf32> to vector<1x16xf32>
      tpu.vector_store %arg8[%swap3A_301, %swap3A_302], %swap3A_305 {strides = array<i32>} : memref<80x128xf32, #tpu.memory_space<vmem>>, vector<1x16xf32>,
      %broadcast_in_dim3A_306 = arith.constant 0.000000e+00 : f32
      %broadcast_in_dim3A_307 = vector.broadcast %broadcast_in_dim3A_306 : f32 to vector<16xf32>
      %swap3A_308 = arith.index_cast %scan3A_271 : i32 to index
      %swap3A_309 = arith.constant 80 : index
      %swap3A_310 = tpu.vector_load %arg8[%swap3A_308, %swap3A_309] {strides = array<i32>} : memref<80x128xf32, #tpu.memory_space<vmem>>, vector<1x16xf32>,
      %swap3A_311 = vector.shape_cast %swap3A_310 : vector<1x16xf32> to vector<16xf32>
      %swap3A_312 = vector.shape_cast %broadcast_in_dim3A_307 : vector<16xf32> to vector<1x16xf32>
      tpu.vector_store %arg8[%swap3A_308, %swap3A_309], %swap3A_312 {strides = array<i32>} : memref<80x128xf32, #tpu.memory_space<vmem>>, vector<1x16xf32>,
      %broadcast_in_dim3A_313 = arith.constant 0.000000e+00 : f32
      %broadcast_in_dim3A_314 = vector.broadcast %broadcast_in_dim3A_313 : f32 to vector<16xf32>
      %swap3A_315 = arith.index_cast %scan3A_271 : i32 to index
      %swap3A_316 = arith.constant 96 : index
      %swap3A_317 = tpu.vector_load %arg8[%swap3A_315, %swap3A_316] {strides = array<i32>} : memref<80x128xf32, #tpu.memory_space<vmem>>, vector<1x16xf32>,
      %swap3A_318 = vector.shape_cast %swap3A_317 : vector<1x16xf32> to vector<16xf32>
      %swap3A_319 = vector.shape_cast %broadcast_in_dim3A_314 : vector<16xf32> to vector<1x16xf32>
      tpu.vector_store %arg8[%swap3A_315, %swap3A_316], %swap3A_319 {strides = array<i32>} : memref<80x128xf32, #tpu.memory_space<vmem>>, vector<1x16xf32>,
      %broadcast_in_dim3A_320 = arith.constant 0.000000e+00 : f32
      %broadcast_in_dim3A_321 = vector.broadcast %broadcast_in_dim3A_320 : f32 to vector<16xf32>
      %swap3A_322 = arith.index_cast %scan3A_271 : i32 to index
      %swap3A_323 = arith.constant 112 : index
      %swap3A_324 = tpu.vector_load %arg8[%swap3A_322, %swap3A_323] {strides = array<i32>} : memref<80x128xf32, #tpu.memory_space<vmem>>, vector<1x16xf32>,
      %swap3A_325 = vector.shape_cast %swap3A_324 : vector<1x16xf32> to vector<16xf32>
      %swap3A_326 = vector.shape_cast %broadcast_in_dim3A_321 : vector<16xf32> to vector<1x16xf32>
      tpu.vector_store %arg8[%swap3A_322, %swap3A_323], %swap3A_326 {strides = array<i32>} : memref<80x128xf32, #tpu.memory_space<vmem>>, vector<1x16xf32>,
      %scan3A_327 = arith.constant 0 : i32
      scf.yield %scan3A_327 : i32
    }
    %scan3A_6 = arith.constant 80 : i32
    %mul3A_7 = arith.constant 640 : i32
    %mul3A_8 = arith.muli %arg1, %mul3A_7 : i32
    %add3A_9 = arith.constant 0 : i32
    %add3A_10 = arith.addi %mul3A_8, %add3A_9 : i32
    %dma_start3A = arith.constant 0 : i32
    %dma_start3A_11 = tpu.memref_slice %arg12[%add3A_10, %dma_start3A] : memref<10240x128xf32, #tpu.memory_space<vmem_shared>> -> memref<80x128xf32, #tpu.memory_space<vmem_shared>>
    %dma_start3A_12 = arith.constant 0 : i32
    %dma_start3A_13 = tpu.memref_slice %arg12[%add3A_10, %dma_start3A_12] : memref<10240x128xf32, #tpu.memory_space<vmem_shared>> -> memref<80x128xf32, #tpu.memory_space<vmem_shared>>
    tpu.enqueue_dma source(%arg8 : memref<80x128xf32, #tpu.memory_space<vmem>>) target(%dma_start3A_13 : memref<80x128xf32, #tpu.memory_space<vmem_shared>>) target_semaphore(%arg13 : memref<!tpu.dma_semaphore, #tpu.memory_space<semaphore_mem>>)
    %mul3A_14 = arith.constant 640 : i32
    %mul3A_15 = arith.muli %arg1, %mul3A_14 : i32
    %add3A_16 = arith.constant 80 : i32
    %add3A_17 = arith.addi %mul3A_15, %add3A_16 : i32
    %dma_start3A_18 = arith.constant 0 : i32
    %dma_start3A_19 = tpu.memref_slice %arg12[%add3A_17, %dma_start3A_18] : memref<10240x128xf32, #tpu.memory_space<vmem_shared>> -> memref<80x128xf32, #tpu.memory_space<vmem_shared>>
    %dma_start3A_20 = arith.constant 0 : i32
    %dma_start3A_21 = tpu.memref_slice %arg12[%add3A_17, %dma_start3A_20] : memref<10240x128xf32, #tpu.memory_space<vmem_shared>> -> memref<80x128xf32, #tpu.memory_space<vmem_shared>>
    tpu.enqueue_dma source(%arg8 : memref<80x128xf32, #tpu.memory_space<vmem>>) target(%dma_start3A_21 : memref<80x128xf32, #tpu.memory_space<vmem_shared>>) target_semaphore(%arg13 : memref<!tpu.dma_semaphore, #tpu.memory_space<semaphore_mem>>)
    %mul3A_22 = arith.constant 640 : i32
    %mul3A_23 = arith.muli %arg1, %mul3A_22 : i32
    %add3A_24 = arith.constant 160 : i32
    %add3A_25 = arith.addi %mul3A_23, %add3A_24 : i32
    %dma_start3A_26 = arith.constant 0 : i32
    %dma_start3A_27 = tpu.memref_slice %arg12[%add3A_25, %dma_start3A_26] : memref<10240x128xf32, #tpu.memory_space<vmem_shared>> -> memref<80x128xf32, #tpu.memory_space<vmem_shared>>
    %dma_start3A_28 = arith.constant 0 : i32
    %dma_start3A_29 = tpu.memref_slice %arg12[%add3A_25, %dma_start3A_28] : memref<10240x128xf32, #tpu.memory_space<vmem_shared>> -> memref<80x128xf32, #tpu.memory_space<vmem_shared>>
    tpu.enqueue_dma source(%arg8 : memref<80x128xf32, #tpu.memory_space<vmem>>) target(%dma_start3A_29 : memref<80x128xf32, #tpu.memory_space<vmem_shared>>) target_semaphore(%arg13 : memref<!tpu.dma_semaphore, #tpu.memory_space<semaphore_mem>>)
    %mul3A_30 = arith.constant 640 : i32
    %mul3A_31 = arith.muli %arg1, %mul3A_30 : i32
    %add3A_32 = arith.constant 240 : i32
    %add3A_33 = arith.addi %mul3A_31, %add3A_32 : i32
    %dma_start3A_34 = arith.constant 0 : i32
    %dma_start3A_35 = tpu.memref_slice %arg12[%add3A_33, %dma_start3A_34] : memref<10240x128xf32, #tpu.memory_space<vmem_shared>> -> memref<80x128xf32, #tpu.memory_space<vmem_shared>>
    %dma_start3A_36 = arith.constant 0 : i32
    %dma_start3A_37 = tpu.memref_slice %arg12[%add3A_33, %dma_start3A_36] : memref<10240x128xf32, #tpu.memory_space<vmem_shared>> -> memref<80x128xf32, #tpu.memory_space<vmem_shared>>
    tpu.enqueue_dma source(%arg8 : memref<80x128xf32, #tpu.memory_space<vmem>>) target(%dma_start3A_37 : memref<80x128xf32, #tpu.memory_space<vmem_shared>>) target_semaphore(%arg13 : memref<!tpu.dma_semaphore, #tpu.memory_space<semaphore_mem>>)
    %mul3A_38 = arith.constant 640 : i32
    %mul3A_39 = arith.muli %arg1, %mul3A_38 : i32
    %add3A_40 = arith.constant 320 : i32
    %add3A_41 = arith.addi %mul3A_39, %add3A_40 : i32
    %dma_start3A_42 = arith.constant 0 : i32
    %dma_start3A_43 = tpu.memref_slice %arg12[%add3A_41, %dma_start3A_42] : memref<10240x128xf32, #tpu.memory_space<vmem_shared>> -> memref<80x128xf32, #tpu.memory_space<vmem_shared>>
    %dma_start3A_44 = arith.constant 0 : i32
    %dma_start3A_45 = tpu.memref_slice %arg12[%add3A_41, %dma_start3A_44] : memref<10240x128xf32, #tpu.memory_space<vmem_shared>> -> memref<80x128xf32, #tpu.memory_space<vmem_shared>>
    tpu.enqueue_dma source(%arg8 : memref<80x128xf32, #tpu.memory_space<vmem>>) target(%dma_start3A_45 : memref<80x128xf32, #tpu.memory_space<vmem_shared>>) target_semaphore(%arg13 : memref<!tpu.dma_semaphore, #tpu.memory_space<semaphore_mem>>)
    %mul3A_46 = arith.constant 640 : i32
    %mul3A_47 = arith.muli %arg1, %mul3A_46 : i32
    %add3A_48 = arith.constant 400 : i32
    %add3A_49 = arith.addi %mul3A_47, %add3A_48 : i32
    %dma_start3A_50 = arith.constant 0 : i32
    %dma_start3A_51 = tpu.memref_slice %arg12[%add3A_49, %dma_start3A_50] : memref<10240x128xf32, #tpu.memory_space<vmem_shared>> -> memref<80x128xf32, #tpu.memory_space<vmem_shared>>
    %dma_start3A_52 = arith.constant 0 : i32
    %dma_start3A_53 = tpu.memref_slice %arg12[%add3A_49, %dma_start3A_52] : memref<10240x128xf32, #tpu.memory_space<vmem_shared>> -> memref<80x128xf32, #tpu.memory_space<vmem_shared>>
    tpu.enqueue_dma source(%arg8 : memref<80x128xf32, #tpu.memory_space<vmem>>) target(%dma_start3A_53 : memref<80x128xf32, #tpu.memory_space<vmem_shared>>) target_semaphore(%arg13 : memref<!tpu.dma_semaphore, #tpu.memory_space<semaphore_mem>>)
    %mul3A_54 = arith.constant 640 : i32
    %mul3A_55 = arith.muli %arg1, %mul3A_54 : i32
    %add3A_56 = arith.constant 480 : i32
    %add3A_57 = arith.addi %mul3A_55, %add3A_56 : i32
    %dma_start3A_58 = arith.constant 0 : i32
    %dma_start3A_59 = tpu.memref_slice %arg12[%add3A_57, %dma_start3A_58] : memref<10240x128xf32, #tpu.memory_space<vmem_shared>> -> memref<80x128xf32, #tpu.memory_space<vmem_shared>>
    %dma_start3A_60 = arith.constant 0 : i32
    %dma_start3A_61 = tpu.memref_slice %arg12[%add3A_57, %dma_start3A_60] : memref<10240x128xf32, #tpu.memory_space<vmem_shared>> -> memref<80x128xf32, #tpu.memory_space<vmem_shared>>
    tpu.enqueue_dma source(%arg8 : memref<80x128xf32, #tpu.memory_space<vmem>>) target(%dma_start3A_61 : memref<80x128xf32, #tpu.memory_space<vmem_shared>>) target_semaphore(%arg13 : memref<!tpu.dma_semaphore, #tpu.memory_space<semaphore_mem>>)
    %mul3A_62 = arith.constant 640 : i32
    %mul3A_63 = arith.muli %arg1, %mul3A_62 : i32
    %add3A_64 = arith.constant 560 : i32
    %add3A_65 = arith.addi %mul3A_63, %add3A_64 : i32
    %dma_start3A_66 = arith.constant 0 : i32
    %dma_start3A_67 = tpu.memref_slice %arg12[%add3A_65, %dma_start3A_66] : memref<10240x128xf32, #tpu.memory_space<vmem_shared>> -> memref<80x128xf32, #tpu.memory_space<vmem_shared>>
    %dma_start3A_68 = arith.constant 0 : i32
    %dma_start3A_69 = tpu.memref_slice %arg12[%add3A_65, %dma_start3A_68] : memref<10240x128xf32, #tpu.memory_space<vmem_shared>> -> memref<80x128xf32, #tpu.memory_space<vmem_shared>>
    tpu.enqueue_dma source(%arg8 : memref<80x128xf32, #tpu.memory_space<vmem>>) target(%dma_start3A_69 : memref<80x128xf32, #tpu.memory_space<vmem_shared>>) target_semaphore(%arg13 : memref<!tpu.dma_semaphore, #tpu.memory_space<semaphore_mem>>)
    %mul3A_70 = arith.constant 640 : i32
    %mul3A_71 = arith.muli %arg1, %mul3A_70 : i32
    %dma_wait3A = arith.constant 0 : i32
    %dma_wait3A_72 = tpu.memref_slice %arg12[%mul3A_71, %dma_wait3A] : memref<10240x128xf32, #tpu.memory_space<vmem_shared>> -> memref<80x128xf32, #tpu.memory_space<vmem_shared>>
    %dma_wait3A_73 = arith.constant 0 : i32
    %dma_wait3A_74 = tpu.memref_slice %arg12[%mul3A_71, %dma_wait3A_73] : memref<10240x128xf32, #tpu.memory_space<vmem_shared>> -> memref<80x128xf32, #tpu.memory_space<vmem_shared>>
    tpu.wait_dma2 semaphore(%arg13 : memref<!tpu.dma_semaphore, #tpu.memory_space<semaphore_mem>>) src(%arg8 : memref<80x128xf32, #tpu.memory_space<vmem>>) dst(%dma_wait3A_74 : memref<80x128xf32, #tpu.memory_space<vmem_shared>>)
    %mul3A_75 = arith.constant 640 : i32
    %mul3A_76 = arith.muli %arg1, %mul3A_75 : i32
    %dma_wait3A_77 = arith.constant 0 : i32
    %dma_wait3A_78 = tpu.memref_slice %arg12[%mul3A_76, %dma_wait3A_77] : memref<10240x128xf32, #tpu.memory_space<vmem_shared>> -> memref<80x128xf32, #tpu.memory_space<vmem_shared>>
    %dma_wait3A_79 = arith.constant 0 : i32
    %dma_wait3A_80 = tpu.memref_slice %arg12[%mul3A_76, %dma_wait3A_79] : memref<10240x128xf32, #tpu.memory_space<vmem_shared>> -> memref<80x128xf32, #tpu.memory_space<vmem_shared>>
    tpu.wait_dma2 semaphore(%arg13 : memref<!tpu.dma_semaphore, #tpu.memory_space<semaphore_mem>>) src(%arg8 : memref<80x128xf32, #tpu.memory_space<vmem>>) dst(%dma_wait3A_80 : memref<80x128xf32, #tpu.memory_space<vmem_shared>>)
    %mul3A_81 = arith.constant 640 : i32
    %mul3A_82 = arith.muli %arg1, %mul3A_81 : i32
    %dma_wait3A_83 = arith.constant 0 : i32
    %dma_wait3A_84 = tpu.memref_slice %arg12[%mul3A_82, %dma_wait3A_83] : memref<10240x128xf32, #tpu.memory_space<vmem_shared>> -> memref<80x128xf32, #tpu.memory_space<vmem_shared>>
    %dma_wait3A_85 = arith.constant 0 : i32
    %dma_wait3A_86 = tpu.memref_slice %arg12[%mul3A_82, %dma_wait3A_85] : memref<10240x128xf32, #tpu.memory_space<vmem_shared>> -> memref<80x128xf32, #tpu.memory_space<vmem_shared>>
    tpu.wait_dma2 semaphore(%arg13 : memref<!tpu.dma_semaphore, #tpu.memory_space<semaphore_mem>>) src(%arg8 : memref<80x128xf32, #tpu.memory_space<vmem>>) dst(%dma_wait3A_86 : memref<80x128xf32, #tpu.memory_space<vmem_shared>>)
    %mul3A_87 = arith.constant 640 : i32
    %mul3A_88 = arith.muli %arg1, %mul3A_87 : i32
    %dma_wait3A_89 = arith.constant 0 : i32
    %dma_wait3A_90 = tpu.memref_slice %arg12[%mul3A_88, %dma_wait3A_89] : memref<10240x128xf32, #tpu.memory_space<vmem_shared>> -> memref<80x128xf32, #tpu.memory_space<vmem_shared>>
    %dma_wait3A_91 = arith.constant 0 : i32
    %dma_wait3A_92 = tpu.memref_slice %arg12[%mul3A_88, %dma_wait3A_91] : memref<10240x128xf32, #tpu.memory_space<vmem_shared>> -> memref<80x128xf32, #tpu.memory_space<vmem_shared>>
    tpu.wait_dma2 semaphore(%arg13 : memref<!tpu.dma_semaphore, #tpu.memory_space<semaphore_mem>>) src(%arg8 : memref<80x128xf32, #tpu.memory_space<vmem>>) dst(%dma_wait3A_92 : memref<80x128xf32, #tpu.memory_space<vmem_shared>>)
    %mul3A_93 = arith.constant 640 : i32
    %mul3A_94 = arith.muli %arg1, %mul3A_93 : i32
    %dma_wait3A_95 = arith.constant 0 : i32
    %dma_wait3A_96 = tpu.memref_slice %arg12[%mul3A_94, %dma_wait3A_95] : memref<10240x128xf32, #tpu.memory_space<vmem_shared>> -> memref<80x128xf32, #tpu.memory_space<vmem_shared>>
    %dma_wait3A_97 = arith.constant 0 : i32
    %dma_wait3A_98 = tpu.memref_slice %arg12[%mul3A_94, %dma_wait3A_97] : memref<10240x128xf32, #tpu.memory_space<vmem_shared>> -> memref<80x128xf32, #tpu.memory_space<vmem_shared>>
    tpu.wait_dma2 semaphore(%arg13 : memref<!tpu.dma_semaphore, #tpu.memory_space<semaphore_mem>>) src(%arg8 : memref<80x128xf32, #tpu.memory_space<vmem>>) dst(%dma_wait3A_98 : memref<80x128xf32, #tpu.memory_space<vmem_shared>>)
    %mul3A_99 = arith.constant 640 : i32
    %mul3A_100 = arith.muli %arg1, %mul3A_99 : i32
    %dma_wait3A_101 = arith.constant 0 : i32
    %dma_wait3A_102 = tpu.memref_slice %arg12[%mul3A_100, %dma_wait3A_101] : memref<10240x128xf32, #tpu.memory_space<vmem_shared>> -> memref<80x128xf32, #tpu.memory_space<vmem_shared>>
    %dma_wait3A_103 = arith.constant 0 : i32
    %dma_wait3A_104 = tpu.memref_slice %arg12[%mul3A_100, %dma_wait3A_103] : memref<10240x128xf32, #tpu.memory_space<vmem_shared>> -> memref<80x128xf32, #tpu.memory_space<vmem_shared>>
    tpu.wait_dma2 semaphore(%arg13 : memref<!tpu.dma_semaphore, #tpu.memory_space<semaphore_mem>>) src(%arg8 : memref<80x128xf32, #tpu.memory_space<vmem>>) dst(%dma_wait3A_104 : memref<80x128xf32, #tpu.memory_space<vmem_shared>>)
    %mul3A_105 = arith.constant 640 : i32
    %mul3A_106 = arith.muli %arg1, %mul3A_105 : i32
    %dma_wait3A_107 = arith.constant 0 : i32
    %dma_wait3A_108 = tpu.memref_slice %arg12[%mul3A_106, %dma_wait3A_107] : memref<10240x128xf32, #tpu.memory_space<vmem_shared>> -> memref<80x128xf32, #tpu.memory_space<vmem_shared>>
    %dma_wait3A_109 = arith.constant 0 : i32
    %dma_wait3A_110 = tpu.memref_slice %arg12[%mul3A_106, %dma_wait3A_109] : memref<10240x128xf32, #tpu.memory_space<vmem_shared>> -> memref<80x128xf32, #tpu.memory_space<vmem_shared>>
    tpu.wait_dma2 semaphore(%arg13 : memref<!tpu.dma_semaphore, #tpu.memory_space<semaphore_mem>>) src(%arg8 : memref<80x128xf32, #tpu.memory_space<vmem>>) dst(%dma_wait3A_110 : memref<80x128xf32, #tpu.memory_space<vmem_shared>>)
    %mul3A_111 = arith.constant 640 : i32
    %mul3A_112 = arith.muli %arg1, %mul3A_111 : i32
    %dma_wait3A_113 = arith.constant 0 : i32
    %dma_wait3A_114 = tpu.memref_slice %arg12[%mul3A_112, %dma_wait3A_113] : memref<10240x128xf32, #tpu.memory_space<vmem_shared>> -> memref<80x128xf32, #tpu.memory_space<vmem_shared>>
    %dma_wait3A_115 = arith.constant 0 : i32
    %dma_wait3A_116 = tpu.memref_slice %arg12[%mul3A_112, %dma_wait3A_115] : memref<10240x128xf32, #tpu.memory_space<vmem_shared>> -> memref<80x128xf32, #tpu.memory_space<vmem_shared>>
    tpu.wait_dma2 semaphore(%arg13 : memref<!tpu.dma_semaphore, #tpu.memory_space<semaphore_mem>>) src(%arg8 : memref<80x128xf32, #tpu.memory_space<vmem>>) dst(%dma_wait3A_116 : memref<80x128xf32, #tpu.memory_space<vmem_shared>>)
    %barrier3A = arith.constant 0 : index
    tpu.barrier barrier_id(%barrier3A)
    %run_scoped3A = arith.constant 0 : i32
    "tpu.region"() ({
      %run_scoped3A_271 = tpu.sem_alloc : memref<!tpu.dma_semaphore, #tpu.memory_space<semaphore_mem>>
      %dma_start3A_272 = arith.constant 0 : i32
      %dma_start3A_273 = arith.constant 0 : i32
      %dma_start3A_274 = tpu.memref_slice %arg3[%add3A, %run_scoped3A, %dma_start3A_272, %dma_start3A_273] : memref<32x5x25x80xi32, #tpu.memory_space<hbm>> -> memref<1x1x25x80xi32, #tpu.memory_space<hbm>>
      %dma_start3A_275 = tpu.memref_squeeze %dma_start3A_274 : memref<1x1x25x80xi32, #tpu.memory_space<hbm>> -> memref<25x80xi32, #tpu.memory_space<hbm>>
      %dma_start3A_276 = arith.constant 0 : i32
      %dma_start3A_277 = arith.constant 0 : i32
      %dma_start3A_278 = tpu.memref_slice %arg3[%add3A, %run_scoped3A, %dma_start3A_276, %dma_start3A_277] : memref<32x5x25x80xi32, #tpu.memory_space<hbm>> -> memref<1x1x25x80xi32, #tpu.memory_space<hbm>>
      %dma_start3A_279 = tpu.memref_squeeze %dma_start3A_278 : memref<1x1x25x80xi32, #tpu.memory_space<hbm>> -> memref<25x80xi32, #tpu.memory_space<hbm>>
      tpu.enqueue_dma source(%dma_start3A_279 : memref<25x80xi32, #tpu.memory_space<hbm>>) target(%arg6 : memref<25x80xi32, #tpu.memory_space<vmem>>) target_semaphore(%run_scoped3A_271 : memref<!tpu.dma_semaphore, #tpu.memory_space<semaphore_mem>>)
      %dma_wait3A_280 = arith.constant 0 : i32
      %dma_wait3A_281 = arith.constant 0 : i32
      %dma_wait3A_282 = tpu.memref_slice %arg3[%add3A, %run_scoped3A, %dma_wait3A_280, %dma_wait3A_281] : memref<32x5x25x80xi32, #tpu.memory_space<hbm>> -> memref<1x1x25x80xi32, #tpu.memory_space<hbm>>
      %dma_wait3A_283 = tpu.memref_squeeze %dma_wait3A_282 : memref<1x1x25x80xi32, #tpu.memory_space<hbm>> -> memref<25x80xi32, #tpu.memory_space<hbm>>
      %dma_wait3A_284 = arith.constant 0 : i32
      %dma_wait3A_285 = arith.constant 0 : i32
      %dma_wait3A_286 = tpu.memref_slice %arg3[%add3A, %run_scoped3A, %dma_wait3A_284, %dma_wait3A_285] : memref<32x5x25x80xi32, #tpu.memory_space<hbm>> -> memref<1x1x25x80xi32, #tpu.memory_space<hbm>>
      %dma_wait3A_287 = tpu.memref_squeeze %dma_wait3A_286 : memref<1x1x25x80xi32, #tpu.memory_space<hbm>> -> memref<25x80xi32, #tpu.memory_space<hbm>>
      tpu.wait_dma2 semaphore(%run_scoped3A_271 : memref<!tpu.dma_semaphore, #tpu.memory_space<semaphore_mem>>) src(%dma_wait3A_287 : memref<25x80xi32, #tpu.memory_space<hbm>>) dst(%arg6 : memref<25x80xi32, #tpu.memory_space<vmem>>)
      tpu.yield
    }) : () -> ()
    %run_scoped3A_117 = arith.constant 0 : i32
    "tpu.region"() ({
      %run_scoped3A_271 = tpu.sem_alloc : memref<!tpu.dma_semaphore, #tpu.memory_space<semaphore_mem>>
      %dma_start3A_272 = arith.constant 0 : i32
      %dma_start3A_273 = arith.constant 0 : i32
      %dma_start3A_274 = tpu.memref_slice %arg4[%add3A, %run_scoped3A_117, %dma_start3A_272, %dma_start3A_273] : memref<32x5x25x80xi32, #tpu.memory_space<hbm>> -> memref<1x1x25x80xi32, #tpu.memory_space<hbm>>
      %dma_start3A_275 = tpu.memref_squeeze %dma_start3A_274 : memref<1x1x25x80xi32, #tpu.memory_space<hbm>> -> memref<25x80xi32, #tpu.memory_space<hbm>>
      %dma_start3A_276 = arith.constant 0 : i32
      %dma_start3A_277 = arith.constant 0 : i32
      %dma_start3A_278 = tpu.memref_slice %arg4[%add3A, %run_scoped3A_117, %dma_start3A_276, %dma_start3A_277] : memref<32x5x25x80xi32, #tpu.memory_space<hbm>> -> memref<1x1x25x80xi32, #tpu.memory_space<hbm>>
      %dma_start3A_279 = tpu.memref_squeeze %dma_start3A_278 : memref<1x1x25x80xi32, #tpu.memory_space<hbm>> -> memref<25x80xi32, #tpu.memory_space<hbm>>
      tpu.enqueue_dma source(%dma_start3A_279 : memref<25x80xi32, #tpu.memory_space<hbm>>) target(%arg7 : memref<25x80xi32, #tpu.memory_space<vmem>>) target_semaphore(%run_scoped3A_271 : memref<!tpu.dma_semaphore, #tpu.memory_space<semaphore_mem>>)
      %dma_wait3A_280 = arith.constant 0 : i32
      %dma_wait3A_281 = arith.constant 0 : i32
      %dma_wait3A_282 = tpu.memref_slice %arg4[%add3A, %run_scoped3A_117, %dma_wait3A_280, %dma_wait3A_281] : memref<32x5x25x80xi32, #tpu.memory_space<hbm>> -> memref<1x1x25x80xi32, #tpu.memory_space<hbm>>
      %dma_wait3A_283 = tpu.memref_squeeze %dma_wait3A_282 : memref<1x1x25x80xi32, #tpu.memory_space<hbm>> -> memref<25x80xi32, #tpu.memory_space<hbm>>
      %dma_wait3A_284 = arith.constant 0 : i32
      %dma_wait3A_285 = arith.constant 0 : i32
      %dma_wait3A_286 = tpu.memref_slice %arg4[%add3A, %run_scoped3A_117, %dma_wait3A_284, %dma_wait3A_285] : memref<32x5x25x80xi32, #tpu.memory_space<hbm>> -> memref<1x1x25x80xi32, #tpu.memory_space<hbm>>
      %dma_wait3A_287 = tpu.memref_squeeze %dma_wait3A_286 : memref<1x1x25x80xi32, #tpu.memory_space<hbm>> -> memref<25x80xi32, #tpu.memory_space<hbm>>
      tpu.wait_dma2 semaphore(%run_scoped3A_271 : memref<!tpu.dma_semaphore, #tpu.memory_space<semaphore_mem>>) src(%dma_wait3A_287 : memref<25x80xi32, #tpu.memory_space<hbm>>) dst(%arg7 : memref<25x80xi32, #tpu.memory_space<vmem>>)
      tpu.yield
    }) : () -> ()
    %dma_start3A_118 = arith.constant 0 : i32
    %dma_start3A_119 = arith.constant 0 : i32
    %dma_start3A_120 = tpu.memref_slice %arg6[%dma_start3A_118, %dma_start3A_119] : memref<25x80xi32, #tpu.memory_space<vmem>> -> memref<1x80xi32, #tpu.memory_space<vmem>>
    %dma_start3A_121 = tpu.memref_squeeze %dma_start3A_120 : memref<1x80xi32, #tpu.memory_space<vmem>> -> memref<80xi32, #tpu.memory_space<vmem>>
    %dma_start3A_122 = arith.constant 0 : i32
    %dma_start3A_123 = arith.constant 0 : i32
    %dma_start3A_124 = tpu.memref_slice %arg2[%dma_start3A_122, %dma_start3A_123] : memref<10000x128xf32, #tpu.memory_space<hbm>> -> memref<10000x128xf32, #tpu.memory_space<hbm>>
    tpu.enqueue_indirect_dma source(%dma_start3A_124 : memref<10000x128xf32, #tpu.memory_space<hbm>>) target(%arg8 : memref<80x128xf32, #tpu.memory_space<vmem>>) offsets(%dma_start3A_121 : memref<80xi32, #tpu.memory_space<vmem>>) semaphore(%arg13 : memref<!tpu.dma_semaphore, #tpu.memory_space<semaphore_mem>>)
    %dma_start3A_125 = arith.constant 1 : i32
    %dma_start3A_126 = arith.constant 0 : i32
    %dma_start3A_127 = tpu.memref_slice %arg6[%dma_start3A_125, %dma_start3A_126] : memref<25x80xi32, #tpu.memory_space<vmem>> -> memref<1x80xi32, #tpu.memory_space<vmem>>
    %dma_start3A_128 = tpu.memref_squeeze %dma_start3A_127 : memref<1x80xi32, #tpu.memory_space<vmem>> -> memref<80xi32, #tpu.memory_space<vmem>>
    %dma_start3A_129 = arith.constant 0 : i32
    %dma_start3A_130 = arith.constant 0 : i32
    %dma_start3A_131 = tpu.memref_slice %arg2[%dma_start3A_129, %dma_start3A_130] : memref<10000x128xf32, #tpu.memory_space<hbm>> -> memref<10000x128xf32, #tpu.memory_space<hbm>>
    tpu.enqueue_indirect_dma source(%dma_start3A_131 : memref<10000x128xf32, #tpu.memory_space<hbm>>) target(%arg9 : memref<80x128xf32, #tpu.memory_space<vmem>>) offsets(%dma_start3A_128 : memref<80xi32, #tpu.memory_space<vmem>>) semaphore(%arg14 : memref<!tpu.dma_semaphore, #tpu.memory_space<semaphore_mem>>)
    %dma_start3A_132 = arith.constant 2 : i32
    %dma_start3A_133 = arith.constant 0 : i32
    %dma_start3A_134 = tpu.memref_slice %arg6[%dma_start3A_132, %dma_start3A_133] : memref<25x80xi32, #tpu.memory_space<vmem>> -> memref<1x80xi32, #tpu.memory_space<vmem>>
    %dma_start3A_135 = tpu.memref_squeeze %dma_start3A_134 : memref<1x80xi32, #tpu.memory_space<vmem>> -> memref<80xi32, #tpu.memory_space<vmem>>
    %dma_start3A_136 = arith.constant 0 : i32
    %dma_start3A_137 = arith.constant 0 : i32
    %dma_start3A_138 = tpu.memref_slice %arg2[%dma_start3A_136, %dma_start3A_137] : memref<10000x128xf32, #tpu.memory_space<hbm>> -> memref<10000x128xf32, #tpu.memory_space<hbm>>
    tpu.enqueue_indirect_dma source(%dma_start3A_138 : memref<10000x128xf32, #tpu.memory_space<hbm>>) target(%arg10 : memref<80x128xf32, #tpu.memory_space<vmem>>) offsets(%dma_start3A_135 : memref<80xi32, #tpu.memory_space<vmem>>) semaphore(%arg15 : memref<!tpu.dma_semaphore, #tpu.memory_space<semaphore_mem>>)
    %scan3A_139 = arith.constant 0 : i32
    %scan3A_140 = arith.constant 0 : i32
    %scan3A_141 = arith.constant 25 : i32
    %scan3A_142 = arith.addi %scan3A_140, %scan3A_141 : i32
    %scan3A_143 = arith.constant 1 : i32
    %scan3A_144 = scf.for %scan3A_271 = %scan3A_140 to %scan3A_142 step %scan3A_143 iter_args(%scan3A_272 = %scan3A_139) -> (i32)  : i32 {
      %jit3A = arith.constant 4 : i32
      %eq3A = arith.constant 0 : i32
      %eq3A_273 = arith.cmpi eq, %jit3A, %eq3A : i32
      %jit3A_274 = arith.constant 1 : i32
      %select_n3A = arith.select %eq3A_273, %jit3A_274, %jit3A : i32
      %rem3A = arith.remsi %scan3A_271, %select_n3A : i32
      %ne3A = arith.constant 0 : i32
      %ne3A_275 = arith.cmpi ne, %rem3A, %ne3A : i32
      %lt3A = arith.constant 0 : i32
      %lt3A_276 = arith.cmpi slt, %rem3A, %lt3A : i32
      %lt3A_277 = arith.constant 0 : i32
      %lt3A_278 = arith.cmpi slt, %select_n3A, %lt3A_277 : i32
      %ne3A_279 = arith.xori %lt3A_276, %lt3A_278 : i1
      %and3A = arith.andi %ne3A_279, %ne3A_275 : i1
      %add3A_280 = arith.addi %rem3A, %select_n3A : i32
      %select_n3A_281 = arith.select %and3A, %add3A_280, %rem3A : i32
      %eq3A_282 = arith.constant 0 : i32
      %eq3A_283 = arith.cmpi eq, %select_n3A_281, %eq3A_282 : i32
      %convert_element_type3A = arith.extui %eq3A_283 : i1 to i32
      %cond3A = arith.constant 0 : i32
      %cond3A_284 = arith.cmpi ne, %convert_element_type3A, %cond3A : i32
      scf.if %cond3A_284 {
        %dma_wait3A_349 = arith.constant 0 : i32
        %dma_wait3A_350 = tpu.memref_slice %arg6[%scan3A_271, %dma_wait3A_349] : memref<25x80xi32, #tpu.memory_space<vmem>> -> memref<1x80xi32, #tpu.memory_space<vmem>>
        %dma_wait3A_351 = tpu.memref_squeeze %dma_wait3A_350 : memref<1x80xi32, #tpu.memory_space<vmem>> -> memref<80xi32, #tpu.memory_space<vmem>>
        %dma_wait3A_352 = arith.constant 0 : i32
        %dma_wait3A_353 = arith.constant 0 : i32
        %dma_wait3A_354 = tpu.memref_slice %arg2[%dma_wait3A_352, %dma_wait3A_353] : memref<10000x128xf32, #tpu.memory_space<hbm>> -> memref<10000x128xf32, #tpu.memory_space<hbm>>
        tpu.wait_indirect_dma semaphore(%arg13 : memref<!tpu.dma_semaphore, #tpu.memory_space<semaphore_mem>>) src(%dma_wait3A_354 : memref<10000x128xf32, #tpu.memory_space<hbm>>) dst(%arg8 : memref<80x128xf32, #tpu.memory_space<vmem>>)
        %add3A_355 = arith.constant 4 : i32
        %add3A_356 = arith.addi %scan3A_271, %add3A_355 : i32
        %sub3A = arith.constant 1 : i32
        %sub3A_357 = arith.subi %add3A_356, %sub3A : i32
        %lt3A_358 = arith.constant 25 : i32
        %lt3A_359 = arith.cmpi slt, %sub3A_357, %lt3A_358 : i32
        %convert_element_type3A_360 = arith.extui %lt3A_359 : i1 to i32
        %cond3A_361 = arith.constant 0 : i32
        %cond3A_362 = arith.cmpi ne, %convert_element_type3A_360, %cond3A_361 : i32
        scf.if %cond3A_362 {
          %add3A_363 = arith.constant 4 : i32
          %add3A_364 = arith.addi %scan3A_271, %add3A_363 : i32
          %sub3A_365 = arith.constant 1 : i32
          %sub3A_366 = arith.subi %add3A_364, %sub3A_365 : i32
          %dma_start3A_367 = arith.constant 0 : i32
          %dma_start3A_368 = tpu.memref_slice %arg6[%sub3A_366, %dma_start3A_367] : memref<25x80xi32, #tpu.memory_space<vmem>> -> memref<1x80xi32, #tpu.memory_space<vmem>>
          %dma_start3A_369 = tpu.memref_squeeze %dma_start3A_368 : memref<1x80xi32, #tpu.memory_space<vmem>> -> memref<80xi32, #tpu.memory_space<vmem>>
          %dma_start3A_370 = arith.constant 0 : i32
          %dma_start3A_371 = arith.constant 0 : i32
          %dma_start3A_372 = tpu.memref_slice %arg2[%dma_start3A_370, %dma_start3A_371] : memref<10000x128xf32, #tpu.memory_space<hbm>> -> memref<10000x128xf32, #tpu.memory_space<hbm>>
          tpu.enqueue_indirect_dma source(%dma_start3A_372 : memref<10000x128xf32, #tpu.memory_space<hbm>>) target(%arg11 : memref<80x128xf32, #tpu.memory_space<vmem>>) offsets(%dma_start3A_369 : memref<80xi32, #tpu.memory_space<vmem>>) semaphore(%arg16 : memref<!tpu.dma_semaphore, #tpu.memory_space<semaphore_mem>>)
        } else {
        }
        "tpu.region"() ({
          %run_scoped3A_363 = tpu.sem_alloc : memref<!tpu.dma_semaphore, #tpu.memory_space<semaphore_mem>>
          %dma_start3A_364 = arith.constant 0 : i32
          %dma_start3A_365 = tpu.memref_slice %arg7[%scan3A_271, %dma_start3A_364] : memref<25x80xi32, #tpu.memory_space<vmem>> -> memref<1x80xi32, #tpu.memory_space<vmem>>
          %dma_start3A_366 = tpu.memref_squeeze %dma_start3A_365 : memref<1x80xi32, #tpu.memory_space<vmem>> -> memref<80xi32, #tpu.memory_space<vmem>>
          %dma_start3A_367 = arith.constant 0 : i32
          %dma_start3A_368 = arith.constant 0 : i32
          %dma_start3A_369 = tpu.memref_slice %arg12[%dma_start3A_367, %dma_start3A_368] : memref<10240x128xf32, #tpu.memory_space<vmem_shared>> -> memref<10240x128xf32, #tpu.memory_space<vmem_shared>>
          tpu.enqueue_indirect_dma source(%arg8 : memref<80x128xf32, #tpu.memory_space<vmem>>) target(%dma_start3A_369 : memref<10240x128xf32, #tpu.memory_space<vmem_shared>>) offsets(%dma_start3A_366 : memref<80xi32, #tpu.memory_space<vmem>>) semaphore(%run_scoped3A_363 : memref<!tpu.dma_semaphore, #tpu.memory_space<semaphore_mem>>) {add = true}
          %dma_wait3A_370 = arith.constant 0 : i32
          %dma_wait3A_371 = tpu.memref_slice %arg7[%scan3A_271, %dma_wait3A_370] : memref<25x80xi32, #tpu.memory_space<vmem>> -> memref<1x80xi32, #tpu.memory_space<vmem>>
          %dma_wait3A_372 = tpu.memref_squeeze %dma_wait3A_371 : memref<1x80xi32, #tpu.memory_space<vmem>> -> memref<80xi32, #tpu.memory_space<vmem>>
          %dma_wait3A_373 = arith.constant 0 : i32
          %dma_wait3A_374 = arith.constant 0 : i32
          %dma_wait3A_375 = tpu.memref_slice %arg12[%dma_wait3A_373, %dma_wait3A_374] : memref<10240x128xf32, #tpu.memory_space<vmem_shared>> -> memref<10240x128xf32, #tpu.memory_space<vmem_shared>>
          tpu.wait_indirect_dma semaphore(%run_scoped3A_363 : memref<!tpu.dma_semaphore, #tpu.memory_space<semaphore_mem>>) src(%arg8 : memref<80x128xf32, #tpu.memory_space<vmem>>) dst(%dma_wait3A_375 : memref<10240x128xf32, #tpu.memory_space<vmem_shared>>)
          tpu.yield
        }) : () -> ()
      } else {
      }
      %jit3A_285 = arith.constant 4 : i32
      %eq3A_286 = arith.constant 0 : i32
      %eq3A_287 = arith.cmpi eq, %jit3A_285, %eq3A_286 : i32
      %jit3A_288 = arith.constant 1 : i32
      %select_n3A_289 = arith.select %eq3A_287, %jit3A_288, %jit3A_285 : i32
      %rem3A_290 = arith.remsi %scan3A_271, %select_n3A_289 : i32
      %ne3A_291 = arith.constant 0 : i32
      %ne3A_292 = arith.cmpi ne, %rem3A_290, %ne3A_291 : i32
      %lt3A_293 = arith.constant 0 : i32
      %lt3A_294 = arith.cmpi slt, %rem3A_290, %lt3A_293 : i32
      %lt3A_295 = arith.constant 0 : i32
      %lt3A_296 = arith.cmpi slt, %select_n3A_289, %lt3A_295 : i32
      %ne3A_297 = arith.xori %lt3A_294, %lt3A_296 : i1
      %and3A_298 = arith.andi %ne3A_297, %ne3A_292 : i1
      %add3A_299 = arith.addi %rem3A_290, %select_n3A_289 : i32
      %select_n3A_300 = arith.select %and3A_298, %add3A_299, %rem3A_290 : i32
      %eq3A_301 = arith.constant 1 : i32
      %eq3A_302 = arith.cmpi eq, %select_n3A_300, %eq3A_301 : i32
      %convert_element_type3A_303 = arith.extui %eq3A_302 : i1 to i32
      %cond3A_304 = arith.constant 0 : i32
      %cond3A_305 = arith.cmpi ne, %convert_element_type3A_303, %cond3A_304 : i32
      scf.if %cond3A_305 {
        %dma_wait3A_349 = arith.constant 0 : i32
        %dma_wait3A_350 = tpu.memref_slice %arg6[%scan3A_271, %dma_wait3A_349] : memref<25x80xi32, #tpu.memory_space<vmem>> -> memref<1x80xi32, #tpu.memory_space<vmem>>
        %dma_wait3A_351 = tpu.memref_squeeze %dma_wait3A_350 : memref<1x80xi32, #tpu.memory_space<vmem>> -> memref<80xi32, #tpu.memory_space<vmem>>
        %dma_wait3A_352 = arith.constant 0 : i32
        %dma_wait3A_353 = arith.constant 0 : i32
        %dma_wait3A_354 = tpu.memref_slice %arg2[%dma_wait3A_352, %dma_wait3A_353] : memref<10000x128xf32, #tpu.memory_space<hbm>> -> memref<10000x128xf32, #tpu.memory_space<hbm>>
        tpu.wait_indirect_dma semaphore(%arg14 : memref<!tpu.dma_semaphore, #tpu.memory_space<semaphore_mem>>) src(%dma_wait3A_354 : memref<10000x128xf32, #tpu.memory_space<hbm>>) dst(%arg9 : memref<80x128xf32, #tpu.memory_space<vmem>>)
        %add3A_355 = arith.constant 4 : i32
        %add3A_356 = arith.addi %scan3A_271, %add3A_355 : i32
        %sub3A = arith.constant 1 : i32
        %sub3A_357 = arith.subi %add3A_356, %sub3A : i32
        %lt3A_358 = arith.constant 25 : i32
        %lt3A_359 = arith.cmpi slt, %sub3A_357, %lt3A_358 : i32
        %convert_element_type3A_360 = arith.extui %lt3A_359 : i1 to i32
        %cond3A_361 = arith.constant 0 : i32
        %cond3A_362 = arith.cmpi ne, %convert_element_type3A_360, %cond3A_361 : i32
        scf.if %cond3A_362 {
          %add3A_363 = arith.constant 4 : i32
          %add3A_364 = arith.addi %scan3A_271, %add3A_363 : i32
          %sub3A_365 = arith.constant 1 : i32
          %sub3A_366 = arith.subi %add3A_364, %sub3A_365 : i32
          %dma_start3A_367 = arith.constant 0 : i32
          %dma_start3A_368 = tpu.memref_slice %arg6[%sub3A_366, %dma_start3A_367] : memref<25x80xi32, #tpu.memory_space<vmem>> -> memref<1x80xi32, #tpu.memory_space<vmem>>
          %dma_start3A_369 = tpu.memref_squeeze %dma_start3A_368 : memref<1x80xi32, #tpu.memory_space<vmem>> -> memref<80xi32, #tpu.memory_space<vmem>>
          %dma_start3A_370 = arith.constant 0 : i32
          %dma_start3A_371 = arith.constant 0 : i32
          %dma_start3A_372 = tpu.memref_slice %arg2[%dma_start3A_370, %dma_start3A_371] : memref<10000x128xf32, #tpu.memory_space<hbm>> -> memref<10000x128xf32, #tpu.memory_space<hbm>>
          tpu.enqueue_indirect_dma source(%dma_start3A_372 : memref<10000x128xf32, #tpu.memory_space<hbm>>) target(%arg8 : memref<80x128xf32, #tpu.memory_space<vmem>>) offsets(%dma_start3A_369 : memref<80xi32, #tpu.memory_space<vmem>>) semaphore(%arg13 : memref<!tpu.dma_semaphore, #tpu.memory_space<semaphore_mem>>)
        } else {
        }
        "tpu.region"() ({
          %run_scoped3A_363 = tpu.sem_alloc : memref<!tpu.dma_semaphore, #tpu.memory_space<semaphore_mem>>
          %dma_start3A_364 = arith.constant 0 : i32
          %dma_start3A_365 = tpu.memref_slice %arg7[%scan3A_271, %dma_start3A_364] : memref<25x80xi32, #tpu.memory_space<vmem>> -> memref<1x80xi32, #tpu.memory_space<vmem>>
          %dma_start3A_366 = tpu.memref_squeeze %dma_start3A_365 : memref<1x80xi32, #tpu.memory_space<vmem>> -> memref<80xi32, #tpu.memory_space<vmem>>
          %dma_start3A_367 = arith.constant 0 : i32
          %dma_start3A_368 = arith.constant 0 : i32
          %dma_start3A_369 = tpu.memref_slice %arg12[%dma_start3A_367, %dma_start3A_368] : memref<10240x128xf32, #tpu.memory_space<vmem_shared>> -> memref<10240x128xf32, #tpu.memory_space<vmem_shared>>
          tpu.enqueue_indirect_dma source(%arg9 : memref<80x128xf32, #tpu.memory_space<vmem>>) target(%dma_start3A_369 : memref<10240x128xf32, #tpu.memory_space<vmem_shared>>) offsets(%dma_start3A_366 : memref<80xi32, #tpu.memory_space<vmem>>) semaphore(%run_scoped3A_363 : memref<!tpu.dma_semaphore, #tpu.memory_space<semaphore_mem>>) {add = true}
          %dma_wait3A_370 = arith.constant 0 : i32
          %dma_wait3A_371 = tpu.memref_slice %arg7[%scan3A_271, %dma_wait3A_370] : memref<25x80xi32, #tpu.memory_space<vmem>> -> memref<1x80xi32, #tpu.memory_space<vmem>>
          %dma_wait3A_372 = tpu.memref_squeeze %dma_wait3A_371 : memref<1x80xi32, #tpu.memory_space<vmem>> -> memref<80xi32, #tpu.memory_space<vmem>>
          %dma_wait3A_373 = arith.constant 0 : i32
          %dma_wait3A_374 = arith.constant 0 : i32
          %dma_wait3A_375 = tpu.memref_slice %arg12[%dma_wait3A_373, %dma_wait3A_374] : memref<10240x128xf32, #tpu.memory_space<vmem_shared>> -> memref<10240x128xf32, #tpu.memory_space<vmem_shared>>
          tpu.wait_indirect_dma semaphore(%run_scoped3A_363 : memref<!tpu.dma_semaphore, #tpu.memory_space<semaphore_mem>>) src(%arg9 : memref<80x128xf32, #tpu.memory_space<vmem>>) dst(%dma_wait3A_375 : memref<10240x128xf32, #tpu.memory_space<vmem_shared>>)
          tpu.yield
        }) : () -> ()
      } else {
      }
      %jit3A_306 = arith.constant 4 : i32
      %eq3A_307 = arith.constant 0 : i32
      %eq3A_308 = arith.cmpi eq, %jit3A_306, %eq3A_307 : i32
      %jit3A_309 = arith.constant 1 : i32
      %select_n3A_310 = arith.select %eq3A_308, %jit3A_309, %jit3A_306 : i32
      %rem3A_311 = arith.remsi %scan3A_271, %select_n3A_310 : i32
      %ne3A_312 = arith.constant 0 : i32
      %ne3A_313 = arith.cmpi ne, %rem3A_311, %ne3A_312 : i32
      %lt3A_314 = arith.constant 0 : i32
      %lt3A_315 = arith.cmpi slt, %rem3A_311, %lt3A_314 : i32
      %lt3A_316 = arith.constant 0 : i32
      %lt3A_317 = arith.cmpi slt, %select_n3A_310, %lt3A_316 : i32
      %ne3A_318 = arith.xori %lt3A_315, %lt3A_317 : i1
      %and3A_319 = arith.andi %ne3A_318, %ne3A_313 : i1
      %add3A_320 = arith.addi %rem3A_311, %select_n3A_310 : i32
      %select_n3A_321 = arith.select %and3A_319, %add3A_320, %rem3A_311 : i32
      %eq3A_322 = arith.constant 2 : i32
      %eq3A_323 = arith.cmpi eq, %select_n3A_321, %eq3A_322 : i32
      %convert_element_type3A_324 = arith.extui %eq3A_323 : i1 to i32
      %cond3A_325 = arith.constant 0 : i32
      %cond3A_326 = arith.cmpi ne, %convert_element_type3A_324, %cond3A_325 : i32
      scf.if %cond3A_326 {
        %dma_wait3A_349 = arith.constant 0 : i32
        %dma_wait3A_350 = tpu.memref_slice %arg6[%scan3A_271, %dma_wait3A_349] : memref<25x80xi32, #tpu.memory_space<vmem>> -> memref<1x80xi32, #tpu.memory_space<vmem>>
        %dma_wait3A_351 = tpu.memref_squeeze %dma_wait3A_350 : memref<1x80xi32, #tpu.memory_space<vmem>> -> memref<80xi32, #tpu.memory_space<vmem>>
        %dma_wait3A_352 = arith.constant 0 : i32
        %dma_wait3A_353 = arith.constant 0 : i32
        %dma_wait3A_354 = tpu.memref_slice %arg2[%dma_wait3A_352, %dma_wait3A_353] : memref<10000x128xf32, #tpu.memory_space<hbm>> -> memref<10000x128xf32, #tpu.memory_space<hbm>>
        tpu.wait_indirect_dma semaphore(%arg15 : memref<!tpu.dma_semaphore, #tpu.memory_space<semaphore_mem>>) src(%dma_wait3A_354 : memref<10000x128xf32, #tpu.memory_space<hbm>>) dst(%arg10 : memref<80x128xf32, #tpu.memory_space<vmem>>)
        %add3A_355 = arith.constant 4 : i32
        %add3A_356 = arith.addi %scan3A_271, %add3A_355 : i32
        %sub3A = arith.constant 1 : i32
        %sub3A_357 = arith.subi %add3A_356, %sub3A : i32
        %lt3A_358 = arith.constant 25 : i32
        %lt3A_359 = arith.cmpi slt, %sub3A_357, %lt3A_358 : i32
        %convert_element_type3A_360 = arith.extui %lt3A_359 : i1 to i32
        %cond3A_361 = arith.constant 0 : i32
        %cond3A_362 = arith.cmpi ne, %convert_element_type3A_360, %cond3A_361 : i32
        scf.if %cond3A_362 {
          %add3A_363 = arith.constant 4 : i32
          %add3A_364 = arith.addi %scan3A_271, %add3A_363 : i32
          %sub3A_365 = arith.constant 1 : i32
          %sub3A_366 = arith.subi %add3A_364, %sub3A_365 : i32
          %dma_start3A_367 = arith.constant 0 : i32
          %dma_start3A_368 = tpu.memref_slice %arg6[%sub3A_366, %dma_start3A_367] : memref<25x80xi32, #tpu.memory_space<vmem>> -> memref<1x80xi32, #tpu.memory_space<vmem>>
          %dma_start3A_369 = tpu.memref_squeeze %dma_start3A_368 : memref<1x80xi32, #tpu.memory_space<vmem>> -> memref<80xi32, #tpu.memory_space<vmem>>
          %dma_start3A_370 = arith.constant 0 : i32
          %dma_start3A_371 = arith.constant 0 : i32
          %dma_start3A_372 = tpu.memref_slice %arg2[%dma_start3A_370, %dma_start3A_371] : memref<10000x128xf32, #tpu.memory_space<hbm>> -> memref<10000x128xf32, #tpu.memory_space<hbm>>
          tpu.enqueue_indirect_dma source(%dma_start3A_372 : memref<10000x128xf32, #tpu.memory_space<hbm>>) target(%arg9 : memref<80x128xf32, #tpu.memory_space<vmem>>) offsets(%dma_start3A_369 : memref<80xi32, #tpu.memory_space<vmem>>) semaphore(%arg14 : memref<!tpu.dma_semaphore, #tpu.memory_space<semaphore_mem>>)
        } else {
        }
        "tpu.region"() ({
          %run_scoped3A_363 = tpu.sem_alloc : memref<!tpu.dma_semaphore, #tpu.memory_space<semaphore_mem>>
          %dma_start3A_364 = arith.constant 0 : i32
          %dma_start3A_365 = tpu.memref_slice %arg7[%scan3A_271, %dma_start3A_364] : memref<25x80xi32, #tpu.memory_space<vmem>> -> memref<1x80xi32, #tpu.memory_space<vmem>>
          %dma_start3A_366 = tpu.memref_squeeze %dma_start3A_365 : memref<1x80xi32, #tpu.memory_space<vmem>> -> memref<80xi32, #tpu.memory_space<vmem>>
          %dma_start3A_367 = arith.constant 0 : i32
          %dma_start3A_368 = arith.constant 0 : i32
          %dma_start3A_369 = tpu.memref_slice %arg12[%dma_start3A_367, %dma_start3A_368] : memref<10240x128xf32, #tpu.memory_space<vmem_shared>> -> memref<10240x128xf32, #tpu.memory_space<vmem_shared>>
          tpu.enqueue_indirect_dma source(%arg10 : memref<80x128xf32, #tpu.memory_space<vmem>>) target(%dma_start3A_369 : memref<10240x128xf32, #tpu.memory_space<vmem_shared>>) offsets(%dma_start3A_366 : memref<80xi32, #tpu.memory_space<vmem>>) semaphore(%run_scoped3A_363 : memref<!tpu.dma_semaphore, #tpu.memory_space<semaphore_mem>>) {add = true}
          %dma_wait3A_370 = arith.constant 0 : i32
          %dma_wait3A_371 = tpu.memref_slice %arg7[%scan3A_271, %dma_wait3A_370] : memref<25x80xi32, #tpu.memory_space<vmem>> -> memref<1x80xi32, #tpu.memory_space<vmem>>
          %dma_wait3A_372 = tpu.memref_squeeze %dma_wait3A_371 : memref<1x80xi32, #tpu.memory_space<vmem>> -> memref<80xi32, #tpu.memory_space<vmem>>
          %dma_wait3A_373 = arith.constant 0 : i32
          %dma_wait3A_374 = arith.constant 0 : i32
          %dma_wait3A_375 = tpu.memref_slice %arg12[%dma_wait3A_373, %dma_wait3A_374] : memref<10240x128xf32, #tpu.memory_space<vmem_shared>> -> memref<10240x128xf32, #tpu.memory_space<vmem_shared>>
          tpu.wait_indirect_dma semaphore(%run_scoped3A_363 : memref<!tpu.dma_semaphore, #tpu.memory_space<semaphore_mem>>) src(%arg10 : memref<80x128xf32, #tpu.memory_space<vmem>>) dst(%dma_wait3A_375 : memref<10240x128xf32, #tpu.memory_space<vmem_shared>>)
          tpu.yield
        }) : () -> ()
      } else {
      }
      %jit3A_327 = arith.constant 4 : i32
      %eq3A_328 = arith.constant 0 : i32
      %eq3A_329 = arith.cmpi eq, %jit3A_327, %eq3A_328 : i32
      %jit3A_330 = arith.constant 1 : i32
      %select_n3A_331 = arith.select %eq3A_329, %jit3A_330, %jit3A_327 : i32
      %rem3A_332 = arith.remsi %scan3A_271, %select_n3A_331 : i32
      %ne3A_333 = arith.constant 0 : i32
      %ne3A_334 = arith.cmpi ne, %rem3A_332, %ne3A_333 : i32
      %lt3A_335 = arith.constant 0 : i32
      %lt3A_336 = arith.cmpi slt, %rem3A_332, %lt3A_335 : i32
      %lt3A_337 = arith.constant 0 : i32
      %lt3A_338 = arith.cmpi slt, %select_n3A_331, %lt3A_337 : i32
      %ne3A_339 = arith.xori %lt3A_336, %lt3A_338 : i1
      %and3A_340 = arith.andi %ne3A_339, %ne3A_334 : i1
      %add3A_341 = arith.addi %rem3A_332, %select_n3A_331 : i32
      %select_n3A_342 = arith.select %and3A_340, %add3A_341, %rem3A_332 : i32
      %eq3A_343 = arith.constant 3 : i32
      %eq3A_344 = arith.cmpi eq, %select_n3A_342, %eq3A_343 : i32
      %convert_element_type3A_345 = arith.extui %eq3A_344 : i1 to i32
      %cond3A_346 = arith.constant 0 : i32
      %cond3A_347 = arith.cmpi ne, %convert_element_type3A_345, %cond3A_346 : i32
      scf.if %cond3A_347 {
        %dma_wait3A_349 = arith.constant 0 : i32
        %dma_wait3A_350 = tpu.memref_slice %arg6[%scan3A_271, %dma_wait3A_349] : memref<25x80xi32, #tpu.memory_space<vmem>> -> memref<1x80xi32, #tpu.memory_space<vmem>>
        %dma_wait3A_351 = tpu.memref_squeeze %dma_wait3A_350 : memref<1x80xi32, #tpu.memory_space<vmem>> -> memref<80xi32, #tpu.memory_space<vmem>>
        %dma_wait3A_352 = arith.constant 0 : i32
        %dma_wait3A_353 = arith.constant 0 : i32
        %dma_wait3A_354 = tpu.memref_slice %arg2[%dma_wait3A_352, %dma_wait3A_353] : memref<10000x128xf32, #tpu.memory_space<hbm>> -> memref<10000x128xf32, #tpu.memory_space<hbm>>
        tpu.wait_indirect_dma semaphore(%arg16 : memref<!tpu.dma_semaphore, #tpu.memory_space<semaphore_mem>>) src(%dma_wait3A_354 : memref<10000x128xf32, #tpu.memory_space<hbm>>) dst(%arg11 : memref<80x128xf32, #tpu.memory_space<vmem>>)
        %add3A_355 = arith.constant 4 : i32
        %add3A_356 = arith.addi %scan3A_271, %add3A_355 : i32
        %sub3A = arith.constant 1 : i32
        %sub3A_357 = arith.subi %add3A_356, %sub3A : i32
        %lt3A_358 = arith.constant 25 : i32
        %lt3A_359 = arith.cmpi slt, %sub3A_357, %lt3A_358 : i32
        %convert_element_type3A_360 = arith.extui %lt3A_359 : i1 to i32
        %cond3A_361 = arith.constant 0 : i32
        %cond3A_362 = arith.cmpi ne, %convert_element_type3A_360, %cond3A_361 : i32
        scf.if %cond3A_362 {
          %add3A_363 = arith.constant 4 : i32
          %add3A_364 = arith.addi %scan3A_271, %add3A_363 : i32
          %sub3A_365 = arith.constant 1 : i32
          %sub3A_366 = arith.subi %add3A_364, %sub3A_365 : i32
          %dma_start3A_367 = arith.constant 0 : i32
          %dma_start3A_368 = tpu.memref_slice %arg6[%sub3A_366, %dma_start3A_367] : memref<25x80xi32, #tpu.memory_space<vmem>> -> memref<1x80xi32, #tpu.memory_space<vmem>>
          %dma_start3A_369 = tpu.memref_squeeze %dma_start3A_368 : memref<1x80xi32, #tpu.memory_space<vmem>> -> memref<80xi32, #tpu.memory_space<vmem>>
          %dma_start3A_370 = arith.constant 0 : i32
          %dma_start3A_371 = arith.constant 0 : i32
          %dma_start3A_372 = tpu.memref_slice %arg2[%dma_start3A_370, %dma_start3A_371] : memref<10000x128xf32, #tpu.memory_space<hbm>> -> memref<10000x128xf32, #tpu.memory_space<hbm>>
          tpu.enqueue_indirect_dma source(%dma_start3A_372 : memref<10000x128xf32, #tpu.memory_space<hbm>>) target(%arg10 : memref<80x128xf32, #tpu.memory_space<vmem>>) offsets(%dma_start3A_369 : memref<80xi32, #tpu.memory_space<vmem>>) semaphore(%arg15 : memref<!tpu.dma_semaphore, #tpu.memory_space<semaphore_mem>>)
        } else {
        }
        "tpu.region"() ({
          %run_scoped3A_363 = tpu.sem_alloc : memref<!tpu.dma_semaphore, #tpu.memory_space<semaphore_mem>>
          %dma_start3A_364 = arith.constant 0 : i32
          %dma_start3A_365 = tpu.memref_slice %arg7[%scan3A_271, %dma_start3A_364] : memref<25x80xi32, #tpu.memory_space<vmem>> -> memref<1x80xi32, #tpu.memory_space<vmem>>
          %dma_start3A_366 = tpu.memref_squeeze %dma_start3A_365 : memref<1x80xi32, #tpu.memory_space<vmem>> -> memref<80xi32, #tpu.memory_space<vmem>>
          %dma_start3A_367 = arith.constant 0 : i32
          %dma_start3A_368 = arith.constant 0 : i32
          %dma_start3A_369 = tpu.memref_slice %arg12[%dma_start3A_367, %dma_start3A_368] : memref<10240x128xf32, #tpu.memory_space<vmem_shared>> -> memref<10240x128xf32, #tpu.memory_space<vmem_shared>>
          tpu.enqueue_indirect_dma source(%arg11 : memref<80x128xf32, #tpu.memory_space<vmem>>) target(%dma_start3A_369 : memref<10240x128xf32, #tpu.memory_space<vmem_shared>>) offsets(%dma_start3A_366 : memref<80xi32, #tpu.memory_space<vmem>>) semaphore(%run_scoped3A_363 : memref<!tpu.dma_semaphore, #tpu.memory_space<semaphore_mem>>) {add = true}
          %dma_wait3A_370 = arith.constant 0 : i32
          %dma_wait3A_371 = tpu.memref_slice %arg7[%scan3A_271, %dma_wait3A_370] : memref<25x80xi32, #tpu.memory_space<vmem>> -> memref<1x80xi32, #tpu.memory_space<vmem>>
          %dma_wait3A_372 = tpu.memref_squeeze %dma_wait3A_371 : memref<1x80xi32, #tpu.memory_space<vmem>> -> memref<80xi32, #tpu.memory_space<vmem>>
          %dma_wait3A_373 = arith.constant 0 : i32
          %dma_wait3A_374 = arith.constant 0 : i32
          %dma_wait3A_375 = tpu.memref_slice %arg12[%dma_wait3A_373, %dma_wait3A_374] : memref<10240x128xf32, #tpu.memory_space<vmem_shared>> -> memref<10240x128xf32, #tpu.memory_space<vmem_shared>>
          tpu.wait_indirect_dma semaphore(%run_scoped3A_363 : memref<!tpu.dma_semaphore, #tpu.memory_space<semaphore_mem>>) src(%arg11 : memref<80x128xf32, #tpu.memory_space<vmem>>) dst(%dma_wait3A_375 : memref<10240x128xf32, #tpu.memory_space<vmem_shared>>)
          tpu.yield
        }) : () -> ()
      } else {
      }
      %scan3A_348 = arith.constant 0 : i32
      scf.yield %scan3A_348 : i32
    }
    %scan3A_145 = arith.constant 25 : i32
    %run_scoped3A_146 = arith.constant 1 : i32
    "tpu.region"() ({
      %run_scoped3A_271 = tpu.sem_alloc : memref<!tpu.dma_semaphore, #tpu.memory_space<semaphore_mem>>
      %dma_start3A_272 = arith.constant 0 : i32
      %dma_start3A_273 = arith.constant 0 : i32
      %dma_start3A_274 = tpu.memref_slice %arg3[%add3A, %run_scoped3A_146, %dma_start3A_272, %dma_start3A_273] : memref<32x5x25x80xi32, #tpu.memory_space<hbm>> -> memref<1x1x25x80xi32, #tpu.memory_space<hbm>>
      %dma_start3A_275 = tpu.memref_squeeze %dma_start3A_274 : memref<1x1x25x80xi32, #tpu.memory_space<hbm>> -> memref<25x80xi32, #tpu.memory_space<hbm>>
      %dma_start3A_276 = arith.constant 0 : i32
      %dma_start3A_277 = arith.constant 0 : i32
      %dma_start3A_278 = tpu.memref_slice %arg3[%add3A, %run_scoped3A_146, %dma_start3A_276, %dma_start3A_277] : memref<32x5x25x80xi32, #tpu.memory_space<hbm>> -> memref<1x1x25x80xi32, #tpu.memory_space<hbm>>
      %dma_start3A_279 = tpu.memref_squeeze %dma_start3A_278 : memref<1x1x25x80xi32, #tpu.memory_space<hbm>> -> memref<25x80xi32, #tpu.memory_space<hbm>>
      tpu.enqueue_dma source(%dma_start3A_279 : memref<25x80xi32, #tpu.memory_space<hbm>>) target(%arg6 : memref<25x80xi32, #tpu.memory_space<vmem>>) target_semaphore(%run_scoped3A_271 : memref<!tpu.dma_semaphore, #tpu.memory_space<semaphore_mem>>)
      %dma_wait3A_280 = arith.constant 0 : i32
      %dma_wait3A_281 = arith.constant 0 : i32
      %dma_wait3A_282 = tpu.memref_slice %arg3[%add3A, %run_scoped3A_146, %dma_wait3A_280, %dma_wait3A_281] : memref<32x5x25x80xi32, #tpu.memory_space<hbm>> -> memref<1x1x25x80xi32, #tpu.memory_space<hbm>>
      %dma_wait3A_283 = tpu.memref_squeeze %dma_wait3A_282 : memref<1x1x25x80xi32, #tpu.memory_space<hbm>> -> memref<25x80xi32, #tpu.memory_space<hbm>>
      %dma_wait3A_284 = arith.constant 0 : i32
      %dma_wait3A_285 = arith.constant 0 : i32
      %dma_wait3A_286 = tpu.memref_slice %arg3[%add3A, %run_scoped3A_146, %dma_wait3A_284, %dma_wait3A_285] : memref<32x5x25x80xi32, #tpu.memory_space<hbm>> -> memref<1x1x25x80xi32, #tpu.memory_space<hbm>>
      %dma_wait3A_287 = tpu.memref_squeeze %dma_wait3A_286 : memref<1x1x25x80xi32, #tpu.memory_space<hbm>> -> memref<25x80xi32, #tpu.memory_space<hbm>>
      tpu.wait_dma2 semaphore(%run_scoped3A_271 : memref<!tpu.dma_semaphore, #tpu.memory_space<semaphore_mem>>) src(%dma_wait3A_287 : memref<25x80xi32, #tpu.memory_space<hbm>>) dst(%arg6 : memref<25x80xi32, #tpu.memory_space<vmem>>)
      tpu.yield
    }) : () -> ()
    %run_scoped3A_147 = arith.constant 1 : i32
    "tpu.region"() ({
      %run_scoped3A_271 = tpu.sem_alloc : memref<!tpu.dma_semaphore, #tpu.memory_space<semaphore_mem>>
      %dma_start3A_272 = arith.constant 0 : i32
      %dma_start3A_273 = arith.constant 0 : i32
      %dma_start3A_274 = tpu.memref_slice %arg4[%add3A, %run_scoped3A_147, %dma_start3A_272, %dma_start3A_273] : memref<32x5x25x80xi32, #tpu.memory_space<hbm>> -> memref<1x1x25x80xi32, #tpu.memory_space<hbm>>
      %dma_start3A_275 = tpu.memref_squeeze %dma_start3A_274 : memref<1x1x25x80xi32, #tpu.memory_space<hbm>> -> memref<25x80xi32, #tpu.memory_space<hbm>>
      %dma_start3A_276 = arith.constant 0 : i32
      %dma_start3A_277 = arith.constant 0 : i32
      %dma_start3A_278 = tpu.memref_slice %arg4[%add3A, %run_scoped3A_147, %dma_start3A_276, %dma_start3A_277] : memref<32x5x25x80xi32, #tpu.memory_space<hbm>> -> memref<1x1x25x80xi32, #tpu.memory_space<hbm>>
      %dma_start3A_279 = tpu.memref_squeeze %dma_start3A_278 : memref<1x1x25x80xi32, #tpu.memory_space<hbm>> -> memref<25x80xi32, #tpu.memory_space<hbm>>
      tpu.enqueue_dma source(%dma_start3A_279 : memref<25x80xi32, #tpu.memory_space<hbm>>) target(%arg7 : memref<25x80xi32, #tpu.memory_space<vmem>>) target_semaphore(%run_scoped3A_271 : memref<!tpu.dma_semaphore, #tpu.memory_space<semaphore_mem>>)
      %dma_wait3A_280 = arith.constant 0 : i32
      %dma_wait3A_281 = arith.constant 0 : i32
      %dma_wait3A_282 = tpu.memref_slice %arg4[%add3A, %run_scoped3A_147, %dma_wait3A_280, %dma_wait3A_281] : memref<32x5x25x80xi32, #tpu.memory_space<hbm>> -> memref<1x1x25x80xi32, #tpu.memory_space<hbm>>
      %dma_wait3A_283 = tpu.memref_squeeze %dma_wait3A_282 : memref<1x1x25x80xi32, #tpu.memory_space<hbm>> -> memref<25x80xi32, #tpu.memory_space<hbm>>
      %dma_wait3A_284 = arith.constant 0 : i32
      %dma_wait3A_285 = arith.constant 0 : i32
      %dma_wait3A_286 = tpu.memref_slice %arg4[%add3A, %run_scoped3A_147, %dma_wait3A_284, %dma_wait3A_285] : memref<32x5x25x80xi32, #tpu.memory_space<hbm>> -> memref<1x1x25x80xi32, #tpu.memory_space<hbm>>
      %dma_wait3A_287 = tpu.memref_squeeze %dma_wait3A_286 : memref<1x1x25x80xi32, #tpu.memory_space<hbm>> -> memref<25x80xi32, #tpu.memory_space<hbm>>
      tpu.wait_dma2 semaphore(%run_scoped3A_271 : memref<!tpu.dma_semaphore, #tpu.memory_space<semaphore_mem>>) src(%dma_wait3A_287 : memref<25x80xi32, #tpu.memory_space<hbm>>) dst(%arg7 : memref<25x80xi32, #tpu.memory_space<vmem>>)
      tpu.yield
    }) : () -> ()
    %dma_start3A_148 = arith.constant 0 : i32
    %dma_start3A_149 = arith.constant 0 : i32
    %dma_start3A_150 = tpu.memref_slice %arg6[%dma_start3A_148, %dma_start3A_149] : memref<25x80xi32, #tpu.memory_space<vmem>> -> memref<1x80xi32, #tpu.memory_space<vmem>>
    %dma_start3A_151 = tpu.memref_squeeze %dma_start3A_150 : memref<1x80xi32, #tpu.memory_space<vmem>> -> memref<80xi32, #tpu.memory_space<vmem>>
    %dma_start3A_152 = arith.constant 0 : i32
    %dma_start3A_153 = arith.constant 0 : i32
    %dma_start3A_154 = tpu.memref_slice %arg2[%dma_start3A_152, %dma_start3A_153] : memref<10000x128xf32, #tpu.memory_space<hbm>> -> memref<10000x128xf32, #tpu.memory_space<hbm>>
    tpu.enqueue_indirect_dma source(%dma_start3A_154 : memref<10000x128xf32, #tpu.memory_space<hbm>>) target(%arg8 : memref<80x128xf32, #tpu.memory_space<vmem>>) offsets(%dma_start3A_151 : memref<80xi32, #tpu.memory_space<vmem>>) semaphore(%arg13 : memref<!tpu.dma_semaphore, #tpu.memory_space<semaphore_mem>>)
    %dma_start3A_155 = arith.constant 1 : i32
    %dma_start3A_156 = arith.constant 0 : i32
    %dma_start3A_157 = tpu.memref_slice %arg6[%dma_start3A_155, %dma_start3A_156] : memref<25x80xi32, #tpu.memory_space<vmem>> -> memref<1x80xi32, #tpu.memory_space<vmem>>
    %dma_start3A_158 = tpu.memref_squeeze %dma_start3A_157 : memref<1x80xi32, #tpu.memory_space<vmem>> -> memref<80xi32, #tpu.memory_space<vmem>>
    %dma_start3A_159 = arith.constant 0 : i32
    %dma_start3A_160 = arith.constant 0 : i32
    %dma_start3A_161 = tpu.memref_slice %arg2[%dma_start3A_159, %dma_start3A_160] : memref<10000x128xf32, #tpu.memory_space<hbm>> -> memref<10000x128xf32, #tpu.memory_space<hbm>>
    tpu.enqueue_indirect_dma source(%dma_start3A_161 : memref<10000x128xf32, #tpu.memory_space<hbm>>) target(%arg9 : memref<80x128xf32, #tpu.memory_space<vmem>>) offsets(%dma_start3A_158 : memref<80xi32, #tpu.memory_space<vmem>>) semaphore(%arg14 : memref<!tpu.dma_semaphore, #tpu.memory_space<semaphore_mem>>)
    %dma_start3A_162 = arith.constant 2 : i32
    %dma_start3A_163 = arith.constant 0 : i32
    %dma_start3A_164 = tpu.memref_slice %arg6[%dma_start3A_162, %dma_start3A_163] : memref<25x80xi32, #tpu.memory_space<vmem>> -> memref<1x80xi32, #tpu.memory_space<vmem>>
    %dma_start3A_165 = tpu.memref_squeeze %dma_start3A_164 : memref<1x80xi32, #tpu.memory_space<vmem>> -> memref<80xi32, #tpu.memory_space<vmem>>
    %dma_start3A_166 = arith.constant 0 : i32
    %dma_start3A_167 = arith.constant 0 : i32
    %dma_start3A_168 = tpu.memref_slice %arg2[%dma_start3A_166, %dma_start3A_167] : memref<10000x128xf32, #tpu.memory_space<hbm>> -> memref<10000x128xf32, #tpu.memory_space<hbm>>
    tpu.enqueue_indirect_dma source(%dma_start3A_168 : memref<10000x128xf32, #tpu.memory_space<hbm>>) target(%arg10 : memref<80x128xf32, #tpu.memory_space<vmem>>) offsets(%dma_start3A_165 : memref<80xi32, #tpu.memory_space<vmem>>) semaphore(%arg15 : memref<!tpu.dma_semaphore, #tpu.memory_space<semaphore_mem>>)
    %scan3A_169 = arith.constant 0 : i32
    %scan3A_170 = arith.constant 0 : i32
    %scan3A_171 = arith.constant 25 : i32
    %scan3A_172 = arith.addi %scan3A_170, %scan3A_171 : i32
    %scan3A_173 = arith.constant 1 : i32
    %scan3A_174 = scf.for %scan3A_271 = %scan3A_170 to %scan3A_172 step %scan3A_173 iter_args(%scan3A_272 = %scan3A_169) -> (i32)  : i32 {
      %jit3A = arith.constant 4 : i32
      %eq3A = arith.constant 0 : i32
      %eq3A_273 = arith.cmpi eq, %jit3A, %eq3A : i32
      %jit3A_274 = arith.constant 1 : i32
      %select_n3A = arith.select %eq3A_273, %jit3A_274, %jit3A : i32
      %rem3A = arith.remsi %scan3A_271, %select_n3A : i32
      %ne3A = arith.constant 0 : i32
      %ne3A_275 = arith.cmpi ne, %rem3A, %ne3A : i32
      %lt3A = arith.constant 0 : i32
      %lt3A_276 = arith.cmpi slt, %rem3A, %lt3A : i32
      %lt3A_277 = arith.constant 0 : i32
      %lt3A_278 = arith.cmpi slt, %select_n3A, %lt3A_277 : i32
      %ne3A_279 = arith.xori %lt3A_276, %lt3A_278 : i1
      %and3A = arith.andi %ne3A_279, %ne3A_275 : i1
      %add3A_280 = arith.addi %rem3A, %select_n3A : i32
      %select_n3A_281 = arith.select %and3A, %add3A_280, %rem3A : i32
      %eq3A_282 = arith.constant 0 : i32
      %eq3A_283 = arith.cmpi eq, %select_n3A_281, %eq3A_282 : i32
      %convert_element_type3A = arith.extui %eq3A_283 : i1 to i32
      %cond3A = arith.constant 0 : i32
      %cond3A_284 = arith.cmpi ne, %convert_element_type3A, %cond3A : i32
      scf.if %cond3A_284 {
        %dma_wait3A_349 = arith.constant 0 : i32
        %dma_wait3A_350 = tpu.memref_slice %arg6[%scan3A_271, %dma_wait3A_349] : memref<25x80xi32, #tpu.memory_space<vmem>> -> memref<1x80xi32, #tpu.memory_space<vmem>>
        %dma_wait3A_351 = tpu.memref_squeeze %dma_wait3A_350 : memref<1x80xi32, #tpu.memory_space<vmem>> -> memref<80xi32, #tpu.memory_space<vmem>>
        %dma_wait3A_352 = arith.constant 0 : i32
        %dma_wait3A_353 = arith.constant 0 : i32
        %dma_wait3A_354 = tpu.memref_slice %arg2[%dma_wait3A_352, %dma_wait3A_353] : memref<10000x128xf32, #tpu.memory_space<hbm>> -> memref<10000x128xf32, #tpu.memory_space<hbm>>
        tpu.wait_indirect_dma semaphore(%arg13 : memref<!tpu.dma_semaphore, #tpu.memory_space<semaphore_mem>>) src(%dma_wait3A_354 : memref<10000x128xf32, #tpu.memory_space<hbm>>) dst(%arg8 : memref<80x128xf32, #tpu.memory_space<vmem>>)
        %add3A_355 = arith.constant 4 : i32
        %add3A_356 = arith.addi %scan3A_271, %add3A_355 : i32
        %sub3A = arith.constant 1 : i32
        %sub3A_357 = arith.subi %add3A_356, %sub3A : i32
        %lt3A_358 = arith.constant 25 : i32
        %lt3A_359 = arith.cmpi slt, %sub3A_357, %lt3A_358 : i32
        %convert_element_type3A_360 = arith.extui %lt3A_359 : i1 to i32
        %cond3A_361 = arith.constant 0 : i32
        %cond3A_362 = arith.cmpi ne, %convert_element_type3A_360, %cond3A_361 : i32
        scf.if %cond3A_362 {
          %add3A_363 = arith.constant 4 : i32
          %add3A_364 = arith.addi %scan3A_271, %add3A_363 : i32
          %sub3A_365 = arith.constant 1 : i32
          %sub3A_366 = arith.subi %add3A_364, %sub3A_365 : i32
          %dma_start3A_367 = arith.constant 0 : i32
          %dma_start3A_368 = tpu.memref_slice %arg6[%sub3A_366, %dma_start3A_367] : memref<25x80xi32, #tpu.memory_space<vmem>> -> memref<1x80xi32, #tpu.memory_space<vmem>>
          %dma_start3A_369 = tpu.memref_squeeze %dma_start3A_368 : memref<1x80xi32, #tpu.memory_space<vmem>> -> memref<80xi32, #tpu.memory_space<vmem>>
          %dma_start3A_370 = arith.constant 0 : i32
          %dma_start3A_371 = arith.constant 0 : i32
          %dma_start3A_372 = tpu.memref_slice %arg2[%dma_start3A_370, %dma_start3A_371] : memref<10000x128xf32, #tpu.memory_space<hbm>> -> memref<10000x128xf32, #tpu.memory_space<hbm>>
          tpu.enqueue_indirect_dma source(%dma_start3A_372 : memref<10000x128xf32, #tpu.memory_space<hbm>>) target(%arg11 : memref<80x128xf32, #tpu.memory_space<vmem>>) offsets(%dma_start3A_369 : memref<80xi32, #tpu.memory_space<vmem>>) semaphore(%arg16 : memref<!tpu.dma_semaphore, #tpu.memory_space<semaphore_mem>>)
        } else {
        }
        "tpu.region"() ({
          %run_scoped3A_363 = tpu.sem_alloc : memref<!tpu.dma_semaphore, #tpu.memory_space<semaphore_mem>>
          %dma_start3A_364 = arith.constant 0 : i32
          %dma_start3A_365 = tpu.memref_slice %arg7[%scan3A_271, %dma_start3A_364] : memref<25x80xi32, #tpu.memory_space<vmem>> -> memref<1x80xi32, #tpu.memory_space<vmem>>
          %dma_start3A_366 = tpu.memref_squeeze %dma_start3A_365 : memref<1x80xi32, #tpu.memory_space<vmem>> -> memref<80xi32, #tpu.memory_space<vmem>>
          %dma_start3A_367 = arith.constant 0 : i32
          %dma_start3A_368 = arith.constant 0 : i32
          %dma_start3A_369 = tpu.memref_slice %arg12[%dma_start3A_367, %dma_start3A_368] : memref<10240x128xf32, #tpu.memory_space<vmem_shared>> -> memref<10240x128xf32, #tpu.memory_space<vmem_shared>>
          tpu.enqueue_indirect_dma source(%arg8 : memref<80x128xf32, #tpu.memory_space<vmem>>) target(%dma_start3A_369 : memref<10240x128xf32, #tpu.memory_space<vmem_shared>>) offsets(%dma_start3A_366 : memref<80xi32, #tpu.memory_space<vmem>>) semaphore(%run_scoped3A_363 : memref<!tpu.dma_semaphore, #tpu.memory_space<semaphore_mem>>) {add = true}
          %dma_wait3A_370 = arith.constant 0 : i32
          %dma_wait3A_371 = tpu.memref_slice %arg7[%scan3A_271, %dma_wait3A_370] : memref<25x80xi32, #tpu.memory_space<vmem>> -> memref<1x80xi32, #tpu.memory_space<vmem>>
          %dma_wait3A_372 = tpu.memref_squeeze %dma_wait3A_371 : memref<1x80xi32, #tpu.memory_space<vmem>> -> memref<80xi32, #tpu.memory_space<vmem>>
          %dma_wait3A_373 = arith.constant 0 : i32
          %dma_wait3A_374 = arith.constant 0 : i32
          %dma_wait3A_375 = tpu.memref_slice %arg12[%dma_wait3A_373, %dma_wait3A_374] : memref<10240x128xf32, #tpu.memory_space<vmem_shared>> -> memref<10240x128xf32, #tpu.memory_space<vmem_shared>>
          tpu.wait_indirect_dma semaphore(%run_scoped3A_363 : memref<!tpu.dma_semaphore, #tpu.memory_space<semaphore_mem>>) src(%arg8 : memref<80x128xf32, #tpu.memory_space<vmem>>) dst(%dma_wait3A_375 : memref<10240x128xf32, #tpu.memory_space<vmem_shared>>)
          tpu.yield
        }) : () -> ()
      } else {
      }
      %jit3A_285 = arith.constant 4 : i32
      %eq3A_286 = arith.constant 0 : i32
      %eq3A_287 = arith.cmpi eq, %jit3A_285, %eq3A_286 : i32
      %jit3A_288 = arith.constant 1 : i32
      %select_n3A_289 = arith.select %eq3A_287, %jit3A_288, %jit3A_285 : i32
      %rem3A_290 = arith.remsi %scan3A_271, %select_n3A_289 : i32
      %ne3A_291 = arith.constant 0 : i32
      %ne3A_292 = arith.cmpi ne, %rem3A_290, %ne3A_291 : i32
      %lt3A_293 = arith.constant 0 : i32
      %lt3A_294 = arith.cmpi slt, %rem3A_290, %lt3A_293 : i32
      %lt3A_295 = arith.constant 0 : i32
      %lt3A_296 = arith.cmpi slt, %select_n3A_289, %lt3A_295 : i32
      %ne3A_297 = arith.xori %lt3A_294, %lt3A_296 : i1
      %and3A_298 = arith.andi %ne3A_297, %ne3A_292 : i1
      %add3A_299 = arith.addi %rem3A_290, %select_n3A_289 : i32
      %select_n3A_300 = arith.select %and3A_298, %add3A_299, %rem3A_290 : i32
      %eq3A_301 = arith.constant 1 : i32
      %eq3A_302 = arith.cmpi eq, %select_n3A_300, %eq3A_301 : i32
      %convert_element_type3A_303 = arith.extui %eq3A_302 : i1 to i32
      %cond3A_304 = arith.constant 0 : i32
      %cond3A_305 = arith.cmpi ne, %convert_element_type3A_303, %cond3A_304 : i32
      scf.if %cond3A_305 {
        %dma_wait3A_349 = arith.constant 0 : i32
        %dma_wait3A_350 = tpu.memref_slice %arg6[%scan3A_271, %dma_wait3A_349] : memref<25x80xi32, #tpu.memory_space<vmem>> -> memref<1x80xi32, #tpu.memory_space<vmem>>
        %dma_wait3A_351 = tpu.memref_squeeze %dma_wait3A_350 : memref<1x80xi32, #tpu.memory_space<vmem>> -> memref<80xi32, #tpu.memory_space<vmem>>
        %dma_wait3A_352 = arith.constant 0 : i32
        %dma_wait3A_353 = arith.constant 0 : i32
        %dma_wait3A_354 = tpu.memref_slice %arg2[%dma_wait3A_352, %dma_wait3A_353] : memref<10000x128xf32, #tpu.memory_space<hbm>> -> memref<10000x128xf32, #tpu.memory_space<hbm>>
        tpu.wait_indirect_dma semaphore(%arg14 : memref<!tpu.dma_semaphore, #tpu.memory_space<semaphore_mem>>) src(%dma_wait3A_354 : memref<10000x128xf32, #tpu.memory_space<hbm>>) dst(%arg9 : memref<80x128xf32, #tpu.memory_space<vmem>>)
        %add3A_355 = arith.constant 4 : i32
        %add3A_356 = arith.addi %scan3A_271, %add3A_355 : i32
        %sub3A = arith.constant 1 : i32
        %sub3A_357 = arith.subi %add3A_356, %sub3A : i32
        %lt3A_358 = arith.constant 25 : i32
        %lt3A_359 = arith.cmpi slt, %sub3A_357, %lt3A_358 : i32
        %convert_element_type3A_360 = arith.extui %lt3A_359 : i1 to i32
        %cond3A_361 = arith.constant 0 : i32
        %cond3A_362 = arith.cmpi ne, %convert_element_type3A_360, %cond3A_361 : i32
        scf.if %cond3A_362 {
          %add3A_363 = arith.constant 4 : i32
          %add3A_364 = arith.addi %scan3A_271, %add3A_363 : i32
          %sub3A_365 = arith.constant 1 : i32
          %sub3A_366 = arith.subi %add3A_364, %sub3A_365 : i32
          %dma_start3A_367 = arith.constant 0 : i32
          %dma_start3A_368 = tpu.memref_slice %arg6[%sub3A_366, %dma_start3A_367] : memref<25x80xi32, #tpu.memory_space<vmem>> -> memref<1x80xi32, #tpu.memory_space<vmem>>
          %dma_start3A_369 = tpu.memref_squeeze %dma_start3A_368 : memref<1x80xi32, #tpu.memory_space<vmem>> -> memref<80xi32, #tpu.memory_space<vmem>>
          %dma_start3A_370 = arith.constant 0 : i32
          %dma_start3A_371 = arith.constant 0 : i32
          %dma_start3A_372 = tpu.memref_slice %arg2[%dma_start3A_370, %dma_start3A_371] : memref<10000x128xf32, #tpu.memory_space<hbm>> -> memref<10000x128xf32, #tpu.memory_space<hbm>>
          tpu.enqueue_indirect_dma source(%dma_start3A_372 : memref<10000x128xf32, #tpu.memory_space<hbm>>) target(%arg8 : memref<80x128xf32, #tpu.memory_space<vmem>>) offsets(%dma_start3A_369 : memref<80xi32, #tpu.memory_space<vmem>>) semaphore(%arg13 : memref<!tpu.dma_semaphore, #tpu.memory_space<semaphore_mem>>)
        } else {
        }
        "tpu.region"() ({
          %run_scoped3A_363 = tpu.sem_alloc : memref<!tpu.dma_semaphore, #tpu.memory_space<semaphore_mem>>
          %dma_start3A_364 = arith.constant 0 : i32
          %dma_start3A_365 = tpu.memref_slice %arg7[%scan3A_271, %dma_start3A_364] : memref<25x80xi32, #tpu.memory_space<vmem>> -> memref<1x80xi32, #tpu.memory_space<vmem>>
          %dma_start3A_366 = tpu.memref_squeeze %dma_start3A_365 : memref<1x80xi32, #tpu.memory_space<vmem>> -> memref<80xi32, #tpu.memory_space<vmem>>
          %dma_start3A_367 = arith.constant 0 : i32
          %dma_start3A_368 = arith.constant 0 : i32
          %dma_start3A_369 = tpu.memref_slice %arg12[%dma_start3A_367, %dma_start3A_368] : memref<10240x128xf32, #tpu.memory_space<vmem_shared>> -> memref<10240x128xf32, #tpu.memory_space<vmem_shared>>
          tpu.enqueue_indirect_dma source(%arg9 : memref<80x128xf32, #tpu.memory_space<vmem>>) target(%dma_start3A_369 : memref<10240x128xf32, #tpu.memory_space<vmem_shared>>) offsets(%dma_start3A_366 : memref<80xi32, #tpu.memory_space<vmem>>) semaphore(%run_scoped3A_363 : memref<!tpu.dma_semaphore, #tpu.memory_space<semaphore_mem>>) {add = true}
          %dma_wait3A_370 = arith.constant 0 : i32
          %dma_wait3A_371 = tpu.memref_slice %arg7[%scan3A_271, %dma_wait3A_370] : memref<25x80xi32, #tpu.memory_space<vmem>> -> memref<1x80xi32, #tpu.memory_space<vmem>>
          %dma_wait3A_372 = tpu.memref_squeeze %dma_wait3A_371 : memref<1x80xi32, #tpu.memory_space<vmem>> -> memref<80xi32, #tpu.memory_space<vmem>>
          %dma_wait3A_373 = arith.constant 0 : i32
          %dma_wait3A_374 = arith.constant 0 : i32
          %dma_wait3A_375 = tpu.memref_slice %arg12[%dma_wait3A_373, %dma_wait3A_374] : memref<10240x128xf32, #tpu.memory_space<vmem_shared>> -> memref<10240x128xf32, #tpu.memory_space<vmem_shared>>
          tpu.wait_indirect_dma semaphore(%run_scoped3A_363 : memref<!tpu.dma_semaphore, #tpu.memory_space<semaphore_mem>>) src(%arg9 : memref<80x128xf32, #tpu.memory_space<vmem>>) dst(%dma_wait3A_375 : memref<10240x128xf32, #tpu.memory_space<vmem_shared>>)
          tpu.yield
        }) : () -> ()
      } else {
      }
      %jit3A_306 = arith.constant 4 : i32
      %eq3A_307 = arith.constant 0 : i32
      %eq3A_308 = arith.cmpi eq, %jit3A_306, %eq3A_307 : i32
      %jit3A_309 = arith.constant 1 : i32
      %select_n3A_310 = arith.select %eq3A_308, %jit3A_309, %jit3A_306 : i32
      %rem3A_311 = arith.remsi %scan3A_271, %select_n3A_310 : i32
      %ne3A_312 = arith.constant 0 : i32
      %ne3A_313 = arith.cmpi ne, %rem3A_311, %ne3A_312 : i32
      %lt3A_314 = arith.constant 0 : i32
      %lt3A_315 = arith.cmpi slt, %rem3A_311, %lt3A_314 : i32
      %lt3A_316 = arith.constant 0 : i32
      %lt3A_317 = arith.cmpi slt, %select_n3A_310, %lt3A_316 : i32
      %ne3A_318 = arith.xori %lt3A_315, %lt3A_317 : i1
      %and3A_319 = arith.andi %ne3A_318, %ne3A_313 : i1
      %add3A_320 = arith.addi %rem3A_311, %select_n3A_310 : i32
      %select_n3A_321 = arith.select %and3A_319, %add3A_320, %rem3A_311 : i32
      %eq3A_322 = arith.constant 2 : i32
      %eq3A_323 = arith.cmpi eq, %select_n3A_321, %eq3A_322 : i32
      %convert_element_type3A_324 = arith.extui %eq3A_323 : i1 to i32
      %cond3A_325 = arith.constant 0 : i32
      %cond3A_326 = arith.cmpi ne, %convert_element_type3A_324, %cond3A_325 : i32
      scf.if %cond3A_326 {
        %dma_wait3A_349 = arith.constant 0 : i32
        %dma_wait3A_350 = tpu.memref_slice %arg6[%scan3A_271, %dma_wait3A_349] : memref<25x80xi32, #tpu.memory_space<vmem>> -> memref<1x80xi32, #tpu.memory_space<vmem>>
        %dma_wait3A_351 = tpu.memref_squeeze %dma_wait3A_350 : memref<1x80xi32, #tpu.memory_space<vmem>> -> memref<80xi32, #tpu.memory_space<vmem>>
        %dma_wait3A_352 = arith.constant 0 : i32
        %dma_wait3A_353 = arith.constant 0 : i32
        %dma_wait3A_354 = tpu.memref_slice %arg2[%dma_wait3A_352, %dma_wait3A_353] : memref<10000x128xf32, #tpu.memory_space<hbm>> -> memref<10000x128xf32, #tpu.memory_space<hbm>>
        tpu.wait_indirect_dma semaphore(%arg15 : memref<!tpu.dma_semaphore, #tpu.memory_space<semaphore_mem>>) src(%dma_wait3A_354 : memref<10000x128xf32, #tpu.memory_space<hbm>>) dst(%arg10 : memref<80x128xf32, #tpu.memory_space<vmem>>)
        %add3A_355 = arith.constant 4 : i32
        %add3A_356 = arith.addi %scan3A_271, %add3A_355 : i32
        %sub3A = arith.constant 1 : i32
        %sub3A_357 = arith.subi %add3A_356, %sub3A : i32
        %lt3A_358 = arith.constant 25 : i32
        %lt3A_359 = arith.cmpi slt, %sub3A_357, %lt3A_358 : i32
        %convert_element_type3A_360 = arith.extui %lt3A_359 : i1 to i32
        %cond3A_361 = arith.constant 0 : i32
        %cond3A_362 = arith.cmpi ne, %convert_element_type3A_360, %cond3A_361 : i32
        scf.if %cond3A_362 {
          %add3A_363 = arith.constant 4 : i32
          %add3A_364 = arith.addi %scan3A_271, %add3A_363 : i32
          %sub3A_365 = arith.constant 1 : i32
          %sub3A_366 = arith.subi %add3A_364, %sub3A_365 : i32
          %dma_start3A_367 = arith.constant 0 : i32
          %dma_start3A_368 = tpu.memref_slice %arg6[%sub3A_366, %dma_start3A_367] : memref<25x80xi32, #tpu.memory_space<vmem>> -> memref<1x80xi32, #tpu.memory_space<vmem>>
          %dma_start3A_369 = tpu.memref_squeeze %dma_start3A_368 : memref<1x80xi32, #tpu.memory_space<vmem>> -> memref<80xi32, #tpu.memory_space<vmem>>
          %dma_start3A_370 = arith.constant 0 : i32
          %dma_start3A_371 = arith.constant 0 : i32
          %dma_start3A_372 = tpu.memref_slice %arg2[%dma_start3A_370, %dma_start3A_371] : memref<10000x128xf32, #tpu.memory_space<hbm>> -> memref<10000x128xf32, #tpu.memory_space<hbm>>
          tpu.enqueue_indirect_dma source(%dma_start3A_372 : memref<10000x128xf32, #tpu.memory_space<hbm>>) target(%arg9 : memref<80x128xf32, #tpu.memory_space<vmem>>) offsets(%dma_start3A_369 : memref<80xi32, #tpu.memory_space<vmem>>) semaphore(%arg14 : memref<!tpu.dma_semaphore, #tpu.memory_space<semaphore_mem>>)
        } else {
        }
        "tpu.region"() ({
          %run_scoped3A_363 = tpu.sem_alloc : memref<!tpu.dma_semaphore, #tpu.memory_space<semaphore_mem>>
          %dma_start3A_364 = arith.constant 0 : i32
          %dma_start3A_365 = tpu.memref_slice %arg7[%scan3A_271, %dma_start3A_364] : memref<25x80xi32, #tpu.memory_space<vmem>> -> memref<1x80xi32, #tpu.memory_space<vmem>>
          %dma_start3A_366 = tpu.memref_squeeze %dma_start3A_365 : memref<1x80xi32, #tpu.memory_space<vmem>> -> memref<80xi32, #tpu.memory_space<vmem>>
          %dma_start3A_367 = arith.constant 0 : i32
          %dma_start3A_368 = arith.constant 0 : i32
          %dma_start3A_369 = tpu.memref_slice %arg12[%dma_start3A_367, %dma_start3A_368] : memref<10240x128xf32, #tpu.memory_space<vmem_shared>> -> memref<10240x128xf32, #tpu.memory_space<vmem_shared>>
          tpu.enqueue_indirect_dma source(%arg10 : memref<80x128xf32, #tpu.memory_space<vmem>>) target(%dma_start3A_369 : memref<10240x128xf32, #tpu.memory_space<vmem_shared>>) offsets(%dma_start3A_366 : memref<80xi32, #tpu.memory_space<vmem>>) semaphore(%run_scoped3A_363 : memref<!tpu.dma_semaphore, #tpu.memory_space<semaphore_mem>>) {add = true}
          %dma_wait3A_370 = arith.constant 0 : i32
          %dma_wait3A_371 = tpu.memref_slice %arg7[%scan3A_271, %dma_wait3A_370] : memref<25x80xi32, #tpu.memory_space<vmem>> -> memref<1x80xi32, #tpu.memory_space<vmem>>
          %dma_wait3A_372 = tpu.memref_squeeze %dma_wait3A_371 : memref<1x80xi32, #tpu.memory_space<vmem>> -> memref<80xi32, #tpu.memory_space<vmem>>
          %dma_wait3A_373 = arith.constant 0 : i32
          %dma_wait3A_374 = arith.constant 0 : i32
          %dma_wait3A_375 = tpu.memref_slice %arg12[%dma_wait3A_373, %dma_wait3A_374] : memref<10240x128xf32, #tpu.memory_space<vmem_shared>> -> memref<10240x128xf32, #tpu.memory_space<vmem_shared>>
          tpu.wait_indirect_dma semaphore(%run_scoped3A_363 : memref<!tpu.dma_semaphore, #tpu.memory_space<semaphore_mem>>) src(%arg10 : memref<80x128xf32, #tpu.memory_space<vmem>>) dst(%dma_wait3A_375 : memref<10240x128xf32, #tpu.memory_space<vmem_shared>>)
          tpu.yield
        }) : () -> ()
      } else {
      }
      %jit3A_327 = arith.constant 4 : i32
      %eq3A_328 = arith.constant 0 : i32
      %eq3A_329 = arith.cmpi eq, %jit3A_327, %eq3A_328 : i32
      %jit3A_330 = arith.constant 1 : i32
      %select_n3A_331 = arith.select %eq3A_329, %jit3A_330, %jit3A_327 : i32
      %rem3A_332 = arith.remsi %scan3A_271, %select_n3A_331 : i32
      %ne3A_333 = arith.constant 0 : i32
      %ne3A_334 = arith.cmpi ne, %rem3A_332, %ne3A_333 : i32
      %lt3A_335 = arith.constant 0 : i32
      %lt3A_336 = arith.cmpi slt, %rem3A_332, %lt3A_335 : i32
      %lt3A_337 = arith.constant 0 : i32
      %lt3A_338 = arith.cmpi slt, %select_n3A_331, %lt3A_337 : i32
      %ne3A_339 = arith.xori %lt3A_336, %lt3A_338 : i1
      %and3A_340 = arith.andi %ne3A_339, %ne3A_334 : i1
      %add3A_341 = arith.addi %rem3A_332, %select_n3A_331 : i32
      %select_n3A_342 = arith.select %and3A_340, %add3A_341, %rem3A_332 : i32
      %eq3A_343 = arith.constant 3 : i32
      %eq3A_344 = arith.cmpi eq, %select_n3A_342, %eq3A_343 : i32
      %convert_element_type3A_345 = arith.extui %eq3A_344 : i1 to i32
      %cond3A_346 = arith.constant 0 : i32
      %cond3A_347 = arith.cmpi ne, %convert_element_type3A_345, %cond3A_346 : i32
      scf.if %cond3A_347 {
        %dma_wait3A_349 = arith.constant 0 : i32
        %dma_wait3A_350 = tpu.memref_slice %arg6[%scan3A_271, %dma_wait3A_349] : memref<25x80xi32, #tpu.memory_space<vmem>> -> memref<1x80xi32, #tpu.memory_space<vmem>>
        %dma_wait3A_351 = tpu.memref_squeeze %dma_wait3A_350 : memref<1x80xi32, #tpu.memory_space<vmem>> -> memref<80xi32, #tpu.memory_space<vmem>>
        %dma_wait3A_352 = arith.constant 0 : i32
        %dma_wait3A_353 = arith.constant 0 : i32
        %dma_wait3A_354 = tpu.memref_slice %arg2[%dma_wait3A_352, %dma_wait3A_353] : memref<10000x128xf32, #tpu.memory_space<hbm>> -> memref<10000x128xf32, #tpu.memory_space<hbm>>
        tpu.wait_indirect_dma semaphore(%arg16 : memref<!tpu.dma_semaphore, #tpu.memory_space<semaphore_mem>>) src(%dma_wait3A_354 : memref<10000x128xf32, #tpu.memory_space<hbm>>) dst(%arg11 : memref<80x128xf32, #tpu.memory_space<vmem>>)
        %add3A_355 = arith.constant 4 : i32
        %add3A_356 = arith.addi %scan3A_271, %add3A_355 : i32
        %sub3A = arith.constant 1 : i32
        %sub3A_357 = arith.subi %add3A_356, %sub3A : i32
        %lt3A_358 = arith.constant 25 : i32
        %lt3A_359 = arith.cmpi slt, %sub3A_357, %lt3A_358 : i32
        %convert_element_type3A_360 = arith.extui %lt3A_359 : i1 to i32
        %cond3A_361 = arith.constant 0 : i32
        %cond3A_362 = arith.cmpi ne, %convert_element_type3A_360, %cond3A_361 : i32
        scf.if %cond3A_362 {
          %add3A_363 = arith.constant 4 : i32
          %add3A_364 = arith.addi %scan3A_271, %add3A_363 : i32
          %sub3A_365 = arith.constant 1 : i32
          %sub3A_366 = arith.subi %add3A_364, %sub3A_365 : i32
          %dma_start3A_367 = arith.constant 0 : i32
          %dma_start3A_368 = tpu.memref_slice %arg6[%sub3A_366, %dma_start3A_367] : memref<25x80xi32, #tpu.memory_space<vmem>> -> memref<1x80xi32, #tpu.memory_space<vmem>>
          %dma_start3A_369 = tpu.memref_squeeze %dma_start3A_368 : memref<1x80xi32, #tpu.memory_space<vmem>> -> memref<80xi32, #tpu.memory_space<vmem>>
          %dma_start3A_370 = arith.constant 0 : i32
          %dma_start3A_371 = arith.constant 0 : i32
          %dma_start3A_372 = tpu.memref_slice %arg2[%dma_start3A_370, %dma_start3A_371] : memref<10000x128xf32, #tpu.memory_space<hbm>> -> memref<10000x128xf32, #tpu.memory_space<hbm>>
          tpu.enqueue_indirect_dma source(%dma_start3A_372 : memref<10000x128xf32, #tpu.memory_space<hbm>>) target(%arg10 : memref<80x128xf32, #tpu.memory_space<vmem>>) offsets(%dma_start3A_369 : memref<80xi32, #tpu.memory_space<vmem>>) semaphore(%arg15 : memref<!tpu.dma_semaphore, #tpu.memory_space<semaphore_mem>>)
        } else {
        }
        "tpu.region"() ({
          %run_scoped3A_363 = tpu.sem_alloc : memref<!tpu.dma_semaphore, #tpu.memory_space<semaphore_mem>>
          %dma_start3A_364 = arith.constant 0 : i32
          %dma_start3A_365 = tpu.memref_slice %arg7[%scan3A_271, %dma_start3A_364] : memref<25x80xi32, #tpu.memory_space<vmem>> -> memref<1x80xi32, #tpu.memory_space<vmem>>
          %dma_start3A_366 = tpu.memref_squeeze %dma_start3A_365 : memref<1x80xi32, #tpu.memory_space<vmem>> -> memref<80xi32, #tpu.memory_space<vmem>>
          %dma_start3A_367 = arith.constant 0 : i32
          %dma_start3A_368 = arith.constant 0 : i32
          %dma_start3A_369 = tpu.memref_slice %arg12[%dma_start3A_367, %dma_start3A_368] : memref<10240x128xf32, #tpu.memory_space<vmem_shared>> -> memref<10240x128xf32, #tpu.memory_space<vmem_shared>>
          tpu.enqueue_indirect_dma source(%arg11 : memref<80x128xf32, #tpu.memory_space<vmem>>) target(%dma_start3A_369 : memref<10240x128xf32, #tpu.memory_space<vmem_shared>>) offsets(%dma_start3A_366 : memref<80xi32, #tpu.memory_space<vmem>>) semaphore(%run_scoped3A_363 : memref<!tpu.dma_semaphore, #tpu.memory_space<semaphore_mem>>) {add = true}
          %dma_wait3A_370 = arith.constant 0 : i32
          %dma_wait3A_371 = tpu.memref_slice %arg7[%scan3A_271, %dma_wait3A_370] : memref<25x80xi32, #tpu.memory_space<vmem>> -> memref<1x80xi32, #tpu.memory_space<vmem>>
          %dma_wait3A_372 = tpu.memref_squeeze %dma_wait3A_371 : memref<1x80xi32, #tpu.memory_space<vmem>> -> memref<80xi32, #tpu.memory_space<vmem>>
          %dma_wait3A_373 = arith.constant 0 : i32
          %dma_wait3A_374 = arith.constant 0 : i32
          %dma_wait3A_375 = tpu.memref_slice %arg12[%dma_wait3A_373, %dma_wait3A_374] : memref<10240x128xf32, #tpu.memory_space<vmem_shared>> -> memref<10240x128xf32, #tpu.memory_space<vmem_shared>>
          tpu.wait_indirect_dma semaphore(%run_scoped3A_363 : memref<!tpu.dma_semaphore, #tpu.memory_space<semaphore_mem>>) src(%arg11 : memref<80x128xf32, #tpu.memory_space<vmem>>) dst(%dma_wait3A_375 : memref<10240x128xf32, #tpu.memory_space<vmem_shared>>)
          tpu.yield
        }) : () -> ()
      } else {
      }
      %scan3A_348 = arith.constant 0 : i32
      scf.yield %scan3A_348 : i32
    }
    %scan3A_175 = arith.constant 25 : i32
    %run_scoped3A_176 = arith.constant 2 : i32
    "tpu.region"() ({
      %run_scoped3A_271 = tpu.sem_alloc : memref<!tpu.dma_semaphore, #tpu.memory_space<semaphore_mem>>
      %dma_start3A_272 = arith.constant 0 : i32
      %dma_start3A_273 = arith.constant 0 : i32
      %dma_start3A_274 = tpu.memref_slice %arg3[%add3A, %run_scoped3A_176, %dma_start3A_272, %dma_start3A_273] : memref<32x5x25x80xi32, #tpu.memory_space<hbm>> -> memref<1x1x25x80xi32, #tpu.memory_space<hbm>>
      %dma_start3A_275 = tpu.memref_squeeze %dma_start3A_274 : memref<1x1x25x80xi32, #tpu.memory_space<hbm>> -> memref<25x80xi32, #tpu.memory_space<hbm>>
      %dma_start3A_276 = arith.constant 0 : i32
      %dma_start3A_277 = arith.constant 0 : i32
      %dma_start3A_278 = tpu.memref_slice %arg3[%add3A, %run_scoped3A_176, %dma_start3A_276, %dma_start3A_277] : memref<32x5x25x80xi32, #tpu.memory_space<hbm>> -> memref<1x1x25x80xi32, #tpu.memory_space<hbm>>
      %dma_start3A_279 = tpu.memref_squeeze %dma_start3A_278 : memref<1x1x25x80xi32, #tpu.memory_space<hbm>> -> memref<25x80xi32, #tpu.memory_space<hbm>>
      tpu.enqueue_dma source(%dma_start3A_279 : memref<25x80xi32, #tpu.memory_space<hbm>>) target(%arg6 : memref<25x80xi32, #tpu.memory_space<vmem>>) target_semaphore(%run_scoped3A_271 : memref<!tpu.dma_semaphore, #tpu.memory_space<semaphore_mem>>)
      %dma_wait3A_280 = arith.constant 0 : i32
      %dma_wait3A_281 = arith.constant 0 : i32
      %dma_wait3A_282 = tpu.memref_slice %arg3[%add3A, %run_scoped3A_176, %dma_wait3A_280, %dma_wait3A_281] : memref<32x5x25x80xi32, #tpu.memory_space<hbm>> -> memref<1x1x25x80xi32, #tpu.memory_space<hbm>>
      %dma_wait3A_283 = tpu.memref_squeeze %dma_wait3A_282 : memref<1x1x25x80xi32, #tpu.memory_space<hbm>> -> memref<25x80xi32, #tpu.memory_space<hbm>>
      %dma_wait3A_284 = arith.constant 0 : i32
      %dma_wait3A_285 = arith.constant 0 : i32
      %dma_wait3A_286 = tpu.memref_slice %arg3[%add3A, %run_scoped3A_176, %dma_wait3A_284, %dma_wait3A_285] : memref<32x5x25x80xi32, #tpu.memory_space<hbm>> -> memref<1x1x25x80xi32, #tpu.memory_space<hbm>>
      %dma_wait3A_287 = tpu.memref_squeeze %dma_wait3A_286 : memref<1x1x25x80xi32, #tpu.memory_space<hbm>> -> memref<25x80xi32, #tpu.memory_space<hbm>>
      tpu.wait_dma2 semaphore(%run_scoped3A_271 : memref<!tpu.dma_semaphore, #tpu.memory_space<semaphore_mem>>) src(%dma_wait3A_287 : memref<25x80xi32, #tpu.memory_space<hbm>>) dst(%arg6 : memref<25x80xi32, #tpu.memory_space<vmem>>)
      tpu.yield
    }) : () -> ()
    %run_scoped3A_177 = arith.constant 2 : i32
    "tpu.region"() ({
      %run_scoped3A_271 = tpu.sem_alloc : memref<!tpu.dma_semaphore, #tpu.memory_space<semaphore_mem>>
      %dma_start3A_272 = arith.constant 0 : i32
      %dma_start3A_273 = arith.constant 0 : i32
      %dma_start3A_274 = tpu.memref_slice %arg4[%add3A, %run_scoped3A_177, %dma_start3A_272, %dma_start3A_273] : memref<32x5x25x80xi32, #tpu.memory_space<hbm>> -> memref<1x1x25x80xi32, #tpu.memory_space<hbm>>
      %dma_start3A_275 = tpu.memref_squeeze %dma_start3A_274 : memref<1x1x25x80xi32, #tpu.memory_space<hbm>> -> memref<25x80xi32, #tpu.memory_space<hbm>>
      %dma_start3A_276 = arith.constant 0 : i32
      %dma_start3A_277 = arith.constant 0 : i32
      %dma_start3A_278 = tpu.memref_slice %arg4[%add3A, %run_scoped3A_177, %dma_start3A_276, %dma_start3A_277] : memref<32x5x25x80xi32, #tpu.memory_space<hbm>> -> memref<1x1x25x80xi32, #tpu.memory_space<hbm>>
      %dma_start3A_279 = tpu.memref_squeeze %dma_start3A_278 : memref<1x1x25x80xi32, #tpu.memory_space<hbm>> -> memref<25x80xi32, #tpu.memory_space<hbm>>
      tpu.enqueue_dma source(%dma_start3A_279 : memref<25x80xi32, #tpu.memory_space<hbm>>) target(%arg7 : memref<25x80xi32, #tpu.memory_space<vmem>>) target_semaphore(%run_scoped3A_271 : memref<!tpu.dma_semaphore, #tpu.memory_space<semaphore_mem>>)
      %dma_wait3A_280 = arith.constant 0 : i32
      %dma_wait3A_281 = arith.constant 0 : i32
      %dma_wait3A_282 = tpu.memref_slice %arg4[%add3A, %run_scoped3A_177, %dma_wait3A_280, %dma_wait3A_281] : memref<32x5x25x80xi32, #tpu.memory_space<hbm>> -> memref<1x1x25x80xi32, #tpu.memory_space<hbm>>
      %dma_wait3A_283 = tpu.memref_squeeze %dma_wait3A_282 : memref<1x1x25x80xi32, #tpu.memory_space<hbm>> -> memref<25x80xi32, #tpu.memory_space<hbm>>
      %dma_wait3A_284 = arith.constant 0 : i32
      %dma_wait3A_285 = arith.constant 0 : i32
      %dma_wait3A_286 = tpu.memref_slice %arg4[%add3A, %run_scoped3A_177, %dma_wait3A_284, %dma_wait3A_285] : memref<32x5x25x80xi32, #tpu.memory_space<hbm>> -> memref<1x1x25x80xi32, #tpu.memory_space<hbm>>
      %dma_wait3A_287 = tpu.memref_squeeze %dma_wait3A_286 : memref<1x1x25x80xi32, #tpu.memory_space<hbm>> -> memref<25x80xi32, #tpu.memory_space<hbm>>
      tpu.wait_dma2 semaphore(%run_scoped3A_271 : memref<!tpu.dma_semaphore, #tpu.memory_space<semaphore_mem>>) src(%dma_wait3A_287 : memref<25x80xi32, #tpu.memory_space<hbm>>) dst(%arg7 : memref<25x80xi32, #tpu.memory_space<vmem>>)
      tpu.yield
    }) : () -> ()
    %dma_start3A_178 = arith.constant 0 : i32
    %dma_start3A_179 = arith.constant 0 : i32
    %dma_start3A_180 = tpu.memref_slice %arg6[%dma_start3A_178, %dma_start3A_179] : memref<25x80xi32, #tpu.memory_space<vmem>> -> memref<1x80xi32, #tpu.memory_space<vmem>>
    %dma_start3A_181 = tpu.memref_squeeze %dma_start3A_180 : memref<1x80xi32, #tpu.memory_space<vmem>> -> memref<80xi32, #tpu.memory_space<vmem>>
    %dma_start3A_182 = arith.constant 0 : i32
    %dma_start3A_183 = arith.constant 0 : i32
    %dma_start3A_184 = tpu.memref_slice %arg2[%dma_start3A_182, %dma_start3A_183] : memref<10000x128xf32, #tpu.memory_space<hbm>> -> memref<10000x128xf32, #tpu.memory_space<hbm>>
    tpu.enqueue_indirect_dma source(%dma_start3A_184 : memref<10000x128xf32, #tpu.memory_space<hbm>>) target(%arg8 : memref<80x128xf32, #tpu.memory_space<vmem>>) offsets(%dma_start3A_181 : memref<80xi32, #tpu.memory_space<vmem>>) semaphore(%arg13 : memref<!tpu.dma_semaphore, #tpu.memory_space<semaphore_mem>>)
    %dma_start3A_185 = arith.constant 1 : i32
    %dma_start3A_186 = arith.constant 0 : i32
    %dma_start3A_187 = tpu.memref_slice %arg6[%dma_start3A_185, %dma_start3A_186] : memref<25x80xi32, #tpu.memory_space<vmem>> -> memref<1x80xi32, #tpu.memory_space<vmem>>
    %dma_start3A_188 = tpu.memref_squeeze %dma_start3A_187 : memref<1x80xi32, #tpu.memory_space<vmem>> -> memref<80xi32, #tpu.memory_space<vmem>>
    %dma_start3A_189 = arith.constant 0 : i32
    %dma_start3A_190 = arith.constant 0 : i32
    %dma_start3A_191 = tpu.memref_slice %arg2[%dma_start3A_189, %dma_start3A_190] : memref<10000x128xf32, #tpu.memory_space<hbm>> -> memref<10000x128xf32, #tpu.memory_space<hbm>>
    tpu.enqueue_indirect_dma source(%dma_start3A_191 : memref<10000x128xf32, #tpu.memory_space<hbm>>) target(%arg9 : memref<80x128xf32, #tpu.memory_space<vmem>>) offsets(%dma_start3A_188 : memref<80xi32, #tpu.memory_space<vmem>>) semaphore(%arg14 : memref<!tpu.dma_semaphore, #tpu.memory_space<semaphore_mem>>)
    %dma_start3A_192 = arith.constant 2 : i32
    %dma_start3A_193 = arith.constant 0 : i32
    %dma_start3A_194 = tpu.memref_slice %arg6[%dma_start3A_192, %dma_start3A_193] : memref<25x80xi32, #tpu.memory_space<vmem>> -> memref<1x80xi32, #tpu.memory_space<vmem>>
    %dma_start3A_195 = tpu.memref_squeeze %dma_start3A_194 : memref<1x80xi32, #tpu.memory_space<vmem>> -> memref<80xi32, #tpu.memory_space<vmem>>
    %dma_start3A_196 = arith.constant 0 : i32
    %dma_start3A_197 = arith.constant 0 : i32
    %dma_start3A_198 = tpu.memref_slice %arg2[%dma_start3A_196, %dma_start3A_197] : memref<10000x128xf32, #tpu.memory_space<hbm>> -> memref<10000x128xf32, #tpu.memory_space<hbm>>
    tpu.enqueue_indirect_dma source(%dma_start3A_198 : memref<10000x128xf32, #tpu.memory_space<hbm>>) target(%arg10 : memref<80x128xf32, #tpu.memory_space<vmem>>) offsets(%dma_start3A_195 : memref<80xi32, #tpu.memory_space<vmem>>) semaphore(%arg15 : memref<!tpu.dma_semaphore, #tpu.memory_space<semaphore_mem>>)
    %scan3A_199 = arith.constant 0 : i32
    %scan3A_200 = arith.constant 0 : i32
    %scan3A_201 = arith.constant 25 : i32
    %scan3A_202 = arith.addi %scan3A_200, %scan3A_201 : i32
    %scan3A_203 = arith.constant 1 : i32
    %scan3A_204 = scf.for %scan3A_271 = %scan3A_200 to %scan3A_202 step %scan3A_203 iter_args(%scan3A_272 = %scan3A_199) -> (i32)  : i32 {
      %jit3A = arith.constant 4 : i32
      %eq3A = arith.constant 0 : i32
      %eq3A_273 = arith.cmpi eq, %jit3A, %eq3A : i32
      %jit3A_274 = arith.constant 1 : i32
      %select_n3A = arith.select %eq3A_273, %jit3A_274, %jit3A : i32
      %rem3A = arith.remsi %scan3A_271, %select_n3A : i32
      %ne3A = arith.constant 0 : i32
      %ne3A_275 = arith.cmpi ne, %rem3A, %ne3A : i32
      %lt3A = arith.constant 0 : i32
      %lt3A_276 = arith.cmpi slt, %rem3A, %lt3A : i32
      %lt3A_277 = arith.constant 0 : i32
      %lt3A_278 = arith.cmpi slt, %select_n3A, %lt3A_277 : i32
      %ne3A_279 = arith.xori %lt3A_276, %lt3A_278 : i1
      %and3A = arith.andi %ne3A_279, %ne3A_275 : i1
      %add3A_280 = arith.addi %rem3A, %select_n3A : i32
      %select_n3A_281 = arith.select %and3A, %add3A_280, %rem3A : i32
      %eq3A_282 = arith.constant 0 : i32
      %eq3A_283 = arith.cmpi eq, %select_n3A_281, %eq3A_282 : i32
      %convert_element_type3A = arith.extui %eq3A_283 : i1 to i32
      %cond3A = arith.constant 0 : i32
      %cond3A_284 = arith.cmpi ne, %convert_element_type3A, %cond3A : i32
      scf.if %cond3A_284 {
        %dma_wait3A_349 = arith.constant 0 : i32
        %dma_wait3A_350 = tpu.memref_slice %arg6[%scan3A_271, %dma_wait3A_349] : memref<25x80xi32, #tpu.memory_space<vmem>> -> memref<1x80xi32, #tpu.memory_space<vmem>>
        %dma_wait3A_351 = tpu.memref_squeeze %dma_wait3A_350 : memref<1x80xi32, #tpu.memory_space<vmem>> -> memref<80xi32, #tpu.memory_space<vmem>>
        %dma_wait3A_352 = arith.constant 0 : i32
        %dma_wait3A_353 = arith.constant 0 : i32
        %dma_wait3A_354 = tpu.memref_slice %arg2[%dma_wait3A_352, %dma_wait3A_353] : memref<10000x128xf32, #tpu.memory_space<hbm>> -> memref<10000x128xf32, #tpu.memory_space<hbm>>
        tpu.wait_indirect_dma semaphore(%arg13 : memref<!tpu.dma_semaphore, #tpu.memory_space<semaphore_mem>>) src(%dma_wait3A_354 : memref<10000x128xf32, #tpu.memory_space<hbm>>) dst(%arg8 : memref<80x128xf32, #tpu.memory_space<vmem>>)
        %add3A_355 = arith.constant 4 : i32
        %add3A_356 = arith.addi %scan3A_271, %add3A_355 : i32
        %sub3A = arith.constant 1 : i32
        %sub3A_357 = arith.subi %add3A_356, %sub3A : i32
        %lt3A_358 = arith.constant 25 : i32
        %lt3A_359 = arith.cmpi slt, %sub3A_357, %lt3A_358 : i32
        %convert_element_type3A_360 = arith.extui %lt3A_359 : i1 to i32
        %cond3A_361 = arith.constant 0 : i32
        %cond3A_362 = arith.cmpi ne, %convert_element_type3A_360, %cond3A_361 : i32
        scf.if %cond3A_362 {
          %add3A_363 = arith.constant 4 : i32
          %add3A_364 = arith.addi %scan3A_271, %add3A_363 : i32
          %sub3A_365 = arith.constant 1 : i32
          %sub3A_366 = arith.subi %add3A_364, %sub3A_365 : i32
          %dma_start3A_367 = arith.constant 0 : i32
          %dma_start3A_368 = tpu.memref_slice %arg6[%sub3A_366, %dma_start3A_367] : memref<25x80xi32, #tpu.memory_space<vmem>> -> memref<1x80xi32, #tpu.memory_space<vmem>>
          %dma_start3A_369 = tpu.memref_squeeze %dma_start3A_368 : memref<1x80xi32, #tpu.memory_space<vmem>> -> memref<80xi32, #tpu.memory_space<vmem>>
          %dma_start3A_370 = arith.constant 0 : i32
          %dma_start3A_371 = arith.constant 0 : i32
          %dma_start3A_372 = tpu.memref_slice %arg2[%dma_start3A_370, %dma_start3A_371] : memref<10000x128xf32, #tpu.memory_space<hbm>> -> memref<10000x128xf32, #tpu.memory_space<hbm>>
          tpu.enqueue_indirect_dma source(%dma_start3A_372 : memref<10000x128xf32, #tpu.memory_space<hbm>>) target(%arg11 : memref<80x128xf32, #tpu.memory_space<vmem>>) offsets(%dma_start3A_369 : memref<80xi32, #tpu.memory_space<vmem>>) semaphore(%arg16 : memref<!tpu.dma_semaphore, #tpu.memory_space<semaphore_mem>>)
        } else {
        }
        "tpu.region"() ({
          %run_scoped3A_363 = tpu.sem_alloc : memref<!tpu.dma_semaphore, #tpu.memory_space<semaphore_mem>>
          %dma_start3A_364 = arith.constant 0 : i32
          %dma_start3A_365 = tpu.memref_slice %arg7[%scan3A_271, %dma_start3A_364] : memref<25x80xi32, #tpu.memory_space<vmem>> -> memref<1x80xi32, #tpu.memory_space<vmem>>
          %dma_start3A_366 = tpu.memref_squeeze %dma_start3A_365 : memref<1x80xi32, #tpu.memory_space<vmem>> -> memref<80xi32, #tpu.memory_space<vmem>>
          %dma_start3A_367 = arith.constant 0 : i32
          %dma_start3A_368 = arith.constant 0 : i32
          %dma_start3A_369 = tpu.memref_slice %arg12[%dma_start3A_367, %dma_start3A_368] : memref<10240x128xf32, #tpu.memory_space<vmem_shared>> -> memref<10240x128xf32, #tpu.memory_space<vmem_shared>>
          tpu.enqueue_indirect_dma source(%arg8 : memref<80x128xf32, #tpu.memory_space<vmem>>) target(%dma_start3A_369 : memref<10240x128xf32, #tpu.memory_space<vmem_shared>>) offsets(%dma_start3A_366 : memref<80xi32, #tpu.memory_space<vmem>>) semaphore(%run_scoped3A_363 : memref<!tpu.dma_semaphore, #tpu.memory_space<semaphore_mem>>) {add = true}
          %dma_wait3A_370 = arith.constant 0 : i32
          %dma_wait3A_371 = tpu.memref_slice %arg7[%scan3A_271, %dma_wait3A_370] : memref<25x80xi32, #tpu.memory_space<vmem>> -> memref<1x80xi32, #tpu.memory_space<vmem>>
          %dma_wait3A_372 = tpu.memref_squeeze %dma_wait3A_371 : memref<1x80xi32, #tpu.memory_space<vmem>> -> memref<80xi32, #tpu.memory_space<vmem>>
          %dma_wait3A_373 = arith.constant 0 : i32
          %dma_wait3A_374 = arith.constant 0 : i32
          %dma_wait3A_375 = tpu.memref_slice %arg12[%dma_wait3A_373, %dma_wait3A_374] : memref<10240x128xf32, #tpu.memory_space<vmem_shared>> -> memref<10240x128xf32, #tpu.memory_space<vmem_shared>>
          tpu.wait_indirect_dma semaphore(%run_scoped3A_363 : memref<!tpu.dma_semaphore, #tpu.memory_space<semaphore_mem>>) src(%arg8 : memref<80x128xf32, #tpu.memory_space<vmem>>) dst(%dma_wait3A_375 : memref<10240x128xf32, #tpu.memory_space<vmem_shared>>)
          tpu.yield
        }) : () -> ()
      } else {
      }
      %jit3A_285 = arith.constant 4 : i32
      %eq3A_286 = arith.constant 0 : i32
      %eq3A_287 = arith.cmpi eq, %jit3A_285, %eq3A_286 : i32
      %jit3A_288 = arith.constant 1 : i32
      %select_n3A_289 = arith.select %eq3A_287, %jit3A_288, %jit3A_285 : i32
      %rem3A_290 = arith.remsi %scan3A_271, %select_n3A_289 : i32
      %ne3A_291 = arith.constant 0 : i32
      %ne3A_292 = arith.cmpi ne, %rem3A_290, %ne3A_291 : i32
      %lt3A_293 = arith.constant 0 : i32
      %lt3A_294 = arith.cmpi slt, %rem3A_290, %lt3A_293 : i32
      %lt3A_295 = arith.constant 0 : i32
      %lt3A_296 = arith.cmpi slt, %select_n3A_289, %lt3A_295 : i32
      %ne3A_297 = arith.xori %lt3A_294, %lt3A_296 : i1
      %and3A_298 = arith.andi %ne3A_297, %ne3A_292 : i1
      %add3A_299 = arith.addi %rem3A_290, %select_n3A_289 : i32
      %select_n3A_300 = arith.select %and3A_298, %add3A_299, %rem3A_290 : i32
      %eq3A_301 = arith.constant 1 : i32
      %eq3A_302 = arith.cmpi eq, %select_n3A_300, %eq3A_301 : i32
      %convert_element_type3A_303 = arith.extui %eq3A_302 : i1 to i32
      %cond3A_304 = arith.constant 0 : i32
      %cond3A_305 = arith.cmpi ne, %convert_element_type3A_303, %cond3A_304 : i32
      scf.if %cond3A_305 {
        %dma_wait3A_349 = arith.constant 0 : i32
        %dma_wait3A_350 = tpu.memref_slice %arg6[%scan3A_271, %dma_wait3A_349] : memref<25x80xi32, #tpu.memory_space<vmem>> -> memref<1x80xi32, #tpu.memory_space<vmem>>
        %dma_wait3A_351 = tpu.memref_squeeze %dma_wait3A_350 : memref<1x80xi32, #tpu.memory_space<vmem>> -> memref<80xi32, #tpu.memory_space<vmem>>
        %dma_wait3A_352 = arith.constant 0 : i32
        %dma_wait3A_353 = arith.constant 0 : i32
        %dma_wait3A_354 = tpu.memref_slice %arg2[%dma_wait3A_352, %dma_wait3A_353] : memref<10000x128xf32, #tpu.memory_space<hbm>> -> memref<10000x128xf32, #tpu.memory_space<hbm>>
        tpu.wait_indirect_dma semaphore(%arg14 : memref<!tpu.dma_semaphore, #tpu.memory_space<semaphore_mem>>) src(%dma_wait3A_354 : memref<10000x128xf32, #tpu.memory_space<hbm>>) dst(%arg9 : memref<80x128xf32, #tpu.memory_space<vmem>>)
        %add3A_355 = arith.constant 4 : i32
        %add3A_356 = arith.addi %scan3A_271, %add3A_355 : i32
        %sub3A = arith.constant 1 : i32
        %sub3A_357 = arith.subi %add3A_356, %sub3A : i32
        %lt3A_358 = arith.constant 25 : i32
        %lt3A_359 = arith.cmpi slt, %sub3A_357, %lt3A_358 : i32
        %convert_element_type3A_360 = arith.extui %lt3A_359 : i1 to i32
        %cond3A_361 = arith.constant 0 : i32
        %cond3A_362 = arith.cmpi ne, %convert_element_type3A_360, %cond3A_361 : i32
        scf.if %cond3A_362 {
          %add3A_363 = arith.constant 4 : i32
          %add3A_364 = arith.addi %scan3A_271, %add3A_363 : i32
          %sub3A_365 = arith.constant 1 : i32
          %sub3A_366 = arith.subi %add3A_364, %sub3A_365 : i32
          %dma_start3A_367 = arith.constant 0 : i32
          %dma_start3A_368 = tpu.memref_slice %arg6[%sub3A_366, %dma_start3A_367] : memref<25x80xi32, #tpu.memory_space<vmem>> -> memref<1x80xi32, #tpu.memory_space<vmem>>
          %dma_start3A_369 = tpu.memref_squeeze %dma_start3A_368 : memref<1x80xi32, #tpu.memory_space<vmem>> -> memref<80xi32, #tpu.memory_space<vmem>>
          %dma_start3A_370 = arith.constant 0 : i32
          %dma_start3A_371 = arith.constant 0 : i32
          %dma_start3A_372 = tpu.memref_slice %arg2[%dma_start3A_370, %dma_start3A_371] : memref<10000x128xf32, #tpu.memory_space<hbm>> -> memref<10000x128xf32, #tpu.memory_space<hbm>>
          tpu.enqueue_indirect_dma source(%dma_start3A_372 : memref<10000x128xf32, #tpu.memory_space<hbm>>) target(%arg8 : memref<80x128xf32, #tpu.memory_space<vmem>>) offsets(%dma_start3A_369 : memref<80xi32, #tpu.memory_space<vmem>>) semaphore(%arg13 : memref<!tpu.dma_semaphore, #tpu.memory_space<semaphore_mem>>)
        } else {
        }
        "tpu.region"() ({
          %run_scoped3A_363 = tpu.sem_alloc : memref<!tpu.dma_semaphore, #tpu.memory_space<semaphore_mem>>
          %dma_start3A_364 = arith.constant 0 : i32
          %dma_start3A_365 = tpu.memref_slice %arg7[%scan3A_271, %dma_start3A_364] : memref<25x80xi32, #tpu.memory_space<vmem>> -> memref<1x80xi32, #tpu.memory_space<vmem>>
          %dma_start3A_366 = tpu.memref_squeeze %dma_start3A_365 : memref<1x80xi32, #tpu.memory_space<vmem>> -> memref<80xi32, #tpu.memory_space<vmem>>
          %dma_start3A_367 = arith.constant 0 : i32
          %dma_start3A_368 = arith.constant 0 : i32
          %dma_start3A_369 = tpu.memref_slice %arg12[%dma_start3A_367, %dma_start3A_368] : memref<10240x128xf32, #tpu.memory_space<vmem_shared>> -> memref<10240x128xf32, #tpu.memory_space<vmem_shared>>
          tpu.enqueue_indirect_dma source(%arg9 : memref<80x128xf32, #tpu.memory_space<vmem>>) target(%dma_start3A_369 : memref<10240x128xf32, #tpu.memory_space<vmem_shared>>) offsets(%dma_start3A_366 : memref<80xi32, #tpu.memory_space<vmem>>) semaphore(%run_scoped3A_363 : memref<!tpu.dma_semaphore, #tpu.memory_space<semaphore_mem>>) {add = true}
          %dma_wait3A_370 = arith.constant 0 : i32
          %dma_wait3A_371 = tpu.memref_slice %arg7[%scan3A_271, %dma_wait3A_370] : memref<25x80xi32, #tpu.memory_space<vmem>> -> memref<1x80xi32, #tpu.memory_space<vmem>>
          %dma_wait3A_372 = tpu.memref_squeeze %dma_wait3A_371 : memref<1x80xi32, #tpu.memory_space<vmem>> -> memref<80xi32, #tpu.memory_space<vmem>>
          %dma_wait3A_373 = arith.constant 0 : i32
          %dma_wait3A_374 = arith.constant 0 : i32
          %dma_wait3A_375 = tpu.memref_slice %arg12[%dma_wait3A_373, %dma_wait3A_374] : memref<10240x128xf32, #tpu.memory_space<vmem_shared>> -> memref<10240x128xf32, #tpu.memory_space<vmem_shared>>
          tpu.wait_indirect_dma semaphore(%run_scoped3A_363 : memref<!tpu.dma_semaphore, #tpu.memory_space<semaphore_mem>>) src(%arg9 : memref<80x128xf32, #tpu.memory_space<vmem>>) dst(%dma_wait3A_375 : memref<10240x128xf32, #tpu.memory_space<vmem_shared>>)
          tpu.yield
        }) : () -> ()
      } else {
      }
      %jit3A_306 = arith.constant 4 : i32
      %eq3A_307 = arith.constant 0 : i32
      %eq3A_308 = arith.cmpi eq, %jit3A_306, %eq3A_307 : i32
      %jit3A_309 = arith.constant 1 : i32
      %select_n3A_310 = arith.select %eq3A_308, %jit3A_309, %jit3A_306 : i32
      %rem3A_311 = arith.remsi %scan3A_271, %select_n3A_310 : i32
      %ne3A_312 = arith.constant 0 : i32
      %ne3A_313 = arith.cmpi ne, %rem3A_311, %ne3A_312 : i32
      %lt3A_314 = arith.constant 0 : i32
      %lt3A_315 = arith.cmpi slt, %rem3A_311, %lt3A_314 : i32
      %lt3A_316 = arith.constant 0 : i32
      %lt3A_317 = arith.cmpi slt, %select_n3A_310, %lt3A_316 : i32
      %ne3A_318 = arith.xori %lt3A_315, %lt3A_317 : i1
      %and3A_319 = arith.andi %ne3A_318, %ne3A_313 : i1
      %add3A_320 = arith.addi %rem3A_311, %select_n3A_310 : i32
      %select_n3A_321 = arith.select %and3A_319, %add3A_320, %rem3A_311 : i32
      %eq3A_322 = arith.constant 2 : i32
      %eq3A_323 = arith.cmpi eq, %select_n3A_321, %eq3A_322 : i32
      %convert_element_type3A_324 = arith.extui %eq3A_323 : i1 to i32
      %cond3A_325 = arith.constant 0 : i32
      %cond3A_326 = arith.cmpi ne, %convert_element_type3A_324, %cond3A_325 : i32
      scf.if %cond3A_326 {
        %dma_wait3A_349 = arith.constant 0 : i32
        %dma_wait3A_350 = tpu.memref_slice %arg6[%scan3A_271, %dma_wait3A_349] : memref<25x80xi32, #tpu.memory_space<vmem>> -> memref<1x80xi32, #tpu.memory_space<vmem>>
        %dma_wait3A_351 = tpu.memref_squeeze %dma_wait3A_350 : memref<1x80xi32, #tpu.memory_space<vmem>> -> memref<80xi32, #tpu.memory_space<vmem>>
        %dma_wait3A_352 = arith.constant 0 : i32
        %dma_wait3A_353 = arith.constant 0 : i32
        %dma_wait3A_354 = tpu.memref_slice %arg2[%dma_wait3A_352, %dma_wait3A_353] : memref<10000x128xf32, #tpu.memory_space<hbm>> -> memref<10000x128xf32, #tpu.memory_space<hbm>>
        tpu.wait_indirect_dma semaphore(%arg15 : memref<!tpu.dma_semaphore, #tpu.memory_space<semaphore_mem>>) src(%dma_wait3A_354 : memref<10000x128xf32, #tpu.memory_space<hbm>>) dst(%arg10 : memref<80x128xf32, #tpu.memory_space<vmem>>)
        %add3A_355 = arith.constant 4 : i32
        %add3A_356 = arith.addi %scan3A_271, %add3A_355 : i32
        %sub3A = arith.constant 1 : i32
        %sub3A_357 = arith.subi %add3A_356, %sub3A : i32
        %lt3A_358 = arith.constant 25 : i32
        %lt3A_359 = arith.cmpi slt, %sub3A_357, %lt3A_358 : i32
        %convert_element_type3A_360 = arith.extui %lt3A_359 : i1 to i32
        %cond3A_361 = arith.constant 0 : i32
        %cond3A_362 = arith.cmpi ne, %convert_element_type3A_360, %cond3A_361 : i32
        scf.if %cond3A_362 {
          %add3A_363 = arith.constant 4 : i32
          %add3A_364 = arith.addi %scan3A_271, %add3A_363 : i32
          %sub3A_365 = arith.constant 1 : i32
          %sub3A_366 = arith.subi %add3A_364, %sub3A_365 : i32
          %dma_start3A_367 = arith.constant 0 : i32
          %dma_start3A_368 = tpu.memref_slice %arg6[%sub3A_366, %dma_start3A_367] : memref<25x80xi32, #tpu.memory_space<vmem>> -> memref<1x80xi32, #tpu.memory_space<vmem>>
          %dma_start3A_369 = tpu.memref_squeeze %dma_start3A_368 : memref<1x80xi32, #tpu.memory_space<vmem>> -> memref<80xi32, #tpu.memory_space<vmem>>
          %dma_start3A_370 = arith.constant 0 : i32
          %dma_start3A_371 = arith.constant 0 : i32
          %dma_start3A_372 = tpu.memref_slice %arg2[%dma_start3A_370, %dma_start3A_371] : memref<10000x128xf32, #tpu.memory_space<hbm>> -> memref<10000x128xf32, #tpu.memory_space<hbm>>
          tpu.enqueue_indirect_dma source(%dma_start3A_372 : memref<10000x128xf32, #tpu.memory_space<hbm>>) target(%arg9 : memref<80x128xf32, #tpu.memory_space<vmem>>) offsets(%dma_start3A_369 : memref<80xi32, #tpu.memory_space<vmem>>) semaphore(%arg14 : memref<!tpu.dma_semaphore, #tpu.memory_space<semaphore_mem>>)
        } else {
        }
        "tpu.region"() ({
          %run_scoped3A_363 = tpu.sem_alloc : memref<!tpu.dma_semaphore, #tpu.memory_space<semaphore_mem>>
          %dma_start3A_364 = arith.constant 0 : i32
          %dma_start3A_365 = tpu.memref_slice %arg7[%scan3A_271, %dma_start3A_364] : memref<25x80xi32, #tpu.memory_space<vmem>> -> memref<1x80xi32, #tpu.memory_space<vmem>>
          %dma_start3A_366 = tpu.memref_squeeze %dma_start3A_365 : memref<1x80xi32, #tpu.memory_space<vmem>> -> memref<80xi32, #tpu.memory_space<vmem>>
          %dma_start3A_367 = arith.constant 0 : i32
          %dma_start3A_368 = arith.constant 0 : i32
          %dma_start3A_369 = tpu.memref_slice %arg12[%dma_start3A_367, %dma_start3A_368] : memref<10240x128xf32, #tpu.memory_space<vmem_shared>> -> memref<10240x128xf32, #tpu.memory_space<vmem_shared>>
          tpu.enqueue_indirect_dma source(%arg10 : memref<80x128xf32, #tpu.memory_space<vmem>>) target(%dma_start3A_369 : memref<10240x128xf32, #tpu.memory_space<vmem_shared>>) offsets(%dma_start3A_366 : memref<80xi32, #tpu.memory_space<vmem>>) semaphore(%run_scoped3A_363 : memref<!tpu.dma_semaphore, #tpu.memory_space<semaphore_mem>>) {add = true}
          %dma_wait3A_370 = arith.constant 0 : i32
          %dma_wait3A_371 = tpu.memref_slice %arg7[%scan3A_271, %dma_wait3A_370] : memref<25x80xi32, #tpu.memory_space<vmem>> -> memref<1x80xi32, #tpu.memory_space<vmem>>
          %dma_wait3A_372 = tpu.memref_squeeze %dma_wait3A_371 : memref<1x80xi32, #tpu.memory_space<vmem>> -> memref<80xi32, #tpu.memory_space<vmem>>
          %dma_wait3A_373 = arith.constant 0 : i32
          %dma_wait3A_374 = arith.constant 0 : i32
          %dma_wait3A_375 = tpu.memref_slice %arg12[%dma_wait3A_373, %dma_wait3A_374] : memref<10240x128xf32, #tpu.memory_space<vmem_shared>> -> memref<10240x128xf32, #tpu.memory_space<vmem_shared>>
          tpu.wait_indirect_dma semaphore(%run_scoped3A_363 : memref<!tpu.dma_semaphore, #tpu.memory_space<semaphore_mem>>) src(%arg10 : memref<80x128xf32, #tpu.memory_space<vmem>>) dst(%dma_wait3A_375 : memref<10240x128xf32, #tpu.memory_space<vmem_shared>>)
          tpu.yield
        }) : () -> ()
      } else {
      }
      %jit3A_327 = arith.constant 4 : i32
      %eq3A_328 = arith.constant 0 : i32
      %eq3A_329 = arith.cmpi eq, %jit3A_327, %eq3A_328 : i32
      %jit3A_330 = arith.constant 1 : i32
      %select_n3A_331 = arith.select %eq3A_329, %jit3A_330, %jit3A_327 : i32
      %rem3A_332 = arith.remsi %scan3A_271, %select_n3A_331 : i32
      %ne3A_333 = arith.constant 0 : i32
      %ne3A_334 = arith.cmpi ne, %rem3A_332, %ne3A_333 : i32
      %lt3A_335 = arith.constant 0 : i32
      %lt3A_336 = arith.cmpi slt, %rem3A_332, %lt3A_335 : i32
      %lt3A_337 = arith.constant 0 : i32
      %lt3A_338 = arith.cmpi slt, %select_n3A_331, %lt3A_337 : i32
      %ne3A_339 = arith.xori %lt3A_336, %lt3A_338 : i1
      %and3A_340 = arith.andi %ne3A_339, %ne3A_334 : i1
      %add3A_341 = arith.addi %rem3A_332, %select_n3A_331 : i32
      %select_n3A_342 = arith.select %and3A_340, %add3A_341, %rem3A_332 : i32
      %eq3A_343 = arith.constant 3 : i32
      %eq3A_344 = arith.cmpi eq, %select_n3A_342, %eq3A_343 : i32
      %convert_element_type3A_345 = arith.extui %eq3A_344 : i1 to i32
      %cond3A_346 = arith.constant 0 : i32
      %cond3A_347 = arith.cmpi ne, %convert_element_type3A_345, %cond3A_346 : i32
      scf.if %cond3A_347 {
        %dma_wait3A_349 = arith.constant 0 : i32
        %dma_wait3A_350 = tpu.memref_slice %arg6[%scan3A_271, %dma_wait3A_349] : memref<25x80xi32, #tpu.memory_space<vmem>> -> memref<1x80xi32, #tpu.memory_space<vmem>>
        %dma_wait3A_351 = tpu.memref_squeeze %dma_wait3A_350 : memref<1x80xi32, #tpu.memory_space<vmem>> -> memref<80xi32, #tpu.memory_space<vmem>>
        %dma_wait3A_352 = arith.constant 0 : i32
        %dma_wait3A_353 = arith.constant 0 : i32
        %dma_wait3A_354 = tpu.memref_slice %arg2[%dma_wait3A_352, %dma_wait3A_353] : memref<10000x128xf32, #tpu.memory_space<hbm>> -> memref<10000x128xf32, #tpu.memory_space<hbm>>
        tpu.wait_indirect_dma semaphore(%arg16 : memref<!tpu.dma_semaphore, #tpu.memory_space<semaphore_mem>>) src(%dma_wait3A_354 : memref<10000x128xf32, #tpu.memory_space<hbm>>) dst(%arg11 : memref<80x128xf32, #tpu.memory_space<vmem>>)
        %add3A_355 = arith.constant 4 : i32
        %add3A_356 = arith.addi %scan3A_271, %add3A_355 : i32
        %sub3A = arith.constant 1 : i32
        %sub3A_357 = arith.subi %add3A_356, %sub3A : i32
        %lt3A_358 = arith.constant 25 : i32
        %lt3A_359 = arith.cmpi slt, %sub3A_357, %lt3A_358 : i32
        %convert_element_type3A_360 = arith.extui %lt3A_359 : i1 to i32
        %cond3A_361 = arith.constant 0 : i32
        %cond3A_362 = arith.cmpi ne, %convert_element_type3A_360, %cond3A_361 : i32
        scf.if %cond3A_362 {
          %add3A_363 = arith.constant 4 : i32
          %add3A_364 = arith.addi %scan3A_271, %add3A_363 : i32
          %sub3A_365 = arith.constant 1 : i32
          %sub3A_366 = arith.subi %add3A_364, %sub3A_365 : i32
          %dma_start3A_367 = arith.constant 0 : i32
          %dma_start3A_368 = tpu.memref_slice %arg6[%sub3A_366, %dma_start3A_367] : memref<25x80xi32, #tpu.memory_space<vmem>> -> memref<1x80xi32, #tpu.memory_space<vmem>>
          %dma_start3A_369 = tpu.memref_squeeze %dma_start3A_368 : memref<1x80xi32, #tpu.memory_space<vmem>> -> memref<80xi32, #tpu.memory_space<vmem>>
          %dma_start3A_370 = arith.constant 0 : i32
          %dma_start3A_371 = arith.constant 0 : i32
          %dma_start3A_372 = tpu.memref_slice %arg2[%dma_start3A_370, %dma_start3A_371] : memref<10000x128xf32, #tpu.memory_space<hbm>> -> memref<10000x128xf32, #tpu.memory_space<hbm>>
          tpu.enqueue_indirect_dma source(%dma_start3A_372 : memref<10000x128xf32, #tpu.memory_space<hbm>>) target(%arg10 : memref<80x128xf32, #tpu.memory_space<vmem>>) offsets(%dma_start3A_369 : memref<80xi32, #tpu.memory_space<vmem>>) semaphore(%arg15 : memref<!tpu.dma_semaphore, #tpu.memory_space<semaphore_mem>>)
        } else {
        }
        "tpu.region"() ({
          %run_scoped3A_363 = tpu.sem_alloc : memref<!tpu.dma_semaphore, #tpu.memory_space<semaphore_mem>>
          %dma_start3A_364 = arith.constant 0 : i32
          %dma_start3A_365 = tpu.memref_slice %arg7[%scan3A_271, %dma_start3A_364] : memref<25x80xi32, #tpu.memory_space<vmem>> -> memref<1x80xi32, #tpu.memory_space<vmem>>
          %dma_start3A_366 = tpu.memref_squeeze %dma_start3A_365 : memref<1x80xi32, #tpu.memory_space<vmem>> -> memref<80xi32, #tpu.memory_space<vmem>>
          %dma_start3A_367 = arith.constant 0 : i32
          %dma_start3A_368 = arith.constant 0 : i32
          %dma_start3A_369 = tpu.memref_slice %arg12[%dma_start3A_367, %dma_start3A_368] : memref<10240x128xf32, #tpu.memory_space<vmem_shared>> -> memref<10240x128xf32, #tpu.memory_space<vmem_shared>>
          tpu.enqueue_indirect_dma source(%arg11 : memref<80x128xf32, #tpu.memory_space<vmem>>) target(%dma_start3A_369 : memref<10240x128xf32, #tpu.memory_space<vmem_shared>>) offsets(%dma_start3A_366 : memref<80xi32, #tpu.memory_space<vmem>>) semaphore(%run_scoped3A_363 : memref<!tpu.dma_semaphore, #tpu.memory_space<semaphore_mem>>) {add = true}
          %dma_wait3A_370 = arith.constant 0 : i32
          %dma_wait3A_371 = tpu.memref_slice %arg7[%scan3A_271, %dma_wait3A_370] : memref<25x80xi32, #tpu.memory_space<vmem>> -> memref<1x80xi32, #tpu.memory_space<vmem>>
          %dma_wait3A_372 = tpu.memref_squeeze %dma_wait3A_371 : memref<1x80xi32, #tpu.memory_space<vmem>> -> memref<80xi32, #tpu.memory_space<vmem>>
          %dma_wait3A_373 = arith.constant 0 : i32
          %dma_wait3A_374 = arith.constant 0 : i32
          %dma_wait3A_375 = tpu.memref_slice %arg12[%dma_wait3A_373, %dma_wait3A_374] : memref<10240x128xf32, #tpu.memory_space<vmem_shared>> -> memref<10240x128xf32, #tpu.memory_space<vmem_shared>>
          tpu.wait_indirect_dma semaphore(%run_scoped3A_363 : memref<!tpu.dma_semaphore, #tpu.memory_space<semaphore_mem>>) src(%arg11 : memref<80x128xf32, #tpu.memory_space<vmem>>) dst(%dma_wait3A_375 : memref<10240x128xf32, #tpu.memory_space<vmem_shared>>)
          tpu.yield
        }) : () -> ()
      } else {
      }
      %scan3A_348 = arith.constant 0 : i32
      scf.yield %scan3A_348 : i32
    }
    %scan3A_205 = arith.constant 25 : i32
    %run_scoped3A_206 = arith.constant 3 : i32
    "tpu.region"() ({
      %run_scoped3A_271 = tpu.sem_alloc : memref<!tpu.dma_semaphore, #tpu.memory_space<semaphore_mem>>
      %dma_start3A_272 = arith.constant 0 : i32
      %dma_start3A_273 = arith.constant 0 : i32
      %dma_start3A_274 = tpu.memref_slice %arg3[%add3A, %run_scoped3A_206, %dma_start3A_272, %dma_start3A_273] : memref<32x5x25x80xi32, #tpu.memory_space<hbm>> -> memref<1x1x25x80xi32, #tpu.memory_space<hbm>>
      %dma_start3A_275 = tpu.memref_squeeze %dma_start3A_274 : memref<1x1x25x80xi32, #tpu.memory_space<hbm>> -> memref<25x80xi32, #tpu.memory_space<hbm>>
      %dma_start3A_276 = arith.constant 0 : i32
      %dma_start3A_277 = arith.constant 0 : i32
      %dma_start3A_278 = tpu.memref_slice %arg3[%add3A, %run_scoped3A_206, %dma_start3A_276, %dma_start3A_277] : memref<32x5x25x80xi32, #tpu.memory_space<hbm>> -> memref<1x1x25x80xi32, #tpu.memory_space<hbm>>
      %dma_start3A_279 = tpu.memref_squeeze %dma_start3A_278 : memref<1x1x25x80xi32, #tpu.memory_space<hbm>> -> memref<25x80xi32, #tpu.memory_space<hbm>>
      tpu.enqueue_dma source(%dma_start3A_279 : memref<25x80xi32, #tpu.memory_space<hbm>>) target(%arg6 : memref<25x80xi32, #tpu.memory_space<vmem>>) target_semaphore(%run_scoped3A_271 : memref<!tpu.dma_semaphore, #tpu.memory_space<semaphore_mem>>)
      %dma_wait3A_280 = arith.constant 0 : i32
      %dma_wait3A_281 = arith.constant 0 : i32
      %dma_wait3A_282 = tpu.memref_slice %arg3[%add3A, %run_scoped3A_206, %dma_wait3A_280, %dma_wait3A_281] : memref<32x5x25x80xi32, #tpu.memory_space<hbm>> -> memref<1x1x25x80xi32, #tpu.memory_space<hbm>>
      %dma_wait3A_283 = tpu.memref_squeeze %dma_wait3A_282 : memref<1x1x25x80xi32, #tpu.memory_space<hbm>> -> memref<25x80xi32, #tpu.memory_space<hbm>>
      %dma_wait3A_284 = arith.constant 0 : i32
      %dma_wait3A_285 = arith.constant 0 : i32
      %dma_wait3A_286 = tpu.memref_slice %arg3[%add3A, %run_scoped3A_206, %dma_wait3A_284, %dma_wait3A_285] : memref<32x5x25x80xi32, #tpu.memory_space<hbm>> -> memref<1x1x25x80xi32, #tpu.memory_space<hbm>>
      %dma_wait3A_287 = tpu.memref_squeeze %dma_wait3A_286 : memref<1x1x25x80xi32, #tpu.memory_space<hbm>> -> memref<25x80xi32, #tpu.memory_space<hbm>>
      tpu.wait_dma2 semaphore(%run_scoped3A_271 : memref<!tpu.dma_semaphore, #tpu.memory_space<semaphore_mem>>) src(%dma_wait3A_287 : memref<25x80xi32, #tpu.memory_space<hbm>>) dst(%arg6 : memref<25x80xi32, #tpu.memory_space<vmem>>)
      tpu.yield
    }) : () -> ()
    %run_scoped3A_207 = arith.constant 3 : i32
    "tpu.region"() ({
      %run_scoped3A_271 = tpu.sem_alloc : memref<!tpu.dma_semaphore, #tpu.memory_space<semaphore_mem>>
      %dma_start3A_272 = arith.constant 0 : i32
      %dma_start3A_273 = arith.constant 0 : i32
      %dma_start3A_274 = tpu.memref_slice %arg4[%add3A, %run_scoped3A_207, %dma_start3A_272, %dma_start3A_273] : memref<32x5x25x80xi32, #tpu.memory_space<hbm>> -> memref<1x1x25x80xi32, #tpu.memory_space<hbm>>
      %dma_start3A_275 = tpu.memref_squeeze %dma_start3A_274 : memref<1x1x25x80xi32, #tpu.memory_space<hbm>> -> memref<25x80xi32, #tpu.memory_space<hbm>>
      %dma_start3A_276 = arith.constant 0 : i32
      %dma_start3A_277 = arith.constant 0 : i32
      %dma_start3A_278 = tpu.memref_slice %arg4[%add3A, %run_scoped3A_207, %dma_start3A_276, %dma_start3A_277] : memref<32x5x25x80xi32, #tpu.memory_space<hbm>> -> memref<1x1x25x80xi32, #tpu.memory_space<hbm>>
      %dma_start3A_279 = tpu.memref_squeeze %dma_start3A_278 : memref<1x1x25x80xi32, #tpu.memory_space<hbm>> -> memref<25x80xi32, #tpu.memory_space<hbm>>
      tpu.enqueue_dma source(%dma_start3A_279 : memref<25x80xi32, #tpu.memory_space<hbm>>) target(%arg7 : memref<25x80xi32, #tpu.memory_space<vmem>>) target_semaphore(%run_scoped3A_271 : memref<!tpu.dma_semaphore, #tpu.memory_space<semaphore_mem>>)
      %dma_wait3A_280 = arith.constant 0 : i32
      %dma_wait3A_281 = arith.constant 0 : i32
      %dma_wait3A_282 = tpu.memref_slice %arg4[%add3A, %run_scoped3A_207, %dma_wait3A_280, %dma_wait3A_281] : memref<32x5x25x80xi32, #tpu.memory_space<hbm>> -> memref<1x1x25x80xi32, #tpu.memory_space<hbm>>
      %dma_wait3A_283 = tpu.memref_squeeze %dma_wait3A_282 : memref<1x1x25x80xi32, #tpu.memory_space<hbm>> -> memref<25x80xi32, #tpu.memory_space<hbm>>
      %dma_wait3A_284 = arith.constant 0 : i32
      %dma_wait3A_285 = arith.constant 0 : i32
      %dma_wait3A_286 = tpu.memref_slice %arg4[%add3A, %run_scoped3A_207, %dma_wait3A_284, %dma_wait3A_285] : memref<32x5x25x80xi32, #tpu.memory_space<hbm>> -> memref<1x1x25x80xi32, #tpu.memory_space<hbm>>
      %dma_wait3A_287 = tpu.memref_squeeze %dma_wait3A_286 : memref<1x1x25x80xi32, #tpu.memory_space<hbm>> -> memref<25x80xi32, #tpu.memory_space<hbm>>
      tpu.wait_dma2 semaphore(%run_scoped3A_271 : memref<!tpu.dma_semaphore, #tpu.memory_space<semaphore_mem>>) src(%dma_wait3A_287 : memref<25x80xi32, #tpu.memory_space<hbm>>) dst(%arg7 : memref<25x80xi32, #tpu.memory_space<vmem>>)
      tpu.yield
    }) : () -> ()
    %dma_start3A_208 = arith.constant 0 : i32
    %dma_start3A_209 = arith.constant 0 : i32
    %dma_start3A_210 = tpu.memref_slice %arg6[%dma_start3A_208, %dma_start3A_209] : memref<25x80xi32, #tpu.memory_space<vmem>> -> memref<1x80xi32, #tpu.memory_space<vmem>>
    %dma_start3A_211 = tpu.memref_squeeze %dma_start3A_210 : memref<1x80xi32, #tpu.memory_space<vmem>> -> memref<80xi32, #tpu.memory_space<vmem>>
    %dma_start3A_212 = arith.constant 0 : i32
    %dma_start3A_213 = arith.constant 0 : i32
    %dma_start3A_214 = tpu.memref_slice %arg2[%dma_start3A_212, %dma_start3A_213] : memref<10000x128xf32, #tpu.memory_space<hbm>> -> memref<10000x128xf32, #tpu.memory_space<hbm>>
    tpu.enqueue_indirect_dma source(%dma_start3A_214 : memref<10000x128xf32, #tpu.memory_space<hbm>>) target(%arg8 : memref<80x128xf32, #tpu.memory_space<vmem>>) offsets(%dma_start3A_211 : memref<80xi32, #tpu.memory_space<vmem>>) semaphore(%arg13 : memref<!tpu.dma_semaphore, #tpu.memory_space<semaphore_mem>>)
    %dma_start3A_215 = arith.constant 1 : i32
    %dma_start3A_216 = arith.constant 0 : i32
    %dma_start3A_217 = tpu.memref_slice %arg6[%dma_start3A_215, %dma_start3A_216] : memref<25x80xi32, #tpu.memory_space<vmem>> -> memref<1x80xi32, #tpu.memory_space<vmem>>
    %dma_start3A_218 = tpu.memref_squeeze %dma_start3A_217 : memref<1x80xi32, #tpu.memory_space<vmem>> -> memref<80xi32, #tpu.memory_space<vmem>>
    %dma_start3A_219 = arith.constant 0 : i32
    %dma_start3A_220 = arith.constant 0 : i32
    %dma_start3A_221 = tpu.memref_slice %arg2[%dma_start3A_219, %dma_start3A_220] : memref<10000x128xf32, #tpu.memory_space<hbm>> -> memref<10000x128xf32, #tpu.memory_space<hbm>>
    tpu.enqueue_indirect_dma source(%dma_start3A_221 : memref<10000x128xf32, #tpu.memory_space<hbm>>) target(%arg9 : memref<80x128xf32, #tpu.memory_space<vmem>>) offsets(%dma_start3A_218 : memref<80xi32, #tpu.memory_space<vmem>>) semaphore(%arg14 : memref<!tpu.dma_semaphore, #tpu.memory_space<semaphore_mem>>)
    %dma_start3A_222 = arith.constant 2 : i32
    %dma_start3A_223 = arith.constant 0 : i32
    %dma_start3A_224 = tpu.memref_slice %arg6[%dma_start3A_222, %dma_start3A_223] : memref<25x80xi32, #tpu.memory_space<vmem>> -> memref<1x80xi32, #tpu.memory_space<vmem>>
    %dma_start3A_225 = tpu.memref_squeeze %dma_start3A_224 : memref<1x80xi32, #tpu.memory_space<vmem>> -> memref<80xi32, #tpu.memory_space<vmem>>
    %dma_start3A_226 = arith.constant 0 : i32
    %dma_start3A_227 = arith.constant 0 : i32
    %dma_start3A_228 = tpu.memref_slice %arg2[%dma_start3A_226, %dma_start3A_227] : memref<10000x128xf32, #tpu.memory_space<hbm>> -> memref<10000x128xf32, #tpu.memory_space<hbm>>
    tpu.enqueue_indirect_dma source(%dma_start3A_228 : memref<10000x128xf32, #tpu.memory_space<hbm>>) target(%arg10 : memref<80x128xf32, #tpu.memory_space<vmem>>) offsets(%dma_start3A_225 : memref<80xi32, #tpu.memory_space<vmem>>) semaphore(%arg15 : memref<!tpu.dma_semaphore, #tpu.memory_space<semaphore_mem>>)
    %scan3A_229 = arith.constant 0 : i32
    %scan3A_230 = arith.constant 0 : i32
    %scan3A_231 = arith.constant 25 : i32
    %scan3A_232 = arith.addi %scan3A_230, %scan3A_231 : i32
    %scan3A_233 = arith.constant 1 : i32
    %scan3A_234 = scf.for %scan3A_271 = %scan3A_230 to %scan3A_232 step %scan3A_233 iter_args(%scan3A_272 = %scan3A_229) -> (i32)  : i32 {
      %jit3A = arith.constant 4 : i32
      %eq3A = arith.constant 0 : i32
      %eq3A_273 = arith.cmpi eq, %jit3A, %eq3A : i32
      %jit3A_274 = arith.constant 1 : i32
      %select_n3A = arith.select %eq3A_273, %jit3A_274, %jit3A : i32
      %rem3A = arith.remsi %scan3A_271, %select_n3A : i32
      %ne3A = arith.constant 0 : i32
      %ne3A_275 = arith.cmpi ne, %rem3A, %ne3A : i32
      %lt3A = arith.constant 0 : i32
      %lt3A_276 = arith.cmpi slt, %rem3A, %lt3A : i32
      %lt3A_277 = arith.constant 0 : i32
      %lt3A_278 = arith.cmpi slt, %select_n3A, %lt3A_277 : i32
      %ne3A_279 = arith.xori %lt3A_276, %lt3A_278 : i1
      %and3A = arith.andi %ne3A_279, %ne3A_275 : i1
      %add3A_280 = arith.addi %rem3A, %select_n3A : i32
      %select_n3A_281 = arith.select %and3A, %add3A_280, %rem3A : i32
      %eq3A_282 = arith.constant 0 : i32
      %eq3A_283 = arith.cmpi eq, %select_n3A_281, %eq3A_282 : i32
      %convert_element_type3A = arith.extui %eq3A_283 : i1 to i32
      %cond3A = arith.constant 0 : i32
      %cond3A_284 = arith.cmpi ne, %convert_element_type3A, %cond3A : i32
      scf.if %cond3A_284 {
        %dma_wait3A_349 = arith.constant 0 : i32
        %dma_wait3A_350 = tpu.memref_slice %arg6[%scan3A_271, %dma_wait3A_349] : memref<25x80xi32, #tpu.memory_space<vmem>> -> memref<1x80xi32, #tpu.memory_space<vmem>>
        %dma_wait3A_351 = tpu.memref_squeeze %dma_wait3A_350 : memref<1x80xi32, #tpu.memory_space<vmem>> -> memref<80xi32, #tpu.memory_space<vmem>>
        %dma_wait3A_352 = arith.constant 0 : i32
        %dma_wait3A_353 = arith.constant 0 : i32
        %dma_wait3A_354 = tpu.memref_slice %arg2[%dma_wait3A_352, %dma_wait3A_353] : memref<10000x128xf32, #tpu.memory_space<hbm>> -> memref<10000x128xf32, #tpu.memory_space<hbm>>
        tpu.wait_indirect_dma semaphore(%arg13 : memref<!tpu.dma_semaphore, #tpu.memory_space<semaphore_mem>>) src(%dma_wait3A_354 : memref<10000x128xf32, #tpu.memory_space<hbm>>) dst(%arg8 : memref<80x128xf32, #tpu.memory_space<vmem>>)
        %add3A_355 = arith.constant 4 : i32
        %add3A_356 = arith.addi %scan3A_271, %add3A_355 : i32
        %sub3A = arith.constant 1 : i32
        %sub3A_357 = arith.subi %add3A_356, %sub3A : i32
        %lt3A_358 = arith.constant 25 : i32
        %lt3A_359 = arith.cmpi slt, %sub3A_357, %lt3A_358 : i32
        %convert_element_type3A_360 = arith.extui %lt3A_359 : i1 to i32
        %cond3A_361 = arith.constant 0 : i32
        %cond3A_362 = arith.cmpi ne, %convert_element_type3A_360, %cond3A_361 : i32
        scf.if %cond3A_362 {
          %add3A_363 = arith.constant 4 : i32
          %add3A_364 = arith.addi %scan3A_271, %add3A_363 : i32
          %sub3A_365 = arith.constant 1 : i32
          %sub3A_366 = arith.subi %add3A_364, %sub3A_365 : i32
          %dma_start3A_367 = arith.constant 0 : i32
          %dma_start3A_368 = tpu.memref_slice %arg6[%sub3A_366, %dma_start3A_367] : memref<25x80xi32, #tpu.memory_space<vmem>> -> memref<1x80xi32, #tpu.memory_space<vmem>>
          %dma_start3A_369 = tpu.memref_squeeze %dma_start3A_368 : memref<1x80xi32, #tpu.memory_space<vmem>> -> memref<80xi32, #tpu.memory_space<vmem>>
          %dma_start3A_370 = arith.constant 0 : i32
          %dma_start3A_371 = arith.constant 0 : i32
          %dma_start3A_372 = tpu.memref_slice %arg2[%dma_start3A_370, %dma_start3A_371] : memref<10000x128xf32, #tpu.memory_space<hbm>> -> memref<10000x128xf32, #tpu.memory_space<hbm>>
          tpu.enqueue_indirect_dma source(%dma_start3A_372 : memref<10000x128xf32, #tpu.memory_space<hbm>>) target(%arg11 : memref<80x128xf32, #tpu.memory_space<vmem>>) offsets(%dma_start3A_369 : memref<80xi32, #tpu.memory_space<vmem>>) semaphore(%arg16 : memref<!tpu.dma_semaphore, #tpu.memory_space<semaphore_mem>>)
        } else {
        }
        "tpu.region"() ({
          %run_scoped3A_363 = tpu.sem_alloc : memref<!tpu.dma_semaphore, #tpu.memory_space<semaphore_mem>>
          %dma_start3A_364 = arith.constant 0 : i32
          %dma_start3A_365 = tpu.memref_slice %arg7[%scan3A_271, %dma_start3A_364] : memref<25x80xi32, #tpu.memory_space<vmem>> -> memref<1x80xi32, #tpu.memory_space<vmem>>
          %dma_start3A_366 = tpu.memref_squeeze %dma_start3A_365 : memref<1x80xi32, #tpu.memory_space<vmem>> -> memref<80xi32, #tpu.memory_space<vmem>>
          %dma_start3A_367 = arith.constant 0 : i32
          %dma_start3A_368 = arith.constant 0 : i32
          %dma_start3A_369 = tpu.memref_slice %arg12[%dma_start3A_367, %dma_start3A_368] : memref<10240x128xf32, #tpu.memory_space<vmem_shared>> -> memref<10240x128xf32, #tpu.memory_space<vmem_shared>>
          tpu.enqueue_indirect_dma source(%arg8 : memref<80x128xf32, #tpu.memory_space<vmem>>) target(%dma_start3A_369 : memref<10240x128xf32, #tpu.memory_space<vmem_shared>>) offsets(%dma_start3A_366 : memref<80xi32, #tpu.memory_space<vmem>>) semaphore(%run_scoped3A_363 : memref<!tpu.dma_semaphore, #tpu.memory_space<semaphore_mem>>) {add = true}
          %dma_wait3A_370 = arith.constant 0 : i32
          %dma_wait3A_371 = tpu.memref_slice %arg7[%scan3A_271, %dma_wait3A_370] : memref<25x80xi32, #tpu.memory_space<vmem>> -> memref<1x80xi32, #tpu.memory_space<vmem>>
          %dma_wait3A_372 = tpu.memref_squeeze %dma_wait3A_371 : memref<1x80xi32, #tpu.memory_space<vmem>> -> memref<80xi32, #tpu.memory_space<vmem>>
          %dma_wait3A_373 = arith.constant 0 : i32
          %dma_wait3A_374 = arith.constant 0 : i32
          %dma_wait3A_375 = tpu.memref_slice %arg12[%dma_wait3A_373, %dma_wait3A_374] : memref<10240x128xf32, #tpu.memory_space<vmem_shared>> -> memref<10240x128xf32, #tpu.memory_space<vmem_shared>>
          tpu.wait_indirect_dma semaphore(%run_scoped3A_363 : memref<!tpu.dma_semaphore, #tpu.memory_space<semaphore_mem>>) src(%arg8 : memref<80x128xf32, #tpu.memory_space<vmem>>) dst(%dma_wait3A_375 : memref<10240x128xf32, #tpu.memory_space<vmem_shared>>)
          tpu.yield
        }) : () -> ()
      } else {
      }
      %jit3A_285 = arith.constant 4 : i32
      %eq3A_286 = arith.constant 0 : i32
      %eq3A_287 = arith.cmpi eq, %jit3A_285, %eq3A_286 : i32
      %jit3A_288 = arith.constant 1 : i32
      %select_n3A_289 = arith.select %eq3A_287, %jit3A_288, %jit3A_285 : i32
      %rem3A_290 = arith.remsi %scan3A_271, %select_n3A_289 : i32
      %ne3A_291 = arith.constant 0 : i32
      %ne3A_292 = arith.cmpi ne, %rem3A_290, %ne3A_291 : i32
      %lt3A_293 = arith.constant 0 : i32
      %lt3A_294 = arith.cmpi slt, %rem3A_290, %lt3A_293 : i32
      %lt3A_295 = arith.constant 0 : i32
      %lt3A_296 = arith.cmpi slt, %select_n3A_289, %lt3A_295 : i32
      %ne3A_297 = arith.xori %lt3A_294, %lt3A_296 : i1
      %and3A_298 = arith.andi %ne3A_297, %ne3A_292 : i1
      %add3A_299 = arith.addi %rem3A_290, %select_n3A_289 : i32
      %select_n3A_300 = arith.select %and3A_298, %add3A_299, %rem3A_290 : i32
      %eq3A_301 = arith.constant 1 : i32
      %eq3A_302 = arith.cmpi eq, %select_n3A_300, %eq3A_301 : i32
      %convert_element_type3A_303 = arith.extui %eq3A_302 : i1 to i32
      %cond3A_304 = arith.constant 0 : i32
      %cond3A_305 = arith.cmpi ne, %convert_element_type3A_303, %cond3A_304 : i32
      scf.if %cond3A_305 {
        %dma_wait3A_349 = arith.constant 0 : i32
        %dma_wait3A_350 = tpu.memref_slice %arg6[%scan3A_271, %dma_wait3A_349] : memref<25x80xi32, #tpu.memory_space<vmem>> -> memref<1x80xi32, #tpu.memory_space<vmem>>
        %dma_wait3A_351 = tpu.memref_squeeze %dma_wait3A_350 : memref<1x80xi32, #tpu.memory_space<vmem>> -> memref<80xi32, #tpu.memory_space<vmem>>
        %dma_wait3A_352 = arith.constant 0 : i32
        %dma_wait3A_353 = arith.constant 0 : i32
        %dma_wait3A_354 = tpu.memref_slice %arg2[%dma_wait3A_352, %dma_wait3A_353] : memref<10000x128xf32, #tpu.memory_space<hbm>> -> memref<10000x128xf32, #tpu.memory_space<hbm>>
        tpu.wait_indirect_dma semaphore(%arg14 : memref<!tpu.dma_semaphore, #tpu.memory_space<semaphore_mem>>) src(%dma_wait3A_354 : memref<10000x128xf32, #tpu.memory_space<hbm>>) dst(%arg9 : memref<80x128xf32, #tpu.memory_space<vmem>>)
        %add3A_355 = arith.constant 4 : i32
        %add3A_356 = arith.addi %scan3A_271, %add3A_355 : i32
        %sub3A = arith.constant 1 : i32
        %sub3A_357 = arith.subi %add3A_356, %sub3A : i32
        %lt3A_358 = arith.constant 25 : i32
        %lt3A_359 = arith.cmpi slt, %sub3A_357, %lt3A_358 : i32
        %convert_element_type3A_360 = arith.extui %lt3A_359 : i1 to i32
        %cond3A_361 = arith.constant 0 : i32
        %cond3A_362 = arith.cmpi ne, %convert_element_type3A_360, %cond3A_361 : i32
        scf.if %cond3A_362 {
          %add3A_363 = arith.constant 4 : i32
          %add3A_364 = arith.addi %scan3A_271, %add3A_363 : i32
          %sub3A_365 = arith.constant 1 : i32
          %sub3A_366 = arith.subi %add3A_364, %sub3A_365 : i32
          %dma_start3A_367 = arith.constant 0 : i32
          %dma_start3A_368 = tpu.memref_slice %arg6[%sub3A_366, %dma_start3A_367] : memref<25x80xi32, #tpu.memory_space<vmem>> -> memref<1x80xi32, #tpu.memory_space<vmem>>
          %dma_start3A_369 = tpu.memref_squeeze %dma_start3A_368 : memref<1x80xi32, #tpu.memory_space<vmem>> -> memref<80xi32, #tpu.memory_space<vmem>>
          %dma_start3A_370 = arith.constant 0 : i32
          %dma_start3A_371 = arith.constant 0 : i32
          %dma_start3A_372 = tpu.memref_slice %arg2[%dma_start3A_370, %dma_start3A_371] : memref<10000x128xf32, #tpu.memory_space<hbm>> -> memref<10000x128xf32, #tpu.memory_space<hbm>>
          tpu.enqueue_indirect_dma source(%dma_start3A_372 : memref<10000x128xf32, #tpu.memory_space<hbm>>) target(%arg8 : memref<80x128xf32, #tpu.memory_space<vmem>>) offsets(%dma_start3A_369 : memref<80xi32, #tpu.memory_space<vmem>>) semaphore(%arg13 : memref<!tpu.dma_semaphore, #tpu.memory_space<semaphore_mem>>)
        } else {
        }
        "tpu.region"() ({
          %run_scoped3A_363 = tpu.sem_alloc : memref<!tpu.dma_semaphore, #tpu.memory_space<semaphore_mem>>
          %dma_start3A_364 = arith.constant 0 : i32
          %dma_start3A_365 = tpu.memref_slice %arg7[%scan3A_271, %dma_start3A_364] : memref<25x80xi32, #tpu.memory_space<vmem>> -> memref<1x80xi32, #tpu.memory_space<vmem>>
          %dma_start3A_366 = tpu.memref_squeeze %dma_start3A_365 : memref<1x80xi32, #tpu.memory_space<vmem>> -> memref<80xi32, #tpu.memory_space<vmem>>
          %dma_start3A_367 = arith.constant 0 : i32
          %dma_start3A_368 = arith.constant 0 : i32
          %dma_start3A_369 = tpu.memref_slice %arg12[%dma_start3A_367, %dma_start3A_368] : memref<10240x128xf32, #tpu.memory_space<vmem_shared>> -> memref<10240x128xf32, #tpu.memory_space<vmem_shared>>
          tpu.enqueue_indirect_dma source(%arg9 : memref<80x128xf32, #tpu.memory_space<vmem>>) target(%dma_start3A_369 : memref<10240x128xf32, #tpu.memory_space<vmem_shared>>) offsets(%dma_start3A_366 : memref<80xi32, #tpu.memory_space<vmem>>) semaphore(%run_scoped3A_363 : memref<!tpu.dma_semaphore, #tpu.memory_space<semaphore_mem>>) {add = true}
          %dma_wait3A_370 = arith.constant 0 : i32
          %dma_wait3A_371 = tpu.memref_slice %arg7[%scan3A_271, %dma_wait3A_370] : memref<25x80xi32, #tpu.memory_space<vmem>> -> memref<1x80xi32, #tpu.memory_space<vmem>>
          %dma_wait3A_372 = tpu.memref_squeeze %dma_wait3A_371 : memref<1x80xi32, #tpu.memory_space<vmem>> -> memref<80xi32, #tpu.memory_space<vmem>>
          %dma_wait3A_373 = arith.constant 0 : i32
          %dma_wait3A_374 = arith.constant 0 : i32
          %dma_wait3A_375 = tpu.memref_slice %arg12[%dma_wait3A_373, %dma_wait3A_374] : memref<10240x128xf32, #tpu.memory_space<vmem_shared>> -> memref<10240x128xf32, #tpu.memory_space<vmem_shared>>
          tpu.wait_indirect_dma semaphore(%run_scoped3A_363 : memref<!tpu.dma_semaphore, #tpu.memory_space<semaphore_mem>>) src(%arg9 : memref<80x128xf32, #tpu.memory_space<vmem>>) dst(%dma_wait3A_375 : memref<10240x128xf32, #tpu.memory_space<vmem_shared>>)
          tpu.yield
        }) : () -> ()
      } else {
      }
      %jit3A_306 = arith.constant 4 : i32
      %eq3A_307 = arith.constant 0 : i32
      %eq3A_308 = arith.cmpi eq, %jit3A_306, %eq3A_307 : i32
      %jit3A_309 = arith.constant 1 : i32
      %select_n3A_310 = arith.select %eq3A_308, %jit3A_309, %jit3A_306 : i32
      %rem3A_311 = arith.remsi %scan3A_271, %select_n3A_310 : i32
      %ne3A_312 = arith.constant 0 : i32
      %ne3A_313 = arith.cmpi ne, %rem3A_311, %ne3A_312 : i32
      %lt3A_314 = arith.constant 0 : i32
      %lt3A_315 = arith.cmpi slt, %rem3A_311, %lt3A_314 : i32
      %lt3A_316 = arith.constant 0 : i32
      %lt3A_317 = arith.cmpi slt, %select_n3A_310, %lt3A_316 : i32
      %ne3A_318 = arith.xori %lt3A_315, %lt3A_317 : i1
      %and3A_319 = arith.andi %ne3A_318, %ne3A_313 : i1
      %add3A_320 = arith.addi %rem3A_311, %select_n3A_310 : i32
      %select_n3A_321 = arith.select %and3A_319, %add3A_320, %rem3A_311 : i32
      %eq3A_322 = arith.constant 2 : i32
      %eq3A_323 = arith.cmpi eq, %select_n3A_321, %eq3A_322 : i32
      %convert_element_type3A_324 = arith.extui %eq3A_323 : i1 to i32
      %cond3A_325 = arith.constant 0 : i32
      %cond3A_326 = arith.cmpi ne, %convert_element_type3A_324, %cond3A_325 : i32
      scf.if %cond3A_326 {
        %dma_wait3A_349 = arith.constant 0 : i32
        %dma_wait3A_350 = tpu.memref_slice %arg6[%scan3A_271, %dma_wait3A_349] : memref<25x80xi32, #tpu.memory_space<vmem>> -> memref<1x80xi32, #tpu.memory_space<vmem>>
        %dma_wait3A_351 = tpu.memref_squeeze %dma_wait3A_350 : memref<1x80xi32, #tpu.memory_space<vmem>> -> memref<80xi32, #tpu.memory_space<vmem>>
        %dma_wait3A_352 = arith.constant 0 : i32
        %dma_wait3A_353 = arith.constant 0 : i32
        %dma_wait3A_354 = tpu.memref_slice %arg2[%dma_wait3A_352, %dma_wait3A_353] : memref<10000x128xf32, #tpu.memory_space<hbm>> -> memref<10000x128xf32, #tpu.memory_space<hbm>>
        tpu.wait_indirect_dma semaphore(%arg15 : memref<!tpu.dma_semaphore, #tpu.memory_space<semaphore_mem>>) src(%dma_wait3A_354 : memref<10000x128xf32, #tpu.memory_space<hbm>>) dst(%arg10 : memref<80x128xf32, #tpu.memory_space<vmem>>)
        %add3A_355 = arith.constant 4 : i32
        %add3A_356 = arith.addi %scan3A_271, %add3A_355 : i32
        %sub3A = arith.constant 1 : i32
        %sub3A_357 = arith.subi %add3A_356, %sub3A : i32
        %lt3A_358 = arith.constant 25 : i32
        %lt3A_359 = arith.cmpi slt, %sub3A_357, %lt3A_358 : i32
        %convert_element_type3A_360 = arith.extui %lt3A_359 : i1 to i32
        %cond3A_361 = arith.constant 0 : i32
        %cond3A_362 = arith.cmpi ne, %convert_element_type3A_360, %cond3A_361 : i32
        scf.if %cond3A_362 {
          %add3A_363 = arith.constant 4 : i32
          %add3A_364 = arith.addi %scan3A_271, %add3A_363 : i32
          %sub3A_365 = arith.constant 1 : i32
          %sub3A_366 = arith.subi %add3A_364, %sub3A_365 : i32
          %dma_start3A_367 = arith.constant 0 : i32
          %dma_start3A_368 = tpu.memref_slice %arg6[%sub3A_366, %dma_start3A_367] : memref<25x80xi32, #tpu.memory_space<vmem>> -> memref<1x80xi32, #tpu.memory_space<vmem>>
          %dma_start3A_369 = tpu.memref_squeeze %dma_start3A_368 : memref<1x80xi32, #tpu.memory_space<vmem>> -> memref<80xi32, #tpu.memory_space<vmem>>
          %dma_start3A_370 = arith.constant 0 : i32
          %dma_start3A_371 = arith.constant 0 : i32
          %dma_start3A_372 = tpu.memref_slice %arg2[%dma_start3A_370, %dma_start3A_371] : memref<10000x128xf32, #tpu.memory_space<hbm>> -> memref<10000x128xf32, #tpu.memory_space<hbm>>
          tpu.enqueue_indirect_dma source(%dma_start3A_372 : memref<10000x128xf32, #tpu.memory_space<hbm>>) target(%arg9 : memref<80x128xf32, #tpu.memory_space<vmem>>) offsets(%dma_start3A_369 : memref<80xi32, #tpu.memory_space<vmem>>) semaphore(%arg14 : memref<!tpu.dma_semaphore, #tpu.memory_space<semaphore_mem>>)
        } else {
        }
        "tpu.region"() ({
          %run_scoped3A_363 = tpu.sem_alloc : memref<!tpu.dma_semaphore, #tpu.memory_space<semaphore_mem>>
          %dma_start3A_364 = arith.constant 0 : i32
          %dma_start3A_365 = tpu.memref_slice %arg7[%scan3A_271, %dma_start3A_364] : memref<25x80xi32, #tpu.memory_space<vmem>> -> memref<1x80xi32, #tpu.memory_space<vmem>>
          %dma_start3A_366 = tpu.memref_squeeze %dma_start3A_365 : memref<1x80xi32, #tpu.memory_space<vmem>> -> memref<80xi32, #tpu.memory_space<vmem>>
          %dma_start3A_367 = arith.constant 0 : i32
          %dma_start3A_368 = arith.constant 0 : i32
          %dma_start3A_369 = tpu.memref_slice %arg12[%dma_start3A_367, %dma_start3A_368] : memref<10240x128xf32, #tpu.memory_space<vmem_shared>> -> memref<10240x128xf32, #tpu.memory_space<vmem_shared>>
          tpu.enqueue_indirect_dma source(%arg10 : memref<80x128xf32, #tpu.memory_space<vmem>>) target(%dma_start3A_369 : memref<10240x128xf32, #tpu.memory_space<vmem_shared>>) offsets(%dma_start3A_366 : memref<80xi32, #tpu.memory_space<vmem>>) semaphore(%run_scoped3A_363 : memref<!tpu.dma_semaphore, #tpu.memory_space<semaphore_mem>>) {add = true}
          %dma_wait3A_370 = arith.constant 0 : i32
          %dma_wait3A_371 = tpu.memref_slice %arg7[%scan3A_271, %dma_wait3A_370] : memref<25x80xi32, #tpu.memory_space<vmem>> -> memref<1x80xi32, #tpu.memory_space<vmem>>
          %dma_wait3A_372 = tpu.memref_squeeze %dma_wait3A_371 : memref<1x80xi32, #tpu.memory_space<vmem>> -> memref<80xi32, #tpu.memory_space<vmem>>
          %dma_wait3A_373 = arith.constant 0 : i32
          %dma_wait3A_374 = arith.constant 0 : i32
          %dma_wait3A_375 = tpu.memref_slice %arg12[%dma_wait3A_373, %dma_wait3A_374] : memref<10240x128xf32, #tpu.memory_space<vmem_shared>> -> memref<10240x128xf32, #tpu.memory_space<vmem_shared>>
          tpu.wait_indirect_dma semaphore(%run_scoped3A_363 : memref<!tpu.dma_semaphore, #tpu.memory_space<semaphore_mem>>) src(%arg10 : memref<80x128xf32, #tpu.memory_space<vmem>>) dst(%dma_wait3A_375 : memref<10240x128xf32, #tpu.memory_space<vmem_shared>>)
          tpu.yield
        }) : () -> ()
      } else {
      }
      %jit3A_327 = arith.constant 4 : i32
      %eq3A_328 = arith.constant 0 : i32
      %eq3A_329 = arith.cmpi eq, %jit3A_327, %eq3A_328 : i32
      %jit3A_330 = arith.constant 1 : i32
      %select_n3A_331 = arith.select %eq3A_329, %jit3A_330, %jit3A_327 : i32
      %rem3A_332 = arith.remsi %scan3A_271, %select_n3A_331 : i32
      %ne3A_333 = arith.constant 0 : i32
      %ne3A_334 = arith.cmpi ne, %rem3A_332, %ne3A_333 : i32
      %lt3A_335 = arith.constant 0 : i32
      %lt3A_336 = arith.cmpi slt, %rem3A_332, %lt3A_335 : i32
      %lt3A_337 = arith.constant 0 : i32
      %lt3A_338 = arith.cmpi slt, %select_n3A_331, %lt3A_337 : i32
      %ne3A_339 = arith.xori %lt3A_336, %lt3A_338 : i1
      %and3A_340 = arith.andi %ne3A_339, %ne3A_334 : i1
      %add3A_341 = arith.addi %rem3A_332, %select_n3A_331 : i32
      %select_n3A_342 = arith.select %and3A_340, %add3A_341, %rem3A_332 : i32
      %eq3A_343 = arith.constant 3 : i32
      %eq3A_344 = arith.cmpi eq, %select_n3A_342, %eq3A_343 : i32
      %convert_element_type3A_345 = arith.extui %eq3A_344 : i1 to i32
      %cond3A_346 = arith.constant 0 : i32
      %cond3A_347 = arith.cmpi ne, %convert_element_type3A_345, %cond3A_346 : i32
      scf.if %cond3A_347 {
        %dma_wait3A_349 = arith.constant 0 : i32
        %dma_wait3A_350 = tpu.memref_slice %arg6[%scan3A_271, %dma_wait3A_349] : memref<25x80xi32, #tpu.memory_space<vmem>> -> memref<1x80xi32, #tpu.memory_space<vmem>>
        %dma_wait3A_351 = tpu.memref_squeeze %dma_wait3A_350 : memref<1x80xi32, #tpu.memory_space<vmem>> -> memref<80xi32, #tpu.memory_space<vmem>>
        %dma_wait3A_352 = arith.constant 0 : i32
        %dma_wait3A_353 = arith.constant 0 : i32
        %dma_wait3A_354 = tpu.memref_slice %arg2[%dma_wait3A_352, %dma_wait3A_353] : memref<10000x128xf32, #tpu.memory_space<hbm>> -> memref<10000x128xf32, #tpu.memory_space<hbm>>
        tpu.wait_indirect_dma semaphore(%arg16 : memref<!tpu.dma_semaphore, #tpu.memory_space<semaphore_mem>>) src(%dma_wait3A_354 : memref<10000x128xf32, #tpu.memory_space<hbm>>) dst(%arg11 : memref<80x128xf32, #tpu.memory_space<vmem>>)
        %add3A_355 = arith.constant 4 : i32
        %add3A_356 = arith.addi %scan3A_271, %add3A_355 : i32
        %sub3A = arith.constant 1 : i32
        %sub3A_357 = arith.subi %add3A_356, %sub3A : i32
        %lt3A_358 = arith.constant 25 : i32
        %lt3A_359 = arith.cmpi slt, %sub3A_357, %lt3A_358 : i32
        %convert_element_type3A_360 = arith.extui %lt3A_359 : i1 to i32
        %cond3A_361 = arith.constant 0 : i32
        %cond3A_362 = arith.cmpi ne, %convert_element_type3A_360, %cond3A_361 : i32
        scf.if %cond3A_362 {
          %add3A_363 = arith.constant 4 : i32
          %add3A_364 = arith.addi %scan3A_271, %add3A_363 : i32
          %sub3A_365 = arith.constant 1 : i32
          %sub3A_366 = arith.subi %add3A_364, %sub3A_365 : i32
          %dma_start3A_367 = arith.constant 0 : i32
          %dma_start3A_368 = tpu.memref_slice %arg6[%sub3A_366, %dma_start3A_367] : memref<25x80xi32, #tpu.memory_space<vmem>> -> memref<1x80xi32, #tpu.memory_space<vmem>>
          %dma_start3A_369 = tpu.memref_squeeze %dma_start3A_368 : memref<1x80xi32, #tpu.memory_space<vmem>> -> memref<80xi32, #tpu.memory_space<vmem>>
          %dma_start3A_370 = arith.constant 0 : i32
          %dma_start3A_371 = arith.constant 0 : i32
          %dma_start3A_372 = tpu.memref_slice %arg2[%dma_start3A_370, %dma_start3A_371] : memref<10000x128xf32, #tpu.memory_space<hbm>> -> memref<10000x128xf32, #tpu.memory_space<hbm>>
          tpu.enqueue_indirect_dma source(%dma_start3A_372 : memref<10000x128xf32, #tpu.memory_space<hbm>>) target(%arg10 : memref<80x128xf32, #tpu.memory_space<vmem>>) offsets(%dma_start3A_369 : memref<80xi32, #tpu.memory_space<vmem>>) semaphore(%arg15 : memref<!tpu.dma_semaphore, #tpu.memory_space<semaphore_mem>>)
        } else {
        }
        "tpu.region"() ({
          %run_scoped3A_363 = tpu.sem_alloc : memref<!tpu.dma_semaphore, #tpu.memory_space<semaphore_mem>>
          %dma_start3A_364 = arith.constant 0 : i32
          %dma_start3A_365 = tpu.memref_slice %arg7[%scan3A_271, %dma_start3A_364] : memref<25x80xi32, #tpu.memory_space<vmem>> -> memref<1x80xi32, #tpu.memory_space<vmem>>
          %dma_start3A_366 = tpu.memref_squeeze %dma_start3A_365 : memref<1x80xi32, #tpu.memory_space<vmem>> -> memref<80xi32, #tpu.memory_space<vmem>>
          %dma_start3A_367 = arith.constant 0 : i32
          %dma_start3A_368 = arith.constant 0 : i32
          %dma_start3A_369 = tpu.memref_slice %arg12[%dma_start3A_367, %dma_start3A_368] : memref<10240x128xf32, #tpu.memory_space<vmem_shared>> -> memref<10240x128xf32, #tpu.memory_space<vmem_shared>>
          tpu.enqueue_indirect_dma source(%arg11 : memref<80x128xf32, #tpu.memory_space<vmem>>) target(%dma_start3A_369 : memref<10240x128xf32, #tpu.memory_space<vmem_shared>>) offsets(%dma_start3A_366 : memref<80xi32, #tpu.memory_space<vmem>>) semaphore(%run_scoped3A_363 : memref<!tpu.dma_semaphore, #tpu.memory_space<semaphore_mem>>) {add = true}
          %dma_wait3A_370 = arith.constant 0 : i32
          %dma_wait3A_371 = tpu.memref_slice %arg7[%scan3A_271, %dma_wait3A_370] : memref<25x80xi32, #tpu.memory_space<vmem>> -> memref<1x80xi32, #tpu.memory_space<vmem>>
          %dma_wait3A_372 = tpu.memref_squeeze %dma_wait3A_371 : memref<1x80xi32, #tpu.memory_space<vmem>> -> memref<80xi32, #tpu.memory_space<vmem>>
          %dma_wait3A_373 = arith.constant 0 : i32
          %dma_wait3A_374 = arith.constant 0 : i32
          %dma_wait3A_375 = tpu.memref_slice %arg12[%dma_wait3A_373, %dma_wait3A_374] : memref<10240x128xf32, #tpu.memory_space<vmem_shared>> -> memref<10240x128xf32, #tpu.memory_space<vmem_shared>>
          tpu.wait_indirect_dma semaphore(%run_scoped3A_363 : memref<!tpu.dma_semaphore, #tpu.memory_space<semaphore_mem>>) src(%arg11 : memref<80x128xf32, #tpu.memory_space<vmem>>) dst(%dma_wait3A_375 : memref<10240x128xf32, #tpu.memory_space<vmem_shared>>)
          tpu.yield
        }) : () -> ()
      } else {
      }
      %scan3A_348 = arith.constant 0 : i32
      scf.yield %scan3A_348 : i32
    }
    %scan3A_235 = arith.constant 25 : i32
    %run_scoped3A_236 = arith.constant 4 : i32
    "tpu.region"() ({
      %run_scoped3A_271 = tpu.sem_alloc : memref<!tpu.dma_semaphore, #tpu.memory_space<semaphore_mem>>
      %dma_start3A_272 = arith.constant 0 : i32
      %dma_start3A_273 = arith.constant 0 : i32
      %dma_start3A_274 = tpu.memref_slice %arg3[%add3A, %run_scoped3A_236, %dma_start3A_272, %dma_start3A_273] : memref<32x5x25x80xi32, #tpu.memory_space<hbm>> -> memref<1x1x25x80xi32, #tpu.memory_space<hbm>>
      %dma_start3A_275 = tpu.memref_squeeze %dma_start3A_274 : memref<1x1x25x80xi32, #tpu.memory_space<hbm>> -> memref<25x80xi32, #tpu.memory_space<hbm>>
      %dma_start3A_276 = arith.constant 0 : i32
      %dma_start3A_277 = arith.constant 0 : i32
      %dma_start3A_278 = tpu.memref_slice %arg3[%add3A, %run_scoped3A_236, %dma_start3A_276, %dma_start3A_277] : memref<32x5x25x80xi32, #tpu.memory_space<hbm>> -> memref<1x1x25x80xi32, #tpu.memory_space<hbm>>
      %dma_start3A_279 = tpu.memref_squeeze %dma_start3A_278 : memref<1x1x25x80xi32, #tpu.memory_space<hbm>> -> memref<25x80xi32, #tpu.memory_space<hbm>>
      tpu.enqueue_dma source(%dma_start3A_279 : memref<25x80xi32, #tpu.memory_space<hbm>>) target(%arg6 : memref<25x80xi32, #tpu.memory_space<vmem>>) target_semaphore(%run_scoped3A_271 : memref<!tpu.dma_semaphore, #tpu.memory_space<semaphore_mem>>)
      %dma_wait3A_280 = arith.constant 0 : i32
      %dma_wait3A_281 = arith.constant 0 : i32
      %dma_wait3A_282 = tpu.memref_slice %arg3[%add3A, %run_scoped3A_236, %dma_wait3A_280, %dma_wait3A_281] : memref<32x5x25x80xi32, #tpu.memory_space<hbm>> -> memref<1x1x25x80xi32, #tpu.memory_space<hbm>>
      %dma_wait3A_283 = tpu.memref_squeeze %dma_wait3A_282 : memref<1x1x25x80xi32, #tpu.memory_space<hbm>> -> memref<25x80xi32, #tpu.memory_space<hbm>>
      %dma_wait3A_284 = arith.constant 0 : i32
      %dma_wait3A_285 = arith.constant 0 : i32
      %dma_wait3A_286 = tpu.memref_slice %arg3[%add3A, %run_scoped3A_236, %dma_wait3A_284, %dma_wait3A_285] : memref<32x5x25x80xi32, #tpu.memory_space<hbm>> -> memref<1x1x25x80xi32, #tpu.memory_space<hbm>>
      %dma_wait3A_287 = tpu.memref_squeeze %dma_wait3A_286 : memref<1x1x25x80xi32, #tpu.memory_space<hbm>> -> memref<25x80xi32, #tpu.memory_space<hbm>>
      tpu.wait_dma2 semaphore(%run_scoped3A_271 : memref<!tpu.dma_semaphore, #tpu.memory_space<semaphore_mem>>) src(%dma_wait3A_287 : memref<25x80xi32, #tpu.memory_space<hbm>>) dst(%arg6 : memref<25x80xi32, #tpu.memory_space<vmem>>)
      tpu.yield
    }) : () -> ()
    %run_scoped3A_237 = arith.constant 4 : i32
    "tpu.region"() ({
      %run_scoped3A_271 = tpu.sem_alloc : memref<!tpu.dma_semaphore, #tpu.memory_space<semaphore_mem>>
      %dma_start3A_272 = arith.constant 0 : i32
      %dma_start3A_273 = arith.constant 0 : i32
      %dma_start3A_274 = tpu.memref_slice %arg4[%add3A, %run_scoped3A_237, %dma_start3A_272, %dma_start3A_273] : memref<32x5x25x80xi32, #tpu.memory_space<hbm>> -> memref<1x1x25x80xi32, #tpu.memory_space<hbm>>
      %dma_start3A_275 = tpu.memref_squeeze %dma_start3A_274 : memref<1x1x25x80xi32, #tpu.memory_space<hbm>> -> memref<25x80xi32, #tpu.memory_space<hbm>>
      %dma_start3A_276 = arith.constant 0 : i32
      %dma_start3A_277 = arith.constant 0 : i32
      %dma_start3A_278 = tpu.memref_slice %arg4[%add3A, %run_scoped3A_237, %dma_start3A_276, %dma_start3A_277] : memref<32x5x25x80xi32, #tpu.memory_space<hbm>> -> memref<1x1x25x80xi32, #tpu.memory_space<hbm>>
      %dma_start3A_279 = tpu.memref_squeeze %dma_start3A_278 : memref<1x1x25x80xi32, #tpu.memory_space<hbm>> -> memref<25x80xi32, #tpu.memory_space<hbm>>
      tpu.enqueue_dma source(%dma_start3A_279 : memref<25x80xi32, #tpu.memory_space<hbm>>) target(%arg7 : memref<25x80xi32, #tpu.memory_space<vmem>>) target_semaphore(%run_scoped3A_271 : memref<!tpu.dma_semaphore, #tpu.memory_space<semaphore_mem>>)
      %dma_wait3A_280 = arith.constant 0 : i32
      %dma_wait3A_281 = arith.constant 0 : i32
      %dma_wait3A_282 = tpu.memref_slice %arg4[%add3A, %run_scoped3A_237, %dma_wait3A_280, %dma_wait3A_281] : memref<32x5x25x80xi32, #tpu.memory_space<hbm>> -> memref<1x1x25x80xi32, #tpu.memory_space<hbm>>
      %dma_wait3A_283 = tpu.memref_squeeze %dma_wait3A_282 : memref<1x1x25x80xi32, #tpu.memory_space<hbm>> -> memref<25x80xi32, #tpu.memory_space<hbm>>
      %dma_wait3A_284 = arith.constant 0 : i32
      %dma_wait3A_285 = arith.constant 0 : i32
      %dma_wait3A_286 = tpu.memref_slice %arg4[%add3A, %run_scoped3A_237, %dma_wait3A_284, %dma_wait3A_285] : memref<32x5x25x80xi32, #tpu.memory_space<hbm>> -> memref<1x1x25x80xi32, #tpu.memory_space<hbm>>
      %dma_wait3A_287 = tpu.memref_squeeze %dma_wait3A_286 : memref<1x1x25x80xi32, #tpu.memory_space<hbm>> -> memref<25x80xi32, #tpu.memory_space<hbm>>
      tpu.wait_dma2 semaphore(%run_scoped3A_271 : memref<!tpu.dma_semaphore, #tpu.memory_space<semaphore_mem>>) src(%dma_wait3A_287 : memref<25x80xi32, #tpu.memory_space<hbm>>) dst(%arg7 : memref<25x80xi32, #tpu.memory_space<vmem>>)
      tpu.yield
    }) : () -> ()
    %dma_start3A_238 = arith.constant 0 : i32
    %dma_start3A_239 = arith.constant 0 : i32
    %dma_start3A_240 = tpu.memref_slice %arg6[%dma_start3A_238, %dma_start3A_239] : memref<25x80xi32, #tpu.memory_space<vmem>> -> memref<1x80xi32, #tpu.memory_space<vmem>>
    %dma_start3A_241 = tpu.memref_squeeze %dma_start3A_240 : memref<1x80xi32, #tpu.memory_space<vmem>> -> memref<80xi32, #tpu.memory_space<vmem>>
    %dma_start3A_242 = arith.constant 0 : i32
    %dma_start3A_243 = arith.constant 0 : i32
    %dma_start3A_244 = tpu.memref_slice %arg2[%dma_start3A_242, %dma_start3A_243] : memref<10000x128xf32, #tpu.memory_space<hbm>> -> memref<10000x128xf32, #tpu.memory_space<hbm>>
    tpu.enqueue_indirect_dma source(%dma_start3A_244 : memref<10000x128xf32, #tpu.memory_space<hbm>>) target(%arg8 : memref<80x128xf32, #tpu.memory_space<vmem>>) offsets(%dma_start3A_241 : memref<80xi32, #tpu.memory_space<vmem>>) semaphore(%arg13 : memref<!tpu.dma_semaphore, #tpu.memory_space<semaphore_mem>>)
    %dma_start3A_245 = arith.constant 1 : i32
    %dma_start3A_246 = arith.constant 0 : i32
    %dma_start3A_247 = tpu.memref_slice %arg6[%dma_start3A_245, %dma_start3A_246] : memref<25x80xi32, #tpu.memory_space<vmem>> -> memref<1x80xi32, #tpu.memory_space<vmem>>
    %dma_start3A_248 = tpu.memref_squeeze %dma_start3A_247 : memref<1x80xi32, #tpu.memory_space<vmem>> -> memref<80xi32, #tpu.memory_space<vmem>>
    %dma_start3A_249 = arith.constant 0 : i32
    %dma_start3A_250 = arith.constant 0 : i32
    %dma_start3A_251 = tpu.memref_slice %arg2[%dma_start3A_249, %dma_start3A_250] : memref<10000x128xf32, #tpu.memory_space<hbm>> -> memref<10000x128xf32, #tpu.memory_space<hbm>>
    tpu.enqueue_indirect_dma source(%dma_start3A_251 : memref<10000x128xf32, #tpu.memory_space<hbm>>) target(%arg9 : memref<80x128xf32, #tpu.memory_space<vmem>>) offsets(%dma_start3A_248 : memref<80xi32, #tpu.memory_space<vmem>>) semaphore(%arg14 : memref<!tpu.dma_semaphore, #tpu.memory_space<semaphore_mem>>)
    %dma_start3A_252 = arith.constant 2 : i32
    %dma_start3A_253 = arith.constant 0 : i32
    %dma_start3A_254 = tpu.memref_slice %arg6[%dma_start3A_252, %dma_start3A_253] : memref<25x80xi32, #tpu.memory_space<vmem>> -> memref<1x80xi32, #tpu.memory_space<vmem>>
    %dma_start3A_255 = tpu.memref_squeeze %dma_start3A_254 : memref<1x80xi32, #tpu.memory_space<vmem>> -> memref<80xi32, #tpu.memory_space<vmem>>
    %dma_start3A_256 = arith.constant 0 : i32
    %dma_start3A_257 = arith.constant 0 : i32
    %dma_start3A_258 = tpu.memref_slice %arg2[%dma_start3A_256, %dma_start3A_257] : memref<10000x128xf32, #tpu.memory_space<hbm>> -> memref<10000x128xf32, #tpu.memory_space<hbm>>
    tpu.enqueue_indirect_dma source(%dma_start3A_258 : memref<10000x128xf32, #tpu.memory_space<hbm>>) target(%arg10 : memref<80x128xf32, #tpu.memory_space<vmem>>) offsets(%dma_start3A_255 : memref<80xi32, #tpu.memory_space<vmem>>) semaphore(%arg15 : memref<!tpu.dma_semaphore, #tpu.memory_space<semaphore_mem>>)
    %scan3A_259 = arith.constant 0 : i32
    %scan3A_260 = arith.constant 0 : i32
    %scan3A_261 = arith.constant 25 : i32
    %scan3A_262 = arith.addi %scan3A_260, %scan3A_261 : i32
    %scan3A_263 = arith.constant 1 : i32
    %scan3A_264 = scf.for %scan3A_271 = %scan3A_260 to %scan3A_262 step %scan3A_263 iter_args(%scan3A_272 = %scan3A_259) -> (i32)  : i32 {
      %jit3A = arith.constant 4 : i32
      %eq3A = arith.constant 0 : i32
      %eq3A_273 = arith.cmpi eq, %jit3A, %eq3A : i32
      %jit3A_274 = arith.constant 1 : i32
      %select_n3A = arith.select %eq3A_273, %jit3A_274, %jit3A : i32
      %rem3A = arith.remsi %scan3A_271, %select_n3A : i32
      %ne3A = arith.constant 0 : i32
      %ne3A_275 = arith.cmpi ne, %rem3A, %ne3A : i32
      %lt3A = arith.constant 0 : i32
      %lt3A_276 = arith.cmpi slt, %rem3A, %lt3A : i32
      %lt3A_277 = arith.constant 0 : i32
      %lt3A_278 = arith.cmpi slt, %select_n3A, %lt3A_277 : i32
      %ne3A_279 = arith.xori %lt3A_276, %lt3A_278 : i1
      %and3A = arith.andi %ne3A_279, %ne3A_275 : i1
      %add3A_280 = arith.addi %rem3A, %select_n3A : i32
      %select_n3A_281 = arith.select %and3A, %add3A_280, %rem3A : i32
      %eq3A_282 = arith.constant 0 : i32
      %eq3A_283 = arith.cmpi eq, %select_n3A_281, %eq3A_282 : i32
      %convert_element_type3A = arith.extui %eq3A_283 : i1 to i32
      %cond3A = arith.constant 0 : i32
      %cond3A_284 = arith.cmpi ne, %convert_element_type3A, %cond3A : i32
      scf.if %cond3A_284 {
        %dma_wait3A_349 = arith.constant 0 : i32
        %dma_wait3A_350 = tpu.memref_slice %arg6[%scan3A_271, %dma_wait3A_349] : memref<25x80xi32, #tpu.memory_space<vmem>> -> memref<1x80xi32, #tpu.memory_space<vmem>>
        %dma_wait3A_351 = tpu.memref_squeeze %dma_wait3A_350 : memref<1x80xi32, #tpu.memory_space<vmem>> -> memref<80xi32, #tpu.memory_space<vmem>>
        %dma_wait3A_352 = arith.constant 0 : i32
        %dma_wait3A_353 = arith.constant 0 : i32
        %dma_wait3A_354 = tpu.memref_slice %arg2[%dma_wait3A_352, %dma_wait3A_353] : memref<10000x128xf32, #tpu.memory_space<hbm>> -> memref<10000x128xf32, #tpu.memory_space<hbm>>
        tpu.wait_indirect_dma semaphore(%arg13 : memref<!tpu.dma_semaphore, #tpu.memory_space<semaphore_mem>>) src(%dma_wait3A_354 : memref<10000x128xf32, #tpu.memory_space<hbm>>) dst(%arg8 : memref<80x128xf32, #tpu.memory_space<vmem>>)
        %add3A_355 = arith.constant 4 : i32
        %add3A_356 = arith.addi %scan3A_271, %add3A_355 : i32
        %sub3A = arith.constant 1 : i32
        %sub3A_357 = arith.subi %add3A_356, %sub3A : i32
        %lt3A_358 = arith.constant 25 : i32
        %lt3A_359 = arith.cmpi slt, %sub3A_357, %lt3A_358 : i32
        %convert_element_type3A_360 = arith.extui %lt3A_359 : i1 to i32
        %cond3A_361 = arith.constant 0 : i32
        %cond3A_362 = arith.cmpi ne, %convert_element_type3A_360, %cond3A_361 : i32
        scf.if %cond3A_362 {
          %add3A_363 = arith.constant 4 : i32
          %add3A_364 = arith.addi %scan3A_271, %add3A_363 : i32
          %sub3A_365 = arith.constant 1 : i32
          %sub3A_366 = arith.subi %add3A_364, %sub3A_365 : i32
          %dma_start3A_367 = arith.constant 0 : i32
          %dma_start3A_368 = tpu.memref_slice %arg6[%sub3A_366, %dma_start3A_367] : memref<25x80xi32, #tpu.memory_space<vmem>> -> memref<1x80xi32, #tpu.memory_space<vmem>>
          %dma_start3A_369 = tpu.memref_squeeze %dma_start3A_368 : memref<1x80xi32, #tpu.memory_space<vmem>> -> memref<80xi32, #tpu.memory_space<vmem>>
          %dma_start3A_370 = arith.constant 0 : i32
          %dma_start3A_371 = arith.constant 0 : i32
          %dma_start3A_372 = tpu.memref_slice %arg2[%dma_start3A_370, %dma_start3A_371] : memref<10000x128xf32, #tpu.memory_space<hbm>> -> memref<10000x128xf32, #tpu.memory_space<hbm>>
          tpu.enqueue_indirect_dma source(%dma_start3A_372 : memref<10000x128xf32, #tpu.memory_space<hbm>>) target(%arg11 : memref<80x128xf32, #tpu.memory_space<vmem>>) offsets(%dma_start3A_369 : memref<80xi32, #tpu.memory_space<vmem>>) semaphore(%arg16 : memref<!tpu.dma_semaphore, #tpu.memory_space<semaphore_mem>>)
        } else {
        }
        "tpu.region"() ({
          %run_scoped3A_363 = tpu.sem_alloc : memref<!tpu.dma_semaphore, #tpu.memory_space<semaphore_mem>>
          %dma_start3A_364 = arith.constant 0 : i32
          %dma_start3A_365 = tpu.memref_slice %arg7[%scan3A_271, %dma_start3A_364] : memref<25x80xi32, #tpu.memory_space<vmem>> -> memref<1x80xi32, #tpu.memory_space<vmem>>
          %dma_start3A_366 = tpu.memref_squeeze %dma_start3A_365 : memref<1x80xi32, #tpu.memory_space<vmem>> -> memref<80xi32, #tpu.memory_space<vmem>>
          %dma_start3A_367 = arith.constant 0 : i32
          %dma_start3A_368 = arith.constant 0 : i32
          %dma_start3A_369 = tpu.memref_slice %arg12[%dma_start3A_367, %dma_start3A_368] : memref<10240x128xf32, #tpu.memory_space<vmem_shared>> -> memref<10240x128xf32, #tpu.memory_space<vmem_shared>>
          tpu.enqueue_indirect_dma source(%arg8 : memref<80x128xf32, #tpu.memory_space<vmem>>) target(%dma_start3A_369 : memref<10240x128xf32, #tpu.memory_space<vmem_shared>>) offsets(%dma_start3A_366 : memref<80xi32, #tpu.memory_space<vmem>>) semaphore(%run_scoped3A_363 : memref<!tpu.dma_semaphore, #tpu.memory_space<semaphore_mem>>) {add = true}
          %dma_wait3A_370 = arith.constant 0 : i32
          %dma_wait3A_371 = tpu.memref_slice %arg7[%scan3A_271, %dma_wait3A_370] : memref<25x80xi32, #tpu.memory_space<vmem>> -> memref<1x80xi32, #tpu.memory_space<vmem>>
          %dma_wait3A_372 = tpu.memref_squeeze %dma_wait3A_371 : memref<1x80xi32, #tpu.memory_space<vmem>> -> memref<80xi32, #tpu.memory_space<vmem>>
          %dma_wait3A_373 = arith.constant 0 : i32
          %dma_wait3A_374 = arith.constant 0 : i32
          %dma_wait3A_375 = tpu.memref_slice %arg12[%dma_wait3A_373, %dma_wait3A_374] : memref<10240x128xf32, #tpu.memory_space<vmem_shared>> -> memref<10240x128xf32, #tpu.memory_space<vmem_shared>>
          tpu.wait_indirect_dma semaphore(%run_scoped3A_363 : memref<!tpu.dma_semaphore, #tpu.memory_space<semaphore_mem>>) src(%arg8 : memref<80x128xf32, #tpu.memory_space<vmem>>) dst(%dma_wait3A_375 : memref<10240x128xf32, #tpu.memory_space<vmem_shared>>)
          tpu.yield
        }) : () -> ()
      } else {
      }
      %jit3A_285 = arith.constant 4 : i32
      %eq3A_286 = arith.constant 0 : i32
      %eq3A_287 = arith.cmpi eq, %jit3A_285, %eq3A_286 : i32
      %jit3A_288 = arith.constant 1 : i32
      %select_n3A_289 = arith.select %eq3A_287, %jit3A_288, %jit3A_285 : i32
      %rem3A_290 = arith.remsi %scan3A_271, %select_n3A_289 : i32
      %ne3A_291 = arith.constant 0 : i32
      %ne3A_292 = arith.cmpi ne, %rem3A_290, %ne3A_291 : i32
      %lt3A_293 = arith.constant 0 : i32
      %lt3A_294 = arith.cmpi slt, %rem3A_290, %lt3A_293 : i32
      %lt3A_295 = arith.constant 0 : i32
      %lt3A_296 = arith.cmpi slt, %select_n3A_289, %lt3A_295 : i32
      %ne3A_297 = arith.xori %lt3A_294, %lt3A_296 : i1
      %and3A_298 = arith.andi %ne3A_297, %ne3A_292 : i1
      %add3A_299 = arith.addi %rem3A_290, %select_n3A_289 : i32
      %select_n3A_300 = arith.select %and3A_298, %add3A_299, %rem3A_290 : i32
      %eq3A_301 = arith.constant 1 : i32
      %eq3A_302 = arith.cmpi eq, %select_n3A_300, %eq3A_301 : i32
      %convert_element_type3A_303 = arith.extui %eq3A_302 : i1 to i32
      %cond3A_304 = arith.constant 0 : i32
      %cond3A_305 = arith.cmpi ne, %convert_element_type3A_303, %cond3A_304 : i32
      scf.if %cond3A_305 {
        %dma_wait3A_349 = arith.constant 0 : i32
        %dma_wait3A_350 = tpu.memref_slice %arg6[%scan3A_271, %dma_wait3A_349] : memref<25x80xi32, #tpu.memory_space<vmem>> -> memref<1x80xi32, #tpu.memory_space<vmem>>
        %dma_wait3A_351 = tpu.memref_squeeze %dma_wait3A_350 : memref<1x80xi32, #tpu.memory_space<vmem>> -> memref<80xi32, #tpu.memory_space<vmem>>
        %dma_wait3A_352 = arith.constant 0 : i32
        %dma_wait3A_353 = arith.constant 0 : i32
        %dma_wait3A_354 = tpu.memref_slice %arg2[%dma_wait3A_352, %dma_wait3A_353] : memref<10000x128xf32, #tpu.memory_space<hbm>> -> memref<10000x128xf32, #tpu.memory_space<hbm>>
        tpu.wait_indirect_dma semaphore(%arg14 : memref<!tpu.dma_semaphore, #tpu.memory_space<semaphore_mem>>) src(%dma_wait3A_354 : memref<10000x128xf32, #tpu.memory_space<hbm>>) dst(%arg9 : memref<80x128xf32, #tpu.memory_space<vmem>>)
        %add3A_355 = arith.constant 4 : i32
        %add3A_356 = arith.addi %scan3A_271, %add3A_355 : i32
        %sub3A = arith.constant 1 : i32
        %sub3A_357 = arith.subi %add3A_356, %sub3A : i32
        %lt3A_358 = arith.constant 25 : i32
        %lt3A_359 = arith.cmpi slt, %sub3A_357, %lt3A_358 : i32
        %convert_element_type3A_360 = arith.extui %lt3A_359 : i1 to i32
        %cond3A_361 = arith.constant 0 : i32
        %cond3A_362 = arith.cmpi ne, %convert_element_type3A_360, %cond3A_361 : i32
        scf.if %cond3A_362 {
          %add3A_363 = arith.constant 4 : i32
          %add3A_364 = arith.addi %scan3A_271, %add3A_363 : i32
          %sub3A_365 = arith.constant 1 : i32
          %sub3A_366 = arith.subi %add3A_364, %sub3A_365 : i32
          %dma_start3A_367 = arith.constant 0 : i32
          %dma_start3A_368 = tpu.memref_slice %arg6[%sub3A_366, %dma_start3A_367] : memref<25x80xi32, #tpu.memory_space<vmem>> -> memref<1x80xi32, #tpu.memory_space<vmem>>
          %dma_start3A_369 = tpu.memref_squeeze %dma_start3A_368 : memref<1x80xi32, #tpu.memory_space<vmem>> -> memref<80xi32, #tpu.memory_space<vmem>>
          %dma_start3A_370 = arith.constant 0 : i32
          %dma_start3A_371 = arith.constant 0 : i32
          %dma_start3A_372 = tpu.memref_slice %arg2[%dma_start3A_370, %dma_start3A_371] : memref<10000x128xf32, #tpu.memory_space<hbm>> -> memref<10000x128xf32, #tpu.memory_space<hbm>>
          tpu.enqueue_indirect_dma source(%dma_start3A_372 : memref<10000x128xf32, #tpu.memory_space<hbm>>) target(%arg8 : memref<80x128xf32, #tpu.memory_space<vmem>>) offsets(%dma_start3A_369 : memref<80xi32, #tpu.memory_space<vmem>>) semaphore(%arg13 : memref<!tpu.dma_semaphore, #tpu.memory_space<semaphore_mem>>)
        } else {
        }
        "tpu.region"() ({
          %run_scoped3A_363 = tpu.sem_alloc : memref<!tpu.dma_semaphore, #tpu.memory_space<semaphore_mem>>
          %dma_start3A_364 = arith.constant 0 : i32
          %dma_start3A_365 = tpu.memref_slice %arg7[%scan3A_271, %dma_start3A_364] : memref<25x80xi32, #tpu.memory_space<vmem>> -> memref<1x80xi32, #tpu.memory_space<vmem>>
          %dma_start3A_366 = tpu.memref_squeeze %dma_start3A_365 : memref<1x80xi32, #tpu.memory_space<vmem>> -> memref<80xi32, #tpu.memory_space<vmem>>
          %dma_start3A_367 = arith.constant 0 : i32
          %dma_start3A_368 = arith.constant 0 : i32
          %dma_start3A_369 = tpu.memref_slice %arg12[%dma_start3A_367, %dma_start3A_368] : memref<10240x128xf32, #tpu.memory_space<vmem_shared>> -> memref<10240x128xf32, #tpu.memory_space<vmem_shared>>
          tpu.enqueue_indirect_dma source(%arg9 : memref<80x128xf32, #tpu.memory_space<vmem>>) target(%dma_start3A_369 : memref<10240x128xf32, #tpu.memory_space<vmem_shared>>) offsets(%dma_start3A_366 : memref<80xi32, #tpu.memory_space<vmem>>) semaphore(%run_scoped3A_363 : memref<!tpu.dma_semaphore, #tpu.memory_space<semaphore_mem>>) {add = true}
          %dma_wait3A_370 = arith.constant 0 : i32
          %dma_wait3A_371 = tpu.memref_slice %arg7[%scan3A_271, %dma_wait3A_370] : memref<25x80xi32, #tpu.memory_space<vmem>> -> memref<1x80xi32, #tpu.memory_space<vmem>>
          %dma_wait3A_372 = tpu.memref_squeeze %dma_wait3A_371 : memref<1x80xi32, #tpu.memory_space<vmem>> -> memref<80xi32, #tpu.memory_space<vmem>>
          %dma_wait3A_373 = arith.constant 0 : i32
          %dma_wait3A_374 = arith.constant 0 : i32
          %dma_wait3A_375 = tpu.memref_slice %arg12[%dma_wait3A_373, %dma_wait3A_374] : memref<10240x128xf32, #tpu.memory_space<vmem_shared>> -> memref<10240x128xf32, #tpu.memory_space<vmem_shared>>
          tpu.wait_indirect_dma semaphore(%run_scoped3A_363 : memref<!tpu.dma_semaphore, #tpu.memory_space<semaphore_mem>>) src(%arg9 : memref<80x128xf32, #tpu.memory_space<vmem>>) dst(%dma_wait3A_375 : memref<10240x128xf32, #tpu.memory_space<vmem_shared>>)
          tpu.yield
        }) : () -> ()
      } else {
      }
      %jit3A_306 = arith.constant 4 : i32
      %eq3A_307 = arith.constant 0 : i32
      %eq3A_308 = arith.cmpi eq, %jit3A_306, %eq3A_307 : i32
      %jit3A_309 = arith.constant 1 : i32
      %select_n3A_310 = arith.select %eq3A_308, %jit3A_309, %jit3A_306 : i32
      %rem3A_311 = arith.remsi %scan3A_271, %select_n3A_310 : i32
      %ne3A_312 = arith.constant 0 : i32
      %ne3A_313 = arith.cmpi ne, %rem3A_311, %ne3A_312 : i32
      %lt3A_314 = arith.constant 0 : i32
      %lt3A_315 = arith.cmpi slt, %rem3A_311, %lt3A_314 : i32
      %lt3A_316 = arith.constant 0 : i32
      %lt3A_317 = arith.cmpi slt, %select_n3A_310, %lt3A_316 : i32
      %ne3A_318 = arith.xori %lt3A_315, %lt3A_317 : i1
      %and3A_319 = arith.andi %ne3A_318, %ne3A_313 : i1
      %add3A_320 = arith.addi %rem3A_311, %select_n3A_310 : i32
      %select_n3A_321 = arith.select %and3A_319, %add3A_320, %rem3A_311 : i32
      %eq3A_322 = arith.constant 2 : i32
      %eq3A_323 = arith.cmpi eq, %select_n3A_321, %eq3A_322 : i32
      %convert_element_type3A_324 = arith.extui %eq3A_323 : i1 to i32
      %cond3A_325 = arith.constant 0 : i32
      %cond3A_326 = arith.cmpi ne, %convert_element_type3A_324, %cond3A_325 : i32
      scf.if %cond3A_326 {
        %dma_wait3A_349 = arith.constant 0 : i32
        %dma_wait3A_350 = tpu.memref_slice %arg6[%scan3A_271, %dma_wait3A_349] : memref<25x80xi32, #tpu.memory_space<vmem>> -> memref<1x80xi32, #tpu.memory_space<vmem>>
        %dma_wait3A_351 = tpu.memref_squeeze %dma_wait3A_350 : memref<1x80xi32, #tpu.memory_space<vmem>> -> memref<80xi32, #tpu.memory_space<vmem>>
        %dma_wait3A_352 = arith.constant 0 : i32
        %dma_wait3A_353 = arith.constant 0 : i32
        %dma_wait3A_354 = tpu.memref_slice %arg2[%dma_wait3A_352, %dma_wait3A_353] : memref<10000x128xf32, #tpu.memory_space<hbm>> -> memref<10000x128xf32, #tpu.memory_space<hbm>>
        tpu.wait_indirect_dma semaphore(%arg15 : memref<!tpu.dma_semaphore, #tpu.memory_space<semaphore_mem>>) src(%dma_wait3A_354 : memref<10000x128xf32, #tpu.memory_space<hbm>>) dst(%arg10 : memref<80x128xf32, #tpu.memory_space<vmem>>)
        %add3A_355 = arith.constant 4 : i32
        %add3A_356 = arith.addi %scan3A_271, %add3A_355 : i32
        %sub3A = arith.constant 1 : i32
        %sub3A_357 = arith.subi %add3A_356, %sub3A : i32
        %lt3A_358 = arith.constant 25 : i32
        %lt3A_359 = arith.cmpi slt, %sub3A_357, %lt3A_358 : i32
        %convert_element_type3A_360 = arith.extui %lt3A_359 : i1 to i32
        %cond3A_361 = arith.constant 0 : i32
        %cond3A_362 = arith.cmpi ne, %convert_element_type3A_360, %cond3A_361 : i32
        scf.if %cond3A_362 {
          %add3A_363 = arith.constant 4 : i32
          %add3A_364 = arith.addi %scan3A_271, %add3A_363 : i32
          %sub3A_365 = arith.constant 1 : i32
          %sub3A_366 = arith.subi %add3A_364, %sub3A_365 : i32
          %dma_start3A_367 = arith.constant 0 : i32
          %dma_start3A_368 = tpu.memref_slice %arg6[%sub3A_366, %dma_start3A_367] : memref<25x80xi32, #tpu.memory_space<vmem>> -> memref<1x80xi32, #tpu.memory_space<vmem>>
          %dma_start3A_369 = tpu.memref_squeeze %dma_start3A_368 : memref<1x80xi32, #tpu.memory_space<vmem>> -> memref<80xi32, #tpu.memory_space<vmem>>
          %dma_start3A_370 = arith.constant 0 : i32
          %dma_start3A_371 = arith.constant 0 : i32
          %dma_start3A_372 = tpu.memref_slice %arg2[%dma_start3A_370, %dma_start3A_371] : memref<10000x128xf32, #tpu.memory_space<hbm>> -> memref<10000x128xf32, #tpu.memory_space<hbm>>
          tpu.enqueue_indirect_dma source(%dma_start3A_372 : memref<10000x128xf32, #tpu.memory_space<hbm>>) target(%arg9 : memref<80x128xf32, #tpu.memory_space<vmem>>) offsets(%dma_start3A_369 : memref<80xi32, #tpu.memory_space<vmem>>) semaphore(%arg14 : memref<!tpu.dma_semaphore, #tpu.memory_space<semaphore_mem>>)
        } else {
        }
        "tpu.region"() ({
          %run_scoped3A_363 = tpu.sem_alloc : memref<!tpu.dma_semaphore, #tpu.memory_space<semaphore_mem>>
          %dma_start3A_364 = arith.constant 0 : i32
          %dma_start3A_365 = tpu.memref_slice %arg7[%scan3A_271, %dma_start3A_364] : memref<25x80xi32, #tpu.memory_space<vmem>> -> memref<1x80xi32, #tpu.memory_space<vmem>>
          %dma_start3A_366 = tpu.memref_squeeze %dma_start3A_365 : memref<1x80xi32, #tpu.memory_space<vmem>> -> memref<80xi32, #tpu.memory_space<vmem>>
          %dma_start3A_367 = arith.constant 0 : i32
          %dma_start3A_368 = arith.constant 0 : i32
          %dma_start3A_369 = tpu.memref_slice %arg12[%dma_start3A_367, %dma_start3A_368] : memref<10240x128xf32, #tpu.memory_space<vmem_shared>> -> memref<10240x128xf32, #tpu.memory_space<vmem_shared>>
          tpu.enqueue_indirect_dma source(%arg10 : memref<80x128xf32, #tpu.memory_space<vmem>>) target(%dma_start3A_369 : memref<10240x128xf32, #tpu.memory_space<vmem_shared>>) offsets(%dma_start3A_366 : memref<80xi32, #tpu.memory_space<vmem>>) semaphore(%run_scoped3A_363 : memref<!tpu.dma_semaphore, #tpu.memory_space<semaphore_mem>>) {add = true}
          %dma_wait3A_370 = arith.constant 0 : i32
          %dma_wait3A_371 = tpu.memref_slice %arg7[%scan3A_271, %dma_wait3A_370] : memref<25x80xi32, #tpu.memory_space<vmem>> -> memref<1x80xi32, #tpu.memory_space<vmem>>
          %dma_wait3A_372 = tpu.memref_squeeze %dma_wait3A_371 : memref<1x80xi32, #tpu.memory_space<vmem>> -> memref<80xi32, #tpu.memory_space<vmem>>
          %dma_wait3A_373 = arith.constant 0 : i32
          %dma_wait3A_374 = arith.constant 0 : i32
          %dma_wait3A_375 = tpu.memref_slice %arg12[%dma_wait3A_373, %dma_wait3A_374] : memref<10240x128xf32, #tpu.memory_space<vmem_shared>> -> memref<10240x128xf32, #tpu.memory_space<vmem_shared>>
          tpu.wait_indirect_dma semaphore(%run_scoped3A_363 : memref<!tpu.dma_semaphore, #tpu.memory_space<semaphore_mem>>) src(%arg10 : memref<80x128xf32, #tpu.memory_space<vmem>>) dst(%dma_wait3A_375 : memref<10240x128xf32, #tpu.memory_space<vmem_shared>>)
          tpu.yield
        }) : () -> ()
      } else {
      }
      %jit3A_327 = arith.constant 4 : i32
      %eq3A_328 = arith.constant 0 : i32
      %eq3A_329 = arith.cmpi eq, %jit3A_327, %eq3A_328 : i32
      %jit3A_330 = arith.constant 1 : i32
      %select_n3A_331 = arith.select %eq3A_329, %jit3A_330, %jit3A_327 : i32
      %rem3A_332 = arith.remsi %scan3A_271, %select_n3A_331 : i32
      %ne3A_333 = arith.constant 0 : i32
      %ne3A_334 = arith.cmpi ne, %rem3A_332, %ne3A_333 : i32
      %lt3A_335 = arith.constant 0 : i32
      %lt3A_336 = arith.cmpi slt, %rem3A_332, %lt3A_335 : i32
      %lt3A_337 = arith.constant 0 : i32
      %lt3A_338 = arith.cmpi slt, %select_n3A_331, %lt3A_337 : i32
      %ne3A_339 = arith.xori %lt3A_336, %lt3A_338 : i1
      %and3A_340 = arith.andi %ne3A_339, %ne3A_334 : i1
      %add3A_341 = arith.addi %rem3A_332, %select_n3A_331 : i32
      %select_n3A_342 = arith.select %and3A_340, %add3A_341, %rem3A_332 : i32
      %eq3A_343 = arith.constant 3 : i32
      %eq3A_344 = arith.cmpi eq, %select_n3A_342, %eq3A_343 : i32
      %convert_element_type3A_345 = arith.extui %eq3A_344 : i1 to i32
      %cond3A_346 = arith.constant 0 : i32
      %cond3A_347 = arith.cmpi ne, %convert_element_type3A_345, %cond3A_346 : i32
      scf.if %cond3A_347 {
        %dma_wait3A_349 = arith.constant 0 : i32
        %dma_wait3A_350 = tpu.memref_slice %arg6[%scan3A_271, %dma_wait3A_349] : memref<25x80xi32, #tpu.memory_space<vmem>> -> memref<1x80xi32, #tpu.memory_space<vmem>>
        %dma_wait3A_351 = tpu.memref_squeeze %dma_wait3A_350 : memref<1x80xi32, #tpu.memory_space<vmem>> -> memref<80xi32, #tpu.memory_space<vmem>>
        %dma_wait3A_352 = arith.constant 0 : i32
        %dma_wait3A_353 = arith.constant 0 : i32
        %dma_wait3A_354 = tpu.memref_slice %arg2[%dma_wait3A_352, %dma_wait3A_353] : memref<10000x128xf32, #tpu.memory_space<hbm>> -> memref<10000x128xf32, #tpu.memory_space<hbm>>
        tpu.wait_indirect_dma semaphore(%arg16 : memref<!tpu.dma_semaphore, #tpu.memory_space<semaphore_mem>>) src(%dma_wait3A_354 : memref<10000x128xf32, #tpu.memory_space<hbm>>) dst(%arg11 : memref<80x128xf32, #tpu.memory_space<vmem>>)
        %add3A_355 = arith.constant 4 : i32
        %add3A_356 = arith.addi %scan3A_271, %add3A_355 : i32
        %sub3A = arith.constant 1 : i32
        %sub3A_357 = arith.subi %add3A_356, %sub3A : i32
        %lt3A_358 = arith.constant 25 : i32
        %lt3A_359 = arith.cmpi slt, %sub3A_357, %lt3A_358 : i32
        %convert_element_type3A_360 = arith.extui %lt3A_359 : i1 to i32
        %cond3A_361 = arith.constant 0 : i32
        %cond3A_362 = arith.cmpi ne, %convert_element_type3A_360, %cond3A_361 : i32
        scf.if %cond3A_362 {
          %add3A_363 = arith.constant 4 : i32
          %add3A_364 = arith.addi %scan3A_271, %add3A_363 : i32
          %sub3A_365 = arith.constant 1 : i32
          %sub3A_366 = arith.subi %add3A_364, %sub3A_365 : i32
          %dma_start3A_367 = arith.constant 0 : i32
          %dma_start3A_368 = tpu.memref_slice %arg6[%sub3A_366, %dma_start3A_367] : memref<25x80xi32, #tpu.memory_space<vmem>> -> memref<1x80xi32, #tpu.memory_space<vmem>>
          %dma_start3A_369 = tpu.memref_squeeze %dma_start3A_368 : memref<1x80xi32, #tpu.memory_space<vmem>> -> memref<80xi32, #tpu.memory_space<vmem>>
          %dma_start3A_370 = arith.constant 0 : i32
          %dma_start3A_371 = arith.constant 0 : i32
          %dma_start3A_372 = tpu.memref_slice %arg2[%dma_start3A_370, %dma_start3A_371] : memref<10000x128xf32, #tpu.memory_space<hbm>> -> memref<10000x128xf32, #tpu.memory_space<hbm>>
          tpu.enqueue_indirect_dma source(%dma_start3A_372 : memref<10000x128xf32, #tpu.memory_space<hbm>>) target(%arg10 : memref<80x128xf32, #tpu.memory_space<vmem>>) offsets(%dma_start3A_369 : memref<80xi32, #tpu.memory_space<vmem>>) semaphore(%arg15 : memref<!tpu.dma_semaphore, #tpu.memory_space<semaphore_mem>>)
        } else {
        }
        "tpu.region"() ({
          %run_scoped3A_363 = tpu.sem_alloc : memref<!tpu.dma_semaphore, #tpu.memory_space<semaphore_mem>>
          %dma_start3A_364 = arith.constant 0 : i32
          %dma_start3A_365 = tpu.memref_slice %arg7[%scan3A_271, %dma_start3A_364] : memref<25x80xi32, #tpu.memory_space<vmem>> -> memref<1x80xi32, #tpu.memory_space<vmem>>
          %dma_start3A_366 = tpu.memref_squeeze %dma_start3A_365 : memref<1x80xi32, #tpu.memory_space<vmem>> -> memref<80xi32, #tpu.memory_space<vmem>>
          %dma_start3A_367 = arith.constant 0 : i32
          %dma_start3A_368 = arith.constant 0 : i32
          %dma_start3A_369 = tpu.memref_slice %arg12[%dma_start3A_367, %dma_start3A_368] : memref<10240x128xf32, #tpu.memory_space<vmem_shared>> -> memref<10240x128xf32, #tpu.memory_space<vmem_shared>>
          tpu.enqueue_indirect_dma source(%arg11 : memref<80x128xf32, #tpu.memory_space<vmem>>) target(%dma_start3A_369 : memref<10240x128xf32, #tpu.memory_space<vmem_shared>>) offsets(%dma_start3A_366 : memref<80xi32, #tpu.memory_space<vmem>>) semaphore(%run_scoped3A_363 : memref<!tpu.dma_semaphore, #tpu.memory_space<semaphore_mem>>) {add = true}
          %dma_wait3A_370 = arith.constant 0 : i32
          %dma_wait3A_371 = tpu.memref_slice %arg7[%scan3A_271, %dma_wait3A_370] : memref<25x80xi32, #tpu.memory_space<vmem>> -> memref<1x80xi32, #tpu.memory_space<vmem>>
          %dma_wait3A_372 = tpu.memref_squeeze %dma_wait3A_371 : memref<1x80xi32, #tpu.memory_space<vmem>> -> memref<80xi32, #tpu.memory_space<vmem>>
          %dma_wait3A_373 = arith.constant 0 : i32
          %dma_wait3A_374 = arith.constant 0 : i32
          %dma_wait3A_375 = tpu.memref_slice %arg12[%dma_wait3A_373, %dma_wait3A_374] : memref<10240x128xf32, #tpu.memory_space<vmem_shared>> -> memref<10240x128xf32, #tpu.memory_space<vmem_shared>>
          tpu.wait_indirect_dma semaphore(%run_scoped3A_363 : memref<!tpu.dma_semaphore, #tpu.memory_space<semaphore_mem>>) src(%arg11 : memref<80x128xf32, #tpu.memory_space<vmem>>) dst(%dma_wait3A_375 : memref<10240x128xf32, #tpu.memory_space<vmem_shared>>)
          tpu.yield
        }) : () -> ()
      } else {
      }
      %scan3A_348 = arith.constant 0 : i32
      scf.yield %scan3A_348 : i32
    }
    %scan3A_265 = arith.constant 25 : i32
    %barrier3A_266 = arith.constant 0 : index
    tpu.barrier barrier_id(%barrier3A_266)
    %mul3A_267 = arith.constant 640 : i32
    %mul3A_268 = arith.muli %arg1, %mul3A_267 : i32
    %mul3A_269 = arith.constant 640 : i32
    %mul3A_270 = arith.muli %arg1, %mul3A_269 : i32
    "tpu.region"() ({
      %run_scoped3A_271 = tpu.sem_alloc : memref<!tpu.dma_semaphore, #tpu.memory_space<semaphore_mem>>
      %dma_start3A_272 = arith.constant 0 : i32
      %dma_start3A_273 = tpu.memref_slice %arg5[%arg0, %mul3A_270, %dma_start3A_272] : memref<2x10240x128xf32, #tpu.memory_space<hbm>> -> memref<1x640x128xf32, #tpu.memory_space<hbm>>
      %dma_start3A_274 = tpu.memref_squeeze %dma_start3A_273 : memref<1x640x128xf32, #tpu.memory_space<hbm>> -> memref<640x128xf32, #tpu.memory_space<hbm>>
      %dma_start3A_275 = arith.constant 0 : i32
      %dma_start3A_276 = tpu.memref_slice %arg12[%mul3A_268, %dma_start3A_275] : memref<10240x128xf32, #tpu.memory_space<vmem_shared>> -> memref<640x128xf32, #tpu.memory_space<vmem_shared>>
      tpu.enqueue_dma source(%dma_start3A_276 : memref<640x128xf32, #tpu.memory_space<vmem_shared>>) target(%dma_start3A_274 : memref<640x128xf32, #tpu.memory_space<hbm>>) target_semaphore(%run_scoped3A_271 : memref<!tpu.dma_semaphore, #tpu.memory_space<semaphore_mem>>)
      %dma_wait3A_277 = arith.constant 0 : i32
      %dma_wait3A_278 = tpu.memref_slice %arg5[%arg0, %mul3A_270, %dma_wait3A_277] : memref<2x10240x128xf32, #tpu.memory_space<hbm>> -> memref<1x640x128xf32, #tpu.memory_space<hbm>>
      %dma_wait3A_279 = tpu.memref_squeeze %dma_wait3A_278 : memref<1x640x128xf32, #tpu.memory_space<hbm>> -> memref<640x128xf32, #tpu.memory_space<hbm>>
      %dma_wait3A_280 = arith.constant 0 : i32
      %dma_wait3A_281 = tpu.memref_slice %arg12[%mul3A_268, %dma_wait3A_280] : memref<10240x128xf32, #tpu.memory_space<vmem_shared>> -> memref<640x128xf32, #tpu.memory_space<vmem_shared>>
      tpu.wait_dma2 semaphore(%run_scoped3A_271 : memref<!tpu.dma_semaphore, #tpu.memory_space<semaphore_mem>>) src(%dma_wait3A_281 : memref<640x128xf32, #tpu.memory_space<vmem_shared>>) dst(%dma_wait3A_279 : memref<640x128xf32, #tpu.memory_space<hbm>>)
      tpu.yield
    }) : () -> ()
    return
  }
}

module attributes {stable_mosaic.version = 14 : i64} {
  func.func @_mm_body(%arg0: i32, %arg1: memref<1000x128xf32, #tpu.memory_space<vmem>>, %arg2: memref<128x128xf32, #tpu.memory_space<vmem>>, %arg3: memref<1000x128xf32, #tpu.memory_space<vmem>>) attributes {dimension_semantics = [#tpu.dimension_semantics<arbitrary>], iteration_bounds = array<i64: 10>, scalar_prefetch = 0 : i64, scratch_operands = 0 : i64, tpu.core_type = #tpu.core_type<tc>, window_params = [{transform_indices = @transform_0, window_bounds = array<i64: 1000, 128>}, {pipeline_mode = #tpu.pipeline_mode<synchronous>, transform_indices = @transform_1, window_bounds = array<i64: 128, 128>}, {transform_indices = @transform_2, window_bounds = array<i64: 1000, 128>}]} {
    %get3A = arith.constant 0 : index
    %get3A_0 = arith.constant 0 : index
    %get3A_1 = vector.load %arg1[%get3A, %get3A_0] : memref<1000x128xf32, #tpu.memory_space<vmem>>, vector<1000x128xf32>
    %get3A_2 = arith.constant 0 : index
    %get3A_3 = arith.constant 0 : index
    %get3A_4 = vector.load %arg2[%get3A_2, %get3A_3] : memref<128x128xf32, #tpu.memory_space<vmem>>, vector<128x128xf32>
    %dot_general3A = arith.constant dense<0.000000e+00> : vector<1000x128xf32>
    %dot_general3A_5 = tpu.matmul %get3A_1, %get3A_4, %dot_general3A {dimension_numbers = #tpu.dot_dimension_numbers<[1], [0], [0], [1], [0, 0, 1, 1], [], []>, transpose_lhs_hint = false} : vector<1000x128xf32>, vector<128x128xf32>, vector<1000x128xf32> -> vector<1000x128xf32>
    %swap3A = arith.constant 0 : index
    %swap3A_6 = arith.constant 0 : index
    %swap3A_7 = vector.load %arg3[%swap3A, %swap3A_6] : memref<1000x128xf32, #tpu.memory_space<vmem>>, vector<1000x128xf32>
    tpu.vector_store %arg3[%swap3A, %swap3A_6], %dot_general3A_5 {strides = array<i32>} : memref<1000x128xf32, #tpu.memory_space<vmem>>, vector<1000x128xf32>,
    return
  }
  func.func @transform_0(%arg0: i32) -> (i32, i32) {
    %c0_i32 = arith.constant 0 : i32
    %c0_i32_0 = arith.constant 0 : i32
    return %arg0, %c0_i32 : i32, i32
  }
  func.func @transform_1(%arg0: i32) -> (i32, i32) {
    %c0_i32 = arith.constant 0 : i32
    %c0_i32_0 = arith.constant 0 : i32
    %c0_i32_1 = arith.constant 0 : i32
    return %c0_i32, %c0_i32_0 : i32, i32
  }
  func.func @transform_2(%arg0: i32) -> (i32, i32) {
    %c0_i32 = arith.constant 0 : i32
    %c0_i32_0 = arith.constant 0 : i32
    return %arg0, %c0_i32 : i32, i32
  }
}

module attributes {stable_mosaic.version = 14 : i64} {
  func.func @_scale_body(%arg0: i32, %arg1: memref<1000x128xf32, #tpu.memory_space<vmem>>, %arg2: memref<1000x1xf32, #tpu.memory_space<vmem>>, %arg3: memref<1000x128xf32, #tpu.memory_space<vmem>>) attributes {dimension_semantics = [#tpu.dimension_semantics<arbitrary>], iteration_bounds = array<i64: 10>, scalar_prefetch = 0 : i64, scratch_operands = 0 : i64, tpu.core_type = #tpu.core_type<tc>, window_params = [{transform_indices = @transform_0, window_bounds = array<i64: 1000, 128>}, {transform_indices = @transform_1, window_bounds = array<i64: 1000, 1>}, {transform_indices = @transform_2, window_bounds = array<i64: 1000, 128>}]} {
    %get3A = arith.constant 0 : index
    %get3A_0 = arith.constant 0 : index
    %get3A_1 = vector.load %arg2[%get3A, %get3A_0] : memref<1000x1xf32, #tpu.memory_space<vmem>>, vector<1000x1xf32>
    %rsqrt3A = math.rsqrt %get3A_1 : vector<1000x1xf32>
    %get3A_2 = arith.constant 0 : index
    %get3A_3 = arith.constant 0 : index
    %get3A_4 = vector.load %arg1[%get3A_2, %get3A_3] : memref<1000x128xf32, #tpu.memory_space<vmem>>, vector<1000x128xf32>
    %mul3A = vector.broadcast %rsqrt3A : vector<1000x1xf32> to vector<1000x128xf32>
    %mul3A_5 = arith.mulf %get3A_4, %mul3A : vector<1000x128xf32>
    %swap3A = arith.constant 0 : index
    %swap3A_6 = arith.constant 0 : index
    %swap3A_7 = vector.load %arg3[%swap3A, %swap3A_6] : memref<1000x128xf32, #tpu.memory_space<vmem>>, vector<1000x128xf32>
    tpu.vector_store %arg3[%swap3A, %swap3A_6], %mul3A_5 {strides = array<i32>} : memref<1000x128xf32, #tpu.memory_space<vmem>>, vector<1000x128xf32>,
    return
  }
  func.func @transform_0(%arg0: i32) -> (i32, i32) {
    %c0_i32 = arith.constant 0 : i32
    %c0_i32_0 = arith.constant 0 : i32
    return %arg0, %c0_i32 : i32, i32
  }
  func.func @transform_1(%arg0: i32) -> (i32, i32) {
    %c0_i32 = arith.constant 0 : i32
    %c0_i32_0 = arith.constant 0 : i32
    return %arg0, %c0_i32 : i32, i32
  }
  func.func @transform_2(%arg0: i32) -> (i32, i32) {
    %c0_i32 = arith.constant 0 : i32
    %c0_i32_0 = arith.constant 0 : i32
    return %arg0, %c0_i32 : i32, i32
  }
}

module attributes {stable_mosaic.version = 14 : i64} {
  func.func @_final_body(%arg0: i32, %arg1: memref<2x1000x128xf32, #tpu.memory_space<vmem>>, %arg2: memref<1000x128xf32, #tpu.memory_space<vmem>>, %arg3: memref<1000x1xf32, #tpu.memory_space<vmem>>, %arg4: memref<128xf32, #tpu.memory_space<vmem>>, %arg5: memref<1000x128xf32, #tpu.memory_space<vmem>>) attributes {dimension_semantics = [#tpu.dimension_semantics<arbitrary>], iteration_bounds = array<i64: 10>, scalar_prefetch = 0 : i64, scratch_operands = 0 : i64, tpu.core_type = #tpu.core_type<tc>, window_params = [{transform_indices = @transform_0, window_bounds = array<i64: 2, 1000, 128>}, {transform_indices = @transform_1, window_bounds = array<i64: 1000, 128>}, {transform_indices = @transform_2, window_bounds = array<i64: 1000, 1>}, {pipeline_mode = #tpu.pipeline_mode<synchronous>, transform_indices = @transform_3, window_bounds = array<i64: 128>}, {transform_indices = @transform_4, window_bounds = array<i64: 1000, 128>}]} {
    %get3A = arith.constant 0 : index
    %get3A_0 = arith.constant 0 : index
    %get3A_1 = vector.load %arg3[%get3A, %get3A_0] : memref<1000x1xf32, #tpu.memory_space<vmem>>, vector<1000x1xf32>
    %rsqrt3A = math.rsqrt %get3A_1 : vector<1000x1xf32>
    %get3A_2 = arith.constant 0 : index
    %get3A_3 = arith.constant 0 : index
    %get3A_4 = arith.constant 0 : index
    %get3A_5 = vector.load %arg1[%get3A_2, %get3A_3, %get3A_4] : memref<2x1000x128xf32, #tpu.memory_space<vmem>>, vector<1x1000x128xf32>
    %get3A_6 = vector.shape_cast %get3A_5 : vector<1x1000x128xf32> to vector<1000x128xf32>
    %get3A_7 = arith.constant 1 : index
    %get3A_8 = arith.constant 0 : index
    %get3A_9 = arith.constant 0 : index
    %get3A_10 = vector.load %arg1[%get3A_7, %get3A_8, %get3A_9] : memref<2x1000x128xf32, #tpu.memory_space<vmem>>, vector<1x1000x128xf32>
    %get3A_11 = vector.shape_cast %get3A_10 : vector<1x1000x128xf32> to vector<1000x128xf32>
    %add3A = arith.addf %get3A_6, %get3A_11 : vector<1000x128xf32>
    %get3A_12 = arith.constant 0 : index
    %get3A_13 = arith.constant 0 : index
    %get3A_14 = vector.load %arg2[%get3A_12, %get3A_13] : memref<1000x128xf32, #tpu.memory_space<vmem>>, vector<1000x128xf32>
    %add3A_15 = arith.addf %add3A, %get3A_14 : vector<1000x128xf32>
    %mul3A = vector.broadcast %rsqrt3A : vector<1000x1xf32> to vector<1000x128xf32>
    %mul3A_16 = arith.mulf %add3A_15, %mul3A : vector<1000x128xf32>
    %get3A_17 = arith.constant 0 : index
    %get3A_18 = vector.load %arg4[%get3A_17] : memref<128xf32, #tpu.memory_space<vmem>>, vector<128xf32>
    %broadcast_in_dim3A = vector.shape_cast %get3A_18 : vector<128xf32> to vector<1x128xf32>
    %add3A_19 = vector.broadcast %broadcast_in_dim3A : vector<1x128xf32> to vector<1000x128xf32>
    %add3A_20 = arith.addf %mul3A_16, %add3A_19 : vector<1000x128xf32>
    %swap3A = arith.constant 0 : index
    %swap3A_21 = arith.constant 0 : index
    %swap3A_22 = vector.load %arg5[%swap3A, %swap3A_21] : memref<1000x128xf32, #tpu.memory_space<vmem>>, vector<1000x128xf32>
    tpu.vector_store %arg5[%swap3A, %swap3A_21], %add3A_20 {strides = array<i32>} : memref<1000x128xf32, #tpu.memory_space<vmem>>, vector<1000x128xf32>,
    return
  }
  func.func @transform_0(%arg0: i32) -> (i32, i32, i32) {
    %c0_i32 = arith.constant 0 : i32
    %c0_i32_0 = arith.constant 0 : i32
    %c0_i32_1 = arith.constant 0 : i32
    return %c0_i32, %arg0, %c0_i32_0 : i32, i32, i32
  }
  func.func @transform_1(%arg0: i32) -> (i32, i32) {
    %c0_i32 = arith.constant 0 : i32
    %c0_i32_0 = arith.constant 0 : i32
    return %arg0, %c0_i32 : i32, i32
  }
  func.func @transform_2(%arg0: i32) -> (i32, i32) {
    %c0_i32 = arith.constant 0 : i32
    %c0_i32_0 = arith.constant 0 : i32
    return %arg0, %c0_i32 : i32, i32
  }
  func.func @transform_3(%arg0: i32) -> i32 {
    %c0_i32 = arith.constant 0 : i32
    %c0_i32_0 = arith.constant 0 : i32
    return %c0_i32 : i32
  }
  func.func @transform_4(%arg0: i32) -> (i32, i32) {
    %c0_i32 = arith.constant 0 : i32
    %c0_i32_0 = arith.constant 0 : i32
    return %arg0, %c0_i32 : i32, i32
  }
}

</mosaic_0001>

<sc_bundles>
// kernel: kernel.10.cloned.1.call-start
scs
__scs_entry_jumppad:
0x0: {  	(pc) =	sbr.rel $0x88, $3  }
0x1: {  	(tag) =	ssettag $0x0;
	lr =	simm.s32 $0x1  }
0x2: {  	[smem:$0x3F9D] =	sst lr;
	_ =	strace $0xD0000000  }
0x3: {  	_ = 	snop  }
0x4: {  	_ = 	snop  }
0x5: {  	_ = 	snop  }
0x6: {  	_ = 	snop  }
0x7: {  	_ = 	snop  }
__scs_overlays_trampoline_lowered:
0x8: {  	[smem:$0x3FAC] =	sst s0  }
0x9: {  	[smem:$0x3FAD] =	sst s1  }
0xa: {  	[smem:$0x3FAE] =	sst s2  }
0xb: {  	[smem:$0x3FAF] =	sst s3  }
0xc: {  	[smem:$0x3FB0] =	sst s4  }
0xd: {  	[smem:$0x3FB1] =	sst s5  }
0xe: {  	[smem:$0x3FB2] =	sst s6  }
0xf: {  	[smem:$0x3FB3] =	sst s7  }
0x10: {  	[smem:$0x3FB4] =	sst s8  }
0x11: {  	[smem:$0x3FB5] =	sst s9;
	s0 =	simm.s32 @!p0 $0x0  }
0x12: {  	s1 =	sld [smem:$0x3F9B];
	s0 =	simm.s32 @p0 $0x1  }
0x13: {  	[smem:$0x3FB6] =	sst s0;
	s0 =	simm.s32 @!p1 $0x0  }
0x14: {  	s2 =	sld [smem:$0x3F9A];
	s0 =	simm.s32 @p1 $0x1  }
0x15: {  	[smem:$0x3FB7] =	sst s0;
	s0 =	simm.s32 @!p2 $0x0  }
0x16: {  	s3 =	sld [smem:$0x3FDB];
	s0 =	simm.s32 @p2 $0x1  }
0x17: {  	s4 =	simm.s32 $0x1BF5;
	[smem:$0x3FB9] =	sst s0  }
0x18: {  	s0 =	sld [smem:$0x3F9C];
	_ =	swait.ge [sflag:s4], $0x0  }
0x19: {  	s7 =	sld [smem:$0x3F9D]  }
0x1a: {  	s8 =	sadd.s32 $0xFFFFE003, lr  }
0x1b: {  	s9 =	sadd.s32 $0xFFFFFEF7, lr;
	s5 =	simm.s32 $0xFFFFFFFF;
	p2 =	slt.u32 s8, $0xFFFFF086  }
0x1c: {  	p1 =	slt.u32 s9, $0xF7A;
	s5 =	simm.s32 @!p2 $0x0  }
0x1d: {  	s5 =	simm.s32 @p1 $0x1;
	p0 =	seq.s32 s7, s2  }
0x1e: {  	s7 =	smul.u32 @!p0 $0xF7A, s2;
	p2 =	seq.s32 @!p0 s5, $0x0  }
0x1f: {  	s9 =	smul.u32 $0xF7A, s1;
	s8 =	simm.s32 @!p0 $0x1BF5;
	p2 =	por !p2, p0  }
0x20: {  	[sflag:s8] =	ssyncset.s32 @!p0 $0xFFFFF086;
	s6 =	sadd.s32 @!p0 s3, s7;
	s7 =	simm.s32 @!p0 $0x108  }
0x21: {  	s3 =	sadd.s32 s3, s9;
	s6 =	sadd.s32 @!p0 $0x88, s6;
	s7 =	simm.s32 @p2 $0x1082  }
0x22: {  	[simem:s7], [sflag:s8] =	dma.local @!p0 [hbm:s6], $0xF7A  }
0x23: {  	s9 =	sor.u32 $0xD0000000, s2;
	s6 =	simm.s32 $0x108;
	_ =	swait.ge @!p0 [sflag:s8], $0x0  }
0x24: {  	s3 =	sadd.s32 $0x88, s3;
	s6 =	simm.s32 @!p1 $0x1082;
	[sflag:s4] =	ssyncset.s32 $0xFFFFF086  }
0x25: {  	[simem:s6], [sflag:s4] =	dma.local [hbm:s3], $0xF7A  }
0x26: {  	[smem:$0x3F9D] =	sst s1;
	(tag) =	ssettag s2;
	_ =	strace s9  }
0x27: {  	s1 =	sld [smem:$0x3FAD]  }
0x28: {  	s2 =	sld [smem:$0x3FAE]  }
0x29: {  	s4 =	sld [smem:$0x3FB0]  }
0x2a: {  	p0 =	seq.s32 s5, $0x0;
	s5 =	sld [smem:$0x3FB1]  }
0x2b: {  	s6 =	sld [smem:$0x3FB2]  }
0x2c: {  	s7 =	sld [smem:$0x3FB3]  }
0x2d: {  	s3 =	simm.s32 $0x108;
	s8 =	sld [smem:$0x3FB4]  }
0x2e: {  	s3 =	simm.s32 @!p0 $0x1082;
	s9 =	sld [smem:$0x3FB5]  }
0x2f: {  	lr =	sadd.s32 s0, s3;
	s0 =	sld [smem:$0x3FAC]  }
0x30: {  	s3 =	sld [smem:$0x3FAF]  }
0x31: {  	[smem:$0x3FB8] =	sst s10  }
0x32: {  	s10 =	sld [smem:$0x3FB6];
	_ =	sdelay $0x3  }
0x33: {  	p0 =	seq.s32 s10, $0x1;
	s10 =	sld [smem:$0x3FB8];
	_ =	sdelay $0x3  }
0x34: {  	[smem:$0x3FB8] =	sst s10  }
0x35: {  	s10 =	sld [smem:$0x3FB7];
	_ =	sdelay $0x3  }
0x36: {  	p1 =	seq.s32 s10, $0x1;
	s10 =	sld [smem:$0x3FB8];
	_ =	sdelay $0x3  }
0x37: {  	[smem:$0x3FB8] =	sst s10  }
0x38: {  	s10 =	sld [smem:$0x3FB9]  }
0x39: {  	_ = 	snop;
	(pc) =	sbr.ind lr, $3  }
0x3a: {  	_ = 	snop  }
0x3b: {  	_ = 	snop  }
0x3c: {  	p2 =	seq.s32 s10, $0x1;
	s10 =	sld [smem:$0x3FB8]  }
0x3d: {  	_ =	shalt  }
0x3e: {  	_ =	shalt  }
0x3f: {  	_ =	shalt  }
0x40: {  	_ =	shalt  }
0x41: {  	_ =	shalt  }
0x42: {  	_ =	shalt  }
0x43: {  	_ =	shalt  }
0x44: {  	_ =	shalt  }
0x45: {  	_ =	shalt  }
0x46: {  	_ =	shalt  }
0x47: {  	_ =	shalt  }
0x48: {  	_ =	shalt  }
0x49: {  	_ =	shalt  }
0x4a: {  	_ =	shalt  }
0x4b: {  	_ =	shalt  }
0x4c: {  	_ =	shalt  }
0x4d: {  	_ =	shalt  }
0x4e: {  	_ =	shalt  }
0x4f: {  	_ =	shalt  }
0x50: {  	_ =	shalt  }
0x51: {  	_ =	shalt  }
0x52: {  	_ =	shalt  }
0x53: {  	_ =	shalt  }
0x54: {  	_ =	shalt  }
0x55: {  	_ =	shalt  }
0x56: {  	_ =	shalt  }
0x57: {  	_ =	shalt  }
0x58: {  	_ =	shalt  }
0x59: {  	_ =	shalt  }
0x5a: {  	_ =	shalt  }
0x5b: {  	_ =	shalt  }
0x5c: {  	_ =	shalt  }
0x5d: {  	_ =	shalt  }
0x5e: {  	_ =	shalt  }
0x5f: {  	_ =	shalt  }
0x60: {  	_ =	shalt  }
0x61: {  	_ =	shalt  }
0x62: {  	_ =	shalt  }
0x63: {  	_ =	shalt  }
0x64: {  	_ =	shalt  }
0x65: {  	_ =	shalt  }
0x66: {  	_ =	shalt  }
0x67: {  	_ =	shalt  }
0x68: {  	_ =	shalt  }
0x69: {  	_ =	shalt  }
0x6a: {  	_ =	shalt  }
0x6b: {  	_ =	shalt  }
0x6c: {  	_ =	shalt  }
0x6d: {  	_ =	shalt  }
0x6e: {  	_ =	shalt  }
0x6f: {  	_ =	shalt  }
0x70: {  	_ =	shalt  }
0x71: {  	_ =	shalt  }
0x72: {  	_ =	shalt  }
0x73: {  	_ =	shalt  }
0x74: {  	_ =	shalt  }
0x75: {  	_ =	shalt  }
0x76: {  	_ =	shalt  }
0x77: {  	_ =	shalt  }
0x78: {  	_ =	shalt  }
0x79: {  	_ =	shalt  }
0x7a: {  	_ =	shalt  }
0x7b: {  	_ =	shalt  }
0x7c: {  	_ =	shalt  }
0x7d: {  	_ =	shalt  }
0x7e: {  	_ =	shalt  }
0x7f: {  	_ =	shalt  }
0x80: {  	_ =	shalt  }
0x81: {  	_ =	shalt  }
0x82: {  	_ =	shalt  }
0x83: {  	_ =	shalt  }
0x84: {  	_ =	shalt  }
0x85: {  	_ =	shalt  }
0x86: {  	_ =	shalt  }
0x87: {  	_ =	shalt  }
.Lfunc_end0:
.L_simem_size_0:
called_computation.1_lowered:
.L_overlay_start_0:
0x88: {  	s2 =	sld [smem:$0x3FD9]  }
0x89: {  	s3 =	sld [smem:$0x3FFE];
	_ =	sdelay $0x1  }
0x8a: {  	s1 =	srdreg.scid  }
0x8b: {  	s0 =	sand.u32 $0x1, s1  }
0x8c: {  	s17 =	sshll.u32 s0, $0xA;
	s2 =	sadd.s32 s3, s2  }
0x8d: {  	s2 =	sadd.s32 s2, s17  }
0x8e: {  	[smem:$0x3FC4] =	sst s2  }
0x8f: {  	_ = 	snop  }
0x90: {  	s2 =	sld [smem:$0x3FD0];
	(tm) =	ssettm $0x1  }
0x91: {  	s18 =	sld [smem:$0x3FFB];
	_ =	sdelay $0x3  }
0x92: {  	_ =	strace s18  }
0x93: {  	s3 =	sld [smem:$0x3FFC];
	_ =	sdelay $0x3  }
0x94: {  	_ =	strace s3  }
0x95: {  	s3 =	sld [smem:$0x3FFD];
	_ =	sdelay $0x3  }
0x96: {  	_ =	strace s3  }
0x97: {  	_ =	strace $0x8FFFFFFF  }
0x98: {  	s19 =	sld [smem:$0x3FDB];
	_ =	sdelay $0x1  }
0x99: {  	s4 =	simm.s32 $_scs_section_size  }
0x9a: {  	s5 =	simm.s32 $_size__tile_overlayer_lowered;
	s6 =	simm.s32 $_tile_overlayer_lowered  }
0x9b: {  	s22 =	simm.s32 $0x1BFF;
	s21 =	sshll.u32 s6, $0x1;
	s3 =	sadd.s32 s4, s19  }
0x9c: {  	s7 =	simm.s32 $0x0;
	s20 =	sshll.u32 s5, $0x1;
	s5 =	sadd.s32 s21, s3  }
0x9d: {  	[timem:s7], [sflag:s22] =	dma.local [hbm:s5], s20  }
0x9e: {  	_ =	swait.ge [sflag:s22], s20  }
0x9f: {  	s4 =	ssub.s32 $0x0, s20;
	[sflag:s22] =	ssyncset.done $0x0  }
0xa0: {  	[sflag:s22] =	ssyncadd.s32 s4;
	_ =	sdelay $0x1  }
0xa1: {  	s23 =	simm.s32 $0x1B8B  }
0xa2: {  	_ =	swait.ge [sflag:s23], $0x1  }
0xa3: {  	[sflag:s23] =	ssyncset.done $0x0  }
0xa4: {  	s25 =	simm.s32 $0x1B8E;
	s24 =	sld [smem:$0x3FFE];
	[sflag:s23] =	ssyncadd.s32 $0xFFFFFFFF  }
0xa5: {  	s26 =	simm.s32 $execute0_lowered;
	[smem:$0x3FD2] =	sst s25  }
0xa6: {  	s5 =	sshll.u32 s26, $0x1;
	_ =	strace $0x80000049;
	[dreg:$0x1] =	wrdreg $0xFFFFFFFF  }
0xa7: {  	s28 =	simm.s32 $_size_execute0_lowered;
	s3 =	sadd.s32 s3, s5;
	[dreg:$0x0] =	wrdreg $0x0  }
0xa8: {  	s5 =	sshll.u32 s28, $0x1;
	[dreg:$0x2] =	wrdreg s3  }
0xa9: {  	[dreg:$0x3] =	wrdreg s5  }
0xaa: {  	[dreg:$0x4] =	wrdreg $0xC0  }
0xab: {  	_ =	task [dreg:s7], $0x5FFFF  }
0xac: {  	[dreg:$0x1] =	wrdreg $0xFFFFFFFF  }
0xad: {  	[dreg:$0x0] =	wrdreg $0x60  }
0xae: {  	[dreg:$0x2] =	wrdreg s2  }
0xaf: {  	[dreg:$0x3] =	wrdreg s24  }
0xb0: {  	[dreg:$0x4] =	wrdreg $0xC0000  }
0xb1: {  	[dreg:$0x5] =	wrdreg $0x9  }
0xb2: {  	_ =	task.clear_ibuf [dreg:s7], $0x6FFFF;
	_ =	strace $0x90000049  }
0xb3: {  	s29 =	simm.s32 $0x9;
	_ =	strace $0x8000004B  }
0xb4: {  	_ =	swait.ge [sflag:s29], $0x1  }
0xb5: {  	[sflag:s29] =	ssyncadd.s32 $0xFFFFFFFF  }
0xb6: {  	_ =	strace $0x9000004B  }
0xb7: {  	_ =	sfence  }
0xb8: {  	s30 =	sld [smem:$0x0];
	_ =	sdelay $0x2  }
0xb9: {  	s31 =	sshll.u32 s1, $0xD;
	s1 =	sshrl.u32 s1, $0x2  }
0xba: {  	s3 =	sand.u32 $0x4000, s31;
	s1 =	sadd.s32 s1, s30  }
0xbb: {  	s0 =	sor.u32 s3, s0;
	s1 =	sshll.u32 s1, $0x11  }
0xbc: {  	s0 =	sor.u32 s1, s0  }
0xbd: {  	s0 =	sadd.s32 $0x8F2B, s0  }
0xbe: {  	[sflag:s0] =	ssyncadd.remote.s32 $0x1  }
0xbf: {  	_ =	sfence.sel $0xFFFF  }
0xc0: {  	[dreg:$0x0] =	wrdreg $0xFFFFFFFF;
	(pc) =	sbr.abs _section_cstart, $3  }
0xc1: {  	[dreg:$0x1] =	wrdreg $0xFFFFFFFF  }
0xc2: {  	_ =	task.clear_ibuf [dreg:s7], $0x2FFFF;
	_ =	strace $0x9FFFFFFF  }
0xc3: {  	(tm) =	ssettm $0x7FFFFFFF  }
tec
execute0_lowered:
.L_overlay_start_1:
0x0: {  	(tag) =	ssettag $0x1  }
0x1: {  	s0 =	rddreg [dreg:$0x0]  }
0x2: {  	s1 =	rddreg [dreg:$0x1];
	s2 =	srdreg.scid  }
0x3: {  	s3 =	rddreg [dreg:$0x2];
	s10 =	stileid.u32  }
0x4: {  	s4 =	simm.s32 $0x0;
	s2 =	sand.u32 $0x1, s2;
	s6 =	smul.u32 $0x14000, s10  }
0x5: {  	s28 =	simm.s32 $0x5;
	s29 =	simm.s32 $0x50;
	s5 =	smul.u32 $0x140000, s2  }
0x6: {  	s30 =	simm.s32 $0x80;
	s31 =	simm.s32 $0x4800;
	s7 =	smul.u32 $0x50000, s10  }
0x7: {  	[smem:$0x7FF] =	sst s4;
	s13 =	sadd.s32 $0x1EC00, s1;
	s5 =	sadd.s32 s6, s5  }
0x8: {  	s8 =	sadd.s32 $0xAC00, s1;
	s7 =	sshrl.u32 s7, $0x2;
	s5 =	sshrl.u32 s5, $0x3  }
0x9: {  	_ =	strace $0x8000004A;
	s1 =	sadd.s32 s5, s1;
	s5 =	sadd.s32 s7, s3  }
0xa: {  	s14 =	ssub.s32 $0x2, s2;
	s2 =	sshll.u32 s2, $0x4;
	s7 =	sadd.s32 $0x2800, s5  }
0xb: {  	s9 =	sshrl.u32 s14, $0x1;
	s15 =	sadd.s32 $0x5000, s5;
	[dreg:$0x4] =	wrdreg s7  }
0xc: {  	s2 =	sor.u32 s10, s2;
	s16 =	sadd.s32 $0x7800, s5;
	[dreg:$0x5] =	wrdreg s15  }
0xd: {  	s2 =	smul.u32 $0x5000, s2;
	s17 =	sadd.s32 $0xA000, s5;
	[dreg:$0x6] =	wrdreg s16  }
0xe: {  	s9 =	ssub.s32 s14, s9;
	s18 =	sadd.s32 $0xC800, s5;
	[dreg:$0x7] =	wrdreg s17  }
0xf: {  	s2 =	sshrl.u32 s2, $0x3;
	s19 =	sadd.s32 $0xF000, s5;
	[dreg:$0x8] =	wrdreg s18  }
0x10: {  	s20 =	sadd.s32 $0x11800, s5;
	s21 =	sadd.s32 s13, s2;
	[dreg:$0x9] =	wrdreg s19  }
0x11: {  	s22 =	sadd.s32 s8, s2;
	s23 =	sadd.s32 $0x200, s2;
	[dreg:$0xa] =	wrdreg s20  }
0x12: {  	s25 =	sadd.s32 $0x400, s2;
	s26 =	sadd.s32 $0x600, s2;
	[dreg:$0xb] =	wrdreg s21  }
0x13: {  	s2 =	sadd.s32 $0x800, s2;
	[dreg:$0xc] =	wrdreg s22;
	s24 =	sadd.s32 s13, s23  }
0x14: {  	s7 =	sadd.s32 s8, s23;
	s17 =	sadd.s32 s13, s25;
	s18 =	sadd.s32 s8, s25  }
0x15: {  	s19 =	sadd.s32 s13, s26;
	s20 =	sadd.s32 s8, s26;
	s21 =	sadd.s32 s13, s2  }
0x16: {  	s22 =	sadd.s32 s8, s2;
	s23 =	sadd.s32 $0x32C00, s1;
	s25 =	simm.s32 $0x2000  }
0x17: {  	s26 =	simm.s32 $0x1;
	s1 =	simm.s32 $0x100;
	[dreg:$0xd] =	wrdreg s24  }
0x18: {  	v0 =	vimm.f32 $0.0e+00;
	s2 =	simm.s32 $0x7000;
	[dreg:$0xe] =	wrdreg s7;
	s24 =	smax.u32 s9, $0x1  }
.LBB2_1:
0x19: {  	s6 =	simm.s32 $0x0;
	s7 =	simm.s32 $0x200  }
.LBB2_2:
0x1a: {  	p0 =	sne.s32 s7, $0x9E00;
	[tilespmem:s6+$0x2070] =	vst v0  }
0x1b: {  	[tilespmem:s6+$0x2000] =	vst v0  }
0x1c: {  	[tilespmem:s6+$0x2010] =	vst v0  }
.Ltmp0:
0x1d: {  	[tilespmem:s6+$0x2020] =	vst v0;
	(pc) =	sbr.rel @p0 .LBB2_2-.Ltmp0, $4  }
0x1e: {  	[tilespmem:s6+$0x2030] =	vst v0  }
0x1f: {  	[tilespmem:s6+$0x2040] =	vst v0  }
0x20: {  	[tilespmem:s6+$0x2050] =	vst v0  }
0x21: {  	[tilespmem:s6+$0x2060] =	vst v0;
	s6 =	sshra.s32 s7, $0x2;
	s7 =	sadd.s32 $0x200, s7  }
0x22: {  	[tilespmem:s6+$0x2070] =	vst v0  }
0x23: {  	[tilespmem:s6+$0x2000] =	vst v0  }
0x24: {  	[tilespmem:s6+$0x2010] =	vst v0  }
0x25: {  	[tilespmem:s6+$0x2020] =	vst v0  }
0x26: {  	[tilespmem:s6+$0x2030] =	vst v0  }
0x27: {  	[tilespmem:s6+$0x2040] =	vst v0  }
0x28: {  	[tilespmem:s6+$0x2050] =	vst v0  }
0x29: {  	[tilespmem:s6+$0x2060] =	vst v0  }
0x2a: {  	[spmem:s5] =	stream.linear.scatter [tilespmem:s25], [sflag:$0x1], $0x2800, $0x38;
	v63 =	vld [tilespmem:$0x0]  }
0x2b: {  	s10 =	rddreg [dreg:$0x4]  }
0x2c: {  	[spmem:s10] =	stream.linear.scatter [tilespmem:s25], [sflag:$0x1], $0x2800, $0x38;
	v63 =	vld [tilespmem:$0x0]  }
0x2d: {  	s11 =	rddreg [dreg:$0x5]  }
0x2e: {  	[spmem:s11] =	stream.linear.scatter [tilespmem:s25], [sflag:$0x1], $0x2800, $0x38;
	v63 =	vld [tilespmem:$0x0]  }
0x2f: {  	s12 =	rddreg [dreg:$0x6]  }
0x30: {  	[spmem:s12] =	stream.linear.scatter [tilespmem:s25], [sflag:$0x1], $0x2800, $0x38;
	v63 =	vld [tilespmem:$0x0]  }
0x31: {  	s13 =	rddreg [dreg:$0x7]  }
0x32: {  	[spmem:s13] =	stream.linear.scatter [tilespmem:s25], [sflag:$0x1], $0x2800, $0x38;
	v63 =	vld [tilespmem:$0x0]  }
0x33: {  	s14 =	rddreg [dreg:$0x8]  }
0x34: {  	[spmem:s14] =	stream.linear.scatter [tilespmem:s25], [sflag:$0x1], $0x2800, $0x38;
	v63 =	vld [tilespmem:$0x0]  }
0x35: {  	s15 =	rddreg [dreg:$0x9]  }
0x36: {  	[spmem:s15] =	stream.linear.scatter [tilespmem:s25], [sflag:$0x1], $0x2800, $0x38;
	v63 =	vld [tilespmem:$0x0]  }
0x37: {  	s16 =	rddreg [dreg:$0xa]  }
0x38: {  	[spmem:s16] =	stream.linear.scatter [tilespmem:s25], [sflag:$0x1], $0x2800, $0x38;
	v63 =	vld [tilespmem:$0x0]  }
0x39: {  	_ =	swait.ge [sflag:s26], $0x2800  }
0x3a: {  	[sflag:s26] =	ssyncset.done $0x0  }
0x3b: {  	[sflag:s26] =	ssyncadd.s32 $0xFFFFD800  }
0x3c: {  	_ =	swait.ge [sflag:s26], $0x2800  }
0x3d: {  	[sflag:s26] =	ssyncset.done $0x0  }
0x3e: {  	[sflag:s26] =	ssyncadd.s32 $0xFFFFD800  }
0x3f: {  	_ =	swait.ge [sflag:s26], $0x2800  }
0x40: {  	[sflag:s26] =	ssyncset.done $0x0  }
0x41: {  	[sflag:s26] =	ssyncadd.s32 $0xFFFFD800  }
0x42: {  	_ =	swait.ge [sflag:s26], $0x2800  }
0x43: {  	[sflag:s26] =	ssyncset.done $0x0  }
0x44: {  	[sflag:s26] =	ssyncadd.s32 $0xFFFFD800  }
0x45: {  	_ =	swait.ge [sflag:s26], $0x2800  }
0x46: {  	[sflag:s26] =	ssyncset.done $0x0  }
0x47: {  	[sflag:s26] =	ssyncadd.s32 $0xFFFFD800  }
0x48: {  	_ =	swait.ge [sflag:s26], $0x2800  }
0x49: {  	[sflag:s26] =	ssyncset.done $0x0  }
0x4a: {  	[sflag:s26] =	ssyncadd.s32 $0xFFFFD800  }
0x4b: {  	_ =	swait.ge [sflag:s26], $0x2800  }
0x4c: {  	[sflag:s26] =	ssyncset.done $0x0  }
0x4d: {  	[sflag:s26] =	ssyncadd.s32 $0xFFFFD800  }
0x4e: {  	_ =	swait.ge [sflag:s26], $0x2800  }
0x4f: {  	[sflag:s26] =	ssyncset.done $0x0  }
0x50: {  	[sflag:s26] =	ssyncadd.s32 $0xFFFFD800  }
0x51: {  	[bflag:$0x0] =	sbarrier.arrive $0xFFFF  }
0x52: {  	s6 =	simm.s32 $0x0;
	s7 =	rddreg [dreg:$0xb]  }
0x53: {  	[tilespmem:s6], [sflag:$0x5] =	stream.linear.gather [hbm4b:s7+s6], $0xC80, $0x38;
	v63 =	vld [tilespmem:$0x0]  }
0x54: {  	_ =	swait.ge [sflag:s28], $0xC80  }
0x55: {  	[sflag:s28] =	ssyncset.done $0x0  }
0x56: {  	s7 =	simm.s32 $0x1000;
	s8 =	rddreg [dreg:$0xc];
	[sflag:s28] =	ssyncadd.s32 $0xFFFFF380  }
0x57: {  	[tilespmem:s7], [sflag:$0x5] =	stream.linear.gather [hbm4b:s8+s6], $0xC80, $0x38;
	v63 =	vld [tilespmem:$0x0]  }
0x58: {  	_ =	swait.ge [sflag:s28], $0xC80  }
0x59: {  	[sflag:s28] =	ssyncset.done $0x0  }
0x5a: {  	[sflag:s28] =	ssyncadd.s32 $0xFFFFF380  }
0x5b: {  	[tilespmem:s25], [sflag:$0x1] =	stream.indirect.gather [hbm4b:s0+s29], $0x80, s6, s29, $0xb8;
	v63 =	vld [tilespmem:$0x0]  }
0x5c: {  	_ = 	snop  }
0x5d: {  	[tilespmem:s31], [sflag:$0x2] =	stream.indirect.gather [hbm4b:s0+s29], $0x80, s30, s29, $0xb8;
	v63 =	vld [tilespmem:$0x0]  }
0x5e: {  	s8 =	simm.s32 $0x180  }
0x5f: {  	[tilespmem:s2], [sflag:$0x3] =	stream.indirect.gather [hbm4b:s0+s29], $0x80, s1, s29, $0xb8;
	v63 =	vld [tilespmem:$0x0]  }
.LBB2_4:
0x60: {  	s9 =	sand.u32 $0x3, s6  }
0x61: {  	p0 =	sgt.s32 s9, $0x1  }
0x62: {  	p2 =	seq.s32 @p0 s9, $0x2  }
0x63: {  	p1 =	por !p2, !p0  }
0x64: {  	p3 =	sgt.u32 @!p1 s6, $0x15;
	s10 =	simm.s32 @!p1 $0x3  }
0x65: {  	_ =	swait.ge @!p1 [sflag:s10], $0x2800;
	p3 =	por @p0 p3, !p2  }
0x66: {  	[sflag:s10] =	ssyncset.done @!p1 $0x0;
	p3 =	por p3, !p0  }
0x67: {  	[sflag:s10] =	ssyncadd.s32 @!p1 $0xFFFFD800;
	s10 =	simm.s32 @!p3 $0x50;
	s11 =	simm.s32 @!p3 $0x4800  }
0x68: {  	[tilespmem:s11], [sflag:$0x2] =	stream.indirect.gather @!p3 [hbm4b:s0+s10], $0x80, s8, s10, $0xb8;
	v63 =	vld [tilespmem:$0x0]  }
0x69: {  	s10 =	simm.s32 @!p1 $0x50;
	s11 =	simm.s32 @!p1 $0x7000;
	p3 =	por p2, !p0  }
0x6a: {  	[spmem:s3] =	stream.indirect.scatter.add.f32 @!p1 [tilespmem:s11], [sflag:$0x6], $0x80, s7, s10, $0xb8;
	v63 =	vld [tilespmem:$0x0]  }
0x6b: {  	p4 =	sgt.u32 @!p3 s6, $0x15;
	s10 =	simm.s32 @!p3 $0x4  }
0x6c: {  	p2 =	por @p0 p4, p2;
	_ =	swait.ge @!p3 [sflag:s10], $0x2800  }
0x6d: {  	p2 =	por p2, !p0;
	[sflag:s10] =	ssyncset.done @!p3 $0x0  }
0x6e: {  	s11 =	simm.s32 @!p2 $0x7000;
	[sflag:s10] =	ssyncadd.s32 @!p3 $0xFFFFD800;
	s10 =	simm.s32 @!p2 $0x50  }
0x6f: {  	[tilespmem:s11], [sflag:$0x3] =	stream.indirect.gather @!p2 [hbm4b:s0+s10], $0x80, s8, s10, $0xb8;
	v63 =	vld [tilespmem:$0x0]  }
0x70: {  	s10 =	simm.s32 @!p3 $0x50;
	s11 =	simm.s32 @!p3 $0x9800  }
0x71: {  	[spmem:s3] =	stream.indirect.scatter.add.f32 @!p3 [tilespmem:s11], [sflag:$0x5], $0x80, s7, s10, $0xb8;
	v63 =	vld [tilespmem:$0x0]  }
0x72: {  	p3 =	seq.s32 @!p0 s9, $0x0  }
0x73: {  	p2 =	por !p3, p0  }
0x74: {  	p4 =	sgt.u32 @!p2 s6, $0x15;
	s9 =	simm.s32 @!p2 $0x1  }
0x75: {  	_ =	swait.ge @!p2 [sflag:s9], $0x2800;
	p4 =	por @!p0 p4, !p3  }
0x76: {  	[sflag:s9] =	ssyncset.done @!p2 $0x0;
	p4 =	por p4, p0  }
0x77: {  	[sflag:s9] =	ssyncadd.s32 @!p2 $0xFFFFD800;
	s9 =	simm.s32 @!p4 $0x50;
	s10 =	simm.s32 @!p4 $0x9800  }
0x78: {  	[tilespmem:s10], [sflag:$0x4] =	stream.indirect.gather @!p4 [hbm4b:s0+s9], $0x80, s8, s9, $0xb8;
	v63 =	vld [tilespmem:$0x0]  }
0x79: {  	s9 =	simm.s32 @!p2 $0x50;
	s10 =	simm.s32 @!p2 $0x2000;
	p4 =	por p3, p0  }
0x7a: {  	[spmem:s3] =	stream.indirect.scatter.add.f32 @!p2 [tilespmem:s10], [sflag:$0x6], $0x80, s7, s9, $0xb8;
	v63 =	vld [tilespmem:$0x0]  }
0x7b: {  	p5 =	sgt.u32 @!p4 s6, $0x15;
	s9 =	simm.s32 @!p4 $0x2  }
0x7c: {  	p3 =	por @!p0 p5, p3;
	_ =	swait.ge @!p4 [sflag:s9], $0x2800  }
0x7d: {  	p3 =	por p3, p0;
	[sflag:s9] =	ssyncset.done @!p4 $0x0  }
0x7e: {  	s11 =	simm.s32 @!p3 $0x2000;
	[sflag:s9] =	ssyncadd.s32 @!p4 $0xFFFFD800;
	s9 =	simm.s32 @!p3 $0x50  }
0x7f: {  	[tilespmem:s11], [sflag:$0x1] =	stream.indirect.gather @!p3 [hbm4b:s0+s9], $0x80, s8, s9, $0xb8;
	v63 =	vld [tilespmem:$0x0]  }
0x80: {  	s10 =	simm.s32 @!p1 $0x6;
	s9 =	simm.s32 @!p2 $0x6  }
0x81: {  	s6 =	sadd.s32 $0x1, s6;
	s10 =	simm.s32 @p1 $0x5;
	s9 =	simm.s32 @p2 $0x6  }
0x82: {  	s9 =	smov.u32 @p0 s10;
	p0 =	sne.s32 s6, $0x19  }
.Ltmp1:
0x83: {  	s12 =	simm.s32 @!p4 $0x4800;
	s11 =	simm.s32 @!p4 $0x50;
	(pc) =	sbr.rel @p0 .LBB2_4-.Ltmp1, $4  }
0x84: {  	[spmem:s3] =	stream.indirect.scatter.add.f32 @!p4 [tilespmem:s12], [sflag:$0x6], $0x80, s7, s11, $0xb8;
	v63 =	vld [tilespmem:$0x0]  }
0x85: {  	_ =	swait.ge [sflag:s9], $0x2800  }
0x86: {  	[sflag:s9] =	ssyncset.done $0x0  }
0x87: {  	s8 =	sadd.s32 $0x80, s8;
	s7 =	sadd.s32 $0x80, s7;
	[sflag:s9] =	ssyncadd.s32 $0xFFFFD800  }
0x88: {  	s6 =	simm.s32 $0x0;
	s7 =	rddreg [dreg:$0xd]  }
0x89: {  	[tilespmem:s6], [sflag:$0x5] =	stream.linear.gather [hbm4b:s7+s6], $0xC80, $0x38;
	v63 =	vld [tilespmem:$0x0]  }
0x8a: {  	_ =	swait.ge [sflag:s28], $0xC80  }
0x8b: {  	[sflag:s28] =	ssyncset.done $0x0  }
0x8c: {  	s7 =	simm.s32 $0x1000;
	s8 =	rddreg [dreg:$0xe];
	[sflag:s28] =	ssyncadd.s32 $0xFFFFF380  }
0x8d: {  	[tilespmem:s7], [sflag:$0x5] =	stream.linear.gather [hbm4b:s8+s6], $0xC80, $0x38;
	v63 =	vld [tilespmem:$0x0]  }
0x8e: {  	_ =	swait.ge [sflag:s28], $0xC80  }
0x8f: {  	[sflag:s28] =	ssyncset.done $0x0  }
0x90: {  	[sflag:s28] =	ssyncadd.s32 $0xFFFFF380  }
0x91: {  	[tilespmem:s25], [sflag:$0x1] =	stream.indirect.gather [hbm4b:s0+s29], $0x80, s6, s29, $0xb8;
	v63 =	vld [tilespmem:$0x0]  }
0x92: {  	s6 =	sand.u32 $0x3, s6  }
0x93: {  	p0 =	sgt.s32 s6, $0x1  }
0x94: {  	[tilespmem:s31], [sflag:$0x2] =	stream.indirect.gather [hbm4b:s0+s29], $0x80, s30, s29, $0xb8;
	v63 =	vld [tilespmem:$0x0]  }
0x95: {  	p4 =	seq.s32 @p0 s6, $0x2  }
0x96: {  	s9 =	simm.s32 $0x180;
	p3 =	seq.s32 @!p0 s6, $0x0;
	p1 =	por !p4, !p0  }
0x97: {  	[tilespmem:s2], [sflag:$0x3] =	stream.indirect.gather [hbm4b:s0+s29], $0x80, s1, s29, $0xb8;
	v63 =	vld [tilespmem:$0x0]  }
0x98: {  	p5 =	por p4, !p0;
	p2 =	por @!p1 $0x0, $0x0;
	s8 =	simm.s32 @!p1 $0x3  }
0x99: {  	s6 =	simm.s32 @!p1 $0x50;
	_ =	swait.ge @!p1 [sflag:s8], $0x2800;
	p2 =	por @p0 p2, !p4  }
0x9a: {  	p6 =	por @!p5 $0x0, $0x0;
	[sflag:s8] =	ssyncset.done @!p1 $0x0;
	p2 =	por p2, !p0  }
0x9b: {  	[sflag:s8] =	ssyncadd.s32 @!p1 $0xFFFFD800;
	s8 =	simm.s32 @!p2 $0x50;
	s10 =	simm.s32 @!p2 $0x4800  }
0x9c: {  	[tilespmem:s10], [sflag:$0x2] =	stream.indirect.gather @!p2 [hbm4b:s0+s8], $0x80, s9, s8, $0xb8;
	v63 =	vld [tilespmem:$0x0]  }
0x9d: {  	p4 =	por @p0 p6, p4;
	s8 =	simm.s32 @!p1 $0x7000;
	s10 =	simm.s32 @!p5 $0x4  }
0x9e: {  	[spmem:s3] =	stream.indirect.scatter.add.f32 @!p1 [tilespmem:s8], [sflag:$0x6], $0x80, s7, s6, $0xb8;
	v63 =	vld [tilespmem:$0x0]  }
0x9f: {  	p4 =	por p4, !p0;
	_ =	swait.ge @!p5 [sflag:s10], $0x2800  }
0xa0: {  	p2 =	por !p3, p0;
	s6 =	simm.s32 @!p5 $0x9800;
	[sflag:s10] =	ssyncset.done @!p5 $0x0  }
0xa1: {  	s8 =	simm.s32 @!p4 $0x50;
	[sflag:s10] =	ssyncadd.s32 @!p5 $0xFFFFD800;
	s10 =	simm.s32 @!p4 $0x7000  }
0xa2: {  	[tilespmem:s10], [sflag:$0x3] =	stream.indirect.gather @!p4 [hbm4b:s0+s8], $0x80, s9, s8, $0xb8;
	v63 =	vld [tilespmem:$0x0]  }
0xa3: {  	s8 =	simm.s32 @!p5 $0x50;
	p4 =	por @!p2 $0x0, $0x0;
	s10 =	simm.s32 @!p2 $0x1  }
0xa4: {  	[spmem:s3] =	stream.indirect.scatter.add.f32 @!p5 [tilespmem:s6], [sflag:$0x5], $0x80, s7, s8, $0xb8;
	v63 =	vld [tilespmem:$0x0]  }
0xa5: {  	s13 =	simm.s32 @!p2 $0x6;
	p4 =	por @!p0 p4, !p3;
	_ =	swait.ge @!p2 [sflag:s10], $0x2800  }
0xa6: {  	s13 =	simm.s32 @p2 $0x6;
	p4 =	por p4, p0;
	[sflag:s10] =	ssyncset.done @!p2 $0x0  }
0xa7: {  	s6 =	simm.s32 @!p4 $0x50;
	s8 =	simm.s32 @!p4 $0x9800;
	[sflag:s10] =	ssyncadd.s32 @!p2 $0xFFFFD800  }
0xa8: {  	[tilespmem:s8], [sflag:$0x4] =	stream.indirect.gather @!p4 [hbm4b:s0+s6], $0x80, s9, s6, $0xb8;
	v63 =	vld [tilespmem:$0x0]  }
0xa9: {  	s6 =	simm.s32 @!p2 $0x50;
	p4 =	por p3, p0;
	s8 =	simm.s32 @!p2 $0x2000  }
0xaa: {  	[spmem:s3] =	stream.indirect.scatter.add.f32 @!p2 [tilespmem:s8], [sflag:$0x6], $0x80, s7, s6, $0xb8;
	v63 =	vld [tilespmem:$0x0]  }
0xab: {  	p5 =	por @!p4 $0x0, $0x0;
	s10 =	simm.s32 @!p4 $0x2;
	s6 =	simm.s32 $0x1  }
0xac: {  	p3 =	por @!p0 p5, p3;
	s8 =	simm.s32 @!p1 $0x6;
	_ =	swait.ge @!p4 [sflag:s10], $0x2800  }
0xad: {  	p3 =	por p3, p0;
	s8 =	simm.s32 @p1 $0x5;
	[sflag:s10] =	ssyncset.done @!p4 $0x0  }
0xae: {  	s11 =	simm.s32 @!p3 $0x2000;
	[sflag:s10] =	ssyncadd.s32 @!p4 $0xFFFFD800;
	s10 =	simm.s32 @!p3 $0x50  }
0xaf: {  	[tilespmem:s11], [sflag:$0x1] =	stream.indirect.gather @!p3 [hbm4b:s0+s10], $0x80, s9, s10, $0xb8;
	v63 =	vld [tilespmem:$0x0]  }
0xb0: {  	s13 =	smov.u32 @p0 s8;
	s9 =	simm.s32 @!p4 $0x4800;
	s10 =	simm.s32 @!p4 $0x50  }
0xb1: {  	[spmem:s3] =	stream.indirect.scatter.add.f32 @!p4 [tilespmem:s9], [sflag:$0x6], $0x80, s7, s10, $0xb8;
	v63 =	vld [tilespmem:$0x0]  }
0xb2: {  	s8 =	simm.s32 $0x200;
	s9 =	simm.s32 $0x2;
	s7 =	simm.s32 $0x1080  }
.LBB2_6:
0xb3: {  	s11 =	sand.u32 $0x3, s6  }
0xb4: {  	_ =	swait.ge [sflag:s13], $0x2800;
	s12 =	smov.u32 s9;
	s9 =	sadd.s32 $0x1, s9  }
0xb5: {  	p0 =	sne.s32 s9, $0x19;
	p1 =	sgt.s32 s11, $0x1;
	[sflag:s13] =	ssyncset.done $0x0  }
0xb6: {  	s14 =	simm.s32 @!p0 $0x0;
	p4 =	seq.s32 @p1 s11, $0x2;
	p2 =	seq.s32 @!p1 s11, $0x0  }
0xb7: {  	[sflag:s13] =	ssyncadd.s32 $0xFFFFD800;
	s14 =	simm.s32 @p0 $0x1;
	p5 =	por !p4, !p1  }
0xb8: {  	[smem:$0x7FD] =	sst s14;
	p3 =	sgt.u32 @!p5 s6, $0x15;
	s13 =	simm.s32 @!p5 $0x3  }
0xb9: {  	p6 =	por p4, !p1;
	_ =	swait.ge @!p5 [sflag:s13], $0x2800;
	p3 =	por @p1 p3, !p4  }
0xba: {  	p0 =	sgt.u32 @!p6 s6, $0x15;
	[sflag:s13] =	ssyncset.done @!p5 $0x0;
	p3 =	por p3, !p1  }
0xbb: {  	[sflag:s13] =	ssyncadd.s32 @!p5 $0xFFFFD800;
	s13 =	simm.s32 @!p3 $0x50;
	s14 =	simm.s32 @!p3 $0x4800  }
0xbc: {  	[tilespmem:s14], [sflag:$0x2] =	stream.indirect.gather @!p3 [hbm4b:s0+s13], $0x80, s8, s13, $0xb8;
	v63 =	vld [tilespmem:$0x0]  }
0xbd: {  	s15 =	simm.s32 @!p6 $0x4;
	s13 =	simm.s32 @!p5 $0x50;
	s14 =	simm.s32 @!p5 $0x7000  }
0xbe: {  	[spmem:s3] =	stream.indirect.scatter.add.f32 @!p5 [tilespmem:s14], [sflag:$0x6], $0x80, s7, s13, $0xb8;
	v63 =	vld [tilespmem:$0x0]  }
0xbf: {  	s16 =	simm.s32 @!p6 $0x50;
	p0 =	por @p1 p0, p4;
	_ =	swait.ge @!p6 [sflag:s15], $0x2800  }
0xc0: {  	p0 =	por p0, !p1;
	p3 =	por !p2, p1;
	[sflag:s15] =	ssyncset.done @!p6 $0x0  }
0xc1: {  	s13 =	simm.s32 @!p0 $0x50;
	[sflag:s15] =	ssyncadd.s32 @!p6 $0xFFFFD800;
	s15 =	simm.s32 @!p0 $0x7000  }
0xc2: {  	[tilespmem:s15], [sflag:$0x3] =	stream.indirect.gather @!p0 [hbm4b:s0+s13], $0x80, s8, s13, $0xb8;
	v63 =	vld [tilespmem:$0x0]  }
0xc3: {  	s14 =	simm.s32 @!p6 $0x9800;
	p0 =	sgt.u32 @!p3 s6, $0x15;
	s15 =	simm.s32 @!p3 $0x1  }
0xc4: {  	[spmem:s3] =	stream.indirect.scatter.add.f32 @!p6 [tilespmem:s14], [sflag:$0x5], $0x80, s7, s16, $0xb8;
	v63 =	vld [tilespmem:$0x0]  }
0xc5: {  	p4 =	por p2, p1;
	p0 =	por @!p1 p0, !p2;
	_ =	swait.ge @!p3 [sflag:s15], $0x2800  }
0xc6: {  	p0 =	por p0, p1;
	s16 =	simm.s32 @!p4 $0x2;
	[sflag:s15] =	ssyncset.done @!p3 $0x0  }
0xc7: {  	s14 =	simm.s32 @!p0 $0x50;
	[sflag:s15] =	ssyncadd.s32 @!p3 $0xFFFFD800;
	s15 =	simm.s32 @!p0 $0x9800  }
0xc8: {  	[tilespmem:s15], [sflag:$0x4] =	stream.indirect.gather @!p0 [hbm4b:s0+s14], $0x80, s8, s14, $0xb8;
	v63 =	vld [tilespmem:$0x0]  }
0xc9: {  	s14 =	simm.s32 @!p3 $0x50;
	s15 =	simm.s32 @!p3 $0x2000;
	p0 =	sgt.u32 @!p4 s6, $0x15  }
0xca: {  	[spmem:s3] =	stream.indirect.scatter.add.f32 @!p3 [tilespmem:s15], [sflag:$0x6], $0x80, s7, s14, $0xb8;
	v63 =	vld [tilespmem:$0x0]  }
0xcb: {  	p0 =	por @!p1 p0, p2;
	_ =	swait.ge @!p4 [sflag:s16], $0x2800  }
0xcc: {  	p0 =	por p0, p1;
	[sflag:s16] =	ssyncset.done @!p4 $0x0  }
0xcd: {  	s15 =	simm.s32 @!p0 $0x50;
	[sflag:s16] =	ssyncadd.s32 @!p4 $0xFFFFD800;
	s16 =	simm.s32 @!p0 $0x2000  }
0xce: {  	[tilespmem:s16], [sflag:$0x1] =	stream.indirect.gather @!p0 [hbm4b:s0+s15], $0x80, s8, s15, $0xb8;
	v63 =	vld [tilespmem:$0x0]  }
0xcf: {  	s16 =	sld [smem:$0x7FD];
	_ =	sdelay $0x2  }
0xd0: {  	p0 =	seq.s32 s16, $0x1  }
.Ltmp2:
0xd1: {  	s11 =	simm.s32 @!p5 $0x6;
	s13 =	simm.s32 @!p3 $0x6;
	(pc) =	sbr.rel @p0 .LBB2_6-.Ltmp2, $4  }
0xd2: {  	s10 =	smov.u32 s7;
	s11 =	simm.s32 @p5 $0x5;
	s13 =	simm.s32 @p3 $0x6  }
0xd3: {  	s13 =	smov.u32 @p1 s11;
	s6 =	smov.u32 s12;
	s12 =	simm.s32 @!p4 $0x4800  }
0xd4: {  	s14 =	simm.s32 @!p4 $0x50;
	s7 =	sadd.s32 $0x80, s7;
	s8 =	sadd.s32 $0x80, s8  }
0xd5: {  	[spmem:s3] =	stream.indirect.scatter.add.f32 @!p4 [tilespmem:s12], [sflag:$0x6], $0x80, s10, s14, $0xb8;
	v63 =	vld [tilespmem:$0x0]  }
0xd6: {  	s9 =	sand.u32 $0x3, s6  }
0xd7: {  	p0 =	sgt.s32 s9, $0x1  }
0xd8: {  	_ =	swait.ge [sflag:s13], $0x2800;
	p4 =	seq.s32 @p0 s9, $0x2  }
0xd9: {  	[sflag:s13] =	ssyncset.done $0x0;
	p1 =	por !p4, !p0  }
0xda: {  	[sflag:s13] =	ssyncadd.s32 $0xFFFFD800;
	p2 =	sgt.u32 @!p1 s6, $0x15;
	s10 =	simm.s32 @!p1 $0x3  }
0xdb: {  	p5 =	por p4, !p0;
	_ =	swait.ge @!p1 [sflag:s10], $0x2800;
	p2 =	por @p0 p2, !p4  }
0xdc: {  	p6 =	sgt.u32 @!p5 s6, $0x15;
	[sflag:s10] =	ssyncset.done @!p1 $0x0;
	p2 =	por p2, !p0  }
0xdd: {  	[sflag:s10] =	ssyncadd.s32 @!p1 $0xFFFFD800;
	s10 =	simm.s32 @!p2 $0x50;
	s11 =	simm.s32 @!p2 $0x4800  }
0xde: {  	[tilespmem:s11], [sflag:$0x2] =	stream.indirect.gather @!p2 [hbm4b:s0+s10], $0x80, s8, s10, $0xb8;
	v63 =	vld [tilespmem:$0x0]  }
0xdf: {  	p4 =	por @p0 p6, p4;
	p2 =	seq.s32 @!p0 s9, $0x0  }
0xe0: {  	s9 =	simm.s32 @!p1 $0x50;
	s10 =	simm.s32 @!p1 $0x7000;
	s11 =	simm.s32 @!p5 $0x4  }
0xe1: {  	[spmem:s3] =	stream.indirect.scatter.add.f32 @!p1 [tilespmem:s10], [sflag:$0x6], $0x80, s7, s9, $0xb8;
	v63 =	vld [tilespmem:$0x0]  }
0xe2: {  	p4 =	por p4, !p0;
	_ =	swait.ge @!p5 [sflag:s11], $0x2800  }
0xe3: {  	p3 =	por !p2, p0;
	s9 =	simm.s32 @!p5 $0x9800;
	[sflag:s11] =	ssyncset.done @!p5 $0x0  }
0xe4: {  	s10 =	simm.s32 @!p4 $0x50;
	[sflag:s11] =	ssyncadd.s32 @!p5 $0xFFFFD800;
	s11 =	simm.s32 @!p4 $0x7000  }
0xe5: {  	[tilespmem:s11], [sflag:$0x3] =	stream.indirect.gather @!p4 [hbm4b:s0+s10], $0x80, s8, s10, $0xb8;
	v63 =	vld [tilespmem:$0x0]  }
0xe6: {  	s10 =	simm.s32 @!p5 $0x50;
	p4 =	sgt.u32 @!p3 s6, $0x15;
	s11 =	simm.s32 @!p3 $0x1  }
0xe7: {  	[spmem:s3] =	stream.indirect.scatter.add.f32 @!p5 [tilespmem:s9], [sflag:$0x5], $0x80, s7, s10, $0xb8;
	v63 =	vld [tilespmem:$0x0]  }
0xe8: {  	p4 =	por @!p0 p4, !p2;
	_ =	swait.ge @!p3 [sflag:s11], $0x2800  }
0xe9: {  	s9 =	simm.s32 @!p1 $0x6;
	p4 =	por p4, p0;
	[sflag:s11] =	ssyncset.done @!p3 $0x0  }
0xea: {  	s10 =	simm.s32 @!p4 $0x50;
	[sflag:s11] =	ssyncadd.s32 @!p3 $0xFFFFD800;
	s11 =	simm.s32 @!p4 $0x9800  }
0xeb: {  	[tilespmem:s11], [sflag:$0x4] =	stream.indirect.gather @!p4 [hbm4b:s0+s10], $0x80, s8, s10, $0xb8;
	v63 =	vld [tilespmem:$0x0]  }
0xec: {  	s9 =	simm.s32 @p1 $0x5;
	p1 =	por p2, p0;
	s10 =	simm.s32 @!p3 $0x50  }
0xed: {  	s11 =	simm.s32 @!p3 $0x2000;
	p4 =	sgt.u32 @!p1 s6, $0x15;
	s6 =	simm.s32 @!p1 $0x2  }
0xee: {  	[spmem:s3] =	stream.indirect.scatter.add.f32 @!p3 [tilespmem:s11], [sflag:$0x6], $0x80, s7, s10, $0xb8;
	v63 =	vld [tilespmem:$0x0]  }
0xef: {  	p2 =	por @!p0 p4, p2;
	s10 =	simm.s32 @!p3 $0x6;
	_ =	swait.ge @!p1 [sflag:s6], $0x2800  }
0xf0: {  	p2 =	por p2, p0;
	s10 =	simm.s32 @p3 $0x6;
	[sflag:s6] =	ssyncset.done @!p1 $0x0  }
0xf1: {  	s11 =	simm.s32 @!p2 $0x2000;
	[sflag:s6] =	ssyncadd.s32 @!p1 $0xFFFFD800;
	s6 =	simm.s32 @!p2 $0x50  }
0xf2: {  	[tilespmem:s11], [sflag:$0x1] =	stream.indirect.gather @!p2 [hbm4b:s0+s6], $0x80, s8, s6, $0xb8;
	v63 =	vld [tilespmem:$0x0]  }
0xf3: {  	s10 =	smov.u32 @p0 s9;
	s6 =	simm.s32 @!p1 $0x4800;
	s8 =	simm.s32 @!p1 $0x50  }
0xf4: {  	[spmem:s3] =	stream.indirect.scatter.add.f32 @!p1 [tilespmem:s6], [sflag:$0x6], $0x80, s7, s8, $0xb8;
	v63 =	vld [tilespmem:$0x0]  }
0xf5: {  	_ =	swait.ge [sflag:s10], $0x2800  }
0xf6: {  	[sflag:s10] =	ssyncset.done $0x0  }
0xf7: {  	s16 =	simm.s32 $0x0;
	[sflag:s10] =	ssyncadd.s32 $0xFFFFD800  }
0xf8: {  	[tilespmem:s16], [sflag:$0x5] =	stream.linear.gather [hbm4b:s17+s16], $0xC80, $0x38;
	v63 =	vld [tilespmem:$0x0]  }
0xf9: {  	_ =	swait.ge [sflag:s28], $0xC80  }
0xfa: {  	[sflag:s28] =	ssyncset.done $0x0  }
0xfb: {  	s7 =	simm.s32 $0x1000;
	[sflag:s28] =	ssyncadd.s32 $0xFFFFF380  }
0xfc: {  	[tilespmem:s7], [sflag:$0x5] =	stream.linear.gather [hbm4b:s18+s16], $0xC80, $0x38;
	v63 =	vld [tilespmem:$0x0]  }
0xfd: {  	s6 =	sand.u32 $0x3, s16;
	_ =	swait.ge [sflag:s28], $0xC80  }
0xfe: {  	p0 =	sgt.s32 s6, $0x1;
	[sflag:s28] =	ssyncset.done $0x0  }
0xff: {  	p4 =	seq.s32 @p0 s6, $0x2;
	[sflag:s28] =	ssyncadd.s32 $0xFFFFF380  }
0x100: {  	[tilespmem:s25], [sflag:$0x1] =	stream.indirect.gather [hbm4b:s0+s29], $0x80, s16, s29, $0xb8;
	v63 =	vld [tilespmem:$0x0]  }
0x101: {  	s9 =	simm.s32 $0x180;
	p3 =	seq.s32 @!p0 s6, $0x0;
	p1 =	por !p4, !p0  }
0x102: {  	[tilespmem:s31], [sflag:$0x2] =	stream.indirect.gather [hbm4b:s0+s29], $0x80, s30, s29, $0xb8;
	v63 =	vld [tilespmem:$0x0]  }
0x103: {  	p5 =	por p4, !p0;
	p2 =	por @!p1 $0x0, $0x0;
	s8 =	simm.s32 @!p1 $0x3  }
0x104: {  	[tilespmem:s2], [sflag:$0x3] =	stream.indirect.gather [hbm4b:s0+s29], $0x80, s1, s29, $0xb8;
	v63 =	vld [tilespmem:$0x0]  }
0x105: {  	s6 =	simm.s32 @!p1 $0x50;
	p2 =	por @p0 p2, !p4;
	_ =	swait.ge @!p1 [sflag:s8], $0x2800  }
0x106: {  	p6 =	por @!p5 $0x0, $0x0;
	p2 =	por p2, !p0;
	[sflag:s8] =	ssyncset.done @!p1 $0x0  }
0x107: {  	s10 =	simm.s32 @!p2 $0x4800;
	[sflag:s8] =	ssyncadd.s32 @!p1 $0xFFFFD800;
	s8 =	simm.s32 @!p2 $0x50  }
0x108: {  	[tilespmem:s10], [sflag:$0x2] =	stream.indirect.gather @!p2 [hbm4b:s0+s8], $0x80, s9, s8, $0xb8;
	v63 =	vld [tilespmem:$0x0]  }
0x109: {  	p4 =	por @p0 p6, p4;
	s8 =	simm.s32 @!p1 $0x7000;
	s10 =	simm.s32 @!p5 $0x4  }
0x10a: {  	[spmem:s3] =	stream.indirect.scatter.add.f32 @!p1 [tilespmem:s8], [sflag:$0x6], $0x80, s7, s6, $0xb8;
	v63 =	vld [tilespmem:$0x0]  }
0x10b: {  	p4 =	por p4, !p0;
	_ =	swait.ge @!p5 [sflag:s10], $0x2800  }
0x10c: {  	p2 =	por !p3, p0;
	s6 =	simm.s32 @!p5 $0x9800;
	[sflag:s10] =	ssyncset.done @!p5 $0x0  }
0x10d: {  	s8 =	simm.s32 @!p4 $0x50;
	[sflag:s10] =	ssyncadd.s32 @!p5 $0xFFFFD800;
	s10 =	simm.s32 @!p4 $0x7000  }
0x10e: {  	[tilespmem:s10], [sflag:$0x3] =	stream.indirect.gather @!p4 [hbm4b:s0+s8], $0x80, s9, s8, $0xb8;
	v63 =	vld [tilespmem:$0x0]  }
0x10f: {  	s8 =	simm.s32 @!p5 $0x50;
	p4 =	por @!p2 $0x0, $0x0;
	s10 =	simm.s32 @!p2 $0x1  }
0x110: {  	[spmem:s3] =	stream.indirect.scatter.add.f32 @!p5 [tilespmem:s6], [sflag:$0x5], $0x80, s7, s8, $0xb8;
	v63 =	vld [tilespmem:$0x0]  }
0x111: {  	s13 =	simm.s32 @!p2 $0x6;
	p4 =	por @!p0 p4, !p3;
	_ =	swait.ge @!p2 [sflag:s10], $0x2800  }
0x112: {  	s13 =	simm.s32 @p2 $0x6;
	p4 =	por p4, p0;
	[sflag:s10] =	ssyncset.done @!p2 $0x0  }
0x113: {  	s6 =	simm.s32 @!p4 $0x50;
	s8 =	simm.s32 @!p4 $0x9800;
	[sflag:s10] =	ssyncadd.s32 @!p2 $0xFFFFD800  }
0x114: {  	[tilespmem:s8], [sflag:$0x4] =	stream.indirect.gather @!p4 [hbm4b:s0+s6], $0x80, s9, s6, $0xb8;
	v63 =	vld [tilespmem:$0x0]  }
0x115: {  	s6 =	simm.s32 @!p2 $0x50;
	p4 =	por p3, p0;
	s8 =	simm.s32 @!p2 $0x2000  }
0x116: {  	[spmem:s3] =	stream.indirect.scatter.add.f32 @!p2 [tilespmem:s8], [sflag:$0x6], $0x80, s7, s6, $0xb8;
	v63 =	vld [tilespmem:$0x0]  }
0x117: {  	p5 =	por @!p4 $0x0, $0x0;
	s10 =	simm.s32 @!p4 $0x2;
	s6 =	simm.s32 $0x1  }
0x118: {  	p3 =	por @!p0 p5, p3;
	s8 =	simm.s32 @!p1 $0x6;
	_ =	swait.ge @!p4 [sflag:s10], $0x2800  }
0x119: {  	p3 =	por p3, p0;
	s8 =	simm.s32 @p1 $0x5;
	[sflag:s10] =	ssyncset.done @!p4 $0x0  }
0x11a: {  	s11 =	simm.s32 @!p3 $0x2000;
	[sflag:s10] =	ssyncadd.s32 @!p4 $0xFFFFD800;
	s10 =	simm.s32 @!p3 $0x50  }
0x11b: {  	[tilespmem:s11], [sflag:$0x1] =	stream.indirect.gather @!p3 [hbm4b:s0+s10], $0x80, s9, s10, $0xb8;
	v63 =	vld [tilespmem:$0x0]  }
0x11c: {  	s13 =	smov.u32 @p0 s8;
	s9 =	simm.s32 @!p4 $0x4800;
	s10 =	simm.s32 @!p4 $0x50  }
0x11d: {  	[spmem:s3] =	stream.indirect.scatter.add.f32 @!p4 [tilespmem:s9], [sflag:$0x6], $0x80, s7, s10, $0xb8;
	v63 =	vld [tilespmem:$0x0]  }
0x11e: {  	s8 =	simm.s32 $0x200;
	s9 =	simm.s32 $0x2;
	s7 =	simm.s32 $0x1080  }
.LBB2_8:
0x11f: {  	s11 =	sand.u32 $0x3, s6  }
0x120: {  	_ =	swait.ge [sflag:s13], $0x2800;
	s12 =	smov.u32 s9;
	s9 =	sadd.s32 $0x1, s9  }
0x121: {  	p0 =	sne.s32 s9, $0x19;
	p1 =	sgt.s32 s11, $0x1;
	[sflag:s13] =	ssyncset.done $0x0  }
0x122: {  	s14 =	simm.s32 @!p0 $0x0;
	p4 =	seq.s32 @p1 s11, $0x2;
	p2 =	seq.s32 @!p1 s11, $0x0  }
0x123: {  	[sflag:s13] =	ssyncadd.s32 $0xFFFFD800;
	s14 =	simm.s32 @p0 $0x1;
	p5 =	por !p4, !p1  }
0x124: {  	[smem:$0x7FC] =	sst s14;
	p3 =	sgt.u32 @!p5 s6, $0x15;
	s13 =	simm.s32 @!p5 $0x3  }
0x125: {  	p6 =	por p4, !p1;
	_ =	swait.ge @!p5 [sflag:s13], $0x2800;
	p3 =	por @p1 p3, !p4  }
0x126: {  	p0 =	sgt.u32 @!p6 s6, $0x15;
	[sflag:s13] =	ssyncset.done @!p5 $0x0;
	p3 =	por p3, !p1  }
0x127: {  	[sflag:s13] =	ssyncadd.s32 @!p5 $0xFFFFD800;
	s13 =	simm.s32 @!p3 $0x50;
	s14 =	simm.s32 @!p3 $0x4800  }
0x128: {  	[tilespmem:s14], [sflag:$0x2] =	stream.indirect.gather @!p3 [hbm4b:s0+s13], $0x80, s8, s13, $0xb8;
	v63 =	vld [tilespmem:$0x0]  }
0x129: {  	s15 =	simm.s32 @!p6 $0x4;
	s13 =	simm.s32 @!p5 $0x50;
	s14 =	simm.s32 @!p5 $0x7000  }
0x12a: {  	[spmem:s3] =	stream.indirect.scatter.add.f32 @!p5 [tilespmem:s14], [sflag:$0x6], $0x80, s7, s13, $0xb8;
	v63 =	vld [tilespmem:$0x0]  }
0x12b: {  	s16 =	simm.s32 @!p6 $0x50;
	p0 =	por @p1 p0, p4;
	_ =	swait.ge @!p6 [sflag:s15], $0x2800  }
0x12c: {  	p0 =	por p0, !p1;
	p3 =	por !p2, p1;
	[sflag:s15] =	ssyncset.done @!p6 $0x0  }
0x12d: {  	s13 =	simm.s32 @!p0 $0x50;
	[sflag:s15] =	ssyncadd.s32 @!p6 $0xFFFFD800;
	s15 =	simm.s32 @!p0 $0x7000  }
0x12e: {  	[tilespmem:s15], [sflag:$0x3] =	stream.indirect.gather @!p0 [hbm4b:s0+s13], $0x80, s8, s13, $0xb8;
	v63 =	vld [tilespmem:$0x0]  }
0x12f: {  	s14 =	simm.s32 @!p6 $0x9800;
	p0 =	sgt.u32 @!p3 s6, $0x15;
	s15 =	simm.s32 @!p3 $0x1  }
0x130: {  	[spmem:s3] =	stream.indirect.scatter.add.f32 @!p6 [tilespmem:s14], [sflag:$0x5], $0x80, s7, s16, $0xb8;
	v63 =	vld [tilespmem:$0x0]  }
0x131: {  	p4 =	por p2, p1;
	p0 =	por @!p1 p0, !p2;
	_ =	swait.ge @!p3 [sflag:s15], $0x2800  }
0x132: {  	p0 =	por p0, p1;
	s16 =	simm.s32 @!p4 $0x2;
	[sflag:s15] =	ssyncset.done @!p3 $0x0  }
0x133: {  	s14 =	simm.s32 @!p0 $0x50;
	[sflag:s15] =	ssyncadd.s32 @!p3 $0xFFFFD800;
	s15 =	simm.s32 @!p0 $0x9800  }
0x134: {  	[tilespmem:s15], [sflag:$0x4] =	stream.indirect.gather @!p0 [hbm4b:s0+s14], $0x80, s8, s14, $0xb8;
	v63 =	vld [tilespmem:$0x0]  }
0x135: {  	s14 =	simm.s32 @!p3 $0x50;
	s15 =	simm.s32 @!p3 $0x2000;
	p0 =	sgt.u32 @!p4 s6, $0x15  }
0x136: {  	[spmem:s3] =	stream.indirect.scatter.add.f32 @!p3 [tilespmem:s15], [sflag:$0x6], $0x80, s7, s14, $0xb8;
	v63 =	vld [tilespmem:$0x0]  }
0x137: {  	p0 =	por @!p1 p0, p2;
	_ =	swait.ge @!p4 [sflag:s16], $0x2800  }
0x138: {  	p0 =	por p0, p1;
	[sflag:s16] =	ssyncset.done @!p4 $0x0  }
0x139: {  	s15 =	simm.s32 @!p0 $0x50;
	[sflag:s16] =	ssyncadd.s32 @!p4 $0xFFFFD800;
	s16 =	simm.s32 @!p0 $0x2000  }
0x13a: {  	[tilespmem:s16], [sflag:$0x1] =	stream.indirect.gather @!p0 [hbm4b:s0+s15], $0x80, s8, s15, $0xb8;
	v63 =	vld [tilespmem:$0x0]  }
0x13b: {  	s16 =	sld [smem:$0x7FC];
	_ =	sdelay $0x2  }
0x13c: {  	p0 =	seq.s32 s16, $0x1  }
.Ltmp3:
0x13d: {  	s11 =	simm.s32 @!p5 $0x6;
	s13 =	simm.s32 @!p3 $0x6;
	(pc) =	sbr.rel @p0 .LBB2_8-.Ltmp3, $4  }
0x13e: {  	s10 =	smov.u32 s7;
	s11 =	simm.s32 @p5 $0x5;
	s13 =	simm.s32 @p3 $0x6  }
0x13f: {  	s13 =	smov.u32 @p1 s11;
	s6 =	smov.u32 s12;
	s12 =	simm.s32 @!p4 $0x4800  }
0x140: {  	s14 =	simm.s32 @!p4 $0x50;
	s7 =	sadd.s32 $0x80, s7;
	s8 =	sadd.s32 $0x80, s8  }
0x141: {  	[spmem:s3] =	stream.indirect.scatter.add.f32 @!p4 [tilespmem:s12], [sflag:$0x6], $0x80, s10, s14, $0xb8;
	v63 =	vld [tilespmem:$0x0]  }
0x142: {  	s9 =	sand.u32 $0x3, s6  }
0x143: {  	p0 =	sgt.s32 s9, $0x1  }
0x144: {  	_ =	swait.ge [sflag:s13], $0x2800;
	p4 =	seq.s32 @p0 s9, $0x2  }
0x145: {  	[sflag:s13] =	ssyncset.done $0x0;
	p1 =	por !p4, !p0  }
0x146: {  	[sflag:s13] =	ssyncadd.s32 $0xFFFFD800;
	p2 =	sgt.u32 @!p1 s6, $0x15;
	s10 =	simm.s32 @!p1 $0x3  }
0x147: {  	p5 =	por p4, !p0;
	_ =	swait.ge @!p1 [sflag:s10], $0x2800;
	p2 =	por @p0 p2, !p4  }
0x148: {  	p6 =	sgt.u32 @!p5 s6, $0x15;
	[sflag:s10] =	ssyncset.done @!p1 $0x0;
	p2 =	por p2, !p0  }
0x149: {  	[sflag:s10] =	ssyncadd.s32 @!p1 $0xFFFFD800;
	s10 =	simm.s32 @!p2 $0x50;
	s11 =	simm.s32 @!p2 $0x4800  }
0x14a: {  	[tilespmem:s11], [sflag:$0x2] =	stream.indirect.gather @!p2 [hbm4b:s0+s10], $0x80, s8, s10, $0xb8;
	v63 =	vld [tilespmem:$0x0]  }
0x14b: {  	p4 =	por @p0 p6, p4;
	p2 =	seq.s32 @!p0 s9, $0x0  }
0x14c: {  	s9 =	simm.s32 @!p1 $0x50;
	s10 =	simm.s32 @!p1 $0x7000;
	s11 =	simm.s32 @!p5 $0x4  }
0x14d: {  	[spmem:s3] =	stream.indirect.scatter.add.f32 @!p1 [tilespmem:s10], [sflag:$0x6], $0x80, s7, s9, $0xb8;
	v63 =	vld [tilespmem:$0x0]  }
0x14e: {  	p4 =	por p4, !p0;
	_ =	swait.ge @!p5 [sflag:s11], $0x2800  }
0x14f: {  	p3 =	por !p2, p0;
	s9 =	simm.s32 @!p5 $0x9800;
	[sflag:s11] =	ssyncset.done @!p5 $0x0  }
0x150: {  	s10 =	simm.s32 @!p4 $0x50;
	[sflag:s11] =	ssyncadd.s32 @!p5 $0xFFFFD800;
	s11 =	simm.s32 @!p4 $0x7000  }
0x151: {  	[tilespmem:s11], [sflag:$0x3] =	stream.indirect.gather @!p4 [hbm4b:s0+s10], $0x80, s8, s10, $0xb8;
	v63 =	vld [tilespmem:$0x0]  }
0x152: {  	s10 =	simm.s32 @!p5 $0x50;
	p4 =	sgt.u32 @!p3 s6, $0x15;
	s11 =	simm.s32 @!p3 $0x1  }
0x153: {  	[spmem:s3] =	stream.indirect.scatter.add.f32 @!p5 [tilespmem:s9], [sflag:$0x5], $0x80, s7, s10, $0xb8;
	v63 =	vld [tilespmem:$0x0]  }
0x154: {  	p4 =	por @!p0 p4, !p2;
	_ =	swait.ge @!p3 [sflag:s11], $0x2800  }
0x155: {  	s9 =	simm.s32 @!p1 $0x6;
	p4 =	por p4, p0;
	[sflag:s11] =	ssyncset.done @!p3 $0x0  }
0x156: {  	s10 =	simm.s32 @!p4 $0x50;
	[sflag:s11] =	ssyncadd.s32 @!p3 $0xFFFFD800;
	s11 =	simm.s32 @!p4 $0x9800  }
0x157: {  	[tilespmem:s11], [sflag:$0x4] =	stream.indirect.gather @!p4 [hbm4b:s0+s10], $0x80, s8, s10, $0xb8;
	v63 =	vld [tilespmem:$0x0]  }
0x158: {  	s9 =	simm.s32 @p1 $0x5;
	p1 =	por p2, p0;
	s10 =	simm.s32 @!p3 $0x50  }
0x159: {  	s11 =	simm.s32 @!p3 $0x2000;
	p4 =	sgt.u32 @!p1 s6, $0x15;
	s6 =	simm.s32 @!p1 $0x2  }
0x15a: {  	[spmem:s3] =	stream.indirect.scatter.add.f32 @!p3 [tilespmem:s11], [sflag:$0x6], $0x80, s7, s10, $0xb8;
	v63 =	vld [tilespmem:$0x0]  }
0x15b: {  	p2 =	por @!p0 p4, p2;
	s10 =	simm.s32 @!p3 $0x6;
	_ =	swait.ge @!p1 [sflag:s6], $0x2800  }
0x15c: {  	p2 =	por p2, p0;
	s10 =	simm.s32 @p3 $0x6;
	[sflag:s6] =	ssyncset.done @!p1 $0x0  }
0x15d: {  	s11 =	simm.s32 @!p2 $0x2000;
	[sflag:s6] =	ssyncadd.s32 @!p1 $0xFFFFD800;
	s6 =	simm.s32 @!p2 $0x50  }
0x15e: {  	[tilespmem:s11], [sflag:$0x1] =	stream.indirect.gather @!p2 [hbm4b:s0+s6], $0x80, s8, s6, $0xb8;
	v63 =	vld [tilespmem:$0x0]  }
0x15f: {  	s10 =	smov.u32 @p0 s9;
	s6 =	simm.s32 @!p1 $0x4800;
	s8 =	simm.s32 @!p1 $0x50  }
0x160: {  	[spmem:s3] =	stream.indirect.scatter.add.f32 @!p1 [tilespmem:s6], [sflag:$0x6], $0x80, s7, s8, $0xb8;
	v63 =	vld [tilespmem:$0x0]  }
0x161: {  	_ =	swait.ge [sflag:s10], $0x2800  }
0x162: {  	[sflag:s10] =	ssyncset.done $0x0  }
0x163: {  	s16 =	simm.s32 $0x0;
	[sflag:s10] =	ssyncadd.s32 $0xFFFFD800  }
0x164: {  	[tilespmem:s16], [sflag:$0x5] =	stream.linear.gather [hbm4b:s19+s16], $0xC80, $0x38;
	v63 =	vld [tilespmem:$0x0]  }
0x165: {  	_ =	swait.ge [sflag:s28], $0xC80  }
0x166: {  	[sflag:s28] =	ssyncset.done $0x0  }
0x167: {  	s7 =	simm.s32 $0x1000;
	[sflag:s28] =	ssyncadd.s32 $0xFFFFF380  }
0x168: {  	[tilespmem:s7], [sflag:$0x5] =	stream.linear.gather [hbm4b:s20+s16], $0xC80, $0x38;
	v63 =	vld [tilespmem:$0x0]  }
0x169: {  	s6 =	sand.u32 $0x3, s16;
	_ =	swait.ge [sflag:s28], $0xC80  }
0x16a: {  	p0 =	sgt.s32 s6, $0x1;
	[sflag:s28] =	ssyncset.done $0x0  }
0x16b: {  	p4 =	seq.s32 @p0 s6, $0x2;
	[sflag:s28] =	ssyncadd.s32 $0xFFFFF380  }
0x16c: {  	[tilespmem:s25], [sflag:$0x1] =	stream.indirect.gather [hbm4b:s0+s29], $0x80, s16, s29, $0xb8;
	v63 =	vld [tilespmem:$0x0]  }
0x16d: {  	s9 =	simm.s32 $0x180;
	p3 =	seq.s32 @!p0 s6, $0x0;
	p1 =	por !p4, !p0  }
0x16e: {  	[tilespmem:s31], [sflag:$0x2] =	stream.indirect.gather [hbm4b:s0+s29], $0x80, s30, s29, $0xb8;
	v63 =	vld [tilespmem:$0x0]  }
0x16f: {  	p5 =	por p4, !p0;
	p2 =	por @!p1 $0x0, $0x0;
	s8 =	simm.s32 @!p1 $0x3  }
0x170: {  	[tilespmem:s2], [sflag:$0x3] =	stream.indirect.gather [hbm4b:s0+s29], $0x80, s1, s29, $0xb8;
	v63 =	vld [tilespmem:$0x0]  }
0x171: {  	s6 =	simm.s32 @!p1 $0x50;
	p2 =	por @p0 p2, !p4;
	_ =	swait.ge @!p1 [sflag:s8], $0x2800  }
0x172: {  	p6 =	por @!p5 $0x0, $0x0;
	p2 =	por p2, !p0;
	[sflag:s8] =	ssyncset.done @!p1 $0x0  }
0x173: {  	s10 =	simm.s32 @!p2 $0x4800;
	[sflag:s8] =	ssyncadd.s32 @!p1 $0xFFFFD800;
	s8 =	simm.s32 @!p2 $0x50  }
0x174: {  	[tilespmem:s10], [sflag:$0x2] =	stream.indirect.gather @!p2 [hbm4b:s0+s8], $0x80, s9, s8, $0xb8;
	v63 =	vld [tilespmem:$0x0]  }
0x175: {  	p4 =	por @p0 p6, p4;
	s8 =	simm.s32 @!p1 $0x7000;
	s10 =	simm.s32 @!p5 $0x4  }
0x176: {  	[spmem:s3] =	stream.indirect.scatter.add.f32 @!p1 [tilespmem:s8], [sflag:$0x6], $0x80, s7, s6, $0xb8;
	v63 =	vld [tilespmem:$0x0]  }
0x177: {  	p4 =	por p4, !p0;
	_ =	swait.ge @!p5 [sflag:s10], $0x2800  }
0x178: {  	p2 =	por !p3, p0;
	s6 =	simm.s32 @!p5 $0x9800;
	[sflag:s10] =	ssyncset.done @!p5 $0x0  }
0x179: {  	s8 =	simm.s32 @!p4 $0x50;
	[sflag:s10] =	ssyncadd.s32 @!p5 $0xFFFFD800;
	s10 =	simm.s32 @!p4 $0x7000  }
0x17a: {  	[tilespmem:s10], [sflag:$0x3] =	stream.indirect.gather @!p4 [hbm4b:s0+s8], $0x80, s9, s8, $0xb8;
	v63 =	vld [tilespmem:$0x0]  }
0x17b: {  	s8 =	simm.s32 @!p5 $0x50;
	p4 =	por @!p2 $0x0, $0x0;
	s10 =	simm.s32 @!p2 $0x1  }
0x17c: {  	[spmem:s3] =	stream.indirect.scatter.add.f32 @!p5 [tilespmem:s6], [sflag:$0x5], $0x80, s7, s8, $0xb8;
	v63 =	vld [tilespmem:$0x0]  }
0x17d: {  	s13 =	simm.s32 @!p2 $0x6;
	p4 =	por @!p0 p4, !p3;
	_ =	swait.ge @!p2 [sflag:s10], $0x2800  }
0x17e: {  	s13 =	simm.s32 @p2 $0x6;
	p4 =	por p4, p0;
	[sflag:s10] =	ssyncset.done @!p2 $0x0  }
0x17f: {  	s6 =	simm.s32 @!p4 $0x50;
	s8 =	simm.s32 @!p4 $0x9800;
	[sflag:s10] =	ssyncadd.s32 @!p2 $0xFFFFD800  }
0x180: {  	[tilespmem:s8], [sflag:$0x4] =	stream.indirect.gather @!p4 [hbm4b:s0+s6], $0x80, s9, s6, $0xb8;
	v63 =	vld [tilespmem:$0x0]  }
0x181: {  	s6 =	simm.s32 @!p2 $0x50;
	p4 =	por p3, p0;
	s8 =	simm.s32 @!p2 $0x2000  }
0x182: {  	[spmem:s3] =	stream.indirect.scatter.add.f32 @!p2 [tilespmem:s8], [sflag:$0x6], $0x80, s7, s6, $0xb8;
	v63 =	vld [tilespmem:$0x0]  }
0x183: {  	p5 =	por @!p4 $0x0, $0x0;
	s10 =	simm.s32 @!p4 $0x2;
	s6 =	simm.s32 $0x1  }
0x184: {  	p3 =	por @!p0 p5, p3;
	s8 =	simm.s32 @!p1 $0x6;
	_ =	swait.ge @!p4 [sflag:s10], $0x2800  }
0x185: {  	p3 =	por p3, p0;
	s8 =	simm.s32 @p1 $0x5;
	[sflag:s10] =	ssyncset.done @!p4 $0x0  }
0x186: {  	s11 =	simm.s32 @!p3 $0x2000;
	[sflag:s10] =	ssyncadd.s32 @!p4 $0xFFFFD800;
	s10 =	simm.s32 @!p3 $0x50  }
0x187: {  	[tilespmem:s11], [sflag:$0x1] =	stream.indirect.gather @!p3 [hbm4b:s0+s10], $0x80, s9, s10, $0xb8;
	v63 =	vld [tilespmem:$0x0]  }
0x188: {  	s13 =	smov.u32 @p0 s8;
	s9 =	simm.s32 @!p4 $0x4800;
	s10 =	simm.s32 @!p4 $0x50  }
0x189: {  	[spmem:s3] =	stream.indirect.scatter.add.f32 @!p4 [tilespmem:s9], [sflag:$0x6], $0x80, s7, s10, $0xb8;
	v63 =	vld [tilespmem:$0x0]  }
0x18a: {  	s8 =	simm.s32 $0x200;
	s9 =	simm.s32 $0x2;
	s7 =	simm.s32 $0x1080  }
.LBB2_10:
0x18b: {  	s11 =	sand.u32 $0x3, s6  }
0x18c: {  	_ =	swait.ge [sflag:s13], $0x2800;
	s12 =	smov.u32 s9;
	s9 =	sadd.s32 $0x1, s9  }
0x18d: {  	p0 =	sne.s32 s9, $0x19;
	p1 =	sgt.s32 s11, $0x1;
	[sflag:s13] =	ssyncset.done $0x0  }
0x18e: {  	s14 =	simm.s32 @!p0 $0x0;
	p4 =	seq.s32 @p1 s11, $0x2;
	p2 =	seq.s32 @!p1 s11, $0x0  }
0x18f: {  	[sflag:s13] =	ssyncadd.s32 $0xFFFFD800;
	s14 =	simm.s32 @p0 $0x1;
	p5 =	por !p4, !p1  }
0x190: {  	[smem:$0x7FB] =	sst s14;
	p3 =	sgt.u32 @!p5 s6, $0x15;
	s13 =	simm.s32 @!p5 $0x3  }
0x191: {  	p6 =	por p4, !p1;
	_ =	swait.ge @!p5 [sflag:s13], $0x2800;
	p3 =	por @p1 p3, !p4  }
0x192: {  	p0 =	sgt.u32 @!p6 s6, $0x15;
	[sflag:s13] =	ssyncset.done @!p5 $0x0;
	p3 =	por p3, !p1  }
0x193: {  	[sflag:s13] =	ssyncadd.s32 @!p5 $0xFFFFD800;
	s13 =	simm.s32 @!p3 $0x50;
	s14 =	simm.s32 @!p3 $0x4800  }
0x194: {  	[tilespmem:s14], [sflag:$0x2] =	stream.indirect.gather @!p3 [hbm4b:s0+s13], $0x80, s8, s13, $0xb8;
	v63 =	vld [tilespmem:$0x0]  }
0x195: {  	s15 =	simm.s32 @!p6 $0x4;
	s13 =	simm.s32 @!p5 $0x50;
	s14 =	simm.s32 @!p5 $0x7000  }
0x196: {  	[spmem:s3] =	stream.indirect.scatter.add.f32 @!p5 [tilespmem:s14], [sflag:$0x6], $0x80, s7, s13, $0xb8;
	v63 =	vld [tilespmem:$0x0]  }
0x197: {  	s16 =	simm.s32 @!p6 $0x50;
	p0 =	por @p1 p0, p4;
	_ =	swait.ge @!p6 [sflag:s15], $0x2800  }
0x198: {  	p0 =	por p0, !p1;
	p3 =	por !p2, p1;
	[sflag:s15] =	ssyncset.done @!p6 $0x0  }
0x199: {  	s13 =	simm.s32 @!p0 $0x50;
	[sflag:s15] =	ssyncadd.s32 @!p6 $0xFFFFD800;
	s15 =	simm.s32 @!p0 $0x7000  }
0x19a: {  	[tilespmem:s15], [sflag:$0x3] =	stream.indirect.gather @!p0 [hbm4b:s0+s13], $0x80, s8, s13, $0xb8;
	v63 =	vld [tilespmem:$0x0]  }
0x19b: {  	s14 =	simm.s32 @!p6 $0x9800;
	p0 =	sgt.u32 @!p3 s6, $0x15;
	s15 =	simm.s32 @!p3 $0x1  }
0x19c: {  	[spmem:s3] =	stream.indirect.scatter.add.f32 @!p6 [tilespmem:s14], [sflag:$0x5], $0x80, s7, s16, $0xb8;
	v63 =	vld [tilespmem:$0x0]  }
0x19d: {  	p4 =	por p2, p1;
	p0 =	por @!p1 p0, !p2;
	_ =	swait.ge @!p3 [sflag:s15], $0x2800  }
0x19e: {  	p0 =	por p0, p1;
	s16 =	simm.s32 @!p4 $0x2;
	[sflag:s15] =	ssyncset.done @!p3 $0x0  }
0x19f: {  	s14 =	simm.s32 @!p0 $0x50;
	[sflag:s15] =	ssyncadd.s32 @!p3 $0xFFFFD800;
	s15 =	simm.s32 @!p0 $0x9800  }
0x1a0: {  	[tilespmem:s15], [sflag:$0x4] =	stream.indirect.gather @!p0 [hbm4b:s0+s14], $0x80, s8, s14, $0xb8;
	v63 =	vld [tilespmem:$0x0]  }
0x1a1: {  	s14 =	simm.s32 @!p3 $0x50;
	s15 =	simm.s32 @!p3 $0x2000;
	p0 =	sgt.u32 @!p4 s6, $0x15  }
0x1a2: {  	[spmem:s3] =	stream.indirect.scatter.add.f32 @!p3 [tilespmem:s15], [sflag:$0x6], $0x80, s7, s14, $0xb8;
	v63 =	vld [tilespmem:$0x0]  }
0x1a3: {  	p0 =	por @!p1 p0, p2;
	_ =	swait.ge @!p4 [sflag:s16], $0x2800  }
0x1a4: {  	p0 =	por p0, p1;
	[sflag:s16] =	ssyncset.done @!p4 $0x0  }
0x1a5: {  	s15 =	simm.s32 @!p0 $0x50;
	[sflag:s16] =	ssyncadd.s32 @!p4 $0xFFFFD800;
	s16 =	simm.s32 @!p0 $0x2000  }
0x1a6: {  	[tilespmem:s16], [sflag:$0x1] =	stream.indirect.gather @!p0 [hbm4b:s0+s15], $0x80, s8, s15, $0xb8;
	v63 =	vld [tilespmem:$0x0]  }
0x1a7: {  	s16 =	sld [smem:$0x7FB];
	_ =	sdelay $0x2  }
0x1a8: {  	p0 =	seq.s32 s16, $0x1  }
.Ltmp4:
0x1a9: {  	s11 =	simm.s32 @!p5 $0x6;
	s13 =	simm.s32 @!p3 $0x6;
	(pc) =	sbr.rel @p0 .LBB2_10-.Ltmp4, $4  }
0x1aa: {  	s10 =	smov.u32 s7;
	s11 =	simm.s32 @p5 $0x5;
	s13 =	simm.s32 @p3 $0x6  }
0x1ab: {  	s13 =	smov.u32 @p1 s11;
	s6 =	smov.u32 s12;
	s12 =	simm.s32 @!p4 $0x4800  }
0x1ac: {  	s14 =	simm.s32 @!p4 $0x50;
	s7 =	sadd.s32 $0x80, s7;
	s8 =	sadd.s32 $0x80, s8  }
0x1ad: {  	[spmem:s3] =	stream.indirect.scatter.add.f32 @!p4 [tilespmem:s12], [sflag:$0x6], $0x80, s10, s14, $0xb8;
	v63 =	vld [tilespmem:$0x0]  }
0x1ae: {  	s9 =	sand.u32 $0x3, s6  }
0x1af: {  	p0 =	sgt.s32 s9, $0x1  }
0x1b0: {  	_ =	swait.ge [sflag:s13], $0x2800;
	p4 =	seq.s32 @p0 s9, $0x2  }
0x1b1: {  	[sflag:s13] =	ssyncset.done $0x0;
	p1 =	por !p4, !p0  }
0x1b2: {  	[sflag:s13] =	ssyncadd.s32 $0xFFFFD800;
	p2 =	sgt.u32 @!p1 s6, $0x15;
	s10 =	simm.s32 @!p1 $0x3  }
0x1b3: {  	p5 =	por p4, !p0;
	_ =	swait.ge @!p1 [sflag:s10], $0x2800;
	p2 =	por @p0 p2, !p4  }
0x1b4: {  	p6 =	sgt.u32 @!p5 s6, $0x15;
	[sflag:s10] =	ssyncset.done @!p1 $0x0;
	p2 =	por p2, !p0  }
0x1b5: {  	[sflag:s10] =	ssyncadd.s32 @!p1 $0xFFFFD800;
	s10 =	simm.s32 @!p2 $0x50;
	s11 =	simm.s32 @!p2 $0x4800  }
0x1b6: {  	[tilespmem:s11], [sflag:$0x2] =	stream.indirect.gather @!p2 [hbm4b:s0+s10], $0x80, s8, s10, $0xb8;
	v63 =	vld [tilespmem:$0x0]  }
0x1b7: {  	p4 =	por @p0 p6, p4;
	p2 =	seq.s32 @!p0 s9, $0x0  }
0x1b8: {  	s9 =	simm.s32 @!p1 $0x50;
	s10 =	simm.s32 @!p1 $0x7000;
	s11 =	simm.s32 @!p5 $0x4  }
0x1b9: {  	[spmem:s3] =	stream.indirect.scatter.add.f32 @!p1 [tilespmem:s10], [sflag:$0x6], $0x80, s7, s9, $0xb8;
	v63 =	vld [tilespmem:$0x0]  }
0x1ba: {  	p4 =	por p4, !p0;
	_ =	swait.ge @!p5 [sflag:s11], $0x2800  }
0x1bb: {  	p3 =	por !p2, p0;
	s9 =	simm.s32 @!p5 $0x9800;
	[sflag:s11] =	ssyncset.done @!p5 $0x0  }
0x1bc: {  	s10 =	simm.s32 @!p4 $0x50;
	[sflag:s11] =	ssyncadd.s32 @!p5 $0xFFFFD800;
	s11 =	simm.s32 @!p4 $0x7000  }
0x1bd: {  	[tilespmem:s11], [sflag:$0x3] =	stream.indirect.gather @!p4 [hbm4b:s0+s10], $0x80, s8, s10, $0xb8;
	v63 =	vld [tilespmem:$0x0]  }
0x1be: {  	s10 =	simm.s32 @!p5 $0x50;
	p4 =	sgt.u32 @!p3 s6, $0x15;
	s11 =	simm.s32 @!p3 $0x1  }
0x1bf: {  	[spmem:s3] =	stream.indirect.scatter.add.f32 @!p5 [tilespmem:s9], [sflag:$0x5], $0x80, s7, s10, $0xb8;
	v63 =	vld [tilespmem:$0x0]  }
0x1c0: {  	p4 =	por @!p0 p4, !p2;
	_ =	swait.ge @!p3 [sflag:s11], $0x2800  }
0x1c1: {  	s9 =	simm.s32 @!p1 $0x6;
	p4 =	por p4, p0;
	[sflag:s11] =	ssyncset.done @!p3 $0x0  }
0x1c2: {  	s10 =	simm.s32 @!p4 $0x50;
	[sflag:s11] =	ssyncadd.s32 @!p3 $0xFFFFD800;
	s11 =	simm.s32 @!p4 $0x9800  }
0x1c3: {  	[tilespmem:s11], [sflag:$0x4] =	stream.indirect.gather @!p4 [hbm4b:s0+s10], $0x80, s8, s10, $0xb8;
	v63 =	vld [tilespmem:$0x0]  }
0x1c4: {  	s9 =	simm.s32 @p1 $0x5;
	p1 =	por p2, p0;
	s10 =	simm.s32 @!p3 $0x50  }
0x1c5: {  	s11 =	simm.s32 @!p3 $0x2000;
	p4 =	sgt.u32 @!p1 s6, $0x15;
	s6 =	simm.s32 @!p1 $0x2  }
0x1c6: {  	[spmem:s3] =	stream.indirect.scatter.add.f32 @!p3 [tilespmem:s11], [sflag:$0x6], $0x80, s7, s10, $0xb8;
	v63 =	vld [tilespmem:$0x0]  }
0x1c7: {  	p2 =	por @!p0 p4, p2;
	s10 =	simm.s32 @!p3 $0x6;
	_ =	swait.ge @!p1 [sflag:s6], $0x2800  }
0x1c8: {  	p2 =	por p2, p0;
	s10 =	simm.s32 @p3 $0x6;
	[sflag:s6] =	ssyncset.done @!p1 $0x0  }
0x1c9: {  	s11 =	simm.s32 @!p2 $0x2000;
	[sflag:s6] =	ssyncadd.s32 @!p1 $0xFFFFD800;
	s6 =	simm.s32 @!p2 $0x50  }
0x1ca: {  	[tilespmem:s11], [sflag:$0x1] =	stream.indirect.gather @!p2 [hbm4b:s0+s6], $0x80, s8, s6, $0xb8;
	v63 =	vld [tilespmem:$0x0]  }
0x1cb: {  	s10 =	smov.u32 @p0 s9;
	s6 =	simm.s32 @!p1 $0x4800;
	s8 =	simm.s32 @!p1 $0x50  }
0x1cc: {  	[spmem:s3] =	stream.indirect.scatter.add.f32 @!p1 [tilespmem:s6], [sflag:$0x6], $0x80, s7, s8, $0xb8;
	v63 =	vld [tilespmem:$0x0]  }
0x1cd: {  	_ =	swait.ge [sflag:s10], $0x2800  }
0x1ce: {  	[sflag:s10] =	ssyncset.done $0x0  }
0x1cf: {  	s16 =	simm.s32 $0x0;
	[sflag:s10] =	ssyncadd.s32 $0xFFFFD800  }
0x1d0: {  	[tilespmem:s16], [sflag:$0x5] =	stream.linear.gather [hbm4b:s21+s16], $0xC80, $0x38;
	v63 =	vld [tilespmem:$0x0]  }
0x1d1: {  	_ =	swait.ge [sflag:s28], $0xC80  }
0x1d2: {  	[sflag:s28] =	ssyncset.done $0x0  }
0x1d3: {  	s7 =	simm.s32 $0x1000;
	[sflag:s28] =	ssyncadd.s32 $0xFFFFF380  }
0x1d4: {  	[tilespmem:s7], [sflag:$0x5] =	stream.linear.gather [hbm4b:s22+s16], $0xC80, $0x38;
	v63 =	vld [tilespmem:$0x0]  }
0x1d5: {  	s6 =	sand.u32 $0x3, s16;
	_ =	swait.ge [sflag:s28], $0xC80  }
0x1d6: {  	p0 =	sgt.s32 s6, $0x1;
	[sflag:s28] =	ssyncset.done $0x0  }
0x1d7: {  	p4 =	seq.s32 @p0 s6, $0x2;
	[sflag:s28] =	ssyncadd.s32 $0xFFFFF380  }
0x1d8: {  	[tilespmem:s25], [sflag:$0x1] =	stream.indirect.gather [hbm4b:s0+s29], $0x80, s16, s29, $0xb8;
	v63 =	vld [tilespmem:$0x0]  }
0x1d9: {  	s9 =	simm.s32 $0x180;
	p3 =	seq.s32 @!p0 s6, $0x0;
	p1 =	por !p4, !p0  }
0x1da: {  	[tilespmem:s31], [sflag:$0x2] =	stream.indirect.gather [hbm4b:s0+s29], $0x80, s30, s29, $0xb8;
	v63 =	vld [tilespmem:$0x0]  }
0x1db: {  	p5 =	por p4, !p0;
	p2 =	por @!p1 $0x0, $0x0;
	s8 =	simm.s32 @!p1 $0x3  }
0x1dc: {  	[tilespmem:s2], [sflag:$0x3] =	stream.indirect.gather [hbm4b:s0+s29], $0x80, s1, s29, $0xb8;
	v63 =	vld [tilespmem:$0x0]  }
0x1dd: {  	s6 =	simm.s32 @!p1 $0x50;
	p2 =	por @p0 p2, !p4;
	_ =	swait.ge @!p1 [sflag:s8], $0x2800  }
0x1de: {  	p6 =	por @!p5 $0x0, $0x0;
	p2 =	por p2, !p0;
	[sflag:s8] =	ssyncset.done @!p1 $0x0  }
0x1df: {  	s10 =	simm.s32 @!p2 $0x4800;
	[sflag:s8] =	ssyncadd.s32 @!p1 $0xFFFFD800;
	s8 =	simm.s32 @!p2 $0x50  }
0x1e0: {  	[tilespmem:s10], [sflag:$0x2] =	stream.indirect.gather @!p2 [hbm4b:s0+s8], $0x80, s9, s8, $0xb8;
	v63 =	vld [tilespmem:$0x0]  }
0x1e1: {  	p4 =	por @p0 p6, p4;
	s8 =	simm.s32 @!p1 $0x7000;
	s10 =	simm.s32 @!p5 $0x4  }
0x1e2: {  	[spmem:s3] =	stream.indirect.scatter.add.f32 @!p1 [tilespmem:s8], [sflag:$0x6], $0x80, s7, s6, $0xb8;
	v63 =	vld [tilespmem:$0x0]  }
0x1e3: {  	p4 =	por p4, !p0;
	_ =	swait.ge @!p5 [sflag:s10], $0x2800  }
0x1e4: {  	p2 =	por !p3, p0;
	s6 =	simm.s32 @!p5 $0x9800;
	[sflag:s10] =	ssyncset.done @!p5 $0x0  }
0x1e5: {  	s8 =	simm.s32 @!p4 $0x50;
	[sflag:s10] =	ssyncadd.s32 @!p5 $0xFFFFD800;
	s10 =	simm.s32 @!p4 $0x7000  }
0x1e6: {  	[tilespmem:s10], [sflag:$0x3] =	stream.indirect.gather @!p4 [hbm4b:s0+s8], $0x80, s9, s8, $0xb8;
	v63 =	vld [tilespmem:$0x0]  }
0x1e7: {  	s8 =	simm.s32 @!p5 $0x50;
	p4 =	por @!p2 $0x0, $0x0;
	s10 =	simm.s32 @!p2 $0x1  }
0x1e8: {  	[spmem:s3] =	stream.indirect.scatter.add.f32 @!p5 [tilespmem:s6], [sflag:$0x5], $0x80, s7, s8, $0xb8;
	v63 =	vld [tilespmem:$0x0]  }
0x1e9: {  	s13 =	simm.s32 @!p2 $0x6;
	p4 =	por @!p0 p4, !p3;
	_ =	swait.ge @!p2 [sflag:s10], $0x2800  }
0x1ea: {  	s13 =	simm.s32 @p2 $0x6;
	p4 =	por p4, p0;
	[sflag:s10] =	ssyncset.done @!p2 $0x0  }
0x1eb: {  	s6 =	simm.s32 @!p4 $0x50;
	s8 =	simm.s32 @!p4 $0x9800;
	[sflag:s10] =	ssyncadd.s32 @!p2 $0xFFFFD800  }
0x1ec: {  	[tilespmem:s8], [sflag:$0x4] =	stream.indirect.gather @!p4 [hbm4b:s0+s6], $0x80, s9, s6, $0xb8;
	v63 =	vld [tilespmem:$0x0]  }
0x1ed: {  	s6 =	simm.s32 @!p2 $0x50;
	p4 =	por p3, p0;
	s8 =	simm.s32 @!p2 $0x2000  }
0x1ee: {  	[spmem:s3] =	stream.indirect.scatter.add.f32 @!p2 [tilespmem:s8], [sflag:$0x6], $0x80, s7, s6, $0xb8;
	v63 =	vld [tilespmem:$0x0]  }
0x1ef: {  	p5 =	por @!p4 $0x0, $0x0;
	s10 =	simm.s32 @!p4 $0x2;
	s6 =	simm.s32 $0x1  }
0x1f0: {  	p3 =	por @!p0 p5, p3;
	s8 =	simm.s32 @!p1 $0x6;
	_ =	swait.ge @!p4 [sflag:s10], $0x2800  }
0x1f1: {  	p3 =	por p3, p0;
	s8 =	simm.s32 @p1 $0x5;
	[sflag:s10] =	ssyncset.done @!p4 $0x0  }
0x1f2: {  	s11 =	simm.s32 @!p3 $0x2000;
	[sflag:s10] =	ssyncadd.s32 @!p4 $0xFFFFD800;
	s10 =	simm.s32 @!p3 $0x50  }
0x1f3: {  	[tilespmem:s11], [sflag:$0x1] =	stream.indirect.gather @!p3 [hbm4b:s0+s10], $0x80, s9, s10, $0xb8;
	v63 =	vld [tilespmem:$0x0]  }
0x1f4: {  	s13 =	smov.u32 @p0 s8;
	s9 =	simm.s32 @!p4 $0x4800;
	s10 =	simm.s32 @!p4 $0x50  }
0x1f5: {  	[spmem:s3] =	stream.indirect.scatter.add.f32 @!p4 [tilespmem:s9], [sflag:$0x6], $0x80, s7, s10, $0xb8;
	v63 =	vld [tilespmem:$0x0]  }
0x1f6: {  	s8 =	simm.s32 $0x200;
	s9 =	simm.s32 $0x2;
	s7 =	simm.s32 $0x1080  }
.LBB2_12:
0x1f7: {  	s11 =	sand.u32 $0x3, s6  }
0x1f8: {  	_ =	swait.ge [sflag:s13], $0x2800;
	s12 =	smov.u32 s9;
	s9 =	sadd.s32 $0x1, s9  }
0x1f9: {  	p0 =	sne.s32 s9, $0x19;
	p1 =	sgt.s32 s11, $0x1;
	[sflag:s13] =	ssyncset.done $0x0  }
0x1fa: {  	s14 =	simm.s32 @!p0 $0x0;
	p4 =	seq.s32 @p1 s11, $0x2;
	p2 =	seq.s32 @!p1 s11, $0x0  }
0x1fb: {  	[sflag:s13] =	ssyncadd.s32 $0xFFFFD800;
	s14 =	simm.s32 @p0 $0x1;
	p5 =	por !p4, !p1  }
0x1fc: {  	[smem:$0x7FA] =	sst s14;
	p3 =	sgt.u32 @!p5 s6, $0x15;
	s13 =	simm.s32 @!p5 $0x3  }
0x1fd: {  	p6 =	por p4, !p1;
	_ =	swait.ge @!p5 [sflag:s13], $0x2800;
	p3 =	por @p1 p3, !p4  }
0x1fe: {  	p0 =	sgt.u32 @!p6 s6, $0x15;
	[sflag:s13] =	ssyncset.done @!p5 $0x0;
	p3 =	por p3, !p1  }
0x1ff: {  	[sflag:s13] =	ssyncadd.s32 @!p5 $0xFFFFD800;
	s13 =	simm.s32 @!p3 $0x50;
	s14 =	simm.s32 @!p3 $0x4800  }
0x200: {  	[tilespmem:s14], [sflag:$0x2] =	stream.indirect.gather @!p3 [hbm4b:s0+s13], $0x80, s8, s13, $0xb8;
	v63 =	vld [tilespmem:$0x0]  }
0x201: {  	s15 =	simm.s32 @!p6 $0x4;
	s13 =	simm.s32 @!p5 $0x50;
	s14 =	simm.s32 @!p5 $0x7000  }
0x202: {  	[spmem:s3] =	stream.indirect.scatter.add.f32 @!p5 [tilespmem:s14], [sflag:$0x6], $0x80, s7, s13, $0xb8;
	v63 =	vld [tilespmem:$0x0]  }
0x203: {  	s16 =	simm.s32 @!p6 $0x50;
	p0 =	por @p1 p0, p4;
	_ =	swait.ge @!p6 [sflag:s15], $0x2800  }
0x204: {  	p0 =	por p0, !p1;
	p3 =	por !p2, p1;
	[sflag:s15] =	ssyncset.done @!p6 $0x0  }
0x205: {  	s13 =	simm.s32 @!p0 $0x50;
	[sflag:s15] =	ssyncadd.s32 @!p6 $0xFFFFD800;
	s15 =	simm.s32 @!p0 $0x7000  }
0x206: {  	[tilespmem:s15], [sflag:$0x3] =	stream.indirect.gather @!p0 [hbm4b:s0+s13], $0x80, s8, s13, $0xb8;
	v63 =	vld [tilespmem:$0x0]  }
0x207: {  	s14 =	simm.s32 @!p6 $0x9800;
	p0 =	sgt.u32 @!p3 s6, $0x15;
	s15 =	simm.s32 @!p3 $0x1  }
0x208: {  	[spmem:s3] =	stream.indirect.scatter.add.f32 @!p6 [tilespmem:s14], [sflag:$0x5], $0x80, s7, s16, $0xb8;
	v63 =	vld [tilespmem:$0x0]  }
0x209: {  	p4 =	por p2, p1;
	p0 =	por @!p1 p0, !p2;
	_ =	swait.ge @!p3 [sflag:s15], $0x2800  }
0x20a: {  	p0 =	por p0, p1;
	s16 =	simm.s32 @!p4 $0x2;
	[sflag:s15] =	ssyncset.done @!p3 $0x0  }
0x20b: {  	s14 =	simm.s32 @!p0 $0x50;
	[sflag:s15] =	ssyncadd.s32 @!p3 $0xFFFFD800;
	s15 =	simm.s32 @!p0 $0x9800  }
0x20c: {  	[tilespmem:s15], [sflag:$0x4] =	stream.indirect.gather @!p0 [hbm4b:s0+s14], $0x80, s8, s14, $0xb8;
	v63 =	vld [tilespmem:$0x0]  }
0x20d: {  	s14 =	simm.s32 @!p3 $0x50;
	s15 =	simm.s32 @!p3 $0x2000;
	p0 =	sgt.u32 @!p4 s6, $0x15  }
0x20e: {  	[spmem:s3] =	stream.indirect.scatter.add.f32 @!p3 [tilespmem:s15], [sflag:$0x6], $0x80, s7, s14, $0xb8;
	v63 =	vld [tilespmem:$0x0]  }
0x20f: {  	p0 =	por @!p1 p0, p2;
	_ =	swait.ge @!p4 [sflag:s16], $0x2800  }
0x210: {  	p0 =	por p0, p1;
	[sflag:s16] =	ssyncset.done @!p4 $0x0  }
0x211: {  	s15 =	simm.s32 @!p0 $0x50;
	[sflag:s16] =	ssyncadd.s32 @!p4 $0xFFFFD800;
	s16 =	simm.s32 @!p0 $0x2000  }
0x212: {  	[tilespmem:s16], [sflag:$0x1] =	stream.indirect.gather @!p0 [hbm4b:s0+s15], $0x80, s8, s15, $0xb8;
	v63 =	vld [tilespmem:$0x0]  }
0x213: {  	s16 =	sld [smem:$0x7FA];
	_ =	sdelay $0x2  }
0x214: {  	p0 =	seq.s32 s16, $0x1  }
.Ltmp5:
0x215: {  	s11 =	simm.s32 @!p5 $0x6;
	s13 =	simm.s32 @!p3 $0x6;
	(pc) =	sbr.rel @p0 .LBB2_12-.Ltmp5, $4  }
0x216: {  	s10 =	smov.u32 s7;
	s11 =	simm.s32 @p5 $0x5;
	s13 =	simm.s32 @p3 $0x6  }
0x217: {  	s13 =	smov.u32 @p1 s11;
	s6 =	smov.u32 s12;
	s12 =	simm.s32 @!p4 $0x4800  }
0x218: {  	s14 =	simm.s32 @!p4 $0x50;
	s7 =	sadd.s32 $0x80, s7;
	s8 =	sadd.s32 $0x80, s8  }
0x219: {  	[spmem:s3] =	stream.indirect.scatter.add.f32 @!p4 [tilespmem:s12], [sflag:$0x6], $0x80, s10, s14, $0xb8;
	v63 =	vld [tilespmem:$0x0]  }
0x21a: {  	s9 =	sand.u32 $0x3, s6  }
0x21b: {  	p0 =	sgt.s32 s9, $0x1  }
0x21c: {  	_ =	swait.ge [sflag:s13], $0x2800;
	p4 =	seq.s32 @p0 s9, $0x2  }
0x21d: {  	[sflag:s13] =	ssyncset.done $0x0;
	p1 =	por !p4, !p0  }
0x21e: {  	[sflag:s13] =	ssyncadd.s32 $0xFFFFD800;
	p2 =	sgt.u32 @!p1 s6, $0x15;
	s10 =	simm.s32 @!p1 $0x3  }
0x21f: {  	p5 =	por p4, !p0;
	_ =	swait.ge @!p1 [sflag:s10], $0x2800;
	p2 =	por @p0 p2, !p4  }
0x220: {  	p6 =	sgt.u32 @!p5 s6, $0x15;
	[sflag:s10] =	ssyncset.done @!p1 $0x0;
	p2 =	por p2, !p0  }
0x221: {  	[sflag:s10] =	ssyncadd.s32 @!p1 $0xFFFFD800;
	s10 =	simm.s32 @!p2 $0x50;
	s11 =	simm.s32 @!p2 $0x4800  }
0x222: {  	[tilespmem:s11], [sflag:$0x2] =	stream.indirect.gather @!p2 [hbm4b:s0+s10], $0x80, s8, s10, $0xb8;
	v63 =	vld [tilespmem:$0x0]  }
0x223: {  	p4 =	por @p0 p6, p4;
	p2 =	seq.s32 @!p0 s9, $0x0  }
0x224: {  	s9 =	simm.s32 @!p1 $0x50;
	s10 =	simm.s32 @!p1 $0x7000;
	s11 =	simm.s32 @!p5 $0x4  }
0x225: {  	[spmem:s3] =	stream.indirect.scatter.add.f32 @!p1 [tilespmem:s10], [sflag:$0x6], $0x80, s7, s9, $0xb8;
	v63 =	vld [tilespmem:$0x0]  }
0x226: {  	p4 =	por p4, !p0;
	_ =	swait.ge @!p5 [sflag:s11], $0x2800  }
0x227: {  	p3 =	por !p2, p0;
	s9 =	simm.s32 @!p5 $0x9800;
	[sflag:s11] =	ssyncset.done @!p5 $0x0  }
0x228: {  	s10 =	simm.s32 @!p4 $0x50;
	[sflag:s11] =	ssyncadd.s32 @!p5 $0xFFFFD800;
	s11 =	simm.s32 @!p4 $0x7000  }
0x229: {  	[tilespmem:s11], [sflag:$0x3] =	stream.indirect.gather @!p4 [hbm4b:s0+s10], $0x80, s8, s10, $0xb8;
	v63 =	vld [tilespmem:$0x0]  }
0x22a: {  	s10 =	simm.s32 @!p5 $0x50;
	p4 =	sgt.u32 @!p3 s6, $0x15;
	s11 =	simm.s32 @!p3 $0x1  }
0x22b: {  	[spmem:s3] =	stream.indirect.scatter.add.f32 @!p5 [tilespmem:s9], [sflag:$0x5], $0x80, s7, s10, $0xb8;
	v63 =	vld [tilespmem:$0x0]  }
0x22c: {  	p4 =	por @!p0 p4, !p2;
	_ =	swait.ge @!p3 [sflag:s11], $0x2800  }
0x22d: {  	s9 =	simm.s32 @!p1 $0x6;
	p4 =	por p4, p0;
	[sflag:s11] =	ssyncset.done @!p3 $0x0  }
0x22e: {  	s10 =	simm.s32 @!p4 $0x50;
	[sflag:s11] =	ssyncadd.s32 @!p3 $0xFFFFD800;
	s11 =	simm.s32 @!p4 $0x9800  }
0x22f: {  	[tilespmem:s11], [sflag:$0x4] =	stream.indirect.gather @!p4 [hbm4b:s0+s10], $0x80, s8, s10, $0xb8;
	v63 =	vld [tilespmem:$0x0]  }
0x230: {  	s9 =	simm.s32 @p1 $0x5;
	p1 =	por p2, p0;
	s10 =	simm.s32 @!p3 $0x50  }
0x231: {  	s11 =	simm.s32 @!p3 $0x2000;
	p4 =	sgt.u32 @!p1 s6, $0x15;
	s6 =	simm.s32 @!p1 $0x2  }
0x232: {  	[spmem:s3] =	stream.indirect.scatter.add.f32 @!p3 [tilespmem:s11], [sflag:$0x6], $0x80, s7, s10, $0xb8;
	v63 =	vld [tilespmem:$0x0]  }
0x233: {  	p2 =	por @!p0 p4, p2;
	s10 =	simm.s32 @!p3 $0x6;
	_ =	swait.ge @!p1 [sflag:s6], $0x2800  }
0x234: {  	p2 =	por p2, p0;
	s10 =	simm.s32 @p3 $0x6;
	[sflag:s6] =	ssyncset.done @!p1 $0x0  }
0x235: {  	s11 =	simm.s32 @!p2 $0x2000;
	[sflag:s6] =	ssyncadd.s32 @!p1 $0xFFFFD800;
	s6 =	simm.s32 @!p2 $0x50  }
0x236: {  	[tilespmem:s11], [sflag:$0x1] =	stream.indirect.gather @!p2 [hbm4b:s0+s6], $0x80, s8, s6, $0xb8;
	v63 =	vld [tilespmem:$0x0]  }
0x237: {  	s10 =	smov.u32 @p0 s9;
	s6 =	simm.s32 @!p1 $0x4800;
	s8 =	simm.s32 @!p1 $0x50  }
0x238: {  	[spmem:s3] =	stream.indirect.scatter.add.f32 @!p1 [tilespmem:s6], [sflag:$0x6], $0x80, s7, s8, $0xb8;
	v63 =	vld [tilespmem:$0x0]  }
0x239: {  	s15 =	stileid.u32;
	_ =	swait.ge [sflag:s10], $0x2800  }
0x23a: {  	s16 =	sshrl.u32 s5, $0x3;
	s4 =	sadd.s32 $0x1, s4;
	[sflag:s10] =	ssyncset.done $0x0  }
0x23b: {  	p0 =	sne.s32 s4, s24;
	s6 =	sshll.u32 s15, $0x6;
	[sflag:s10] =	ssyncadd.s32 $0xFFFFD800  }
.Ltmp6:
0x23c: {  	s6 =	sor.u32 $0x1C05, s6;
	[bflag:$0x0] =	sbarrier.arrive $0xFFFF;
	(pc) =	sbr.rel @p0 .LBB2_1-.Ltmp6, $4  }
0x23d: {  	[hbm:s23], [sflag:s6] =	dma.local [spmem:s16], $0x2800  }
0x23e: {  	_ =	swait.ge [sflag:s28], $0x2800  }
0x23f: {  	[sflag:s28] =	ssyncset.done $0x0  }
0x240: {  	[sflag:s28] =	ssyncadd.s32 $0xFFFFD800  }
0x241: {  	_ =	sfence.sel $0x180000  }
0x242: {  	[bflag:$0x0] =	sbarrier.arrive $0xFFFF  }
0x243: {  	_ =	strace $0x9000004A  }
0x244: {  	s0 =	stileid.u32;
	[bflag:$0x2] =	sbarrier.arrive $0xFFFF  }
0x245: {  	p0 =	sne.s32 s0, $0x0;
	s0 =	rddreg [dreg:$0x3]  }
0x246: {  	s0 =	sadd.s32 @!p0 $0x100000, s0  }
0x247: {  	[sflag:s0] =	ssyncadd.tile.s32 @!p0 $0x1;
	_ =	shalt  }
.Lfunc_end2:
_tile_overlayer_lowered:
.L_overlay_start_2:
0x248: {  	(tag) =	ssettag $0x2  }
0x249: {  	s0 =	rddreg [dreg:$0x0];
	s2 =	stileid.u32  }
0x24a: {  	s1 =	rddreg [dreg:$0x1];
	p0 =	sne.s32 s2, $0x0  }
0x24b: {  	s3 =	rddreg [dreg:$0x2];
	[bflag:$0x3] =	sbarrier.arrive $0xFFFF;
	s2 =	simm.s32 @!p0 $0x1C05  }
0x24c: {  	[timem:s3], [sflag:s2] =	dma.local @!p0 [hbm:s0], s1  }
0x24d: {  	s0 =	simm.s32 @!p0 $0x5  }
0x24e: {  	_ =	swait.ge @!p0 [sflag:s0], s1  }
0x24f: {  	s1 =	ssub.s32 @!p0 $0x0, s1;
	[sflag:s0] =	ssyncset.done @!p0 $0x0  }
0x250: {  	[sflag:s0] =	ssyncadd.s32 @!p0 s1  }
0x251: {  	[bflag:$0x3] =	sbarrier.arrive $0xFFFF  }
0x252: {  	_ =	shalt  }

// kernel: kernel.7.cloned.1.call-start
scs
__scs_entry_jumppad:
0x0: {  	(pc) =	sbr.rel $0x88, $3  }
0x1: {  	(tag) =	ssettag $0x0;
	lr =	simm.s32 $0x1  }
0x2: {  	[smem:$0x3F9D] =	sst lr;
	_ =	strace $0xD0000000  }
0x3: {  	_ = 	snop  }
0x4: {  	_ = 	snop  }
0x5: {  	_ = 	snop  }
0x6: {  	_ = 	snop  }
0x7: {  	_ = 	snop  }
__scs_overlays_trampoline_lowered:
0x8: {  	[smem:$0x3FAC] =	sst s0  }
0x9: {  	[smem:$0x3FAD] =	sst s1  }
0xa: {  	[smem:$0x3FAE] =	sst s2  }
0xb: {  	[smem:$0x3FAF] =	sst s3  }
0xc: {  	[smem:$0x3FB0] =	sst s4  }
0xd: {  	[smem:$0x3FB1] =	sst s5  }
0xe: {  	[smem:$0x3FB2] =	sst s6  }
0xf: {  	[smem:$0x3FB3] =	sst s7  }
0x10: {  	[smem:$0x3FB4] =	sst s8  }
0x11: {  	[smem:$0x3FB5] =	sst s9;
	s0 =	simm.s32 @!p0 $0x0  }
0x12: {  	s1 =	sld [smem:$0x3F9B];
	s0 =	simm.s32 @p0 $0x1  }
0x13: {  	[smem:$0x3FB6] =	sst s0;
	s0 =	simm.s32 @!p1 $0x0  }
0x14: {  	s2 =	sld [smem:$0x3F9A];
	s0 =	simm.s32 @p1 $0x1  }
0x15: {  	[smem:$0x3FB7] =	sst s0;
	s0 =	simm.s32 @!p2 $0x0  }
0x16: {  	s3 =	sld [smem:$0x3FDB];
	s0 =	simm.s32 @p2 $0x1  }
0x17: {  	s4 =	simm.s32 $0x1BF5;
	[smem:$0x3FB9] =	sst s0  }
0x18: {  	s0 =	sld [smem:$0x3F9C];
	_ =	swait.ge [sflag:s4], $0x0  }
0x19: {  	s7 =	sld [smem:$0x3F9D]  }
0x1a: {  	s8 =	sadd.s32 $0xFFFFE003, lr  }
0x1b: {  	s9 =	sadd.s32 $0xFFFFFEF7, lr;
	s5 =	simm.s32 $0xFFFFFFFF;
	p2 =	slt.u32 s8, $0xFFFFF086  }
0x1c: {  	p1 =	slt.u32 s9, $0xF7A;
	s5 =	simm.s32 @!p2 $0x0  }
0x1d: {  	s5 =	simm.s32 @p1 $0x1;
	p0 =	seq.s32 s7, s2  }
0x1e: {  	s7 =	smul.u32 @!p0 $0xF7A, s2;
	p2 =	seq.s32 @!p0 s5, $0x0  }
0x1f: {  	s9 =	smul.u32 $0xF7A, s1;
	s8 =	simm.s32 @!p0 $0x1BF5;
	p2 =	por !p2, p0  }
0x20: {  	[sflag:s8] =	ssyncset.s32 @!p0 $0xFFFFF086;
	s6 =	sadd.s32 @!p0 s3, s7;
	s7 =	simm.s32 @!p0 $0x108  }
0x21: {  	s3 =	sadd.s32 s3, s9;
	s6 =	sadd.s32 @!p0 $0x88, s6;
	s7 =	simm.s32 @p2 $0x1082  }
0x22: {  	[simem:s7], [sflag:s8] =	dma.local @!p0 [hbm:s6], $0xF7A  }
0x23: {  	s9 =	sor.u32 $0xD0000000, s2;
	s6 =	simm.s32 $0x108;
	_ =	swait.ge @!p0 [sflag:s8], $0x0  }
0x24: {  	s3 =	sadd.s32 $0x88, s3;
	s6 =	simm.s32 @!p1 $0x1082;
	[sflag:s4] =	ssyncset.s32 $0xFFFFF086  }
0x25: {  	[simem:s6], [sflag:s4] =	dma.local [hbm:s3], $0xF7A  }
0x26: {  	[smem:$0x3F9D] =	sst s1;
	(tag) =	ssettag s2;
	_ =	strace s9  }
0x27: {  	s1 =	sld [smem:$0x3FAD]  }
0x28: {  	s2 =	sld [smem:$0x3FAE]  }
0x29: {  	s4 =	sld [smem:$0x3FB0]  }
0x2a: {  	p0 =	seq.s32 s5, $0x0;
	s5 =	sld [smem:$0x3FB1]  }
0x2b: {  	s6 =	sld [smem:$0x3FB2]  }
0x2c: {  	s7 =	sld [smem:$0x3FB3]  }
0x2d: {  	s3 =	simm.s32 $0x108;
	s8 =	sld [smem:$0x3FB4]  }
0x2e: {  	s3 =	simm.s32 @!p0 $0x1082;
	s9 =	sld [smem:$0x3FB5]  }
0x2f: {  	lr =	sadd.s32 s0, s3;
	s0 =	sld [smem:$0x3FAC]  }
0x30: {  	s3 =	sld [smem:$0x3FAF]  }
0x31: {  	[smem:$0x3FB8] =	sst s10  }
0x32: {  	s10 =	sld [smem:$0x3FB6];
	_ =	sdelay $0x3  }
0x33: {  	p0 =	seq.s32 s10, $0x1;
	s10 =	sld [smem:$0x3FB8];
	_ =	sdelay $0x3  }
0x34: {  	[smem:$0x3FB8] =	sst s10  }
0x35: {  	s10 =	sld [smem:$0x3FB7];
	_ =	sdelay $0x3  }
0x36: {  	p1 =	seq.s32 s10, $0x1;
	s10 =	sld [smem:$0x3FB8];
	_ =	sdelay $0x3  }
0x37: {  	[smem:$0x3FB8] =	sst s10  }
0x38: {  	s10 =	sld [smem:$0x3FB9]  }
0x39: {  	_ = 	snop;
	(pc) =	sbr.ind lr, $3  }
0x3a: {  	_ = 	snop  }
0x3b: {  	_ = 	snop  }
0x3c: {  	p2 =	seq.s32 s10, $0x1;
	s10 =	sld [smem:$0x3FB8]  }
0x3d: {  	_ =	shalt  }
0x3e: {  	_ =	shalt  }
0x3f: {  	_ =	shalt  }
0x40: {  	_ =	shalt  }
0x41: {  	_ =	shalt  }
0x42: {  	_ =	shalt  }
0x43: {  	_ =	shalt  }
0x44: {  	_ =	shalt  }
0x45: {  	_ =	shalt  }
0x46: {  	_ =	shalt  }
0x47: {  	_ =	shalt  }
0x48: {  	_ =	shalt  }
0x49: {  	_ =	shalt  }
0x4a: {  	_ =	shalt  }
0x4b: {  	_ =	shalt  }
0x4c: {  	_ =	shalt  }
0x4d: {  	_ =	shalt  }
0x4e: {  	_ =	shalt  }
0x4f: {  	_ =	shalt  }
0x50: {  	_ =	shalt  }
0x51: {  	_ =	shalt  }
0x52: {  	_ =	shalt  }
0x53: {  	_ =	shalt  }
0x54: {  	_ =	shalt  }
0x55: {  	_ =	shalt  }
0x56: {  	_ =	shalt  }
0x57: {  	_ =	shalt  }
0x58: {  	_ =	shalt  }
0x59: {  	_ =	shalt  }
0x5a: {  	_ =	shalt  }
0x5b: {  	_ =	shalt  }
0x5c: {  	_ =	shalt  }
0x5d: {  	_ =	shalt  }
0x5e: {  	_ =	shalt  }
0x5f: {  	_ =	shalt  }
0x60: {  	_ =	shalt  }
0x61: {  	_ =	shalt  }
0x62: {  	_ =	shalt  }
0x63: {  	_ =	shalt  }
0x64: {  	_ =	shalt  }
0x65: {  	_ =	shalt  }
0x66: {  	_ =	shalt  }
0x67: {  	_ =	shalt  }
0x68: {  	_ =	shalt  }
0x69: {  	_ =	shalt  }
0x6a: {  	_ =	shalt  }
0x6b: {  	_ =	shalt  }
0x6c: {  	_ =	shalt  }
0x6d: {  	_ =	shalt  }
0x6e: {  	_ =	shalt  }
0x6f: {  	_ =	shalt  }
0x70: {  	_ =	shalt  }
0x71: {  	_ =	shalt  }
0x72: {  	_ =	shalt  }
0x73: {  	_ =	shalt  }
0x74: {  	_ =	shalt  }
0x75: {  	_ =	shalt  }
0x76: {  	_ =	shalt  }
0x77: {  	_ =	shalt  }
0x78: {  	_ =	shalt  }
0x79: {  	_ =	shalt  }
0x7a: {  	_ =	shalt  }
0x7b: {  	_ =	shalt  }
0x7c: {  	_ =	shalt  }
0x7d: {  	_ =	shalt  }
0x7e: {  	_ =	shalt  }
0x7f: {  	_ =	shalt  }
0x80: {  	_ =	shalt  }
0x81: {  	_ =	shalt  }
0x82: {  	_ =	shalt  }
0x83: {  	_ =	shalt  }
0x84: {  	_ =	shalt  }
0x85: {  	_ =	shalt  }
0x86: {  	_ =	shalt  }
0x87: {  	_ =	shalt  }
.Lfunc_end0:
.L_simem_size_0:
called_computation_lowered:
.L_overlay_start_0:
0x88: {  	s2 =	sld [smem:$0x3FD9]  }
0x89: {  	s3 =	sld [smem:$0x3FFE];
	_ =	sdelay $0x1  }
0x8a: {  	s1 =	srdreg.scid  }
0x8b: {  	s0 =	sand.u32 $0x1, s1  }
0x8c: {  	s17 =	sshll.u32 s0, $0xA;
	s2 =	sadd.s32 s3, s2  }
0x8d: {  	s2 =	sadd.s32 s2, s17  }
0x8e: {  	[smem:$0x3FC4] =	sst s2  }
0x8f: {  	_ = 	snop  }
0x90: {  	s2 =	sld [smem:$0x3FD0];
	(tm) =	ssettm $0x1  }
0x91: {  	s18 =	sld [smem:$0x3FFB];
	_ =	sdelay $0x3  }
0x92: {  	_ =	strace s18  }
0x93: {  	s3 =	sld [smem:$0x3FFC];
	_ =	sdelay $0x3  }
0x94: {  	_ =	strace s3  }
0x95: {  	s3 =	sld [smem:$0x3FFD];
	_ =	sdelay $0x3  }
0x96: {  	_ =	strace s3  }
0x97: {  	_ =	strace $0x8FFFFFFF  }
0x98: {  	s19 =	sld [smem:$0x3FDB];
	_ =	sdelay $0x1  }
0x99: {  	s4 =	simm.s32 $_scs_section_size  }
0x9a: {  	s5 =	simm.s32 $_size__tile_overlayer_lowered;
	s6 =	simm.s32 $_tile_overlayer_lowered  }
0x9b: {  	s22 =	simm.s32 $0x1BFF;
	s21 =	sshll.u32 s6, $0x1;
	s3 =	sadd.s32 s4, s19  }
0x9c: {  	s7 =	simm.s32 $0x0;
	s20 =	sshll.u32 s5, $0x1;
	s5 =	sadd.s32 s21, s3  }
0x9d: {  	[timem:s7], [sflag:s22] =	dma.local [hbm:s5], s20  }
0x9e: {  	_ =	swait.ge [sflag:s22], s20  }
0x9f: {  	s4 =	ssub.s32 $0x0, s20;
	[sflag:s22] =	ssyncset.done $0x0  }
0xa0: {  	[sflag:s22] =	ssyncadd.s32 s4;
	_ =	sdelay $0x1  }
0xa1: {  	s23 =	simm.s32 $0x1B8B  }
0xa2: {  	_ =	swait.ge [sflag:s23], $0x1  }
0xa3: {  	[sflag:s23] =	ssyncset.done $0x0  }
0xa4: {  	s25 =	simm.s32 $0x1B8E;
	s24 =	sld [smem:$0x3FFE];
	[sflag:s23] =	ssyncadd.s32 $0xFFFFFFFF  }
0xa5: {  	s26 =	simm.s32 $execute0_lowered;
	[smem:$0x3FD2] =	sst s25  }
0xa6: {  	s5 =	sshll.u32 s26, $0x1;
	_ =	strace $0x80000046;
	[dreg:$0x1] =	wrdreg $0xFFFFFFFF  }
0xa7: {  	s28 =	simm.s32 $_size_execute0_lowered;
	s3 =	sadd.s32 s3, s5;
	[dreg:$0x0] =	wrdreg $0x0  }
0xa8: {  	s5 =	sshll.u32 s28, $0x1;
	[dreg:$0x2] =	wrdreg s3  }
0xa9: {  	[dreg:$0x3] =	wrdreg s5  }
0xaa: {  	[dreg:$0x4] =	wrdreg $0xC0  }
0xab: {  	_ =	task [dreg:s7], $0x5FFFF  }
0xac: {  	[dreg:$0x1] =	wrdreg $0xFFFFFFFF  }
0xad: {  	[dreg:$0x0] =	wrdreg $0x60  }
0xae: {  	[dreg:$0x2] =	wrdreg s24  }
0xaf: {  	[dreg:$0x3] =	wrdreg s2  }
0xb0: {  	[dreg:$0x4] =	wrdreg $0x9  }
0xb1: {  	_ =	task.clear_ibuf [dreg:s7], $0x5FFFF;
	_ =	strace $0x90000046  }
0xb2: {  	s29 =	simm.s32 $0x9;
	_ =	strace $0x80000048  }
0xb3: {  	_ =	swait.ge [sflag:s29], $0x1  }
0xb4: {  	[sflag:s29] =	ssyncadd.s32 $0xFFFFFFFF  }
0xb5: {  	_ =	strace $0x90000048  }
0xb6: {  	_ =	sfence  }
0xb7: {  	s30 =	sld [smem:$0x0];
	_ =	sdelay $0x2  }
0xb8: {  	s31 =	sshll.u32 s1, $0xD;
	s1 =	sshrl.u32 s1, $0x2  }
0xb9: {  	s3 =	sand.u32 $0x4000, s31;
	s1 =	sadd.s32 s1, s30  }
0xba: {  	s0 =	sor.u32 s3, s0;
	s1 =	sshll.u32 s1, $0x11  }
0xbb: {  	s0 =	sor.u32 s1, s0  }
0xbc: {  	s0 =	sadd.s32 $0x8F2B, s0  }
0xbd: {  	[sflag:s0] =	ssyncadd.remote.s32 $0x1  }
0xbe: {  	_ =	sfence.sel $0xFFFF  }
0xbf: {  	[dreg:$0x0] =	wrdreg $0xFFFFFFFF;
	(pc) =	sbr.abs _section_cstart, $3  }
0xc0: {  	[dreg:$0x1] =	wrdreg $0xFFFFFFFF  }
0xc1: {  	_ =	task.clear_ibuf [dreg:s7], $0x2FFFF;
	_ =	strace $0x9FFFFFFF  }
0xc2: {  	(tm) =	ssettm $0x7FFFFFFF  }
0xc3: {  	_ =	shalt  }
tec
execute0_lowered:
.L_overlay_start_1:
0x0: {  	(tag) =	ssettag $0x1  }
0x1: {  	s0 =	srdreg.scid  }
0x2: {  	s3 =	sand.u32 $0x1, s0  }
0x3: {  	s4 =	rddreg [dreg:$0x0];
	s0 =	stileid.u32;
	s1 =	sshll.u32 s3, $0x4  }
0x4: {  	s8 =	rddreg [dreg:$0x1];
	s2 =	simm.s32 $0x0;
	s5 =	sor.u32 s0, s1  }
0x5: {  	s12 =	simm.s32 $0xA800;
	[smem:$0x7FF] =	sst s2;
	s6 =	smul.u32 $0x2710, s5  }
0x6: {  	s13 =	simm.s32 $0x0;
	s3 =	ssub.s32 $0x2, s3;
	s1 =	rddreg [dreg:$0x2]  }
0x7: {  	vm2 =	vcmask $0x3F30;
	s7 =	sshrl.u32 s3, $0x1;
	s11 =	smul.u32 $0x500, s5;
	s6 =	sshrl.u32 s6, $0x3  }
0x8: {  	_ =	strace $0x80000047;
	s10 =	ssub.s32 s3, s7;
	s9 =	sadd.s32 s6, s4  }
0x9: {  	v0 =	vlaneseq.u32;
	s8 =	sadd.s32 s8, s11;
	s11 =	simm.s32 $0x800;
	s3 =	sadd.s32 $0xE00, s9  }
0xa: {  	v2 =	vimm.f32 $1.000000000e+00;
	vm0 =	vcmask $0x1F10;
	v1 =	vand.u32 $0x3, v0;
	s4 =	sadd.s32 $0xEFA, s9;
	s5 =	sadd.s32 $0xFF4, s9;
	s6 =	sadd.s32 $0x10EE, s9  }
0xb: {  	vm1 =	vcmask $0x2F20;
	v0 =	vimm.f32 $0.0e+00;
	v1 =	vmul.u32 $0x2800, v1;
	s7 =	sadd.s32 $0x11E8, s9;
	s9 =	smax.u32 s10, $0x1;
	s10 =	simm.s32 $0x1  }
.LBB2_1:
0xc: {  	s14 =	simm.s32 $0x0;
	s15 =	simm.s32 $0x200  }
.LBB2_2:
0xd: {  	p0 =	sne.s32 s15, $0x27E00;
	[tilespmem:s14+$0x870] =	vst v0  }
0xe: {  	[tilespmem:s14+$0x800] =	vst v0  }
0xf: {  	[tilespmem:s14+$0x810] =	vst v0  }
.Ltmp0:
0x10: {  	[tilespmem:s14+$0x820] =	vst v0;
	(pc) =	sbr.rel @p0 .LBB2_2-.Ltmp0, $4  }
0x11: {  	[tilespmem:s14+$0x830] =	vst v0  }
0x12: {  	[tilespmem:s14+$0x840] =	vst v0  }
0x13: {  	[tilespmem:s14+$0x850] =	vst v0  }
0x14: {  	[tilespmem:s14+$0x860] =	vst v0;
	s14 =	sshra.s32 s15, $0x2;
	s15 =	sadd.s32 $0x200, s15  }
0x15: {  	[tilespmem:s14+$0x870] =	vst v0  }
0x16: {  	[tilespmem:s14+$0x800] =	vst v0  }
0x17: {  	[tilespmem:s14+$0x810] =	vst v0  }
0x18: {  	[tilespmem:s14+$0x820] =	vst v0  }
0x19: {  	[tilespmem:s14+$0x830] =	vst v0  }
0x1a: {  	[tilespmem:s14+$0x840] =	vst v0  }
0x1b: {  	[tilespmem:s14+$0x850] =	vst v0  }
0x1c: {  	[tilespmem:s14+$0x860] =	vst v0;
	s30 =	simm.s32 $0x0  }
0x1d: {  	[tilespmem:s30], [sflag:$0x1] =	stream.linear.gather [hbm4b:s3+s30], $0x7D0, $0x38;
	[tilespmem:$0xD000] =	vst v63  }
0x1e: {  	_ =	swait.ge [sflag:s10], $0x7D0  }
0x1f: {  	[sflag:s10] =	ssyncset.done $0x0  }
0x20: {  	s31 =	simm.s32 $0x0;
	[sflag:s10] =	ssyncadd.s32 $0xFFFFF830  }
0x21: {  	v3 =	vld [tilespmem:s31+$0x0];
	_ =	sdelay $0x4  }
0x22: {  	v3 =	vadd.s32 v1, v3;
	_ =	sdelay $0x4  }
0x23: {  	[tilespmem:v3+s11+$0x0] =	vst.idx.add.f32.msk $0xf, v2  }
0x24: {  	[tilespmem:v3+s11+$0x0] =	vst.idx.add.f32.msk vm0, v2  }
0x25: {  	s14 =	simm.s32 $0x40;
	s15 =	simm.s32 $0x80;
	[tilespmem:v3+s11+$0x0] =	vst.idx.add.f32.msk vm1, v2  }
.LBB2_4:
0x26: {  	p0 =	sne.s32 s15, $0x1F00  }
0x27: {  	s16 =	sshra.s32 s14, $0x2;
	[tilespmem:v3+s11+$0x0] =	vst.idx.add.f32.msk vm2, v2;
	s14 =	smov.u32 s15;
	s15 =	sadd.s32 $0x40, s15  }
0x28: {  	v3 =	vld [tilespmem:s16+$0x0];
	_ =	sdelay $0x4  }
0x29: {  	v3 =	vadd.s32 v1, v3;
	_ =	sdelay $0x2  }
.Ltmp1:
0x2a: {  	(pc) =	sbr.rel @p0 .LBB2_4-.Ltmp1, $4  }
0x2b: {  	_ = 	snop  }
0x2c: {  	[tilespmem:v3+s11+$0x0] =	vst.idx.add.f32.msk $0xf, v2  }
0x2d: {  	[tilespmem:v3+s11+$0x0] =	vst.idx.add.f32.msk vm0, v2  }
0x2e: {  	[tilespmem:v3+s11+$0x0] =	vst.idx.add.f32.msk vm1, v2  }
0x2f: {  	_ =	sdelay $0x4  }
0x30: {  	s14 =	sshra.s32 s14, $0x2;
	[tilespmem:v3+s11+$0x0] =	vst.idx.add.f32.msk vm2, v2  }
0x31: {  	v3 =	vld [tilespmem:s14+$0x0];
	_ =	sdelay $0x4  }
0x32: {  	v3 =	vadd.s32 v1, v3;
	_ =	sdelay $0x4  }
0x33: {  	[tilespmem:v3+s11+$0x0] =	vst.idx.add.f32.msk $0xf, v2  }
0x34: {  	[tilespmem:v3+s11+$0x0] =	vst.idx.add.f32.msk vm0, v2  }
0x35: {  	[tilespmem:v3+s11+$0x0] =	vst.idx.add.f32.msk vm1, v2  }
0x36: {  	s30 =	simm.s32 $0x0;
	[tilespmem:v3+s11+$0x0] =	vst.idx.add.f32.msk vm2, v2  }
0x37: {  	[tilespmem:s30], [sflag:$0x1] =	stream.linear.gather [hbm4b:s4+s30], $0x7D0, $0x38;
	[tilespmem:$0xD000] =	vst v63  }
0x38: {  	_ =	swait.ge [sflag:s10], $0x7D0  }
0x39: {  	[sflag:s10] =	ssyncset.done $0x0  }
0x3a: {  	s31 =	simm.s32 $0x0;
	[sflag:s10] =	ssyncadd.s32 $0xFFFFF830  }
0x3b: {  	v3 =	vld [tilespmem:s31+$0x0];
	_ =	sdelay $0x4  }
0x3c: {  	v3 =	vadd.s32 v1, v3;
	_ =	sdelay $0x4  }
0x3d: {  	[tilespmem:v3+s11+$0x0] =	vst.idx.add.f32.msk $0xf, v2  }
0x3e: {  	[tilespmem:v3+s11+$0x0] =	vst.idx.add.f32.msk vm0, v2  }
0x3f: {  	s15 =	simm.s32 $0x80;
	s14 =	simm.s32 $0x40;
	[tilespmem:v3+s11+$0x0] =	vst.idx.add.f32.msk vm1, v2  }
.LBB2_6:
0x40: {  	p0 =	sne.s32 s15, $0x1F00  }
0x41: {  	s16 =	sshra.s32 s14, $0x2;
	[tilespmem:v3+s11+$0x0] =	vst.idx.add.f32.msk vm2, v2;
	s14 =	smov.u32 s15;
	s15 =	sadd.s32 $0x40, s15  }
0x42: {  	v3 =	vld [tilespmem:s16+$0x0];
	_ =	sdelay $0x4  }
0x43: {  	v3 =	vadd.s32 v1, v3;
	_ =	sdelay $0x2  }
.Ltmp2:
0x44: {  	(pc) =	sbr.rel @p0 .LBB2_6-.Ltmp2, $4  }
0x45: {  	_ = 	snop  }
0x46: {  	[tilespmem:v3+s11+$0x0] =	vst.idx.add.f32.msk $0xf, v2  }
0x47: {  	[tilespmem:v3+s11+$0x0] =	vst.idx.add.f32.msk vm0, v2  }
0x48: {  	[tilespmem:v3+s11+$0x0] =	vst.idx.add.f32.msk vm1, v2  }
0x49: {  	_ =	sdelay $0x4  }
0x4a: {  	s14 =	sshra.s32 s14, $0x2;
	[tilespmem:v3+s11+$0x0] =	vst.idx.add.f32.msk vm2, v2  }
0x4b: {  	v3 =	vld [tilespmem:s14+$0x0];
	_ =	sdelay $0x4  }
0x4c: {  	v3 =	vadd.s32 v1, v3;
	_ =	sdelay $0x4  }
0x4d: {  	[tilespmem:v3+s11+$0x0] =	vst.idx.add.f32.msk $0xf, v2  }
0x4e: {  	[tilespmem:v3+s11+$0x0] =	vst.idx.add.f32.msk vm0, v2  }
0x4f: {  	[tilespmem:v3+s11+$0x0] =	vst.idx.add.f32.msk vm1, v2  }
0x50: {  	s30 =	simm.s32 $0x0;
	[tilespmem:v3+s11+$0x0] =	vst.idx.add.f32.msk vm2, v2  }
0x51: {  	[tilespmem:s30], [sflag:$0x1] =	stream.linear.gather [hbm4b:s5+s30], $0x7D0, $0x38;
	[tilespmem:$0xD000] =	vst v63  }
0x52: {  	_ =	swait.ge [sflag:s10], $0x7D0  }
0x53: {  	[sflag:s10] =	ssyncset.done $0x0  }
0x54: {  	s31 =	simm.s32 $0x0;
	[sflag:s10] =	ssyncadd.s32 $0xFFFFF830  }
0x55: {  	v3 =	vld [tilespmem:s31+$0x0];
	_ =	sdelay $0x4  }
0x56: {  	v3 =	vadd.s32 v1, v3;
	_ =	sdelay $0x4  }
0x57: {  	[tilespmem:v3+s11+$0x0] =	vst.idx.add.f32.msk $0xf, v2  }
0x58: {  	[tilespmem:v3+s11+$0x0] =	vst.idx.add.f32.msk vm0, v2  }
0x59: {  	s15 =	simm.s32 $0x80;
	s14 =	simm.s32 $0x40;
	[tilespmem:v3+s11+$0x0] =	vst.idx.add.f32.msk vm1, v2  }
.LBB2_8:
0x5a: {  	p0 =	sne.s32 s15, $0x1F00  }
0x5b: {  	s16 =	sshra.s32 s14, $0x2;
	[tilespmem:v3+s11+$0x0] =	vst.idx.add.f32.msk vm2, v2;
	s14 =	smov.u32 s15;
	s15 =	sadd.s32 $0x40, s15  }
0x5c: {  	v3 =	vld [tilespmem:s16+$0x0];
	_ =	sdelay $0x4  }
0x5d: {  	v3 =	vadd.s32 v1, v3;
	_ =	sdelay $0x2  }
.Ltmp3:
0x5e: {  	(pc) =	sbr.rel @p0 .LBB2_8-.Ltmp3, $4  }
0x5f: {  	_ = 	snop  }
0x60: {  	[tilespmem:v3+s11+$0x0] =	vst.idx.add.f32.msk $0xf, v2  }
0x61: {  	[tilespmem:v3+s11+$0x0] =	vst.idx.add.f32.msk vm0, v2  }
0x62: {  	[tilespmem:v3+s11+$0x0] =	vst.idx.add.f32.msk vm1, v2  }
0x63: {  	_ =	sdelay $0x4  }
0x64: {  	s14 =	sshra.s32 s14, $0x2;
	[tilespmem:v3+s11+$0x0] =	vst.idx.add.f32.msk vm2, v2  }
0x65: {  	v3 =	vld [tilespmem:s14+$0x0];
	_ =	sdelay $0x4  }
0x66: {  	v3 =	vadd.s32 v1, v3;
	_ =	sdelay $0x4  }
0x67: {  	[tilespmem:v3+s11+$0x0] =	vst.idx.add.f32.msk $0xf, v2  }
0x68: {  	[tilespmem:v3+s11+$0x0] =	vst.idx.add.f32.msk vm0, v2  }
0x69: {  	[tilespmem:v3+s11+$0x0] =	vst.idx.add.f32.msk vm1, v2  }
0x6a: {  	s30 =	simm.s32 $0x0;
	[tilespmem:v3+s11+$0x0] =	vst.idx.add.f32.msk vm2, v2  }
0x6b: {  	[tilespmem:s30], [sflag:$0x1] =	stream.linear.gather [hbm4b:s6+s30], $0x7D0, $0x38;
	[tilespmem:$0xD000] =	vst v63  }
0x6c: {  	_ =	swait.ge [sflag:s10], $0x7D0  }
0x6d: {  	[sflag:s10] =	ssyncset.done $0x0  }
0x6e: {  	s31 =	simm.s32 $0x0;
	[sflag:s10] =	ssyncadd.s32 $0xFFFFF830  }
0x6f: {  	v3 =	vld [tilespmem:s31+$0x0];
	_ =	sdelay $0x4  }
0x70: {  	v3 =	vadd.s32 v1, v3;
	_ =	sdelay $0x4  }
0x71: {  	[tilespmem:v3+s11+$0x0] =	vst.idx.add.f32.msk $0xf, v2  }
0x72: {  	[tilespmem:v3+s11+$0x0] =	vst.idx.add.f32.msk vm0, v2  }
0x73: {  	s15 =	simm.s32 $0x80;
	s14 =	simm.s32 $0x40;
	[tilespmem:v3+s11+$0x0] =	vst.idx.add.f32.msk vm1, v2  }
.LBB2_10:
0x74: {  	p0 =	sne.s32 s15, $0x1F00  }
0x75: {  	s16 =	sshra.s32 s14, $0x2;
	[tilespmem:v3+s11+$0x0] =	vst.idx.add.f32.msk vm2, v2;
	s14 =	smov.u32 s15;
	s15 =	sadd.s32 $0x40, s15  }
0x76: {  	v3 =	vld [tilespmem:s16+$0x0];
	_ =	sdelay $0x4  }
0x77: {  	v3 =	vadd.s32 v1, v3;
	_ =	sdelay $0x2  }
.Ltmp4:
0x78: {  	(pc) =	sbr.rel @p0 .LBB2_10-.Ltmp4, $4  }
0x79: {  	_ = 	snop  }
0x7a: {  	[tilespmem:v3+s11+$0x0] =	vst.idx.add.f32.msk $0xf, v2  }
0x7b: {  	[tilespmem:v3+s11+$0x0] =	vst.idx.add.f32.msk vm0, v2  }
0x7c: {  	[tilespmem:v3+s11+$0x0] =	vst.idx.add.f32.msk vm1, v2  }
0x7d: {  	_ =	sdelay $0x4  }
0x7e: {  	s14 =	sshra.s32 s14, $0x2;
	[tilespmem:v3+s11+$0x0] =	vst.idx.add.f32.msk vm2, v2  }
0x7f: {  	v3 =	vld [tilespmem:s14+$0x0];
	_ =	sdelay $0x4  }
0x80: {  	v3 =	vadd.s32 v1, v3;
	_ =	sdelay $0x4  }
0x81: {  	[tilespmem:v3+s11+$0x0] =	vst.idx.add.f32.msk $0xf, v2  }
0x82: {  	[tilespmem:v3+s11+$0x0] =	vst.idx.add.f32.msk vm0, v2  }
0x83: {  	[tilespmem:v3+s11+$0x0] =	vst.idx.add.f32.msk vm1, v2  }
0x84: {  	s14 =	simm.s32 $0x0;
	[tilespmem:v3+s11+$0x0] =	vst.idx.add.f32.msk vm2, v2  }
0x85: {  	[tilespmem:s14], [sflag:$0x1] =	stream.linear.gather [hbm4b:s7+s14], $0x7D0, $0x38;
	[tilespmem:$0xD000] =	vst v63  }
0x86: {  	_ =	swait.ge [sflag:s10], $0x7D0  }
0x87: {  	[sflag:s10] =	ssyncset.done $0x0  }
0x88: {  	s15 =	simm.s32 $0x0;
	[sflag:s10] =	ssyncadd.s32 $0xFFFFF830  }
.LBB2_12:
0x89: {  	s16 =	sshra.s32 s15, $0x2  }
0x8a: {  	v3 =	vld [tilespmem:s16+$0x0];
	_ =	sdelay $0x4  }
0x8b: {  	v3 =	vadd.s32 v1, v3;
	_ =	sdelay $0x2  }
0x8c: {  	p0 =	sne.s32 s15, $0x1F00  }
.Ltmp5:
0x8d: {  	s16 =	simm.s32 $0x800;
	(pc) =	sbr.rel @p0 .LBB2_12-.Ltmp5, $4  }
0x8e: {  	[tilespmem:v3+s16+$0x0] =	vst.idx.add.f32.msk $0xf, v2  }
0x8f: {  	[tilespmem:v3+s16+$0x0] =	vst.idx.add.f32.msk vm0, v2  }
0x90: {  	[tilespmem:v3+s16+$0x0] =	vst.idx.add.f32.msk vm1, v2  }
0x91: {  	s15 =	sadd.s32 $0x40, s15;
	[tilespmem:v3+s16+$0x0] =	vst.idx.add.f32.msk vm2, v2  }
0x92: {  	s14 =	sand.u32 $0x3FF0, s14;
	v4 =	vld [tilespmem:s16+$0x0]  }
0x93: {  	v3 =	vld [tilespmem:s14+$0x3000];
	_ =	sdelay $0x1  }
0x94: {  	v5 =	vld [tilespmem:s14+$0x5800];
	_ =	sdelay $0x1  }
0x95: {  	v6 =	vld [tilespmem:s14+$0x8000]  }
0x96: {  	v3 =	vadd.f32 v3, v4;
	_ =	sdelay $0x1  }
0x97: {  	v3 =	vadd.f32 v5, v3;
	_ =	sdelay $0x1  }
0x98: {  	v3 =	vadd.f32 v6, v3  }
0x99: {  	s15 =	simm.s32 $0x10;
	s14 =	simm.s32 $0xA800  }
0x9a: {  	s17 =	sand.u32 $0x3FF0, s15;
	[tilespmem:s14+$0x0] =	vst v3  }
0x9b: {  	s16 =	simm.s32 $0x20;
	s15 =	simm.s32 $0x810;
	v3 =	vld [tilespmem:s17+$0x3000]  }
.LBB2_14:
0x9c: {  	p0 =	sne.s32 s16, $0x27F0;
	v4 =	vld [tilespmem:s15+$0x0];
	_ =	sdelay $0x1  }
0x9d: {  	v5 =	vld [tilespmem:s17+$0x5800];
	_ =	sdelay $0x1  }
0x9e: {  	v6 =	vld [tilespmem:s17+$0x8000]  }
0x9f: {  	v3 =	vadd.f32 v3, v4;
	_ =	sdelay $0x1  }
0xa0: {  	v3 =	vadd.f32 v5, v3  }
.Ltmp6:
0xa1: {  	(pc) =	sbr.rel @p0 .LBB2_14-.Ltmp6, $4  }
0xa2: {  	v3 =	vadd.f32 v6, v3  }
0xa3: {  	s14 =	sadd.s32 $0x10, s14  }
0xa4: {  	s17 =	sand.u32 $0x3FF0, s16;
	[tilespmem:s14+$0x0] =	vst v3  }
0xa5: {  	s15 =	sadd.s32 $0x10, s15;
	s16 =	sadd.s32 $0x10, s16;
	v3 =	vld [tilespmem:s17+$0x3000]  }
0xa6: {  	v4 =	vld [tilespmem:s15+$0x0];
	_ =	sdelay $0x1  }
0xa7: {  	v5 =	vld [tilespmem:s17+$0x5800];
	_ =	sdelay $0x1  }
0xa8: {  	v6 =	vld [tilespmem:s17+$0x8000]  }
0xa9: {  	v3 =	vadd.f32 v3, v4;
	_ =	sdelay $0x1  }
0xaa: {  	v3 =	vadd.f32 v5, v3;
	_ =	sdelay $0x1  }
0xab: {  	s13 =	sadd.s32 $0x1, s13;
	v3 =	vadd.f32 v6, v3  }
0xac: {  	s14 =	sadd.s32 $0x10, s14;
	p0 =	sne.s32 s13, s9  }
.Ltmp7:
0xad: {  	[tilespmem:s14+$0x0] =	vst v3;
	(pc) =	sbr.rel @p0 .LBB2_1-.Ltmp7, $4  }
0xae: {  	[hbm4b:s8+s2] =	stream.linear.scatter [tilespmem:s12], [sflag:$0x1], $0x2800, $0x38;
	[tilespmem:$0xD000] =	vst v63  }
0xaf: {  	_ =	swait.ge [sflag:s10], $0x2800  }
0xb0: {  	[sflag:s10] =	ssyncset.done $0x0  }
0xb1: {  	[sflag:s10] =	ssyncadd.s32 $0xFFFFD800  }
0xb2: {  	_ =	sfence.sel $0x180000  }
0xb3: {  	[bflag:$0x0] =	sbarrier.arrive $0xFFFF  }
0xb4: {  	p0 =	sne.s32 s0, $0x0;
	_ =	strace $0x90000047  }
0xb5: {  	s0 =	sadd.s32 @!p0 $0x100000, s1;
	[bflag:$0x2] =	sbarrier.arrive $0xFFFF  }
0xb6: {  	[sflag:s0] =	ssyncadd.tile.s32 @!p0 $0x1;
	_ =	shalt  }
.Lfunc_end2:
_tile_overlayer_lowered:
.L_overlay_start_2:
0xb7: {  	(tag) =	ssettag $0x2  }
0xb8: {  	s0 =	rddreg [dreg:$0x0];
	s2 =	stileid.u32  }
0xb9: {  	s1 =	rddreg [dreg:$0x1];
	p0 =	sne.s32 s2, $0x0  }
0xba: {  	s3 =	rddreg [dreg:$0x2];
	[bflag:$0x3] =	sbarrier.arrive $0xFFFF;
	s2 =	simm.s32 @!p0 $0x1C01  }
0xbb: {  	[timem:s3], [sflag:s2] =	dma.local @!p0 [hbm:s0], s1  }
0xbc: {  	s0 =	simm.s32 @!p0 $0x1  }
0xbd: {  	_ =	swait.ge @!p0 [sflag:s0], s1  }
0xbe: {  	s1 =	ssub.s32 @!p0 $0x0, s1;
	[sflag:s0] =	ssyncset.done @!p0 $0x0  }
0xbf: {  	[sflag:s0] =	ssyncadd.s32 @!p0 s1  }
0xc0: {  	[bflag:$0x3] =	sbarrier.arrive $0xFFFF  }
0xc1: {  	_ =	shalt  }

</sc_bundles>
